<compile_context>
chip_gen: v7x
topology: tpu7x:2x2x1
jax: 0.10.2.dev20260603
libtpu: 0.0.44.dev20260713+nightly
codegen_flags: <defaults>
</compile_context>

<pallas_src>
import functools

import jax
import jax.numpy as jnp
from jax import lax
from jax.experimental import pallas as pl
from jax.experimental.pallas import tpu as pltpu
from jax.experimental.pallas import tpu_sc as plsc

H = 4100
W = 4100
C = 4
B = 262144

NUM_WORKERS = 32
PER_WORKER = B // NUM_WORKERS
CHUNK = 2048
NCHUNKS = PER_WORKER // CHUNK
L = 16
PERIOD = float(W - 4)
NROWS = H * W * C // 8
HALFW = W // 2
NB = CHUNK // 128


def _make_kernel():
  mesh = plsc.VectorSubcoreMesh(core_axis_name="c", subcore_axis_name="s")

  @functools.partial(
      pl.kernel,
      mesh=mesh,
      compiler_params=pltpu.CompilerParams(
          needs_layout_passes=False, use_tc_tiling_on_sc=False),
      out_type=jax.ShapeDtypeStruct((C, B), jnp.float32),
      scratch_types=[
          pltpu.VMEM((CHUNK,), jnp.float32),
          pltpu.VMEM((CHUNK,), jnp.float32),
          pltpu.VMEM((CHUNK,), jnp.float32),
          pltpu.VMEM((CHUNK,), jnp.float32),
          pltpu.VMEM((CHUNK,), jnp.int32),
          pltpu.VMEM((4 * NB, 128), jnp.int32),
          pltpu.VMEM((4 * CHUNK, 8), jnp.float32),
          pltpu.VMEM((C, CHUNK), jnp.float32),
          pltpu.SemaphoreType.DMA,
      ],
  )
  def bilerp(y_hbm, x_hbm, vis_hbm, out_hbm,
             y_v, x_v, dy_v, dx_v, p0_v, idx_v, rows_v, o_v, sem):
    wid = lax.axis_index("s") * 2 + lax.axis_index("c")
    base = wid * PER_WORKER

    lane = lax.iota(jnp.int32, L)

    for k in range(NCHUNKS):
      cbase = base + k * CHUNK
      pltpu.sync_copy(y_hbm.at[pl.ds(cbase, CHUNK)], y_v)
      pltpu.sync_copy(x_hbm.at[pl.ds(cbase, CHUNK)], x_v)

      def pass1(j, _):
        for u in range(128 // L):
          o = j * 128 + u * L
          y = y_v[pl.ds(o, L)]
          x = x_v[pl.ds(o, L)]
          cy = jnp.where(y >= 1.0, y, y + PERIOD)
          cx = jnp.where(x >= 1.0, x, x + PERIOD)
          iy = cy.astype(jnp.int32)
          ix = cx.astype(jnp.int32)
          dy_v[pl.ds(o, L)] = cy - iy.astype(jnp.float32)
          dx_v[pl.ds(o, L)] = cx - ix.astype(jnp.float32)
          p0 = iy * W + ix
          p0_v[pl.ds(o, L)] = p0
          b_tl = lax.shift_right_logical(p0, 1)
          b_bl = lax.shift_right_logical(p0 + 1, 1)
          c0 = u * L
          idx_v[j, pl.ds(c0, L)] = b_tl
          idx_v[NB + j, pl.ds(c0, L)] = b_bl
          idx_v[2 * NB + j, pl.ds(c0, L)] = b_tl + HALFW
          idx_v[3 * NB + j, pl.ds(c0, L)] = b_bl + HALFW
        for b in range(4):
          r = b * NB + j
          pltpu.async_copy(
              vis_hbm.at[idx_v.at[r]],
              rows_v.at[pl.ds(r * 128, 128)], sem)
        return 0

      lax.fori_loop(0, NB, pass1, 0)

      def drain(r, _):
        pltpu.make_async_copy(
            vis_hbm.at[idx_v.at[r]],
            rows_v.at[pl.ds(r * 128, 128)], sem).wait()
        return 0

      lax.fori_loop(0, 4 * NB, drain, 0)

      def pass2(g, _):
        o = g * L
        pt = o + lane
        d0 = dy_v[pl.ds(o, L)]
        d1 = dx_v[pl.ds(o, L)]
        p0 = p0_v[pl.ds(o, L)]
        a = lax.shift_left(lax.bitwise_and(p0, 1), 2)
        na = 4 - a
        pt1 = pt + CHUNK
        pt2 = pt + 2 * CHUNK
        pt3 = pt + 3 * CHUNK
        for c in range(C):
          o_lo = a + c
          o_hi = na + c
          tl = plsc.load_gather(rows_v, [pt, o_lo])
          bl = plsc.load_gather(rows_v, [pt1, o_hi])
          tr = plsc.load_gather(rows_v, [pt2, o_lo])
          br = plsc.load_gather(rows_v, [pt3, o_hi])
          mb = br + d0 * (bl - br)
          mt = tr + d0 * (tl - tr)
          o_v[c, pl.ds(o, L)] = mb + d1 * (mt - mb)
        return 0

      lax.fori_loop(0, CHUNK // L, pass2, 0)

      for c in range(C):
        pltpu.sync_copy(o_v.at[c], out_hbm.at[c, pl.ds(cbase, CHUNK)])

  return bilerp


_bilerp = _make_kernel()


@jax.jit
def kernel(coords, visible):
  ct = coords.T
  y = ct[0]
  x = ct[1]
  vis = visible.reshape(NROWS, 8)
  out = _bilerp(y, x, vis)
  return out.T

# --- scband reference (transcript-rebuilt; emitter-appended) ---
"""Pipeline reference for scband-idx2-pixel-layer-31903017075374 (READ-ONLY COPY).

The authoritative reference and input builder live on the scoring server;
editing this copy changes nothing except your own understanding.
"""

import jax, jax.numpy as jnp
import numpy as np

H, W, C = 4100, 4100, 4
B = 262144


def setup_inputs(seed: int = 0) -> dict:
    key = jax.random.key(seed)
    k1, k2 = jax.random.split(key)
    # coords uniform in [0, 4096); forward applies mod into valid interior range anyway
    coords = jax.random.uniform(k1, (B, 2), dtype=jnp.float32, minval=0.0, maxval=4096.0)
    # 'visible' image is the constant lookup table held by the layer (trainable=False)
    visible = jax.random.normal(k2, (H, W, C), dtype=jnp.float32)
    return {"coords": coords, "visible": visible}


def reference(coords, visible):
    dims = jnp.asarray(visible.shape[:-1], dtype=coords.dtype)  # [H, W]
    # coords wrap-around into valid interior (matches tf.mod logic)
    c = coords - 1.0
    c = jnp.mod(c, dims - 4.0)
    c = c + 1.0
    idx_low = jnp.floor(c)
    delta = c - idx_low
    idx = idx_low.astype(jnp.int32)

    def gather(off0, off1):
        i = idx[:, 0] + off0
        j = idx[:, 1] + off1
        return visible[i, j]  # gather_nd -> [B, C]

    top_left = gather(0, 0)
    top_right = gather(1, 0)
    bottom_left = gather(0, 1)
    bottom_right = gather(1, 1)

    d0 = delta[:, 0][:, None]
    d1 = delta[:, 1][:, None]
    mid_bottom = bottom_right + d0 * (bottom_left - bottom_right)
    mid_top = top_right + d0 * (top_left - top_right)
    interpolation = mid_bottom + d1 * (mid_top - mid_bottom)

    # boundary masking (faithfully replicates the original, including the
    # repeated use of coords_off_boundary[:, 0])
    coords_off_boundary = c > dims[None, :]
    boundary_condition = jnp.logical_or(coords_off_boundary[:, 0], coords_off_boundary[:, 0])
    masked = jnp.where(boundary_condition[:, None], jnp.zeros_like(interpolation), interpolation)
    return masked


if False:  # reference __main__ guard neutralized (emitter)
    out = reference(**setup_inputs())
    print(out.shape, out.dtype)

if __name__ == "__main__":
    import jax
    _d = setup_inputs()
    print(jax.jit(kernel)(*tuple(_d.values())))

</pallas_src>

<mosaic_0001>
#map = affine_map<(d0, d1) -> (0)>
#map1 = affine_map<(d0, d1) -> (0, 0)>
module attributes {stable_mosaic.version = 14 : i64} {
  func.func @bilerp(%arg0: i32, %arg1: i32, %arg2: memref<262144xf32, #tpu.memory_space<hbm>>, %arg3: memref<262144xf32, #tpu.memory_space<hbm>>, %arg4: memref<8405000x8xf32, #tpu.memory_space<hbm>>, %arg5: memref<4x262144xf32, #tpu.memory_space<hbm>>, %arg6: memref<2048xf32, #tpu.memory_space<vmem>>, %arg7: memref<2048xf32, #tpu.memory_space<vmem>>, %arg8: memref<2048xf32, #tpu.memory_space<vmem>>, %arg9: memref<2048xf32, #tpu.memory_space<vmem>>, %arg10: memref<2048xi32, #tpu.memory_space<vmem>>, %arg11: memref<64x128xi32, #tpu.memory_space<vmem>>, %arg12: memref<8192x8xf32, #tpu.memory_space<vmem>>, %arg13: memref<4x2048xf32, #tpu.memory_space<vmem>>, %arg14: memref<!tpu.dma_semaphore, #tpu.memory_space<semaphore_mem>>) attributes {dimension_semantics = [#tpu.dimension_semantics<core_parallel>, #tpu.dimension_semantics<subcore_parallel>], iteration_bounds = array<i64: 2, 16>, scalar_prefetch = 0 : i64, scratch_operands = 9 : i64, tpu.core_type = #tpu.core_type<sc_vector_subcore>, window_params = [{transform_indices = #map}, {transform_indices = #map}, {transform_indices = #map1}, {transform_indices = #map1}]} {
    %mul3A = arith.constant 2 : i32
    %mul3A_0 = arith.muli %arg1, %mul3A : i32
    %add3A = arith.addi %mul3A_0, %arg0 : i32
    %mul3A_1 = arith.constant 8192 : i32
    %mul3A_2 = arith.muli %add3A, %mul3A_1 : i32
    %iota3A = tpu.iota {dimensions = array<i32: 0>} : vector<16xi32>
    %add3A_3 = arith.constant 0 : i32
    %add3A_4 = arith.addi %mul3A_2, %add3A_3 : i32
    "tpu.region"() ({
      %run_scoped3A_125 = tpu.sem_alloc : memref<!tpu.dma_semaphore, #tpu.memory_space<semaphore_mem>>
      %dma_start3A = tpu.memref_slice %arg2[%add3A_4] : memref<262144xf32, #tpu.memory_space<hbm>> -> memref<2048xf32, #tpu.memory_space<hbm>>
      %dma_start3A_126 = tpu.memref_slice %arg2[%add3A_4] : memref<262144xf32, #tpu.memory_space<hbm>> -> memref<2048xf32, #tpu.memory_space<hbm>>
      tpu.enqueue_dma source(%dma_start3A_126 : memref<2048xf32, #tpu.memory_space<hbm>>) target(%arg6 : memref<2048xf32, #tpu.memory_space<vmem>>) target_semaphore(%run_scoped3A_125 : memref<!tpu.dma_semaphore, #tpu.memory_space<semaphore_mem>>)
      %dma_wait3A = tpu.memref_slice %arg2[%add3A_4] : memref<262144xf32, #tpu.memory_space<hbm>> -> memref<2048xf32, #tpu.memory_space<hbm>>
      %dma_wait3A_127 = tpu.memref_slice %arg2[%add3A_4] : memref<262144xf32, #tpu.memory_space<hbm>> -> memref<2048xf32, #tpu.memory_space<hbm>>
      tpu.wait_dma2 semaphore(%run_scoped3A_125 : memref<!tpu.dma_semaphore, #tpu.memory_space<semaphore_mem>>) src(%dma_wait3A_127 : memref<2048xf32, #tpu.memory_space<hbm>>) dst(%arg6 : memref<2048xf32, #tpu.memory_space<vmem>>)
      tpu.yield
    }) : () -> ()
    "tpu.region"() ({
      %run_scoped3A_125 = tpu.sem_alloc : memref<!tpu.dma_semaphore, #tpu.memory_space<semaphore_mem>>
      %dma_start3A = tpu.memref_slice %arg3[%add3A_4] : memref<262144xf32, #tpu.memory_space<hbm>> -> memref<2048xf32, #tpu.memory_space<hbm>>
      %dma_start3A_126 = tpu.memref_slice %arg3[%add3A_4] : memref<262144xf32, #tpu.memory_space<hbm>> -> memref<2048xf32, #tpu.memory_space<hbm>>
      tpu.enqueue_dma source(%dma_start3A_126 : memref<2048xf32, #tpu.memory_space<hbm>>) target(%arg7 : memref<2048xf32, #tpu.memory_space<vmem>>) target_semaphore(%run_scoped3A_125 : memref<!tpu.dma_semaphore, #tpu.memory_space<semaphore_mem>>)
      %dma_wait3A = tpu.memref_slice %arg3[%add3A_4] : memref<262144xf32, #tpu.memory_space<hbm>> -> memref<2048xf32, #tpu.memory_space<hbm>>
      %dma_wait3A_127 = tpu.memref_slice %arg3[%add3A_4] : memref<262144xf32, #tpu.memory_space<hbm>> -> memref<2048xf32, #tpu.memory_space<hbm>>
      tpu.wait_dma2 semaphore(%run_scoped3A_125 : memref<!tpu.dma_semaphore, #tpu.memory_space<semaphore_mem>>) src(%dma_wait3A_127 : memref<2048xf32, #tpu.memory_space<hbm>>) dst(%arg7 : memref<2048xf32, #tpu.memory_space<vmem>>)
      tpu.yield
    }) : () -> ()
    %scan3A = arith.constant 0 : i32
    %scan3A_5 = arith.constant 0 : i32
    %scan3A_6 = arith.constant 16 : i32
    %scan3A_7 = arith.addi %scan3A_5, %scan3A_6 : i32
    %scan3A_8 = arith.constant 1 : i32
    %scan3A_9 = scf.for %scan3A_125 = %scan3A_5 to %scan3A_7 step %scan3A_8 iter_args(%scan3A_126 = %scan3A) -> (i32)  : i32 {
      %mul3A_127 = arith.constant 128 : i32
      %mul3A_128 = arith.muli %scan3A_125, %mul3A_127 : i32
      %add3A_129 = arith.constant 0 : i32
      %add3A_130 = arith.addi %mul3A_128, %add3A_129 : i32
      %get3A = arith.index_cast %add3A_130 : i32 to index
      %get3A_131 = tpu.vector_load %arg6[%get3A] {strides = array<i32>} : memref<2048xf32, #tpu.memory_space<vmem>>, vector<16xf32>,
      %get3A_132 = arith.index_cast %add3A_130 : i32 to index
      %get3A_133 = tpu.vector_load %arg7[%get3A_132] {strides = array<i32>} : memref<2048xf32, #tpu.memory_space<vmem>>, vector<16xf32>,
      %ge3A = arith.constant 1.000000e+00 : f32
      %ge3A_134 = vector.broadcast %ge3A : f32 to vector<16xf32>
      %ge3A_135 = arith.cmpf oge, %get3A_131, %ge3A_134 : vector<16xf32>
      %add3A_136 = arith.constant 4.096000e+03 : f32
      %add3A_137 = vector.broadcast %add3A_136 : f32 to vector<16xf32>
      %add3A_138 = arith.addf %get3A_131, %add3A_137 : vector<16xf32>
      %select_n3A = arith.select %ge3A_135, %get3A_131, %add3A_138 : vector<16xi1>, vector<16xf32>
      %ge3A_139 = arith.constant 1.000000e+00 : f32
      %ge3A_140 = vector.broadcast %ge3A_139 : f32 to vector<16xf32>
      %ge3A_141 = arith.cmpf oge, %get3A_133, %ge3A_140 : vector<16xf32>
      %add3A_142 = arith.constant 4.096000e+03 : f32
      %add3A_143 = vector.broadcast %add3A_142 : f32 to vector<16xf32>
      %add3A_144 = arith.addf %get3A_133, %add3A_143 : vector<16xf32>
      %select_n3A_145 = arith.select %ge3A_141, %get3A_133, %add3A_144 : vector<16xi1>, vector<16xf32>
      %convert_element_type3A = arith.fptosi %select_n3A : vector<16xf32> to vector<16xi32>
      %convert_element_type3A_146 = arith.fptosi %select_n3A_145 : vector<16xf32> to vector<16xi32>
      %convert_element_type3A_147 = arith.sitofp %convert_element_type3A : vector<16xi32> to vector<16xf32>
      %sub3A = arith.subf %select_n3A, %convert_element_type3A_147 : vector<16xf32>
      %swap3A = arith.index_cast %add3A_130 : i32 to index
      %swap3A_148 = tpu.vector_load %arg8[%swap3A] {strides = array<i32>} : memref<2048xf32, #tpu.memory_space<vmem>>, vector<16xf32>,
      tpu.vector_store %arg8[%swap3A], %sub3A {strides = array<i32>} : memref<2048xf32, #tpu.memory_space<vmem>>, vector<16xf32>,
      %convert_element_type3A_149 = arith.sitofp %convert_element_type3A_146 : vector<16xi32> to vector<16xf32>
      %sub3A_150 = arith.subf %select_n3A_145, %convert_element_type3A_149 : vector<16xf32>
      %swap3A_151 = arith.index_cast %add3A_130 : i32 to index
      %swap3A_152 = tpu.vector_load %arg9[%swap3A_151] {strides = array<i32>} : memref<2048xf32, #tpu.memory_space<vmem>>, vector<16xf32>,
      tpu.vector_store %arg9[%swap3A_151], %sub3A_150 {strides = array<i32>} : memref<2048xf32, #tpu.memory_space<vmem>>, vector<16xf32>,
      %mul3A_153 = arith.constant 4100 : i32
      %mul3A_154 = vector.broadcast %mul3A_153 : i32 to vector<16xi32>
      %mul3A_155 = arith.muli %convert_element_type3A, %mul3A_154 : vector<16xi32>
      %add3A_156 = arith.addi %mul3A_155, %convert_element_type3A_146 : vector<16xi32>
      %swap3A_157 = arith.index_cast %add3A_130 : i32 to index
      %swap3A_158 = tpu.vector_load %arg10[%swap3A_157] {strides = array<i32>} : memref<2048xi32, #tpu.memory_space<vmem>>, vector<16xi32>,
      tpu.vector_store %arg10[%swap3A_157], %add3A_156 {strides = array<i32>} : memref<2048xi32, #tpu.memory_space<vmem>>, vector<16xi32>,
      %shift_right_logical3A = arith.constant 1 : i32
      %shift_right_logical3A_159 = vector.broadcast %shift_right_logical3A : i32 to vector<16xi32>
      %shift_right_logical3A_160 = arith.shrui %add3A_156, %shift_right_logical3A_159 : vector<16xi32>
      %add3A_161 = arith.constant 1 : i32
      %add3A_162 = vector.broadcast %add3A_161 : i32 to vector<16xi32>
      %add3A_163 = arith.addi %add3A_156, %add3A_162 : vector<16xi32>
      %shift_right_logical3A_164 = arith.constant 1 : i32
      %shift_right_logical3A_165 = vector.broadcast %shift_right_logical3A_164 : i32 to vector<16xi32>
      %shift_right_logical3A_166 = arith.shrui %add3A_163, %shift_right_logical3A_165 : vector<16xi32>
      %swap3A_167 = arith.index_cast %scan3A_125 : i32 to index
      %swap3A_168 = arith.constant 0 : index
      %swap3A_169 = tpu.vector_load %arg11[%swap3A_167, %swap3A_168] {strides = array<i32>} : memref<64x128xi32, #tpu.memory_space<vmem>>, vector<16xi32>,
      tpu.vector_store %arg11[%swap3A_167, %swap3A_168], %shift_right_logical3A_160 {strides = array<i32>} : memref<64x128xi32, #tpu.memory_space<vmem>>, vector<16xi32>,
      %add3A_170 = arith.constant 16 : i32
      %add3A_171 = arith.addi %add3A_170, %scan3A_125 : i32
      %swap3A_172 = arith.index_cast %add3A_171 : i32 to index
      %swap3A_173 = arith.constant 0 : index
      %swap3A_174 = tpu.vector_load %arg11[%swap3A_172, %swap3A_173] {strides = array<i32>} : memref<64x128xi32, #tpu.memory_space<vmem>>, vector<16xi32>,
      tpu.vector_store %arg11[%swap3A_172, %swap3A_173], %shift_right_logical3A_166 {strides = array<i32>} : memref<64x128xi32, #tpu.memory_space<vmem>>, vector<16xi32>,
      %add3A_175 = arith.constant 2050 : i32
      %add3A_176 = vector.broadcast %add3A_175 : i32 to vector<16xi32>
      %add3A_177 = arith.addi %shift_right_logical3A_160, %add3A_176 : vector<16xi32>
      %add3A_178 = arith.constant 32 : i32
      %add3A_179 = arith.addi %add3A_178, %scan3A_125 : i32
      %swap3A_180 = arith.index_cast %add3A_179 : i32 to index
      %swap3A_181 = arith.constant 0 : index
      %swap3A_182 = tpu.vector_load %arg11[%swap3A_180, %swap3A_181] {strides = array<i32>} : memref<64x128xi32, #tpu.memory_space<vmem>>, vector<16xi32>,
      tpu.vector_store %arg11[%swap3A_180, %swap3A_181], %add3A_177 {strides = array<i32>} : memref<64x128xi32, #tpu.memory_space<vmem>>, vector<16xi32>,
      %add3A_183 = arith.constant 2050 : i32
      %add3A_184 = vector.broadcast %add3A_183 : i32 to vector<16xi32>
      %add3A_185 = arith.addi %shift_right_logical3A_166, %add3A_184 : vector<16xi32>
      %add3A_186 = arith.constant 48 : i32
      %add3A_187 = arith.addi %add3A_186, %scan3A_125 : i32
      %swap3A_188 = arith.index_cast %add3A_187 : i32 to index
      %swap3A_189 = arith.constant 0 : index
      %swap3A_190 = tpu.vector_load %arg11[%swap3A_188, %swap3A_189] {strides = array<i32>} : memref<64x128xi32, #tpu.memory_space<vmem>>, vector<16xi32>,
      tpu.vector_store %arg11[%swap3A_188, %swap3A_189], %add3A_185 {strides = array<i32>} : memref<64x128xi32, #tpu.memory_space<vmem>>, vector<16xi32>,
      %mul3A_191 = arith.constant 128 : i32
      %mul3A_192 = arith.muli %scan3A_125, %mul3A_191 : i32
      %add3A_193 = arith.constant 16 : i32
      %add3A_194 = arith.addi %mul3A_192, %add3A_193 : i32
      %get3A_195 = arith.index_cast %add3A_194 : i32 to index
      %get3A_196 = tpu.vector_load %arg6[%get3A_195] {strides = array<i32>} : memref<2048xf32, #tpu.memory_space<vmem>>, vector<16xf32>,
      %get3A_197 = arith.index_cast %add3A_194 : i32 to index
      %get3A_198 = tpu.vector_load %arg7[%get3A_197] {strides = array<i32>} : memref<2048xf32, #tpu.memory_space<vmem>>, vector<16xf32>,
      %ge3A_199 = arith.constant 1.000000e+00 : f32
      %ge3A_200 = vector.broadcast %ge3A_199 : f32 to vector<16xf32>
      %ge3A_201 = arith.cmpf oge, %get3A_196, %ge3A_200 : vector<16xf32>
      %add3A_202 = arith.constant 4.096000e+03 : f32
      %add3A_203 = vector.broadcast %add3A_202 : f32 to vector<16xf32>
      %add3A_204 = arith.addf %get3A_196, %add3A_203 : vector<16xf32>
      %select_n3A_205 = arith.select %ge3A_201, %get3A_196, %add3A_204 : vector<16xi1>, vector<16xf32>
      %ge3A_206 = arith.constant 1.000000e+00 : f32
      %ge3A_207 = vector.broadcast %ge3A_206 : f32 to vector<16xf32>
      %ge3A_208 = arith.cmpf oge, %get3A_198, %ge3A_207 : vector<16xf32>
      %add3A_209 = arith.constant 4.096000e+03 : f32
      %add3A_210 = vector.broadcast %add3A_209 : f32 to vector<16xf32>
      %add3A_211 = arith.addf %get3A_198, %add3A_210 : vector<16xf32>
      %select_n3A_212 = arith.select %ge3A_208, %get3A_198, %add3A_211 : vector<16xi1>, vector<16xf32>
      %convert_element_type3A_213 = arith.fptosi %select_n3A_205 : vector<16xf32> to vector<16xi32>
      %convert_element_type3A_214 = arith.fptosi %select_n3A_212 : vector<16xf32> to vector<16xi32>
      %convert_element_type3A_215 = arith.sitofp %convert_element_type3A_213 : vector<16xi32> to vector<16xf32>
      %sub3A_216 = arith.subf %select_n3A_205, %convert_element_type3A_215 : vector<16xf32>
      %swap3A_217 = arith.index_cast %add3A_194 : i32 to index
      %swap3A_218 = tpu.vector_load %arg8[%swap3A_217] {strides = array<i32>} : memref<2048xf32, #tpu.memory_space<vmem>>, vector<16xf32>,
      tpu.vector_store %arg8[%swap3A_217], %sub3A_216 {strides = array<i32>} : memref<2048xf32, #tpu.memory_space<vmem>>, vector<16xf32>,
      %convert_element_type3A_219 = arith.sitofp %convert_element_type3A_214 : vector<16xi32> to vector<16xf32>
      %sub3A_220 = arith.subf %select_n3A_212, %convert_element_type3A_219 : vector<16xf32>
      %swap3A_221 = arith.index_cast %add3A_194 : i32 to index
      %swap3A_222 = tpu.vector_load %arg9[%swap3A_221] {strides = array<i32>} : memref<2048xf32, #tpu.memory_space<vmem>>, vector<16xf32>,
      tpu.vector_store %arg9[%swap3A_221], %sub3A_220 {strides = array<i32>} : memref<2048xf32, #tpu.memory_space<vmem>>, vector<16xf32>,
      %mul3A_223 = arith.constant 4100 : i32
      %mul3A_224 = vector.broadcast %mul3A_223 : i32 to vector<16xi32>
      %mul3A_225 = arith.muli %convert_element_type3A_213, %mul3A_224 : vector<16xi32>
      %add3A_226 = arith.addi %mul3A_225, %convert_element_type3A_214 : vector<16xi32>
      %swap3A_227 = arith.index_cast %add3A_194 : i32 to index
      %swap3A_228 = tpu.vector_load %arg10[%swap3A_227] {strides = array<i32>} : memref<2048xi32, #tpu.memory_space<vmem>>, vector<16xi32>,
      tpu.vector_store %arg10[%swap3A_227], %add3A_226 {strides = array<i32>} : memref<2048xi32, #tpu.memory_space<vmem>>, vector<16xi32>,
      %shift_right_logical3A_229 = arith.constant 1 : i32
      %shift_right_logical3A_230 = vector.broadcast %shift_right_logical3A_229 : i32 to vector<16xi32>
      %shift_right_logical3A_231 = arith.shrui %add3A_226, %shift_right_logical3A_230 : vector<16xi32>
      %add3A_232 = arith.constant 1 : i32
      %add3A_233 = vector.broadcast %add3A_232 : i32 to vector<16xi32>
      %add3A_234 = arith.addi %add3A_226, %add3A_233 : vector<16xi32>
      %shift_right_logical3A_235 = arith.constant 1 : i32
      %shift_right_logical3A_236 = vector.broadcast %shift_right_logical3A_235 : i32 to vector<16xi32>
      %shift_right_logical3A_237 = arith.shrui %add3A_234, %shift_right_logical3A_236 : vector<16xi32>
      %swap3A_238 = arith.index_cast %scan3A_125 : i32 to index
      %swap3A_239 = arith.constant 16 : index
      %swap3A_240 = tpu.vector_load %arg11[%swap3A_238, %swap3A_239] {strides = array<i32>} : memref<64x128xi32, #tpu.memory_space<vmem>>, vector<16xi32>,
      tpu.vector_store %arg11[%swap3A_238, %swap3A_239], %shift_right_logical3A_231 {strides = array<i32>} : memref<64x128xi32, #tpu.memory_space<vmem>>, vector<16xi32>,
      %add3A_241 = arith.constant 16 : i32
      %add3A_242 = arith.addi %add3A_241, %scan3A_125 : i32
      %swap3A_243 = arith.index_cast %add3A_242 : i32 to index
      %swap3A_244 = arith.constant 16 : index
      %swap3A_245 = tpu.vector_load %arg11[%swap3A_243, %swap3A_244] {strides = array<i32>} : memref<64x128xi32, #tpu.memory_space<vmem>>, vector<16xi32>,
      tpu.vector_store %arg11[%swap3A_243, %swap3A_244], %shift_right_logical3A_237 {strides = array<i32>} : memref<64x128xi32, #tpu.memory_space<vmem>>, vector<16xi32>,
      %add3A_246 = arith.constant 2050 : i32
      %add3A_247 = vector.broadcast %add3A_246 : i32 to vector<16xi32>
      %add3A_248 = arith.addi %shift_right_logical3A_231, %add3A_247 : vector<16xi32>
      %add3A_249 = arith.constant 32 : i32
      %add3A_250 = arith.addi %add3A_249, %scan3A_125 : i32
      %swap3A_251 = arith.index_cast %add3A_250 : i32 to index
      %swap3A_252 = arith.constant 16 : index
      %swap3A_253 = tpu.vector_load %arg11[%swap3A_251, %swap3A_252] {strides = array<i32>} : memref<64x128xi32, #tpu.memory_space<vmem>>, vector<16xi32>,
      tpu.vector_store %arg11[%swap3A_251, %swap3A_252], %add3A_248 {strides = array<i32>} : memref<64x128xi32, #tpu.memory_space<vmem>>, vector<16xi32>,
      %add3A_254 = arith.constant 2050 : i32
      %add3A_255 = vector.broadcast %add3A_254 : i32 to vector<16xi32>
      %add3A_256 = arith.addi %shift_right_logical3A_237, %add3A_255 : vector<16xi32>
      %add3A_257 = arith.constant 48 : i32
      %add3A_258 = arith.addi %add3A_257, %scan3A_125 : i32
      %swap3A_259 = arith.index_cast %add3A_258 : i32 to index
      %swap3A_260 = arith.constant 16 : index
      %swap3A_261 = tpu.vector_load %arg11[%swap3A_259, %swap3A_260] {strides = array<i32>} : memref<64x128xi32, #tpu.memory_space<vmem>>, vector<16xi32>,
      tpu.vector_store %arg11[%swap3A_259, %swap3A_260], %add3A_256 {strides = array<i32>} : memref<64x128xi32, #tpu.memory_space<vmem>>, vector<16xi32>,
      %mul3A_262 = arith.constant 128 : i32
      %mul3A_263 = arith.muli %scan3A_125, %mul3A_262 : i32
      %add3A_264 = arith.constant 32 : i32
      %add3A_265 = arith.addi %mul3A_263, %add3A_264 : i32
      %get3A_266 = arith.index_cast %add3A_265 : i32 to index
      %get3A_267 = tpu.vector_load %arg6[%get3A_266] {strides = array<i32>} : memref<2048xf32, #tpu.memory_space<vmem>>, vector<16xf32>,
      %get3A_268 = arith.index_cast %add3A_265 : i32 to index
      %get3A_269 = tpu.vector_load %arg7[%get3A_268] {strides = array<i32>} : memref<2048xf32, #tpu.memory_space<vmem>>, vector<16xf32>,
      %ge3A_270 = arith.constant 1.000000e+00 : f32
      %ge3A_271 = vector.broadcast %ge3A_270 : f32 to vector<16xf32>
      %ge3A_272 = arith.cmpf oge, %get3A_267, %ge3A_271 : vector<16xf32>
      %add3A_273 = arith.constant 4.096000e+03 : f32
      %add3A_274 = vector.broadcast %add3A_273 : f32 to vector<16xf32>
      %add3A_275 = arith.addf %get3A_267, %add3A_274 : vector<16xf32>
      %select_n3A_276 = arith.select %ge3A_272, %get3A_267, %add3A_275 : vector<16xi1>, vector<16xf32>
      %ge3A_277 = arith.constant 1.000000e+00 : f32
      %ge3A_278 = vector.broadcast %ge3A_277 : f32 to vector<16xf32>
      %ge3A_279 = arith.cmpf oge, %get3A_269, %ge3A_278 : vector<16xf32>
      %add3A_280 = arith.constant 4.096000e+03 : f32
      %add3A_281 = vector.broadcast %add3A_280 : f32 to vector<16xf32>
      %add3A_282 = arith.addf %get3A_269, %add3A_281 : vector<16xf32>
      %select_n3A_283 = arith.select %ge3A_279, %get3A_269, %add3A_282 : vector<16xi1>, vector<16xf32>
      %convert_element_type3A_284 = arith.fptosi %select_n3A_276 : vector<16xf32> to vector<16xi32>
      %convert_element_type3A_285 = arith.fptosi %select_n3A_283 : vector<16xf32> to vector<16xi32>
      %convert_element_type3A_286 = arith.sitofp %convert_element_type3A_284 : vector<16xi32> to vector<16xf32>
      %sub3A_287 = arith.subf %select_n3A_276, %convert_element_type3A_286 : vector<16xf32>
      %swap3A_288 = arith.index_cast %add3A_265 : i32 to index
      %swap3A_289 = tpu.vector_load %arg8[%swap3A_288] {strides = array<i32>} : memref<2048xf32, #tpu.memory_space<vmem>>, vector<16xf32>,
      tpu.vector_store %arg8[%swap3A_288], %sub3A_287 {strides = array<i32>} : memref<2048xf32, #tpu.memory_space<vmem>>, vector<16xf32>,
      %convert_element_type3A_290 = arith.sitofp %convert_element_type3A_285 : vector<16xi32> to vector<16xf32>
      %sub3A_291 = arith.subf %select_n3A_283, %convert_element_type3A_290 : vector<16xf32>
      %swap3A_292 = arith.index_cast %add3A_265 : i32 to index
      %swap3A_293 = tpu.vector_load %arg9[%swap3A_292] {strides = array<i32>} : memref<2048xf32, #tpu.memory_space<vmem>>, vector<16xf32>,
      tpu.vector_store %arg9[%swap3A_292], %sub3A_291 {strides = array<i32>} : memref<2048xf32, #tpu.memory_space<vmem>>, vector<16xf32>,
      %mul3A_294 = arith.constant 4100 : i32
      %mul3A_295 = vector.broadcast %mul3A_294 : i32 to vector<16xi32>
      %mul3A_296 = arith.muli %convert_element_type3A_284, %mul3A_295 : vector<16xi32>
      %add3A_297 = arith.addi %mul3A_296, %convert_element_type3A_285 : vector<16xi32>
      %swap3A_298 = arith.index_cast %add3A_265 : i32 to index
      %swap3A_299 = tpu.vector_load %arg10[%swap3A_298] {strides = array<i32>} : memref<2048xi32, #tpu.memory_space<vmem>>, vector<16xi32>,
      tpu.vector_store %arg10[%swap3A_298], %add3A_297 {strides = array<i32>} : memref<2048xi32, #tpu.memory_space<vmem>>, vector<16xi32>,
      %shift_right_logical3A_300 = arith.constant 1 : i32
      %shift_right_logical3A_301 = vector.broadcast %shift_right_logical3A_300 : i32 to vector<16xi32>
      %shift_right_logical3A_302 = arith.shrui %add3A_297, %shift_right_logical3A_301 : vector<16xi32>
      %add3A_303 = arith.constant 1 : i32
      %add3A_304 = vector.broadcast %add3A_303 : i32 to vector<16xi32>
      %add3A_305 = arith.addi %add3A_297, %add3A_304 : vector<16xi32>
      %shift_right_logical3A_306 = arith.constant 1 : i32
      %shift_right_logical3A_307 = vector.broadcast %shift_right_logical3A_306 : i32 to vector<16xi32>
      %shift_right_logical3A_308 = arith.shrui %add3A_305, %shift_right_logical3A_307 : vector<16xi32>
      %swap3A_309 = arith.index_cast %scan3A_125 : i32 to index
      %swap3A_310 = arith.constant 32 : index
      %swap3A_311 = tpu.vector_load %arg11[%swap3A_309, %swap3A_310] {strides = array<i32>} : memref<64x128xi32, #tpu.memory_space<vmem>>, vector<16xi32>,
      tpu.vector_store %arg11[%swap3A_309, %swap3A_310], %shift_right_logical3A_302 {strides = array<i32>} : memref<64x128xi32, #tpu.memory_space<vmem>>, vector<16xi32>,
      %add3A_312 = arith.constant 16 : i32
      %add3A_313 = arith.addi %add3A_312, %scan3A_125 : i32
      %swap3A_314 = arith.index_cast %add3A_313 : i32 to index
      %swap3A_315 = arith.constant 32 : index
      %swap3A_316 = tpu.vector_load %arg11[%swap3A_314, %swap3A_315] {strides = array<i32>} : memref<64x128xi32, #tpu.memory_space<vmem>>, vector<16xi32>,
      tpu.vector_store %arg11[%swap3A_314, %swap3A_315], %shift_right_logical3A_308 {strides = array<i32>} : memref<64x128xi32, #tpu.memory_space<vmem>>, vector<16xi32>,
      %add3A_317 = arith.constant 2050 : i32
      %add3A_318 = vector.broadcast %add3A_317 : i32 to vector<16xi32>
      %add3A_319 = arith.addi %shift_right_logical3A_302, %add3A_318 : vector<16xi32>
      %add3A_320 = arith.constant 32 : i32
      %add3A_321 = arith.addi %add3A_320, %scan3A_125 : i32
      %swap3A_322 = arith.index_cast %add3A_321 : i32 to index
      %swap3A_323 = arith.constant 32 : index
      %swap3A_324 = tpu.vector_load %arg11[%swap3A_322, %swap3A_323] {strides = array<i32>} : memref<64x128xi32, #tpu.memory_space<vmem>>, vector<16xi32>,
      tpu.vector_store %arg11[%swap3A_322, %swap3A_323], %add3A_319 {strides = array<i32>} : memref<64x128xi32, #tpu.memory_space<vmem>>, vector<16xi32>,
      %add3A_325 = arith.constant 2050 : i32
      %add3A_326 = vector.broadcast %add3A_325 : i32 to vector<16xi32>
      %add3A_327 = arith.addi %shift_right_logical3A_308, %add3A_326 : vector<16xi32>
      %add3A_328 = arith.constant 48 : i32
      %add3A_329 = arith.addi %add3A_328, %scan3A_125 : i32
      %swap3A_330 = arith.index_cast %add3A_329 : i32 to index
      %swap3A_331 = arith.constant 32 : index
      %swap3A_332 = tpu.vector_load %arg11[%swap3A_330, %swap3A_331] {strides = array<i32>} : memref<64x128xi32, #tpu.memory_space<vmem>>, vector<16xi32>,
      tpu.vector_store %arg11[%swap3A_330, %swap3A_331], %add3A_327 {strides = array<i32>} : memref<64x128xi32, #tpu.memory_space<vmem>>, vector<16xi32>,
      %mul3A_333 = arith.constant 128 : i32
      %mul3A_334 = arith.muli %scan3A_125, %mul3A_333 : i32
      %add3A_335 = arith.constant 48 : i32
      %add3A_336 = arith.addi %mul3A_334, %add3A_335 : i32
      %get3A_337 = arith.index_cast %add3A_336 : i32 to index
      %get3A_338 = tpu.vector_load %arg6[%get3A_337] {strides = array<i32>} : memref<2048xf32, #tpu.memory_space<vmem>>, vector<16xf32>,
      %get3A_339 = arith.index_cast %add3A_336 : i32 to index
      %get3A_340 = tpu.vector_load %arg7[%get3A_339] {strides = array<i32>} : memref<2048xf32, #tpu.memory_space<vmem>>, vector<16xf32>,
      %ge3A_341 = arith.constant 1.000000e+00 : f32
      %ge3A_342 = vector.broadcast %ge3A_341 : f32 to vector<16xf32>
      %ge3A_343 = arith.cmpf oge, %get3A_338, %ge3A_342 : vector<16xf32>
      %add3A_344 = arith.constant 4.096000e+03 : f32
      %add3A_345 = vector.broadcast %add3A_344 : f32 to vector<16xf32>
      %add3A_346 = arith.addf %get3A_338, %add3A_345 : vector<16xf32>
      %select_n3A_347 = arith.select %ge3A_343, %get3A_338, %add3A_346 : vector<16xi1>, vector<16xf32>
      %ge3A_348 = arith.constant 1.000000e+00 : f32
      %ge3A_349 = vector.broadcast %ge3A_348 : f32 to vector<16xf32>
      %ge3A_350 = arith.cmpf oge, %get3A_340, %ge3A_349 : vector<16xf32>
      %add3A_351 = arith.constant 4.096000e+03 : f32
      %add3A_352 = vector.broadcast %add3A_351 : f32 to vector<16xf32>
      %add3A_353 = arith.addf %get3A_340, %add3A_352 : vector<16xf32>
      %select_n3A_354 = arith.select %ge3A_350, %get3A_340, %add3A_353 : vector<16xi1>, vector<16xf32>
      %convert_element_type3A_355 = arith.fptosi %select_n3A_347 : vector<16xf32> to vector<16xi32>
      %convert_element_type3A_356 = arith.fptosi %select_n3A_354 : vector<16xf32> to vector<16xi32>
      %convert_element_type3A_357 = arith.sitofp %convert_element_type3A_355 : vector<16xi32> to vector<16xf32>
      %sub3A_358 = arith.subf %select_n3A_347, %convert_element_type3A_357 : vector<16xf32>
      %swap3A_359 = arith.index_cast %add3A_336 : i32 to index
      %swap3A_360 = tpu.vector_load %arg8[%swap3A_359] {strides = array<i32>} : memref<2048xf32, #tpu.memory_space<vmem>>, vector<16xf32>,
      tpu.vector_store %arg8[%swap3A_359], %sub3A_358 {strides = array<i32>} : memref<2048xf32, #tpu.memory_space<vmem>>, vector<16xf32>,
      %convert_element_type3A_361 = arith.sitofp %convert_element_type3A_356 : vector<16xi32> to vector<16xf32>
      %sub3A_362 = arith.subf %select_n3A_354, %convert_element_type3A_361 : vector<16xf32>
      %swap3A_363 = arith.index_cast %add3A_336 : i32 to index
      %swap3A_364 = tpu.vector_load %arg9[%swap3A_363] {strides = array<i32>} : memref<2048xf32, #tpu.memory_space<vmem>>, vector<16xf32>,
      tpu.vector_store %arg9[%swap3A_363], %sub3A_362 {strides = array<i32>} : memref<2048xf32, #tpu.memory_space<vmem>>, vector<16xf32>,
      %mul3A_365 = arith.constant 4100 : i32
      %mul3A_366 = vector.broadcast %mul3A_365 : i32 to vector<16xi32>
      %mul3A_367 = arith.muli %convert_element_type3A_355, %mul3A_366 : vector<16xi32>
      %add3A_368 = arith.addi %mul3A_367, %convert_element_type3A_356 : vector<16xi32>
      %swap3A_369 = arith.index_cast %add3A_336 : i32 to index
      %swap3A_370 = tpu.vector_load %arg10[%swap3A_369] {strides = array<i32>} : memref<2048xi32, #tpu.memory_space<vmem>>, vector<16xi32>,
      tpu.vector_store %arg10[%swap3A_369], %add3A_368 {strides = array<i32>} : memref<2048xi32, #tpu.memory_space<vmem>>, vector<16xi32>,
      %shift_right_logical3A_371 = arith.constant 1 : i32
      %shift_right_logical3A_372 = vector.broadcast %shift_right_logical3A_371 : i32 to vector<16xi32>
      %shift_right_logical3A_373 = arith.shrui %add3A_368, %shift_right_logical3A_372 : vector<16xi32>
      %add3A_374 = arith.constant 1 : i32
      %add3A_375 = vector.broadcast %add3A_374 : i32 to vector<16xi32>
      %add3A_376 = arith.addi %add3A_368, %add3A_375 : vector<16xi32>
      %shift_right_logical3A_377 = arith.constant 1 : i32
      %shift_right_logical3A_378 = vector.broadcast %shift_right_logical3A_377 : i32 to vector<16xi32>
      %shift_right_logical3A_379 = arith.shrui %add3A_376, %shift_right_logical3A_378 : vector<16xi32>
      %swap3A_380 = arith.index_cast %scan3A_125 : i32 to index
      %swap3A_381 = arith.constant 48 : index
      %swap3A_382 = tpu.vector_load %arg11[%swap3A_380, %swap3A_381] {strides = array<i32>} : memref<64x128xi32, #tpu.memory_space<vmem>>, vector<16xi32>,
      tpu.vector_store %arg11[%swap3A_380, %swap3A_381], %shift_right_logical3A_373 {strides = array<i32>} : memref<64x128xi32, #tpu.memory_space<vmem>>, vector<16xi32>,
      %add3A_383 = arith.constant 16 : i32
      %add3A_384 = arith.addi %add3A_383, %scan3A_125 : i32
      %swap3A_385 = arith.index_cast %add3A_384 : i32 to index
      %swap3A_386 = arith.constant 48 : index
      %swap3A_387 = tpu.vector_load %arg11[%swap3A_385, %swap3A_386] {strides = array<i32>} : memref<64x128xi32, #tpu.memory_space<vmem>>, vector<16xi32>,
      tpu.vector_store %arg11[%swap3A_385, %swap3A_386], %shift_right_logical3A_379 {strides = array<i32>} : memref<64x128xi32, #tpu.memory_space<vmem>>, vector<16xi32>,
      %add3A_388 = arith.constant 2050 : i32
      %add3A_389 = vector.broadcast %add3A_388 : i32 to vector<16xi32>
      %add3A_390 = arith.addi %shift_right_logical3A_373, %add3A_389 : vector<16xi32>
      %add3A_391 = arith.constant 32 : i32
      %add3A_392 = arith.addi %add3A_391, %scan3A_125 : i32
      %swap3A_393 = arith.index_cast %add3A_392 : i32 to index
      %swap3A_394 = arith.constant 48 : index
      %swap3A_395 = tpu.vector_load %arg11[%swap3A_393, %swap3A_394] {strides = array<i32>} : memref<64x128xi32, #tpu.memory_space<vmem>>, vector<16xi32>,
      tpu.vector_store %arg11[%swap3A_393, %swap3A_394], %add3A_390 {strides = array<i32>} : memref<64x128xi32, #tpu.memory_space<vmem>>, vector<16xi32>,
      %add3A_396 = arith.constant 2050 : i32
      %add3A_397 = vector.broadcast %add3A_396 : i32 to vector<16xi32>
      %add3A_398 = arith.addi %shift_right_logical3A_379, %add3A_397 : vector<16xi32>
      %add3A_399 = arith.constant 48 : i32
      %add3A_400 = arith.addi %add3A_399, %scan3A_125 : i32
      %swap3A_401 = arith.index_cast %add3A_400 : i32 to index
      %swap3A_402 = arith.constant 48 : index
      %swap3A_403 = tpu.vector_load %arg11[%swap3A_401, %swap3A_402] {strides = array<i32>} : memref<64x128xi32, #tpu.memory_space<vmem>>, vector<16xi32>,
      tpu.vector_store %arg11[%swap3A_401, %swap3A_402], %add3A_398 {strides = array<i32>} : memref<64x128xi32, #tpu.memory_space<vmem>>, vector<16xi32>,
      %mul3A_404 = arith.constant 128 : i32
      %mul3A_405 = arith.muli %scan3A_125, %mul3A_404 : i32
      %add3A_406 = arith.constant 64 : i32
      %add3A_407 = arith.addi %mul3A_405, %add3A_406 : i32
      %get3A_408 = arith.index_cast %add3A_407 : i32 to index
      %get3A_409 = tpu.vector_load %arg6[%get3A_408] {strides = array<i32>} : memref<2048xf32, #tpu.memory_space<vmem>>, vector<16xf32>,
      %get3A_410 = arith.index_cast %add3A_407 : i32 to index
      %get3A_411 = tpu.vector_load %arg7[%get3A_410] {strides = array<i32>} : memref<2048xf32, #tpu.memory_space<vmem>>, vector<16xf32>,
      %ge3A_412 = arith.constant 1.000000e+00 : f32
      %ge3A_413 = vector.broadcast %ge3A_412 : f32 to vector<16xf32>
      %ge3A_414 = arith.cmpf oge, %get3A_409, %ge3A_413 : vector<16xf32>
      %add3A_415 = arith.constant 4.096000e+03 : f32
      %add3A_416 = vector.broadcast %add3A_415 : f32 to vector<16xf32>
      %add3A_417 = arith.addf %get3A_409, %add3A_416 : vector<16xf32>
      %select_n3A_418 = arith.select %ge3A_414, %get3A_409, %add3A_417 : vector<16xi1>, vector<16xf32>
      %ge3A_419 = arith.constant 1.000000e+00 : f32
      %ge3A_420 = vector.broadcast %ge3A_419 : f32 to vector<16xf32>
      %ge3A_421 = arith.cmpf oge, %get3A_411, %ge3A_420 : vector<16xf32>
      %add3A_422 = arith.constant 4.096000e+03 : f32
      %add3A_423 = vector.broadcast %add3A_422 : f32 to vector<16xf32>
      %add3A_424 = arith.addf %get3A_411, %add3A_423 : vector<16xf32>
      %select_n3A_425 = arith.select %ge3A_421, %get3A_411, %add3A_424 : vector<16xi1>, vector<16xf32>
      %convert_element_type3A_426 = arith.fptosi %select_n3A_418 : vector<16xf32> to vector<16xi32>
      %convert_element_type3A_427 = arith.fptosi %select_n3A_425 : vector<16xf32> to vector<16xi32>
      %convert_element_type3A_428 = arith.sitofp %convert_element_type3A_426 : vector<16xi32> to vector<16xf32>
      %sub3A_429 = arith.subf %select_n3A_418, %convert_element_type3A_428 : vector<16xf32>
      %swap3A_430 = arith.index_cast %add3A_407 : i32 to index
      %swap3A_431 = tpu.vector_load %arg8[%swap3A_430] {strides = array<i32>} : memref<2048xf32, #tpu.memory_space<vmem>>, vector<16xf32>,
      tpu.vector_store %arg8[%swap3A_430], %sub3A_429 {strides = array<i32>} : memref<2048xf32, #tpu.memory_space<vmem>>, vector<16xf32>,
      %convert_element_type3A_432 = arith.sitofp %convert_element_type3A_427 : vector<16xi32> to vector<16xf32>
      %sub3A_433 = arith.subf %select_n3A_425, %convert_element_type3A_432 : vector<16xf32>
      %swap3A_434 = arith.index_cast %add3A_407 : i32 to index
      %swap3A_435 = tpu.vector_load %arg9[%swap3A_434] {strides = array<i32>} : memref<2048xf32, #tpu.memory_space<vmem>>, vector<16xf32>,
      tpu.vector_store %arg9[%swap3A_434], %sub3A_433 {strides = array<i32>} : memref<2048xf32, #tpu.memory_space<vmem>>, vector<16xf32>,
      %mul3A_436 = arith.constant 4100 : i32
      %mul3A_437 = vector.broadcast %mul3A_436 : i32 to vector<16xi32>
      %mul3A_438 = arith.muli %convert_element_type3A_426, %mul3A_437 : vector<16xi32>
      %add3A_439 = arith.addi %mul3A_438, %convert_element_type3A_427 : vector<16xi32>
      %swap3A_440 = arith.index_cast %add3A_407 : i32 to index
      %swap3A_441 = tpu.vector_load %arg10[%swap3A_440] {strides = array<i32>} : memref<2048xi32, #tpu.memory_space<vmem>>, vector<16xi32>,
      tpu.vector_store %arg10[%swap3A_440], %add3A_439 {strides = array<i32>} : memref<2048xi32, #tpu.memory_space<vmem>>, vector<16xi32>,
      %shift_right_logical3A_442 = arith.constant 1 : i32
      %shift_right_logical3A_443 = vector.broadcast %shift_right_logical3A_442 : i32 to vector<16xi32>
      %shift_right_logical3A_444 = arith.shrui %add3A_439, %shift_right_logical3A_443 : vector<16xi32>
      %add3A_445 = arith.constant 1 : i32
      %add3A_446 = vector.broadcast %add3A_445 : i32 to vector<16xi32>
      %add3A_447 = arith.addi %add3A_439, %add3A_446 : vector<16xi32>
      %shift_right_logical3A_448 = arith.constant 1 : i32
      %shift_right_logical3A_449 = vector.broadcast %shift_right_logical3A_448 : i32 to vector<16xi32>
      %shift_right_logical3A_450 = arith.shrui %add3A_447, %shift_right_logical3A_449 : vector<16xi32>
      %swap3A_451 = arith.index_cast %scan3A_125 : i32 to index
      %swap3A_452 = arith.constant 64 : index
      %swap3A_453 = tpu.vector_load %arg11[%swap3A_451, %swap3A_452] {strides = array<i32>} : memref<64x128xi32, #tpu.memory_space<vmem>>, vector<16xi32>,
      tpu.vector_store %arg11[%swap3A_451, %swap3A_452], %shift_right_logical3A_444 {strides = array<i32>} : memref<64x128xi32, #tpu.memory_space<vmem>>, vector<16xi32>,
      %add3A_454 = arith.constant 16 : i32
      %add3A_455 = arith.addi %add3A_454, %scan3A_125 : i32
      %swap3A_456 = arith.index_cast %add3A_455 : i32 to index
      %swap3A_457 = arith.constant 64 : index
      %swap3A_458 = tpu.vector_load %arg11[%swap3A_456, %swap3A_457] {strides = array<i32>} : memref<64x128xi32, #tpu.memory_space<vmem>>, vector<16xi32>,
      tpu.vector_store %arg11[%swap3A_456, %swap3A_457], %shift_right_logical3A_450 {strides = array<i32>} : memref<64x128xi32, #tpu.memory_space<vmem>>, vector<16xi32>,
      %add3A_459 = arith.constant 2050 : i32
      %add3A_460 = vector.broadcast %add3A_459 : i32 to vector<16xi32>
      %add3A_461 = arith.addi %shift_right_logical3A_444, %add3A_460 : vector<16xi32>
      %add3A_462 = arith.constant 32 : i32
      %add3A_463 = arith.addi %add3A_462, %scan3A_125 : i32
      %swap3A_464 = arith.index_cast %add3A_463 : i32 to index
      %swap3A_465 = arith.constant 64 : index
      %swap3A_466 = tpu.vector_load %arg11[%swap3A_464, %swap3A_465] {strides = array<i32>} : memref<64x128xi32, #tpu.memory_space<vmem>>, vector<16xi32>,
      tpu.vector_store %arg11[%swap3A_464, %swap3A_465], %add3A_461 {strides = array<i32>} : memref<64x128xi32, #tpu.memory_space<vmem>>, vector<16xi32>,
      %add3A_467 = arith.constant 2050 : i32
      %add3A_468 = vector.broadcast %add3A_467 : i32 to vector<16xi32>
      %add3A_469 = arith.addi %shift_right_logical3A_450, %add3A_468 : vector<16xi32>
      %add3A_470 = arith.constant 48 : i32
      %add3A_471 = arith.addi %add3A_470, %scan3A_125 : i32
      %swap3A_472 = arith.index_cast %add3A_471 : i32 to index
      %swap3A_473 = arith.constant 64 : index
      %swap3A_474 = tpu.vector_load %arg11[%swap3A_472, %swap3A_473] {strides = array<i32>} : memref<64x128xi32, #tpu.memory_space<vmem>>, vector<16xi32>,
      tpu.vector_store %arg11[%swap3A_472, %swap3A_473], %add3A_469 {strides = array<i32>} : memref<64x128xi32, #tpu.memory_space<vmem>>, vector<16xi32>,
      %mul3A_475 = arith.constant 128 : i32
      %mul3A_476 = arith.muli %scan3A_125, %mul3A_475 : i32
      %add3A_477 = arith.constant 80 : i32
      %add3A_478 = arith.addi %mul3A_476, %add3A_477 : i32
      %get3A_479 = arith.index_cast %add3A_478 : i32 to index
      %get3A_480 = tpu.vector_load %arg6[%get3A_479] {strides = array<i32>} : memref<2048xf32, #tpu.memory_space<vmem>>, vector<16xf32>,
      %get3A_481 = arith.index_cast %add3A_478 : i32 to index
      %get3A_482 = tpu.vector_load %arg7[%get3A_481] {strides = array<i32>} : memref<2048xf32, #tpu.memory_space<vmem>>, vector<16xf32>,
      %ge3A_483 = arith.constant 1.000000e+00 : f32
      %ge3A_484 = vector.broadcast %ge3A_483 : f32 to vector<16xf32>
      %ge3A_485 = arith.cmpf oge, %get3A_480, %ge3A_484 : vector<16xf32>
      %add3A_486 = arith.constant 4.096000e+03 : f32
      %add3A_487 = vector.broadcast %add3A_486 : f32 to vector<16xf32>
      %add3A_488 = arith.addf %get3A_480, %add3A_487 : vector<16xf32>
      %select_n3A_489 = arith.select %ge3A_485, %get3A_480, %add3A_488 : vector<16xi1>, vector<16xf32>
      %ge3A_490 = arith.constant 1.000000e+00 : f32
      %ge3A_491 = vector.broadcast %ge3A_490 : f32 to vector<16xf32>
      %ge3A_492 = arith.cmpf oge, %get3A_482, %ge3A_491 : vector<16xf32>
      %add3A_493 = arith.constant 4.096000e+03 : f32
      %add3A_494 = vector.broadcast %add3A_493 : f32 to vector<16xf32>
      %add3A_495 = arith.addf %get3A_482, %add3A_494 : vector<16xf32>
      %select_n3A_496 = arith.select %ge3A_492, %get3A_482, %add3A_495 : vector<16xi1>, vector<16xf32>
      %convert_element_type3A_497 = arith.fptosi %select_n3A_489 : vector<16xf32> to vector<16xi32>
      %convert_element_type3A_498 = arith.fptosi %select_n3A_496 : vector<16xf32> to vector<16xi32>
      %convert_element_type3A_499 = arith.sitofp %convert_element_type3A_497 : vector<16xi32> to vector<16xf32>
      %sub3A_500 = arith.subf %select_n3A_489, %convert_element_type3A_499 : vector<16xf32>
      %swap3A_501 = arith.index_cast %add3A_478 : i32 to index
      %swap3A_502 = tpu.vector_load %arg8[%swap3A_501] {strides = array<i32>} : memref<2048xf32, #tpu.memory_space<vmem>>, vector<16xf32>,
      tpu.vector_store %arg8[%swap3A_501], %sub3A_500 {strides = array<i32>} : memref<2048xf32, #tpu.memory_space<vmem>>, vector<16xf32>,
      %convert_element_type3A_503 = arith.sitofp %convert_element_type3A_498 : vector<16xi32> to vector<16xf32>
      %sub3A_504 = arith.subf %select_n3A_496, %convert_element_type3A_503 : vector<16xf32>
      %swap3A_505 = arith.index_cast %add3A_478 : i32 to index
      %swap3A_506 = tpu.vector_load %arg9[%swap3A_505] {strides = array<i32>} : memref<2048xf32, #tpu.memory_space<vmem>>, vector<16xf32>,
      tpu.vector_store %arg9[%swap3A_505], %sub3A_504 {strides = array<i32>} : memref<2048xf32, #tpu.memory_space<vmem>>, vector<16xf32>,
      %mul3A_507 = arith.constant 4100 : i32
      %mul3A_508 = vector.broadcast %mul3A_507 : i32 to vector<16xi32>
      %mul3A_509 = arith.muli %convert_element_type3A_497, %mul3A_508 : vector<16xi32>
      %add3A_510 = arith.addi %mul3A_509, %convert_element_type3A_498 : vector<16xi32>
      %swap3A_511 = arith.index_cast %add3A_478 : i32 to index
      %swap3A_512 = tpu.vector_load %arg10[%swap3A_511] {strides = array<i32>} : memref<2048xi32, #tpu.memory_space<vmem>>, vector<16xi32>,
      tpu.vector_store %arg10[%swap3A_511], %add3A_510 {strides = array<i32>} : memref<2048xi32, #tpu.memory_space<vmem>>, vector<16xi32>,
      %shift_right_logical3A_513 = arith.constant 1 : i32
      %shift_right_logical3A_514 = vector.broadcast %shift_right_logical3A_513 : i32 to vector<16xi32>
      %shift_right_logical3A_515 = arith.shrui %add3A_510, %shift_right_logical3A_514 : vector<16xi32>
      %add3A_516 = arith.constant 1 : i32
      %add3A_517 = vector.broadcast %add3A_516 : i32 to vector<16xi32>
      %add3A_518 = arith.addi %add3A_510, %add3A_517 : vector<16xi32>
      %shift_right_logical3A_519 = arith.constant 1 : i32
      %shift_right_logical3A_520 = vector.broadcast %shift_right_logical3A_519 : i32 to vector<16xi32>
      %shift_right_logical3A_521 = arith.shrui %add3A_518, %shift_right_logical3A_520 : vector<16xi32>
      %swap3A_522 = arith.index_cast %scan3A_125 : i32 to index
      %swap3A_523 = arith.constant 80 : index
      %swap3A_524 = tpu.vector_load %arg11[%swap3A_522, %swap3A_523] {strides = array<i32>} : memref<64x128xi32, #tpu.memory_space<vmem>>, vector<16xi32>,
      tpu.vector_store %arg11[%swap3A_522, %swap3A_523], %shift_right_logical3A_515 {strides = array<i32>} : memref<64x128xi32, #tpu.memory_space<vmem>>, vector<16xi32>,
      %add3A_525 = arith.constant 16 : i32
      %add3A_526 = arith.addi %add3A_525, %scan3A_125 : i32
      %swap3A_527 = arith.index_cast %add3A_526 : i32 to index
      %swap3A_528 = arith.constant 80 : index
      %swap3A_529 = tpu.vector_load %arg11[%swap3A_527, %swap3A_528] {strides = array<i32>} : memref<64x128xi32, #tpu.memory_space<vmem>>, vector<16xi32>,
      tpu.vector_store %arg11[%swap3A_527, %swap3A_528], %shift_right_logical3A_521 {strides = array<i32>} : memref<64x128xi32, #tpu.memory_space<vmem>>, vector<16xi32>,
      %add3A_530 = arith.constant 2050 : i32
      %add3A_531 = vector.broadcast %add3A_530 : i32 to vector<16xi32>
      %add3A_532 = arith.addi %shift_right_logical3A_515, %add3A_531 : vector<16xi32>
      %add3A_533 = arith.constant 32 : i32
      %add3A_534 = arith.addi %add3A_533, %scan3A_125 : i32
      %swap3A_535 = arith.index_cast %add3A_534 : i32 to index
      %swap3A_536 = arith.constant 80 : index
      %swap3A_537 = tpu.vector_load %arg11[%swap3A_535, %swap3A_536] {strides = array<i32>} : memref<64x128xi32, #tpu.memory_space<vmem>>, vector<16xi32>,
      tpu.vector_store %arg11[%swap3A_535, %swap3A_536], %add3A_532 {strides = array<i32>} : memref<64x128xi32, #tpu.memory_space<vmem>>, vector<16xi32>,
      %add3A_538 = arith.constant 2050 : i32
      %add3A_539 = vector.broadcast %add3A_538 : i32 to vector<16xi32>
      %add3A_540 = arith.addi %shift_right_logical3A_521, %add3A_539 : vector<16xi32>
      %add3A_541 = arith.constant 48 : i32
      %add3A_542 = arith.addi %add3A_541, %scan3A_125 : i32
      %swap3A_543 = arith.index_cast %add3A_542 : i32 to index
      %swap3A_544 = arith.constant 80 : index
      %swap3A_545 = tpu.vector_load %arg11[%swap3A_543, %swap3A_544] {strides = array<i32>} : memref<64x128xi32, #tpu.memory_space<vmem>>, vector<16xi32>,
      tpu.vector_store %arg11[%swap3A_543, %swap3A_544], %add3A_540 {strides = array<i32>} : memref<64x128xi32, #tpu.memory_space<vmem>>, vector<16xi32>,
      %mul3A_546 = arith.constant 128 : i32
      %mul3A_547 = arith.muli %scan3A_125, %mul3A_546 : i32
      %add3A_548 = arith.constant 96 : i32
      %add3A_549 = arith.addi %mul3A_547, %add3A_548 : i32
      %get3A_550 = arith.index_cast %add3A_549 : i32 to index
      %get3A_551 = tpu.vector_load %arg6[%get3A_550] {strides = array<i32>} : memref<2048xf32, #tpu.memory_space<vmem>>, vector<16xf32>,
      %get3A_552 = arith.index_cast %add3A_549 : i32 to index
      %get3A_553 = tpu.vector_load %arg7[%get3A_552] {strides = array<i32>} : memref<2048xf32, #tpu.memory_space<vmem>>, vector<16xf32>,
      %ge3A_554 = arith.constant 1.000000e+00 : f32
      %ge3A_555 = vector.broadcast %ge3A_554 : f32 to vector<16xf32>
      %ge3A_556 = arith.cmpf oge, %get3A_551, %ge3A_555 : vector<16xf32>
      %add3A_557 = arith.constant 4.096000e+03 : f32
      %add3A_558 = vector.broadcast %add3A_557 : f32 to vector<16xf32>
      %add3A_559 = arith.addf %get3A_551, %add3A_558 : vector<16xf32>
      %select_n3A_560 = arith.select %ge3A_556, %get3A_551, %add3A_559 : vector<16xi1>, vector<16xf32>
      %ge3A_561 = arith.constant 1.000000e+00 : f32
      %ge3A_562 = vector.broadcast %ge3A_561 : f32 to vector<16xf32>
      %ge3A_563 = arith.cmpf oge, %get3A_553, %ge3A_562 : vector<16xf32>
      %add3A_564 = arith.constant 4.096000e+03 : f32
      %add3A_565 = vector.broadcast %add3A_564 : f32 to vector<16xf32>
      %add3A_566 = arith.addf %get3A_553, %add3A_565 : vector<16xf32>
      %select_n3A_567 = arith.select %ge3A_563, %get3A_553, %add3A_566 : vector<16xi1>, vector<16xf32>
      %convert_element_type3A_568 = arith.fptosi %select_n3A_560 : vector<16xf32> to vector<16xi32>
      %convert_element_type3A_569 = arith.fptosi %select_n3A_567 : vector<16xf32> to vector<16xi32>
      %convert_element_type3A_570 = arith.sitofp %convert_element_type3A_568 : vector<16xi32> to vector<16xf32>
      %sub3A_571 = arith.subf %select_n3A_560, %convert_element_type3A_570 : vector<16xf32>
      %swap3A_572 = arith.index_cast %add3A_549 : i32 to index
      %swap3A_573 = tpu.vector_load %arg8[%swap3A_572] {strides = array<i32>} : memref<2048xf32, #tpu.memory_space<vmem>>, vector<16xf32>,
      tpu.vector_store %arg8[%swap3A_572], %sub3A_571 {strides = array<i32>} : memref<2048xf32, #tpu.memory_space<vmem>>, vector<16xf32>,
      %convert_element_type3A_574 = arith.sitofp %convert_element_type3A_569 : vector<16xi32> to vector<16xf32>
      %sub3A_575 = arith.subf %select_n3A_567, %convert_element_type3A_574 : vector<16xf32>
      %swap3A_576 = arith.index_cast %add3A_549 : i32 to index
      %swap3A_577 = tpu.vector_load %arg9[%swap3A_576] {strides = array<i32>} : memref<2048xf32, #tpu.memory_space<vmem>>, vector<16xf32>,
      tpu.vector_store %arg9[%swap3A_576], %sub3A_575 {strides = array<i32>} : memref<2048xf32, #tpu.memory_space<vmem>>, vector<16xf32>,
      %mul3A_578 = arith.constant 4100 : i32
      %mul3A_579 = vector.broadcast %mul3A_578 : i32 to vector<16xi32>
      %mul3A_580 = arith.muli %convert_element_type3A_568, %mul3A_579 : vector<16xi32>
      %add3A_581 = arith.addi %mul3A_580, %convert_element_type3A_569 : vector<16xi32>
      %swap3A_582 = arith.index_cast %add3A_549 : i32 to index
      %swap3A_583 = tpu.vector_load %arg10[%swap3A_582] {strides = array<i32>} : memref<2048xi32, #tpu.memory_space<vmem>>, vector<16xi32>,
      tpu.vector_store %arg10[%swap3A_582], %add3A_581 {strides = array<i32>} : memref<2048xi32, #tpu.memory_space<vmem>>, vector<16xi32>,
      %shift_right_logical3A_584 = arith.constant 1 : i32
      %shift_right_logical3A_585 = vector.broadcast %shift_right_logical3A_584 : i32 to vector<16xi32>
      %shift_right_logical3A_586 = arith.shrui %add3A_581, %shift_right_logical3A_585 : vector<16xi32>
      %add3A_587 = arith.constant 1 : i32
      %add3A_588 = vector.broadcast %add3A_587 : i32 to vector<16xi32>
      %add3A_589 = arith.addi %add3A_581, %add3A_588 : vector<16xi32>
      %shift_right_logical3A_590 = arith.constant 1 : i32
      %shift_right_logical3A_591 = vector.broadcast %shift_right_logical3A_590 : i32 to vector<16xi32>
      %shift_right_logical3A_592 = arith.shrui %add3A_589, %shift_right_logical3A_591 : vector<16xi32>
      %swap3A_593 = arith.index_cast %scan3A_125 : i32 to index
      %swap3A_594 = arith.constant 96 : index
      %swap3A_595 = tpu.vector_load %arg11[%swap3A_593, %swap3A_594] {strides = array<i32>} : memref<64x128xi32, #tpu.memory_space<vmem>>, vector<16xi32>,
      tpu.vector_store %arg11[%swap3A_593, %swap3A_594], %shift_right_logical3A_586 {strides = array<i32>} : memref<64x128xi32, #tpu.memory_space<vmem>>, vector<16xi32>,
      %add3A_596 = arith.constant 16 : i32
      %add3A_597 = arith.addi %add3A_596, %scan3A_125 : i32
      %swap3A_598 = arith.index_cast %add3A_597 : i32 to index
      %swap3A_599 = arith.constant 96 : index
      %swap3A_600 = tpu.vector_load %arg11[%swap3A_598, %swap3A_599] {strides = array<i32>} : memref<64x128xi32, #tpu.memory_space<vmem>>, vector<16xi32>,
      tpu.vector_store %arg11[%swap3A_598, %swap3A_599], %shift_right_logical3A_592 {strides = array<i32>} : memref<64x128xi32, #tpu.memory_space<vmem>>, vector<16xi32>,
      %add3A_601 = arith.constant 2050 : i32
      %add3A_602 = vector.broadcast %add3A_601 : i32 to vector<16xi32>
      %add3A_603 = arith.addi %shift_right_logical3A_586, %add3A_602 : vector<16xi32>
      %add3A_604 = arith.constant 32 : i32
      %add3A_605 = arith.addi %add3A_604, %scan3A_125 : i32
      %swap3A_606 = arith.index_cast %add3A_605 : i32 to index
      %swap3A_607 = arith.constant 96 : index
      %swap3A_608 = tpu.vector_load %arg11[%swap3A_606, %swap3A_607] {strides = array<i32>} : memref<64x128xi32, #tpu.memory_space<vmem>>, vector<16xi32>,
      tpu.vector_store %arg11[%swap3A_606, %swap3A_607], %add3A_603 {strides = array<i32>} : memref<64x128xi32, #tpu.memory_space<vmem>>, vector<16xi32>,
      %add3A_609 = arith.constant 2050 : i32
      %add3A_610 = vector.broadcast %add3A_609 : i32 to vector<16xi32>
      %add3A_611 = arith.addi %shift_right_logical3A_592, %add3A_610 : vector<16xi32>
      %add3A_612 = arith.constant 48 : i32
      %add3A_613 = arith.addi %add3A_612, %scan3A_125 : i32
      %swap3A_614 = arith.index_cast %add3A_613 : i32 to index
      %swap3A_615 = arith.constant 96 : index
      %swap3A_616 = tpu.vector_load %arg11[%swap3A_614, %swap3A_615] {strides = array<i32>} : memref<64x128xi32, #tpu.memory_space<vmem>>, vector<16xi32>,
      tpu.vector_store %arg11[%swap3A_614, %swap3A_615], %add3A_611 {strides = array<i32>} : memref<64x128xi32, #tpu.memory_space<vmem>>, vector<16xi32>,
      %mul3A_617 = arith.constant 128 : i32
      %mul3A_618 = arith.muli %scan3A_125, %mul3A_617 : i32
      %add3A_619 = arith.constant 112 : i32
      %add3A_620 = arith.addi %mul3A_618, %add3A_619 : i32
      %get3A_621 = arith.index_cast %add3A_620 : i32 to index
      %get3A_622 = tpu.vector_load %arg6[%get3A_621] {strides = array<i32>} : memref<2048xf32, #tpu.memory_space<vmem>>, vector<16xf32>,
      %get3A_623 = arith.index_cast %add3A_620 : i32 to index
      %get3A_624 = tpu.vector_load %arg7[%get3A_623] {strides = array<i32>} : memref<2048xf32, #tpu.memory_space<vmem>>, vector<16xf32>,
      %ge3A_625 = arith.constant 1.000000e+00 : f32
      %ge3A_626 = vector.broadcast %ge3A_625 : f32 to vector<16xf32>
      %ge3A_627 = arith.cmpf oge, %get3A_622, %ge3A_626 : vector<16xf32>
      %add3A_628 = arith.constant 4.096000e+03 : f32
      %add3A_629 = vector.broadcast %add3A_628 : f32 to vector<16xf32>
      %add3A_630 = arith.addf %get3A_622, %add3A_629 : vector<16xf32>
      %select_n3A_631 = arith.select %ge3A_627, %get3A_622, %add3A_630 : vector<16xi1>, vector<16xf32>
      %ge3A_632 = arith.constant 1.000000e+00 : f32
      %ge3A_633 = vector.broadcast %ge3A_632 : f32 to vector<16xf32>
      %ge3A_634 = arith.cmpf oge, %get3A_624, %ge3A_633 : vector<16xf32>
      %add3A_635 = arith.constant 4.096000e+03 : f32
      %add3A_636 = vector.broadcast %add3A_635 : f32 to vector<16xf32>
      %add3A_637 = arith.addf %get3A_624, %add3A_636 : vector<16xf32>
      %select_n3A_638 = arith.select %ge3A_634, %get3A_624, %add3A_637 : vector<16xi1>, vector<16xf32>
      %convert_element_type3A_639 = arith.fptosi %select_n3A_631 : vector<16xf32> to vector<16xi32>
      %convert_element_type3A_640 = arith.fptosi %select_n3A_638 : vector<16xf32> to vector<16xi32>
      %convert_element_type3A_641 = arith.sitofp %convert_element_type3A_639 : vector<16xi32> to vector<16xf32>
      %sub3A_642 = arith.subf %select_n3A_631, %convert_element_type3A_641 : vector<16xf32>
      %swap3A_643 = arith.index_cast %add3A_620 : i32 to index
      %swap3A_644 = tpu.vector_load %arg8[%swap3A_643] {strides = array<i32>} : memref<2048xf32, #tpu.memory_space<vmem>>, vector<16xf32>,
      tpu.vector_store %arg8[%swap3A_643], %sub3A_642 {strides = array<i32>} : memref<2048xf32, #tpu.memory_space<vmem>>, vector<16xf32>,
      %convert_element_type3A_645 = arith.sitofp %convert_element_type3A_640 : vector<16xi32> to vector<16xf32>
      %sub3A_646 = arith.subf %select_n3A_638, %convert_element_type3A_645 : vector<16xf32>
      %swap3A_647 = arith.index_cast %add3A_620 : i32 to index
      %swap3A_648 = tpu.vector_load %arg9[%swap3A_647] {strides = array<i32>} : memref<2048xf32, #tpu.memory_space<vmem>>, vector<16xf32>,
      tpu.vector_store %arg9[%swap3A_647], %sub3A_646 {strides = array<i32>} : memref<2048xf32, #tpu.memory_space<vmem>>, vector<16xf32>,
      %mul3A_649 = arith.constant 4100 : i32
      %mul3A_650 = vector.broadcast %mul3A_649 : i32 to vector<16xi32>
      %mul3A_651 = arith.muli %convert_element_type3A_639, %mul3A_650 : vector<16xi32>
      %add3A_652 = arith.addi %mul3A_651, %convert_element_type3A_640 : vector<16xi32>
      %swap3A_653 = arith.index_cast %add3A_620 : i32 to index
      %swap3A_654 = tpu.vector_load %arg10[%swap3A_653] {strides = array<i32>} : memref<2048xi32, #tpu.memory_space<vmem>>, vector<16xi32>,
      tpu.vector_store %arg10[%swap3A_653], %add3A_652 {strides = array<i32>} : memref<2048xi32, #tpu.memory_space<vmem>>, vector<16xi32>,
      %shift_right_logical3A_655 = arith.constant 1 : i32
      %shift_right_logical3A_656 = vector.broadcast %shift_right_logical3A_655 : i32 to vector<16xi32>
      %shift_right_logical3A_657 = arith.shrui %add3A_652, %shift_right_logical3A_656 : vector<16xi32>
      %add3A_658 = arith.constant 1 : i32
      %add3A_659 = vector.broadcast %add3A_658 : i32 to vector<16xi32>
      %add3A_660 = arith.addi %add3A_652, %add3A_659 : vector<16xi32>
      %shift_right_logical3A_661 = arith.constant 1 : i32
      %shift_right_logical3A_662 = vector.broadcast %shift_right_logical3A_661 : i32 to vector<16xi32>
      %shift_right_logical3A_663 = arith.shrui %add3A_660, %shift_right_logical3A_662 : vector<16xi32>
      %swap3A_664 = arith.index_cast %scan3A_125 : i32 to index
      %swap3A_665 = arith.constant 112 : index
      %swap3A_666 = tpu.vector_load %arg11[%swap3A_664, %swap3A_665] {strides = array<i32>} : memref<64x128xi32, #tpu.memory_space<vmem>>, vector<16xi32>,
      tpu.vector_store %arg11[%swap3A_664, %swap3A_665], %shift_right_logical3A_657 {strides = array<i32>} : memref<64x128xi32, #tpu.memory_space<vmem>>, vector<16xi32>,
      %add3A_667 = arith.constant 16 : i32
      %add3A_668 = arith.addi %add3A_667, %scan3A_125 : i32
      %swap3A_669 = arith.index_cast %add3A_668 : i32 to index
      %swap3A_670 = arith.constant 112 : index
      %swap3A_671 = tpu.vector_load %arg11[%swap3A_669, %swap3A_670] {strides = array<i32>} : memref<64x128xi32, #tpu.memory_space<vmem>>, vector<16xi32>,
      tpu.vector_store %arg11[%swap3A_669, %swap3A_670], %shift_right_logical3A_663 {strides = array<i32>} : memref<64x128xi32, #tpu.memory_space<vmem>>, vector<16xi32>,
      %add3A_672 = arith.constant 2050 : i32
      %add3A_673 = vector.broadcast %add3A_672 : i32 to vector<16xi32>
      %add3A_674 = arith.addi %shift_right_logical3A_657, %add3A_673 : vector<16xi32>
      %add3A_675 = arith.constant 32 : i32
      %add3A_676 = arith.addi %add3A_675, %scan3A_125 : i32
      %swap3A_677 = arith.index_cast %add3A_676 : i32 to index
      %swap3A_678 = arith.constant 112 : index
      %swap3A_679 = tpu.vector_load %arg11[%swap3A_677, %swap3A_678] {strides = array<i32>} : memref<64x128xi32, #tpu.memory_space<vmem>>, vector<16xi32>,
      tpu.vector_store %arg11[%swap3A_677, %swap3A_678], %add3A_674 {strides = array<i32>} : memref<64x128xi32, #tpu.memory_space<vmem>>, vector<16xi32>,
      %add3A_680 = arith.constant 2050 : i32
      %add3A_681 = vector.broadcast %add3A_680 : i32 to vector<16xi32>
      %add3A_682 = arith.addi %shift_right_logical3A_663, %add3A_681 : vector<16xi32>
      %add3A_683 = arith.constant 48 : i32
      %add3A_684 = arith.addi %add3A_683, %scan3A_125 : i32
      %swap3A_685 = arith.index_cast %add3A_684 : i32 to index
      %swap3A_686 = arith.constant 112 : index
      %swap3A_687 = tpu.vector_load %arg11[%swap3A_685, %swap3A_686] {strides = array<i32>} : memref<64x128xi32, #tpu.memory_space<vmem>>, vector<16xi32>,
      tpu.vector_store %arg11[%swap3A_685, %swap3A_686], %add3A_682 {strides = array<i32>} : memref<64x128xi32, #tpu.memory_space<vmem>>, vector<16xi32>,
      %add3A_688 = arith.constant 0 : i32
      %add3A_689 = arith.addi %add3A_688, %scan3A_125 : i32
      %mul3A_690 = arith.constant 128 : i32
      %mul3A_691 = arith.muli %add3A_689, %mul3A_690 : i32
      %dma_start3A = arith.constant 0 : i32
      %dma_start3A_692 = tpu.memref_slice %arg12[%mul3A_691, %dma_start3A] : memref<8192x8xf32, #tpu.memory_space<vmem>> -> memref<128x8xf32, #tpu.memory_space<vmem>>
      %dma_start3A_693 = arith.constant 0 : i32
      %dma_start3A_694 = tpu.memref_slice %arg11[%add3A_689, %dma_start3A_693] : memref<64x128xi32, #tpu.memory_space<vmem>> -> memref<1x128xi32, #tpu.memory_space<vmem>>
      %dma_start3A_695 = tpu.memref_squeeze %dma_start3A_694 : memref<1x128xi32, #tpu.memory_space<vmem>> -> memref<128xi32, #tpu.memory_space<vmem>>
      %dma_start3A_696 = arith.constant 0 : i32
      %dma_start3A_697 = arith.constant 0 : i32
      %dma_start3A_698 = tpu.memref_slice %arg4[%dma_start3A_696, %dma_start3A_697] : memref<8405000x8xf32, #tpu.memory_space<hbm>> -> memref<8405000x8xf32, #tpu.memory_space<hbm>>
      tpu.enqueue_indirect_dma source(%dma_start3A_698 : memref<8405000x8xf32, #tpu.memory_space<hbm>>) target(%dma_start3A_692 : memref<128x8xf32, #tpu.memory_space<vmem>>) offsets(%dma_start3A_695 : memref<128xi32, #tpu.memory_space<vmem>>) semaphore(%arg14 : memref<!tpu.dma_semaphore, #tpu.memory_space<semaphore_mem>>)
      %add3A_699 = arith.constant 16 : i32
      %add3A_700 = arith.addi %add3A_699, %scan3A_125 : i32
      %mul3A_701 = arith.constant 128 : i32
      %mul3A_702 = arith.muli %add3A_700, %mul3A_701 : i32
      %dma_start3A_703 = arith.constant 0 : i32
      %dma_start3A_704 = tpu.memref_slice %arg12[%mul3A_702, %dma_start3A_703] : memref<8192x8xf32, #tpu.memory_space<vmem>> -> memref<128x8xf32, #tpu.memory_space<vmem>>
      %dma_start3A_705 = arith.constant 0 : i32
      %dma_start3A_706 = tpu.memref_slice %arg11[%add3A_700, %dma_start3A_705] : memref<64x128xi32, #tpu.memory_space<vmem>> -> memref<1x128xi32, #tpu.memory_space<vmem>>
      %dma_start3A_707 = tpu.memref_squeeze %dma_start3A_706 : memref<1x128xi32, #tpu.memory_space<vmem>> -> memref<128xi32, #tpu.memory_space<vmem>>
      %dma_start3A_708 = arith.constant 0 : i32
      %dma_start3A_709 = arith.constant 0 : i32
      %dma_start3A_710 = tpu.memref_slice %arg4[%dma_start3A_708, %dma_start3A_709] : memref<8405000x8xf32, #tpu.memory_space<hbm>> -> memref<8405000x8xf32, #tpu.memory_space<hbm>>
      tpu.enqueue_indirect_dma source(%dma_start3A_710 : memref<8405000x8xf32, #tpu.memory_space<hbm>>) target(%dma_start3A_704 : memref<128x8xf32, #tpu.memory_space<vmem>>) offsets(%dma_start3A_707 : memref<128xi32, #tpu.memory_space<vmem>>) semaphore(%arg14 : memref<!tpu.dma_semaphore, #tpu.memory_space<semaphore_mem>>)
      %add3A_711 = arith.constant 32 : i32
      %add3A_712 = arith.addi %add3A_711, %scan3A_125 : i32
      %mul3A_713 = arith.constant 128 : i32
      %mul3A_714 = arith.muli %add3A_712, %mul3A_713 : i32
      %dma_start3A_715 = arith.constant 0 : i32
      %dma_start3A_716 = tpu.memref_slice %arg12[%mul3A_714, %dma_start3A_715] : memref<8192x8xf32, #tpu.memory_space<vmem>> -> memref<128x8xf32, #tpu.memory_space<vmem>>
      %dma_start3A_717 = arith.constant 0 : i32
      %dma_start3A_718 = tpu.memref_slice %arg11[%add3A_712, %dma_start3A_717] : memref<64x128xi32, #tpu.memory_space<vmem>> -> memref<1x128xi32, #tpu.memory_space<vmem>>
      %dma_start3A_719 = tpu.memref_squeeze %dma_start3A_718 : memref<1x128xi32, #tpu.memory_space<vmem>> -> memref<128xi32, #tpu.memory_space<vmem>>
      %dma_start3A_720 = arith.constant 0 : i32
      %dma_start3A_721 = arith.constant 0 : i32
      %dma_start3A_722 = tpu.memref_slice %arg4[%dma_start3A_720, %dma_start3A_721] : memref<8405000x8xf32, #tpu.memory_space<hbm>> -> memref<8405000x8xf32, #tpu.memory_space<hbm>>
      tpu.enqueue_indirect_dma source(%dma_start3A_722 : memref<8405000x8xf32, #tpu.memory_space<hbm>>) target(%dma_start3A_716 : memref<128x8xf32, #tpu.memory_space<vmem>>) offsets(%dma_start3A_719 : memref<128xi32, #tpu.memory_space<vmem>>) semaphore(%arg14 : memref<!tpu.dma_semaphore, #tpu.memory_space<semaphore_mem>>)
      %add3A_723 = arith.constant 48 : i32
      %add3A_724 = arith.addi %add3A_723, %scan3A_125 : i32
      %mul3A_725 = arith.constant 128 : i32
      %mul3A_726 = arith.muli %add3A_724, %mul3A_725 : i32
      %dma_start3A_727 = arith.constant 0 : i32
      %dma_start3A_728 = tpu.memref_slice %arg12[%mul3A_726, %dma_start3A_727] : memref<8192x8xf32, #tpu.memory_space<vmem>> -> memref<128x8xf32, #tpu.memory_space<vmem>>
      %dma_start3A_729 = arith.constant 0 : i32
      %dma_start3A_730 = tpu.memref_slice %arg11[%add3A_724, %dma_start3A_729] : memref<64x128xi32, #tpu.memory_space<vmem>> -> memref<1x128xi32, #tpu.memory_space<vmem>>
      %dma_start3A_731 = tpu.memref_squeeze %dma_start3A_730 : memref<1x128xi32, #tpu.memory_space<vmem>> -> memref<128xi32, #tpu.memory_space<vmem>>
      %dma_start3A_732 = arith.constant 0 : i32
      %dma_start3A_733 = arith.constant 0 : i32
      %dma_start3A_734 = tpu.memref_slice %arg4[%dma_start3A_732, %dma_start3A_733] : memref<8405000x8xf32, #tpu.memory_space<hbm>> -> memref<8405000x8xf32, #tpu.memory_space<hbm>>
      tpu.enqueue_indirect_dma source(%dma_start3A_734 : memref<8405000x8xf32, #tpu.memory_space<hbm>>) target(%dma_start3A_728 : memref<128x8xf32, #tpu.memory_space<vmem>>) offsets(%dma_start3A_731 : memref<128xi32, #tpu.memory_space<vmem>>) semaphore(%arg14 : memref<!tpu.dma_semaphore, #tpu.memory_space<semaphore_mem>>)
      %scan3A_735 = arith.constant 0 : i32
      scf.yield %scan3A_735 : i32
    }
    %scan3A_10 = arith.constant 16 : i32
    %scan3A_11 = arith.constant 0 : i32
    %scan3A_12 = arith.constant 0 : i32
    %scan3A_13 = arith.constant 64 : i32
    %scan3A_14 = arith.addi %scan3A_12, %scan3A_13 : i32
    %scan3A_15 = arith.constant 1 : i32
    %scan3A_16 = scf.for %scan3A_125 = %scan3A_12 to %scan3A_14 step %scan3A_15 iter_args(%scan3A_126 = %scan3A_11) -> (i32)  : i32 {
      %mul3A_127 = arith.constant 128 : i32
      %mul3A_128 = arith.muli %scan3A_125, %mul3A_127 : i32
      %dma_wait3A = arith.constant 0 : i32
      %dma_wait3A_129 = tpu.memref_slice %arg12[%mul3A_128, %dma_wait3A] : memref<8192x8xf32, #tpu.memory_space<vmem>> -> memref<128x8xf32, #tpu.memory_space<vmem>>
      %dma_wait3A_130 = arith.constant 0 : i32
      %dma_wait3A_131 = tpu.memref_slice %arg11[%scan3A_125, %dma_wait3A_130] : memref<64x128xi32, #tpu.memory_space<vmem>> -> memref<1x128xi32, #tpu.memory_space<vmem>>
      %dma_wait3A_132 = tpu.memref_squeeze %dma_wait3A_131 : memref<1x128xi32, #tpu.memory_space<vmem>> -> memref<128xi32, #tpu.memory_space<vmem>>
      %dma_wait3A_133 = arith.constant 0 : i32
      %dma_wait3A_134 = arith.constant 0 : i32
      %dma_wait3A_135 = tpu.memref_slice %arg4[%dma_wait3A_133, %dma_wait3A_134] : memref<8405000x8xf32, #tpu.memory_space<hbm>> -> memref<8405000x8xf32, #tpu.memory_space<hbm>>
      tpu.wait_indirect_dma semaphore(%arg14 : memref<!tpu.dma_semaphore, #tpu.memory_space<semaphore_mem>>) src(%dma_wait3A_135 : memref<8405000x8xf32, #tpu.memory_space<hbm>>) dst(%dma_wait3A_129 : memref<128x8xf32, #tpu.memory_space<vmem>>)
      %scan3A_136 = arith.constant 0 : i32
      scf.yield %scan3A_136 : i32
    }
    %scan3A_17 = arith.constant 64 : i32
    %scan3A_18 = arith.constant 0 : i32
    %scan3A_19 = arith.constant 0 : i32
    %scan3A_20 = arith.constant 128 : i32
    %scan3A_21 = arith.addi %scan3A_19, %scan3A_20 : i32
    %scan3A_22 = arith.constant 1 : i32
    %scan3A_23 = scf.for %scan3A_125 = %scan3A_19 to %scan3A_21 step %scan3A_22 iter_args(%scan3A_126 = %scan3A_18) -> (i32)  : i32 {
      %mul3A_127 = arith.constant 16 : i32
      %mul3A_128 = arith.muli %scan3A_125, %mul3A_127 : i32
      %add3A_129 = vector.broadcast %mul3A_128 : i32 to vector<16xi32>
      %add3A_130 = arith.addi %add3A_129, %iota3A : vector<16xi32>
      %get3A = arith.index_cast %mul3A_128 : i32 to index
      %get3A_131 = tpu.vector_load %arg8[%get3A] {strides = array<i32>} : memref<2048xf32, #tpu.memory_space<vmem>>, vector<16xf32>,
      %get3A_132 = arith.index_cast %mul3A_128 : i32 to index
      %get3A_133 = tpu.vector_load %arg9[%get3A_132] {strides = array<i32>} : memref<2048xf32, #tpu.memory_space<vmem>>, vector<16xf32>,
      %get3A_134 = arith.index_cast %mul3A_128 : i32 to index
      %get3A_135 = tpu.vector_load %arg10[%get3A_134] {strides = array<i32>} : memref<2048xi32, #tpu.memory_space<vmem>>, vector<16xi32>,
      %and3A = arith.constant 1 : i32
      %and3A_136 = vector.broadcast %and3A : i32 to vector<16xi32>
      %and3A_137 = arith.andi %get3A_135, %and3A_136 : vector<16xi32>
      %shift_left3A = arith.constant 2 : i32
      %shift_left3A_138 = vector.broadcast %shift_left3A : i32 to vector<16xi32>
      %shift_left3A_139 = arith.shli %and3A_137, %shift_left3A_138 : vector<16xi32>
      %sub3A = arith.constant 4 : i32
      %sub3A_140 = vector.broadcast %sub3A : i32 to vector<16xi32>
      %sub3A_141 = arith.subi %sub3A_140, %shift_left3A_139 : vector<16xi32>
      %add3A_142 = arith.constant 2048 : i32
      %add3A_143 = vector.broadcast %add3A_142 : i32 to vector<16xi32>
      %add3A_144 = arith.addi %add3A_130, %add3A_143 : vector<16xi32>
      %add3A_145 = arith.constant 4096 : i32
      %add3A_146 = vector.broadcast %add3A_145 : i32 to vector<16xi32>
      %add3A_147 = arith.addi %add3A_130, %add3A_146 : vector<16xi32>
      %add3A_148 = arith.constant 6144 : i32
      %add3A_149 = vector.broadcast %add3A_148 : i32 to vector<16xi32>
      %add3A_150 = arith.addi %add3A_130, %add3A_149 : vector<16xi32>
      %add3A_151 = arith.constant 0 : i32
      %add3A_152 = vector.broadcast %add3A_151 : i32 to vector<16xi32>
      %add3A_153 = arith.addi %shift_left3A_139, %add3A_152 : vector<16xi32>
      %add3A_154 = arith.constant 0 : i32
      %add3A_155 = vector.broadcast %add3A_154 : i32 to vector<16xi32>
      %add3A_156 = arith.addi %sub3A_141, %add3A_155 : vector<16xi32>
      %gather3A = tpu.vector_load_idx %arg12[%add3A_130, %add3A_153] : memref<8192x8xf32, #tpu.memory_space<vmem>>[vector<16xi32>, vector<16xi32>], vector<16xf32>,
      %gather3A_157 = tpu.vector_load_idx %arg12[%add3A_144, %add3A_156] : memref<8192x8xf32, #tpu.memory_space<vmem>>[vector<16xi32>, vector<16xi32>], vector<16xf32>,
      %gather3A_158 = tpu.vector_load_idx %arg12[%add3A_147, %add3A_153] : memref<8192x8xf32, #tpu.memory_space<vmem>>[vector<16xi32>, vector<16xi32>], vector<16xf32>,
      %gather3A_159 = tpu.vector_load_idx %arg12[%add3A_150, %add3A_156] : memref<8192x8xf32, #tpu.memory_space<vmem>>[vector<16xi32>, vector<16xi32>], vector<16xf32>,
      %sub3A_160 = arith.subf %gather3A_157, %gather3A_159 : vector<16xf32>
      %mul3A_161 = arith.mulf %get3A_131, %sub3A_160 : vector<16xf32>
      %add3A_162 = arith.addf %gather3A_159, %mul3A_161 : vector<16xf32>
      %sub3A_163 = arith.subf %gather3A, %gather3A_158 : vector<16xf32>
      %mul3A_164 = arith.mulf %get3A_131, %sub3A_163 : vector<16xf32>
      %add3A_165 = arith.addf %gather3A_158, %mul3A_164 : vector<16xf32>
      %sub3A_166 = arith.subf %add3A_165, %add3A_162 : vector<16xf32>
      %mul3A_167 = arith.mulf %get3A_133, %sub3A_166 : vector<16xf32>
      %add3A_168 = arith.addf %add3A_162, %mul3A_167 : vector<16xf32>
      %swap3A = arith.constant 0 : i32
      %swap3A_169 = arith.index_cast %swap3A : i32 to index
      %swap3A_170 = arith.index_cast %mul3A_128 : i32 to index
      %swap3A_171 = tpu.vector_load %arg13[%swap3A_169, %swap3A_170] {strides = array<i32>} : memref<4x2048xf32, #tpu.memory_space<vmem>>, vector<16xf32>,
      tpu.vector_store %arg13[%swap3A_169, %swap3A_170], %add3A_168 {strides = array<i32>} : memref<4x2048xf32, #tpu.memory_space<vmem>>, vector<16xf32>,
      %add3A_172 = arith.constant 1 : i32
      %add3A_173 = vector.broadcast %add3A_172 : i32 to vector<16xi32>
      %add3A_174 = arith.addi %shift_left3A_139, %add3A_173 : vector<16xi32>
      %add3A_175 = arith.constant 1 : i32
      %add3A_176 = vector.broadcast %add3A_175 : i32 to vector<16xi32>
      %add3A_177 = arith.addi %sub3A_141, %add3A_176 : vector<16xi32>
      %gather3A_178 = tpu.vector_load_idx %arg12[%add3A_130, %add3A_174] : memref<8192x8xf32, #tpu.memory_space<vmem>>[vector<16xi32>, vector<16xi32>], vector<16xf32>,
      %gather3A_179 = tpu.vector_load_idx %arg12[%add3A_144, %add3A_177] : memref<8192x8xf32, #tpu.memory_space<vmem>>[vector<16xi32>, vector<16xi32>], vector<16xf32>,
      %gather3A_180 = tpu.vector_load_idx %arg12[%add3A_147, %add3A_174] : memref<8192x8xf32, #tpu.memory_space<vmem>>[vector<16xi32>, vector<16xi32>], vector<16xf32>,
      %gather3A_181 = tpu.vector_load_idx %arg12[%add3A_150, %add3A_177] : memref<8192x8xf32, #tpu.memory_space<vmem>>[vector<16xi32>, vector<16xi32>], vector<16xf32>,
      %sub3A_182 = arith.subf %gather3A_179, %gather3A_181 : vector<16xf32>
      %mul3A_183 = arith.mulf %get3A_131, %sub3A_182 : vector<16xf32>
      %add3A_184 = arith.addf %gather3A_181, %mul3A_183 : vector<16xf32>
      %sub3A_185 = arith.subf %gather3A_178, %gather3A_180 : vector<16xf32>
      %mul3A_186 = arith.mulf %get3A_131, %sub3A_185 : vector<16xf32>
      %add3A_187 = arith.addf %gather3A_180, %mul3A_186 : vector<16xf32>
      %sub3A_188 = arith.subf %add3A_187, %add3A_184 : vector<16xf32>
      %mul3A_189 = arith.mulf %get3A_133, %sub3A_188 : vector<16xf32>
      %add3A_190 = arith.addf %add3A_184, %mul3A_189 : vector<16xf32>
      %swap3A_191 = arith.constant 1 : i32
      %swap3A_192 = arith.index_cast %swap3A_191 : i32 to index
      %swap3A_193 = arith.index_cast %mul3A_128 : i32 to index
      %swap3A_194 = tpu.vector_load %arg13[%swap3A_192, %swap3A_193] {strides = array<i32>} : memref<4x2048xf32, #tpu.memory_space<vmem>>, vector<16xf32>,
      tpu.vector_store %arg13[%swap3A_192, %swap3A_193], %add3A_190 {strides = array<i32>} : memref<4x2048xf32, #tpu.memory_space<vmem>>, vector<16xf32>,
      %add3A_195 = arith.constant 2 : i32
      %add3A_196 = vector.broadcast %add3A_195 : i32 to vector<16xi32>
      %add3A_197 = arith.addi %shift_left3A_139, %add3A_196 : vector<16xi32>
      %add3A_198 = arith.constant 2 : i32
      %add3A_199 = vector.broadcast %add3A_198 : i32 to vector<16xi32>
      %add3A_200 = arith.addi %sub3A_141, %add3A_199 : vector<16xi32>
      %gather3A_201 = tpu.vector_load_idx %arg12[%add3A_130, %add3A_197] : memref<8192x8xf32, #tpu.memory_space<vmem>>[vector<16xi32>, vector<16xi32>], vector<16xf32>,
      %gather3A_202 = tpu.vector_load_idx %arg12[%add3A_144, %add3A_200] : memref<8192x8xf32, #tpu.memory_space<vmem>>[vector<16xi32>, vector<16xi32>], vector<16xf32>,
      %gather3A_203 = tpu.vector_load_idx %arg12[%add3A_147, %add3A_197] : memref<8192x8xf32, #tpu.memory_space<vmem>>[vector<16xi32>, vector<16xi32>], vector<16xf32>,
      %gather3A_204 = tpu.vector_load_idx %arg12[%add3A_150, %add3A_200] : memref<8192x8xf32, #tpu.memory_space<vmem>>[vector<16xi32>, vector<16xi32>], vector<16xf32>,
      %sub3A_205 = arith.subf %gather3A_202, %gather3A_204 : vector<16xf32>
      %mul3A_206 = arith.mulf %get3A_131, %sub3A_205 : vector<16xf32>
      %add3A_207 = arith.addf %gather3A_204, %mul3A_206 : vector<16xf32>
      %sub3A_208 = arith.subf %gather3A_201, %gather3A_203 : vector<16xf32>
      %mul3A_209 = arith.mulf %get3A_131, %sub3A_208 : vector<16xf32>
      %add3A_210 = arith.addf %gather3A_203, %mul3A_209 : vector<16xf32>
      %sub3A_211 = arith.subf %add3A_210, %add3A_207 : vector<16xf32>
      %mul3A_212 = arith.mulf %get3A_133, %sub3A_211 : vector<16xf32>
      %add3A_213 = arith.addf %add3A_207, %mul3A_212 : vector<16xf32>
      %swap3A_214 = arith.constant 2 : i32
      %swap3A_215 = arith.index_cast %swap3A_214 : i32 to index
      %swap3A_216 = arith.index_cast %mul3A_128 : i32 to index
      %swap3A_217 = tpu.vector_load %arg13[%swap3A_215, %swap3A_216] {strides = array<i32>} : memref<4x2048xf32, #tpu.memory_space<vmem>>, vector<16xf32>,
      tpu.vector_store %arg13[%swap3A_215, %swap3A_216], %add3A_213 {strides = array<i32>} : memref<4x2048xf32, #tpu.memory_space<vmem>>, vector<16xf32>,
      %add3A_218 = arith.constant 3 : i32
      %add3A_219 = vector.broadcast %add3A_218 : i32 to vector<16xi32>
      %add3A_220 = arith.addi %shift_left3A_139, %add3A_219 : vector<16xi32>
      %add3A_221 = arith.constant 3 : i32
      %add3A_222 = vector.broadcast %add3A_221 : i32 to vector<16xi32>
      %add3A_223 = arith.addi %sub3A_141, %add3A_222 : vector<16xi32>
      %gather3A_224 = tpu.vector_load_idx %arg12[%add3A_130, %add3A_220] : memref<8192x8xf32, #tpu.memory_space<vmem>>[vector<16xi32>, vector<16xi32>], vector<16xf32>,
      %gather3A_225 = tpu.vector_load_idx %arg12[%add3A_144, %add3A_223] : memref<8192x8xf32, #tpu.memory_space<vmem>>[vector<16xi32>, vector<16xi32>], vector<16xf32>,
      %gather3A_226 = tpu.vector_load_idx %arg12[%add3A_147, %add3A_220] : memref<8192x8xf32, #tpu.memory_space<vmem>>[vector<16xi32>, vector<16xi32>], vector<16xf32>,
      %gather3A_227 = tpu.vector_load_idx %arg12[%add3A_150, %add3A_223] : memref<8192x8xf32, #tpu.memory_space<vmem>>[vector<16xi32>, vector<16xi32>], vector<16xf32>,
      %sub3A_228 = arith.subf %gather3A_225, %gather3A_227 : vector<16xf32>
      %mul3A_229 = arith.mulf %get3A_131, %sub3A_228 : vector<16xf32>
      %add3A_230 = arith.addf %gather3A_227, %mul3A_229 : vector<16xf32>
      %sub3A_231 = arith.subf %gather3A_224, %gather3A_226 : vector<16xf32>
      %mul3A_232 = arith.mulf %get3A_131, %sub3A_231 : vector<16xf32>
      %add3A_233 = arith.addf %gather3A_226, %mul3A_232 : vector<16xf32>
      %sub3A_234 = arith.subf %add3A_233, %add3A_230 : vector<16xf32>
      %mul3A_235 = arith.mulf %get3A_133, %sub3A_234 : vector<16xf32>
      %add3A_236 = arith.addf %add3A_230, %mul3A_235 : vector<16xf32>
      %swap3A_237 = arith.constant 3 : i32
      %swap3A_238 = arith.index_cast %swap3A_237 : i32 to index
      %swap3A_239 = arith.index_cast %mul3A_128 : i32 to index
      %swap3A_240 = tpu.vector_load %arg13[%swap3A_238, %swap3A_239] {strides = array<i32>} : memref<4x2048xf32, #tpu.memory_space<vmem>>, vector<16xf32>,
      tpu.vector_store %arg13[%swap3A_238, %swap3A_239], %add3A_236 {strides = array<i32>} : memref<4x2048xf32, #tpu.memory_space<vmem>>, vector<16xf32>,
      %scan3A_241 = arith.constant 0 : i32
      scf.yield %scan3A_241 : i32
    }
    %scan3A_24 = arith.constant 128 : i32
    %run_scoped3A = arith.constant 0 : i32
    %run_scoped3A_25 = arith.constant 0 : i32
    "tpu.region"() ({
      %run_scoped3A_125 = tpu.sem_alloc : memref<!tpu.dma_semaphore, #tpu.memory_space<semaphore_mem>>
      %dma_start3A = arith.constant 0 : i32
      %dma_start3A_126 = tpu.memref_slice %arg13[%run_scoped3A, %dma_start3A] : memref<4x2048xf32, #tpu.memory_space<vmem>> -> memref<1x2048xf32, #tpu.memory_space<vmem>>
      %dma_start3A_127 = tpu.memref_squeeze %dma_start3A_126 : memref<1x2048xf32, #tpu.memory_space<vmem>> -> memref<2048xf32, #tpu.memory_space<vmem>>
      %dma_start3A_128 = tpu.memref_slice %arg5[%run_scoped3A_25, %add3A_4] : memref<4x262144xf32, #tpu.memory_space<hbm>> -> memref<1x2048xf32, #tpu.memory_space<hbm>>
      %dma_start3A_129 = tpu.memref_squeeze %dma_start3A_128 : memref<1x2048xf32, #tpu.memory_space<hbm>> -> memref<2048xf32, #tpu.memory_space<hbm>>
      %dma_start3A_130 = tpu.memref_slice %arg5[%run_scoped3A_25, %add3A_4] : memref<4x262144xf32, #tpu.memory_space<hbm>> -> memref<1x2048xf32, #tpu.memory_space<hbm>>
      %dma_start3A_131 = tpu.memref_squeeze %dma_start3A_130 : memref<1x2048xf32, #tpu.memory_space<hbm>> -> memref<2048xf32, #tpu.memory_space<hbm>>
      %dma_start3A_132 = arith.constant 0 : i32
      %dma_start3A_133 = tpu.memref_slice %arg13[%run_scoped3A, %dma_start3A_132] : memref<4x2048xf32, #tpu.memory_space<vmem>> -> memref<1x2048xf32, #tpu.memory_space<vmem>>
      %dma_start3A_134 = tpu.memref_squeeze %dma_start3A_133 : memref<1x2048xf32, #tpu.memory_space<vmem>> -> memref<2048xf32, #tpu.memory_space<vmem>>
      tpu.enqueue_dma source(%dma_start3A_134 : memref<2048xf32, #tpu.memory_space<vmem>>) target(%dma_start3A_131 : memref<2048xf32, #tpu.memory_space<hbm>>) target_semaphore(%run_scoped3A_125 : memref<!tpu.dma_semaphore, #tpu.memory_space<semaphore_mem>>)
      %dma_wait3A = arith.constant 0 : i32
      %dma_wait3A_135 = tpu.memref_slice %arg13[%run_scoped3A, %dma_wait3A] : memref<4x2048xf32, #tpu.memory_space<vmem>> -> memref<1x2048xf32, #tpu.memory_space<vmem>>
      %dma_wait3A_136 = tpu.memref_squeeze %dma_wait3A_135 : memref<1x2048xf32, #tpu.memory_space<vmem>> -> memref<2048xf32, #tpu.memory_space<vmem>>
      %dma_wait3A_137 = tpu.memref_slice %arg5[%run_scoped3A_25, %add3A_4] : memref<4x262144xf32, #tpu.memory_space<hbm>> -> memref<1x2048xf32, #tpu.memory_space<hbm>>
      %dma_wait3A_138 = tpu.memref_squeeze %dma_wait3A_137 : memref<1x2048xf32, #tpu.memory_space<hbm>> -> memref<2048xf32, #tpu.memory_space<hbm>>
      %dma_wait3A_139 = tpu.memref_slice %arg5[%run_scoped3A_25, %add3A_4] : memref<4x262144xf32, #tpu.memory_space<hbm>> -> memref<1x2048xf32, #tpu.memory_space<hbm>>
      %dma_wait3A_140 = tpu.memref_squeeze %dma_wait3A_139 : memref<1x2048xf32, #tpu.memory_space<hbm>> -> memref<2048xf32, #tpu.memory_space<hbm>>
      %dma_wait3A_141 = arith.constant 0 : i32
      %dma_wait3A_142 = tpu.memref_slice %arg13[%run_scoped3A, %dma_wait3A_141] : memref<4x2048xf32, #tpu.memory_space<vmem>> -> memref<1x2048xf32, #tpu.memory_space<vmem>>
      %dma_wait3A_143 = tpu.memref_squeeze %dma_wait3A_142 : memref<1x2048xf32, #tpu.memory_space<vmem>> -> memref<2048xf32, #tpu.memory_space<vmem>>
      tpu.wait_dma2 semaphore(%run_scoped3A_125 : memref<!tpu.dma_semaphore, #tpu.memory_space<semaphore_mem>>) src(%dma_wait3A_143 : memref<2048xf32, #tpu.memory_space<vmem>>) dst(%dma_wait3A_140 : memref<2048xf32, #tpu.memory_space<hbm>>)
      tpu.yield
    }) : () -> ()
    %run_scoped3A_26 = arith.constant 1 : i32
    %run_scoped3A_27 = arith.constant 1 : i32
    "tpu.region"() ({
      %run_scoped3A_125 = tpu.sem_alloc : memref<!tpu.dma_semaphore, #tpu.memory_space<semaphore_mem>>
      %dma_start3A = arith.constant 0 : i32
      %dma_start3A_126 = tpu.memref_slice %arg13[%run_scoped3A_26, %dma_start3A] : memref<4x2048xf32, #tpu.memory_space<vmem>> -> memref<1x2048xf32, #tpu.memory_space<vmem>>
      %dma_start3A_127 = tpu.memref_squeeze %dma_start3A_126 : memref<1x2048xf32, #tpu.memory_space<vmem>> -> memref<2048xf32, #tpu.memory_space<vmem>>
      %dma_start3A_128 = tpu.memref_slice %arg5[%run_scoped3A_27, %add3A_4] : memref<4x262144xf32, #tpu.memory_space<hbm>> -> memref<1x2048xf32, #tpu.memory_space<hbm>>
      %dma_start3A_129 = tpu.memref_squeeze %dma_start3A_128 : memref<1x2048xf32, #tpu.memory_space<hbm>> -> memref<2048xf32, #tpu.memory_space<hbm>>
      %dma_start3A_130 = tpu.memref_slice %arg5[%run_scoped3A_27, %add3A_4] : memref<4x262144xf32, #tpu.memory_space<hbm>> -> memref<1x2048xf32, #tpu.memory_space<hbm>>
      %dma_start3A_131 = tpu.memref_squeeze %dma_start3A_130 : memref<1x2048xf32, #tpu.memory_space<hbm>> -> memref<2048xf32, #tpu.memory_space<hbm>>
      %dma_start3A_132 = arith.constant 0 : i32
      %dma_start3A_133 = tpu.memref_slice %arg13[%run_scoped3A_26, %dma_start3A_132] : memref<4x2048xf32, #tpu.memory_space<vmem>> -> memref<1x2048xf32, #tpu.memory_space<vmem>>
      %dma_start3A_134 = tpu.memref_squeeze %dma_start3A_133 : memref<1x2048xf32, #tpu.memory_space<vmem>> -> memref<2048xf32, #tpu.memory_space<vmem>>
      tpu.enqueue_dma source(%dma_start3A_134 : memref<2048xf32, #tpu.memory_space<vmem>>) target(%dma_start3A_131 : memref<2048xf32, #tpu.memory_space<hbm>>) target_semaphore(%run_scoped3A_125 : memref<!tpu.dma_semaphore, #tpu.memory_space<semaphore_mem>>)
      %dma_wait3A = arith.constant 0 : i32
      %dma_wait3A_135 = tpu.memref_slice %arg13[%run_scoped3A_26, %dma_wait3A] : memref<4x2048xf32, #tpu.memory_space<vmem>> -> memref<1x2048xf32, #tpu.memory_space<vmem>>
      %dma_wait3A_136 = tpu.memref_squeeze %dma_wait3A_135 : memref<1x2048xf32, #tpu.memory_space<vmem>> -> memref<2048xf32, #tpu.memory_space<vmem>>
      %dma_wait3A_137 = tpu.memref_slice %arg5[%run_scoped3A_27, %add3A_4] : memref<4x262144xf32, #tpu.memory_space<hbm>> -> memref<1x2048xf32, #tpu.memory_space<hbm>>
      %dma_wait3A_138 = tpu.memref_squeeze %dma_wait3A_137 : memref<1x2048xf32, #tpu.memory_space<hbm>> -> memref<2048xf32, #tpu.memory_space<hbm>>
      %dma_wait3A_139 = tpu.memref_slice %arg5[%run_scoped3A_27, %add3A_4] : memref<4x262144xf32, #tpu.memory_space<hbm>> -> memref<1x2048xf32, #tpu.memory_space<hbm>>
      %dma_wait3A_140 = tpu.memref_squeeze %dma_wait3A_139 : memref<1x2048xf32, #tpu.memory_space<hbm>> -> memref<2048xf32, #tpu.memory_space<hbm>>
      %dma_wait3A_141 = arith.constant 0 : i32
      %dma_wait3A_142 = tpu.memref_slice %arg13[%run_scoped3A_26, %dma_wait3A_141] : memref<4x2048xf32, #tpu.memory_space<vmem>> -> memref<1x2048xf32, #tpu.memory_space<vmem>>
      %dma_wait3A_143 = tpu.memref_squeeze %dma_wait3A_142 : memref<1x2048xf32, #tpu.memory_space<vmem>> -> memref<2048xf32, #tpu.memory_space<vmem>>
      tpu.wait_dma2 semaphore(%run_scoped3A_125 : memref<!tpu.dma_semaphore, #tpu.memory_space<semaphore_mem>>) src(%dma_wait3A_143 : memref<2048xf32, #tpu.memory_space<vmem>>) dst(%dma_wait3A_140 : memref<2048xf32, #tpu.memory_space<hbm>>)
      tpu.yield
    }) : () -> ()
    %run_scoped3A_28 = arith.constant 2 : i32
    %run_scoped3A_29 = arith.constant 2 : i32
    "tpu.region"() ({
      %run_scoped3A_125 = tpu.sem_alloc : memref<!tpu.dma_semaphore, #tpu.memory_space<semaphore_mem>>
      %dma_start3A = arith.constant 0 : i32
      %dma_start3A_126 = tpu.memref_slice %arg13[%run_scoped3A_28, %dma_start3A] : memref<4x2048xf32, #tpu.memory_space<vmem>> -> memref<1x2048xf32, #tpu.memory_space<vmem>>
      %dma_start3A_127 = tpu.memref_squeeze %dma_start3A_126 : memref<1x2048xf32, #tpu.memory_space<vmem>> -> memref<2048xf32, #tpu.memory_space<vmem>>
      %dma_start3A_128 = tpu.memref_slice %arg5[%run_scoped3A_29, %add3A_4] : memref<4x262144xf32, #tpu.memory_space<hbm>> -> memref<1x2048xf32, #tpu.memory_space<hbm>>
      %dma_start3A_129 = tpu.memref_squeeze %dma_start3A_128 : memref<1x2048xf32, #tpu.memory_space<hbm>> -> memref<2048xf32, #tpu.memory_space<hbm>>
      %dma_start3A_130 = tpu.memref_slice %arg5[%run_scoped3A_29, %add3A_4] : memref<4x262144xf32, #tpu.memory_space<hbm>> -> memref<1x2048xf32, #tpu.memory_space<hbm>>
      %dma_start3A_131 = tpu.memref_squeeze %dma_start3A_130 : memref<1x2048xf32, #tpu.memory_space<hbm>> -> memref<2048xf32, #tpu.memory_space<hbm>>
      %dma_start3A_132 = arith.constant 0 : i32
      %dma_start3A_133 = tpu.memref_slice %arg13[%run_scoped3A_28, %dma_start3A_132] : memref<4x2048xf32, #tpu.memory_space<vmem>> -> memref<1x2048xf32, #tpu.memory_space<vmem>>
      %dma_start3A_134 = tpu.memref_squeeze %dma_start3A_133 : memref<1x2048xf32, #tpu.memory_space<vmem>> -> memref<2048xf32, #tpu.memory_space<vmem>>
      tpu.enqueue_dma source(%dma_start3A_134 : memref<2048xf32, #tpu.memory_space<vmem>>) target(%dma_start3A_131 : memref<2048xf32, #tpu.memory_space<hbm>>) target_semaphore(%run_scoped3A_125 : memref<!tpu.dma_semaphore, #tpu.memory_space<semaphore_mem>>)
      %dma_wait3A = arith.constant 0 : i32
      %dma_wait3A_135 = tpu.memref_slice %arg13[%run_scoped3A_28, %dma_wait3A] : memref<4x2048xf32, #tpu.memory_space<vmem>> -> memref<1x2048xf32, #tpu.memory_space<vmem>>
      %dma_wait3A_136 = tpu.memref_squeeze %dma_wait3A_135 : memref<1x2048xf32, #tpu.memory_space<vmem>> -> memref<2048xf32, #tpu.memory_space<vmem>>
      %dma_wait3A_137 = tpu.memref_slice %arg5[%run_scoped3A_29, %add3A_4] : memref<4x262144xf32, #tpu.memory_space<hbm>> -> memref<1x2048xf32, #tpu.memory_space<hbm>>
      %dma_wait3A_138 = tpu.memref_squeeze %dma_wait3A_137 : memref<1x2048xf32, #tpu.memory_space<hbm>> -> memref<2048xf32, #tpu.memory_space<hbm>>
      %dma_wait3A_139 = tpu.memref_slice %arg5[%run_scoped3A_29, %add3A_4] : memref<4x262144xf32, #tpu.memory_space<hbm>> -> memref<1x2048xf32, #tpu.memory_space<hbm>>
      %dma_wait3A_140 = tpu.memref_squeeze %dma_wait3A_139 : memref<1x2048xf32, #tpu.memory_space<hbm>> -> memref<2048xf32, #tpu.memory_space<hbm>>
      %dma_wait3A_141 = arith.constant 0 : i32
      %dma_wait3A_142 = tpu.memref_slice %arg13[%run_scoped3A_28, %dma_wait3A_141] : memref<4x2048xf32, #tpu.memory_space<vmem>> -> memref<1x2048xf32, #tpu.memory_space<vmem>>
      %dma_wait3A_143 = tpu.memref_squeeze %dma_wait3A_142 : memref<1x2048xf32, #tpu.memory_space<vmem>> -> memref<2048xf32, #tpu.memory_space<vmem>>
      tpu.wait_dma2 semaphore(%run_scoped3A_125 : memref<!tpu.dma_semaphore, #tpu.memory_space<semaphore_mem>>) src(%dma_wait3A_143 : memref<2048xf32, #tpu.memory_space<vmem>>) dst(%dma_wait3A_140 : memref<2048xf32, #tpu.memory_space<hbm>>)
      tpu.yield
    }) : () -> ()
    %run_scoped3A_30 = arith.constant 3 : i32
    %run_scoped3A_31 = arith.constant 3 : i32
    "tpu.region"() ({
      %run_scoped3A_125 = tpu.sem_alloc : memref<!tpu.dma_semaphore, #tpu.memory_space<semaphore_mem>>
      %dma_start3A = arith.constant 0 : i32
      %dma_start3A_126 = tpu.memref_slice %arg13[%run_scoped3A_30, %dma_start3A] : memref<4x2048xf32, #tpu.memory_space<vmem>> -> memref<1x2048xf32, #tpu.memory_space<vmem>>
      %dma_start3A_127 = tpu.memref_squeeze %dma_start3A_126 : memref<1x2048xf32, #tpu.memory_space<vmem>> -> memref<2048xf32, #tpu.memory_space<vmem>>
      %dma_start3A_128 = tpu.memref_slice %arg5[%run_scoped3A_31, %add3A_4] : memref<4x262144xf32, #tpu.memory_space<hbm>> -> memref<1x2048xf32, #tpu.memory_space<hbm>>
      %dma_start3A_129 = tpu.memref_squeeze %dma_start3A_128 : memref<1x2048xf32, #tpu.memory_space<hbm>> -> memref<2048xf32, #tpu.memory_space<hbm>>
      %dma_start3A_130 = tpu.memref_slice %arg5[%run_scoped3A_31, %add3A_4] : memref<4x262144xf32, #tpu.memory_space<hbm>> -> memref<1x2048xf32, #tpu.memory_space<hbm>>
      %dma_start3A_131 = tpu.memref_squeeze %dma_start3A_130 : memref<1x2048xf32, #tpu.memory_space<hbm>> -> memref<2048xf32, #tpu.memory_space<hbm>>
      %dma_start3A_132 = arith.constant 0 : i32
      %dma_start3A_133 = tpu.memref_slice %arg13[%run_scoped3A_30, %dma_start3A_132] : memref<4x2048xf32, #tpu.memory_space<vmem>> -> memref<1x2048xf32, #tpu.memory_space<vmem>>
      %dma_start3A_134 = tpu.memref_squeeze %dma_start3A_133 : memref<1x2048xf32, #tpu.memory_space<vmem>> -> memref<2048xf32, #tpu.memory_space<vmem>>
      tpu.enqueue_dma source(%dma_start3A_134 : memref<2048xf32, #tpu.memory_space<vmem>>) target(%dma_start3A_131 : memref<2048xf32, #tpu.memory_space<hbm>>) target_semaphore(%run_scoped3A_125 : memref<!tpu.dma_semaphore, #tpu.memory_space<semaphore_mem>>)
      %dma_wait3A = arith.constant 0 : i32
      %dma_wait3A_135 = tpu.memref_slice %arg13[%run_scoped3A_30, %dma_wait3A] : memref<4x2048xf32, #tpu.memory_space<vmem>> -> memref<1x2048xf32, #tpu.memory_space<vmem>>
      %dma_wait3A_136 = tpu.memref_squeeze %dma_wait3A_135 : memref<1x2048xf32, #tpu.memory_space<vmem>> -> memref<2048xf32, #tpu.memory_space<vmem>>
      %dma_wait3A_137 = tpu.memref_slice %arg5[%run_scoped3A_31, %add3A_4] : memref<4x262144xf32, #tpu.memory_space<hbm>> -> memref<1x2048xf32, #tpu.memory_space<hbm>>
      %dma_wait3A_138 = tpu.memref_squeeze %dma_wait3A_137 : memref<1x2048xf32, #tpu.memory_space<hbm>> -> memref<2048xf32, #tpu.memory_space<hbm>>
      %dma_wait3A_139 = tpu.memref_slice %arg5[%run_scoped3A_31, %add3A_4] : memref<4x262144xf32, #tpu.memory_space<hbm>> -> memref<1x2048xf32, #tpu.memory_space<hbm>>
      %dma_wait3A_140 = tpu.memref_squeeze %dma_wait3A_139 : memref<1x2048xf32, #tpu.memory_space<hbm>> -> memref<2048xf32, #tpu.memory_space<hbm>>
      %dma_wait3A_141 = arith.constant 0 : i32
      %dma_wait3A_142 = tpu.memref_slice %arg13[%run_scoped3A_30, %dma_wait3A_141] : memref<4x2048xf32, #tpu.memory_space<vmem>> -> memref<1x2048xf32, #tpu.memory_space<vmem>>
      %dma_wait3A_143 = tpu.memref_squeeze %dma_wait3A_142 : memref<1x2048xf32, #tpu.memory_space<vmem>> -> memref<2048xf32, #tpu.memory_space<vmem>>
      tpu.wait_dma2 semaphore(%run_scoped3A_125 : memref<!tpu.dma_semaphore, #tpu.memory_space<semaphore_mem>>) src(%dma_wait3A_143 : memref<2048xf32, #tpu.memory_space<vmem>>) dst(%dma_wait3A_140 : memref<2048xf32, #tpu.memory_space<hbm>>)
      tpu.yield
    }) : () -> ()
    %add3A_32 = arith.constant 2048 : i32
    %add3A_33 = arith.addi %mul3A_2, %add3A_32 : i32
    "tpu.region"() ({
      %run_scoped3A_125 = tpu.sem_alloc : memref<!tpu.dma_semaphore, #tpu.memory_space<semaphore_mem>>
      %dma_start3A = tpu.memref_slice %arg2[%add3A_33] : memref<262144xf32, #tpu.memory_space<hbm>> -> memref<2048xf32, #tpu.memory_space<hbm>>
      %dma_start3A_126 = tpu.memref_slice %arg2[%add3A_33] : memref<262144xf32, #tpu.memory_space<hbm>> -> memref<2048xf32, #tpu.memory_space<hbm>>
      tpu.enqueue_dma source(%dma_start3A_126 : memref<2048xf32, #tpu.memory_space<hbm>>) target(%arg6 : memref<2048xf32, #tpu.memory_space<vmem>>) target_semaphore(%run_scoped3A_125 : memref<!tpu.dma_semaphore, #tpu.memory_space<semaphore_mem>>)
      %dma_wait3A = tpu.memref_slice %arg2[%add3A_33] : memref<262144xf32, #tpu.memory_space<hbm>> -> memref<2048xf32, #tpu.memory_space<hbm>>
      %dma_wait3A_127 = tpu.memref_slice %arg2[%add3A_33] : memref<262144xf32, #tpu.memory_space<hbm>> -> memref<2048xf32, #tpu.memory_space<hbm>>
      tpu.wait_dma2 semaphore(%run_scoped3A_125 : memref<!tpu.dma_semaphore, #tpu.memory_space<semaphore_mem>>) src(%dma_wait3A_127 : memref<2048xf32, #tpu.memory_space<hbm>>) dst(%arg6 : memref<2048xf32, #tpu.memory_space<vmem>>)
      tpu.yield
    }) : () -> ()
    "tpu.region"() ({
      %run_scoped3A_125 = tpu.sem_alloc : memref<!tpu.dma_semaphore, #tpu.memory_space<semaphore_mem>>
      %dma_start3A = tpu.memref_slice %arg3[%add3A_33] : memref<262144xf32, #tpu.memory_space<hbm>> -> memref<2048xf32, #tpu.memory_space<hbm>>
      %dma_start3A_126 = tpu.memref_slice %arg3[%add3A_33] : memref<262144xf32, #tpu.memory_space<hbm>> -> memref<2048xf32, #tpu.memory_space<hbm>>
      tpu.enqueue_dma source(%dma_start3A_126 : memref<2048xf32, #tpu.memory_space<hbm>>) target(%arg7 : memref<2048xf32, #tpu.memory_space<vmem>>) target_semaphore(%run_scoped3A_125 : memref<!tpu.dma_semaphore, #tpu.memory_space<semaphore_mem>>)
      %dma_wait3A = tpu.memref_slice %arg3[%add3A_33] : memref<262144xf32, #tpu.memory_space<hbm>> -> memref<2048xf32, #tpu.memory_space<hbm>>
      %dma_wait3A_127 = tpu.memref_slice %arg3[%add3A_33] : memref<262144xf32, #tpu.memory_space<hbm>> -> memref<2048xf32, #tpu.memory_space<hbm>>
      tpu.wait_dma2 semaphore(%run_scoped3A_125 : memref<!tpu.dma_semaphore, #tpu.memory_space<semaphore_mem>>) src(%dma_wait3A_127 : memref<2048xf32, #tpu.memory_space<hbm>>) dst(%arg7 : memref<2048xf32, #tpu.memory_space<vmem>>)
      tpu.yield
    }) : () -> ()
    %scan3A_34 = arith.constant 0 : i32
    %scan3A_35 = arith.constant 0 : i32
    %scan3A_36 = arith.constant 16 : i32
    %scan3A_37 = arith.addi %scan3A_35, %scan3A_36 : i32
    %scan3A_38 = arith.constant 1 : i32
    %scan3A_39 = scf.for %scan3A_125 = %scan3A_35 to %scan3A_37 step %scan3A_38 iter_args(%scan3A_126 = %scan3A_34) -> (i32)  : i32 {
      %mul3A_127 = arith.constant 128 : i32
      %mul3A_128 = arith.muli %scan3A_125, %mul3A_127 : i32
      %add3A_129 = arith.constant 0 : i32
      %add3A_130 = arith.addi %mul3A_128, %add3A_129 : i32
      %get3A = arith.index_cast %add3A_130 : i32 to index
      %get3A_131 = tpu.vector_load %arg6[%get3A] {strides = array<i32>} : memref<2048xf32, #tpu.memory_space<vmem>>, vector<16xf32>,
      %get3A_132 = arith.index_cast %add3A_130 : i32 to index
      %get3A_133 = tpu.vector_load %arg7[%get3A_132] {strides = array<i32>} : memref<2048xf32, #tpu.memory_space<vmem>>, vector<16xf32>,
      %ge3A = arith.constant 1.000000e+00 : f32
      %ge3A_134 = vector.broadcast %ge3A : f32 to vector<16xf32>
      %ge3A_135 = arith.cmpf oge, %get3A_131, %ge3A_134 : vector<16xf32>
      %add3A_136 = arith.constant 4.096000e+03 : f32
      %add3A_137 = vector.broadcast %add3A_136 : f32 to vector<16xf32>
      %add3A_138 = arith.addf %get3A_131, %add3A_137 : vector<16xf32>
      %select_n3A = arith.select %ge3A_135, %get3A_131, %add3A_138 : vector<16xi1>, vector<16xf32>
      %ge3A_139 = arith.constant 1.000000e+00 : f32
      %ge3A_140 = vector.broadcast %ge3A_139 : f32 to vector<16xf32>
      %ge3A_141 = arith.cmpf oge, %get3A_133, %ge3A_140 : vector<16xf32>
      %add3A_142 = arith.constant 4.096000e+03 : f32
      %add3A_143 = vector.broadcast %add3A_142 : f32 to vector<16xf32>
      %add3A_144 = arith.addf %get3A_133, %add3A_143 : vector<16xf32>
      %select_n3A_145 = arith.select %ge3A_141, %get3A_133, %add3A_144 : vector<16xi1>, vector<16xf32>
      %convert_element_type3A = arith.fptosi %select_n3A : vector<16xf32> to vector<16xi32>
      %convert_element_type3A_146 = arith.fptosi %select_n3A_145 : vector<16xf32> to vector<16xi32>
      %convert_element_type3A_147 = arith.sitofp %convert_element_type3A : vector<16xi32> to vector<16xf32>
      %sub3A = arith.subf %select_n3A, %convert_element_type3A_147 : vector<16xf32>
      %swap3A = arith.index_cast %add3A_130 : i32 to index
      %swap3A_148 = tpu.vector_load %arg8[%swap3A] {strides = array<i32>} : memref<2048xf32, #tpu.memory_space<vmem>>, vector<16xf32>,
      tpu.vector_store %arg8[%swap3A], %sub3A {strides = array<i32>} : memref<2048xf32, #tpu.memory_space<vmem>>, vector<16xf32>,
      %convert_element_type3A_149 = arith.sitofp %convert_element_type3A_146 : vector<16xi32> to vector<16xf32>
      %sub3A_150 = arith.subf %select_n3A_145, %convert_element_type3A_149 : vector<16xf32>
      %swap3A_151 = arith.index_cast %add3A_130 : i32 to index
      %swap3A_152 = tpu.vector_load %arg9[%swap3A_151] {strides = array<i32>} : memref<2048xf32, #tpu.memory_space<vmem>>, vector<16xf32>,
      tpu.vector_store %arg9[%swap3A_151], %sub3A_150 {strides = array<i32>} : memref<2048xf32, #tpu.memory_space<vmem>>, vector<16xf32>,
      %mul3A_153 = arith.constant 4100 : i32
      %mul3A_154 = vector.broadcast %mul3A_153 : i32 to vector<16xi32>
      %mul3A_155 = arith.muli %convert_element_type3A, %mul3A_154 : vector<16xi32>
      %add3A_156 = arith.addi %mul3A_155, %convert_element_type3A_146 : vector<16xi32>
      %swap3A_157 = arith.index_cast %add3A_130 : i32 to index
      %swap3A_158 = tpu.vector_load %arg10[%swap3A_157] {strides = array<i32>} : memref<2048xi32, #tpu.memory_space<vmem>>, vector<16xi32>,
      tpu.vector_store %arg10[%swap3A_157], %add3A_156 {strides = array<i32>} : memref<2048xi32, #tpu.memory_space<vmem>>, vector<16xi32>,
      %shift_right_logical3A = arith.constant 1 : i32
      %shift_right_logical3A_159 = vector.broadcast %shift_right_logical3A : i32 to vector<16xi32>
      %shift_right_logical3A_160 = arith.shrui %add3A_156, %shift_right_logical3A_159 : vector<16xi32>
      %add3A_161 = arith.constant 1 : i32
      %add3A_162 = vector.broadcast %add3A_161 : i32 to vector<16xi32>
      %add3A_163 = arith.addi %add3A_156, %add3A_162 : vector<16xi32>
      %shift_right_logical3A_164 = arith.constant 1 : i32
      %shift_right_logical3A_165 = vector.broadcast %shift_right_logical3A_164 : i32 to vector<16xi32>
      %shift_right_logical3A_166 = arith.shrui %add3A_163, %shift_right_logical3A_165 : vector<16xi32>
      %swap3A_167 = arith.index_cast %scan3A_125 : i32 to index
      %swap3A_168 = arith.constant 0 : index
      %swap3A_169 = tpu.vector_load %arg11[%swap3A_167, %swap3A_168] {strides = array<i32>} : memref<64x128xi32, #tpu.memory_space<vmem>>, vector<16xi32>,
      tpu.vector_store %arg11[%swap3A_167, %swap3A_168], %shift_right_logical3A_160 {strides = array<i32>} : memref<64x128xi32, #tpu.memory_space<vmem>>, vector<16xi32>,
      %add3A_170 = arith.constant 16 : i32
      %add3A_171 = arith.addi %add3A_170, %scan3A_125 : i32
      %swap3A_172 = arith.index_cast %add3A_171 : i32 to index
      %swap3A_173 = arith.constant 0 : index
      %swap3A_174 = tpu.vector_load %arg11[%swap3A_172, %swap3A_173] {strides = array<i32>} : memref<64x128xi32, #tpu.memory_space<vmem>>, vector<16xi32>,
      tpu.vector_store %arg11[%swap3A_172, %swap3A_173], %shift_right_logical3A_166 {strides = array<i32>} : memref<64x128xi32, #tpu.memory_space<vmem>>, vector<16xi32>,
      %add3A_175 = arith.constant 2050 : i32
      %add3A_176 = vector.broadcast %add3A_175 : i32 to vector<16xi32>
      %add3A_177 = arith.addi %shift_right_logical3A_160, %add3A_176 : vector<16xi32>
      %add3A_178 = arith.constant 32 : i32
      %add3A_179 = arith.addi %add3A_178, %scan3A_125 : i32
      %swap3A_180 = arith.index_cast %add3A_179 : i32 to index
      %swap3A_181 = arith.constant 0 : index
      %swap3A_182 = tpu.vector_load %arg11[%swap3A_180, %swap3A_181] {strides = array<i32>} : memref<64x128xi32, #tpu.memory_space<vmem>>, vector<16xi32>,
      tpu.vector_store %arg11[%swap3A_180, %swap3A_181], %add3A_177 {strides = array<i32>} : memref<64x128xi32, #tpu.memory_space<vmem>>, vector<16xi32>,
      %add3A_183 = arith.constant 2050 : i32
      %add3A_184 = vector.broadcast %add3A_183 : i32 to vector<16xi32>
      %add3A_185 = arith.addi %shift_right_logical3A_166, %add3A_184 : vector<16xi32>
      %add3A_186 = arith.constant 48 : i32
      %add3A_187 = arith.addi %add3A_186, %scan3A_125 : i32
      %swap3A_188 = arith.index_cast %add3A_187 : i32 to index
      %swap3A_189 = arith.constant 0 : index
      %swap3A_190 = tpu.vector_load %arg11[%swap3A_188, %swap3A_189] {strides = array<i32>} : memref<64x128xi32, #tpu.memory_space<vmem>>, vector<16xi32>,
      tpu.vector_store %arg11[%swap3A_188, %swap3A_189], %add3A_185 {strides = array<i32>} : memref<64x128xi32, #tpu.memory_space<vmem>>, vector<16xi32>,
      %mul3A_191 = arith.constant 128 : i32
      %mul3A_192 = arith.muli %scan3A_125, %mul3A_191 : i32
      %add3A_193 = arith.constant 16 : i32
      %add3A_194 = arith.addi %mul3A_192, %add3A_193 : i32
      %get3A_195 = arith.index_cast %add3A_194 : i32 to index
      %get3A_196 = tpu.vector_load %arg6[%get3A_195] {strides = array<i32>} : memref<2048xf32, #tpu.memory_space<vmem>>, vector<16xf32>,
      %get3A_197 = arith.index_cast %add3A_194 : i32 to index
      %get3A_198 = tpu.vector_load %arg7[%get3A_197] {strides = array<i32>} : memref<2048xf32, #tpu.memory_space<vmem>>, vector<16xf32>,
      %ge3A_199 = arith.constant 1.000000e+00 : f32
      %ge3A_200 = vector.broadcast %ge3A_199 : f32 to vector<16xf32>
      %ge3A_201 = arith.cmpf oge, %get3A_196, %ge3A_200 : vector<16xf32>
      %add3A_202 = arith.constant 4.096000e+03 : f32
      %add3A_203 = vector.broadcast %add3A_202 : f32 to vector<16xf32>
      %add3A_204 = arith.addf %get3A_196, %add3A_203 : vector<16xf32>
      %select_n3A_205 = arith.select %ge3A_201, %get3A_196, %add3A_204 : vector<16xi1>, vector<16xf32>
      %ge3A_206 = arith.constant 1.000000e+00 : f32
      %ge3A_207 = vector.broadcast %ge3A_206 : f32 to vector<16xf32>
      %ge3A_208 = arith.cmpf oge, %get3A_198, %ge3A_207 : vector<16xf32>
      %add3A_209 = arith.constant 4.096000e+03 : f32
      %add3A_210 = vector.broadcast %add3A_209 : f32 to vector<16xf32>
      %add3A_211 = arith.addf %get3A_198, %add3A_210 : vector<16xf32>
      %select_n3A_212 = arith.select %ge3A_208, %get3A_198, %add3A_211 : vector<16xi1>, vector<16xf32>
      %convert_element_type3A_213 = arith.fptosi %select_n3A_205 : vector<16xf32> to vector<16xi32>
      %convert_element_type3A_214 = arith.fptosi %select_n3A_212 : vector<16xf32> to vector<16xi32>
      %convert_element_type3A_215 = arith.sitofp %convert_element_type3A_213 : vector<16xi32> to vector<16xf32>
      %sub3A_216 = arith.subf %select_n3A_205, %convert_element_type3A_215 : vector<16xf32>
      %swap3A_217 = arith.index_cast %add3A_194 : i32 to index
      %swap3A_218 = tpu.vector_load %arg8[%swap3A_217] {strides = array<i32>} : memref<2048xf32, #tpu.memory_space<vmem>>, vector<16xf32>,
      tpu.vector_store %arg8[%swap3A_217], %sub3A_216 {strides = array<i32>} : memref<2048xf32, #tpu.memory_space<vmem>>, vector<16xf32>,
      %convert_element_type3A_219 = arith.sitofp %convert_element_type3A_214 : vector<16xi32> to vector<16xf32>
      %sub3A_220 = arith.subf %select_n3A_212, %convert_element_type3A_219 : vector<16xf32>
      %swap3A_221 = arith.index_cast %add3A_194 : i32 to index
      %swap3A_222 = tpu.vector_load %arg9[%swap3A_221] {strides = array<i32>} : memref<2048xf32, #tpu.memory_space<vmem>>, vector<16xf32>,
      tpu.vector_store %arg9[%swap3A_221], %sub3A_220 {strides = array<i32>} : memref<2048xf32, #tpu.memory_space<vmem>>, vector<16xf32>,
      %mul3A_223 = arith.constant 4100 : i32
      %mul3A_224 = vector.broadcast %mul3A_223 : i32 to vector<16xi32>
      %mul3A_225 = arith.muli %convert_element_type3A_213, %mul3A_224 : vector<16xi32>
      %add3A_226 = arith.addi %mul3A_225, %convert_element_type3A_214 : vector<16xi32>
      %swap3A_227 = arith.index_cast %add3A_194 : i32 to index
      %swap3A_228 = tpu.vector_load %arg10[%swap3A_227] {strides = array<i32>} : memref<2048xi32, #tpu.memory_space<vmem>>, vector<16xi32>,
      tpu.vector_store %arg10[%swap3A_227], %add3A_226 {strides = array<i32>} : memref<2048xi32, #tpu.memory_space<vmem>>, vector<16xi32>,
      %shift_right_logical3A_229 = arith.constant 1 : i32
      %shift_right_logical3A_230 = vector.broadcast %shift_right_logical3A_229 : i32 to vector<16xi32>
      %shift_right_logical3A_231 = arith.shrui %add3A_226, %shift_right_logical3A_230 : vector<16xi32>
      %add3A_232 = arith.constant 1 : i32
      %add3A_233 = vector.broadcast %add3A_232 : i32 to vector<16xi32>
      %add3A_234 = arith.addi %add3A_226, %add3A_233 : vector<16xi32>
      %shift_right_logical3A_235 = arith.constant 1 : i32
      %shift_right_logical3A_236 = vector.broadcast %shift_right_logical3A_235 : i32 to vector<16xi32>
      %shift_right_logical3A_237 = arith.shrui %add3A_234, %shift_right_logical3A_236 : vector<16xi32>
      %swap3A_238 = arith.index_cast %scan3A_125 : i32 to index
      %swap3A_239 = arith.constant 16 : index
      %swap3A_240 = tpu.vector_load %arg11[%swap3A_238, %swap3A_239] {strides = array<i32>} : memref<64x128xi32, #tpu.memory_space<vmem>>, vector<16xi32>,
      tpu.vector_store %arg11[%swap3A_238, %swap3A_239], %shift_right_logical3A_231 {strides = array<i32>} : memref<64x128xi32, #tpu.memory_space<vmem>>, vector<16xi32>,
      %add3A_241 = arith.constant 16 : i32
      %add3A_242 = arith.addi %add3A_241, %scan3A_125 : i32
      %swap3A_243 = arith.index_cast %add3A_242 : i32 to index
      %swap3A_244 = arith.constant 16 : index
      %swap3A_245 = tpu.vector_load %arg11[%swap3A_243, %swap3A_244] {strides = array<i32>} : memref<64x128xi32, #tpu.memory_space<vmem>>, vector<16xi32>,
      tpu.vector_store %arg11[%swap3A_243, %swap3A_244], %shift_right_logical3A_237 {strides = array<i32>} : memref<64x128xi32, #tpu.memory_space<vmem>>, vector<16xi32>,
      %add3A_246 = arith.constant 2050 : i32
      %add3A_247 = vector.broadcast %add3A_246 : i32 to vector<16xi32>
      %add3A_248 = arith.addi %shift_right_logical3A_231, %add3A_247 : vector<16xi32>
      %add3A_249 = arith.constant 32 : i32
      %add3A_250 = arith.addi %add3A_249, %scan3A_125 : i32
      %swap3A_251 = arith.index_cast %add3A_250 : i32 to index
      %swap3A_252 = arith.constant 16 : index
      %swap3A_253 = tpu.vector_load %arg11[%swap3A_251, %swap3A_252] {strides = array<i32>} : memref<64x128xi32, #tpu.memory_space<vmem>>, vector<16xi32>,
      tpu.vector_store %arg11[%swap3A_251, %swap3A_252], %add3A_248 {strides = array<i32>} : memref<64x128xi32, #tpu.memory_space<vmem>>, vector<16xi32>,
      %add3A_254 = arith.constant 2050 : i32
      %add3A_255 = vector.broadcast %add3A_254 : i32 to vector<16xi32>
      %add3A_256 = arith.addi %shift_right_logical3A_237, %add3A_255 : vector<16xi32>
      %add3A_257 = arith.constant 48 : i32
      %add3A_258 = arith.addi %add3A_257, %scan3A_125 : i32
      %swap3A_259 = arith.index_cast %add3A_258 : i32 to index
      %swap3A_260 = arith.constant 16 : index
      %swap3A_261 = tpu.vector_load %arg11[%swap3A_259, %swap3A_260] {strides = array<i32>} : memref<64x128xi32, #tpu.memory_space<vmem>>, vector<16xi32>,
      tpu.vector_store %arg11[%swap3A_259, %swap3A_260], %add3A_256 {strides = array<i32>} : memref<64x128xi32, #tpu.memory_space<vmem>>, vector<16xi32>,
      %mul3A_262 = arith.constant 128 : i32
      %mul3A_263 = arith.muli %scan3A_125, %mul3A_262 : i32
      %add3A_264 = arith.constant 32 : i32
      %add3A_265 = arith.addi %mul3A_263, %add3A_264 : i32
      %get3A_266 = arith.index_cast %add3A_265 : i32 to index
      %get3A_267 = tpu.vector_load %arg6[%get3A_266] {strides = array<i32>} : memref<2048xf32, #tpu.memory_space<vmem>>, vector<16xf32>,
      %get3A_268 = arith.index_cast %add3A_265 : i32 to index
      %get3A_269 = tpu.vector_load %arg7[%get3A_268] {strides = array<i32>} : memref<2048xf32, #tpu.memory_space<vmem>>, vector<16xf32>,
      %ge3A_270 = arith.constant 1.000000e+00 : f32
      %ge3A_271 = vector.broadcast %ge3A_270 : f32 to vector<16xf32>
      %ge3A_272 = arith.cmpf oge, %get3A_267, %ge3A_271 : vector<16xf32>
      %add3A_273 = arith.constant 4.096000e+03 : f32
      %add3A_274 = vector.broadcast %add3A_273 : f32 to vector<16xf32>
      %add3A_275 = arith.addf %get3A_267, %add3A_274 : vector<16xf32>
      %select_n3A_276 = arith.select %ge3A_272, %get3A_267, %add3A_275 : vector<16xi1>, vector<16xf32>
      %ge3A_277 = arith.constant 1.000000e+00 : f32
      %ge3A_278 = vector.broadcast %ge3A_277 : f32 to vector<16xf32>
      %ge3A_279 = arith.cmpf oge, %get3A_269, %ge3A_278 : vector<16xf32>
      %add3A_280 = arith.constant 4.096000e+03 : f32
      %add3A_281 = vector.broadcast %add3A_280 : f32 to vector<16xf32>
      %add3A_282 = arith.addf %get3A_269, %add3A_281 : vector<16xf32>
      %select_n3A_283 = arith.select %ge3A_279, %get3A_269, %add3A_282 : vector<16xi1>, vector<16xf32>
      %convert_element_type3A_284 = arith.fptosi %select_n3A_276 : vector<16xf32> to vector<16xi32>
      %convert_element_type3A_285 = arith.fptosi %select_n3A_283 : vector<16xf32> to vector<16xi32>
      %convert_element_type3A_286 = arith.sitofp %convert_element_type3A_284 : vector<16xi32> to vector<16xf32>
      %sub3A_287 = arith.subf %select_n3A_276, %convert_element_type3A_286 : vector<16xf32>
      %swap3A_288 = arith.index_cast %add3A_265 : i32 to index
      %swap3A_289 = tpu.vector_load %arg8[%swap3A_288] {strides = array<i32>} : memref<2048xf32, #tpu.memory_space<vmem>>, vector<16xf32>,
      tpu.vector_store %arg8[%swap3A_288], %sub3A_287 {strides = array<i32>} : memref<2048xf32, #tpu.memory_space<vmem>>, vector<16xf32>,
      %convert_element_type3A_290 = arith.sitofp %convert_element_type3A_285 : vector<16xi32> to vector<16xf32>
      %sub3A_291 = arith.subf %select_n3A_283, %convert_element_type3A_290 : vector<16xf32>
      %swap3A_292 = arith.index_cast %add3A_265 : i32 to index
      %swap3A_293 = tpu.vector_load %arg9[%swap3A_292] {strides = array<i32>} : memref<2048xf32, #tpu.memory_space<vmem>>, vector<16xf32>,
      tpu.vector_store %arg9[%swap3A_292], %sub3A_291 {strides = array<i32>} : memref<2048xf32, #tpu.memory_space<vmem>>, vector<16xf32>,
      %mul3A_294 = arith.constant 4100 : i32
      %mul3A_295 = vector.broadcast %mul3A_294 : i32 to vector<16xi32>
      %mul3A_296 = arith.muli %convert_element_type3A_284, %mul3A_295 : vector<16xi32>
      %add3A_297 = arith.addi %mul3A_296, %convert_element_type3A_285 : vector<16xi32>
      %swap3A_298 = arith.index_cast %add3A_265 : i32 to index
      %swap3A_299 = tpu.vector_load %arg10[%swap3A_298] {strides = array<i32>} : memref<2048xi32, #tpu.memory_space<vmem>>, vector<16xi32>,
      tpu.vector_store %arg10[%swap3A_298], %add3A_297 {strides = array<i32>} : memref<2048xi32, #tpu.memory_space<vmem>>, vector<16xi32>,
      %shift_right_logical3A_300 = arith.constant 1 : i32
      %shift_right_logical3A_301 = vector.broadcast %shift_right_logical3A_300 : i32 to vector<16xi32>
      %shift_right_logical3A_302 = arith.shrui %add3A_297, %shift_right_logical3A_301 : vector<16xi32>
      %add3A_303 = arith.constant 1 : i32
      %add3A_304 = vector.broadcast %add3A_303 : i32 to vector<16xi32>
      %add3A_305 = arith.addi %add3A_297, %add3A_304 : vector<16xi32>
      %shift_right_logical3A_306 = arith.constant 1 : i32
      %shift_right_logical3A_307 = vector.broadcast %shift_right_logical3A_306 : i32 to vector<16xi32>
      %shift_right_logical3A_308 = arith.shrui %add3A_305, %shift_right_logical3A_307 : vector<16xi32>
      %swap3A_309 = arith.index_cast %scan3A_125 : i32 to index
      %swap3A_310 = arith.constant 32 : index
      %swap3A_311 = tpu.vector_load %arg11[%swap3A_309, %swap3A_310] {strides = array<i32>} : memref<64x128xi32, #tpu.memory_space<vmem>>, vector<16xi32>,
      tpu.vector_store %arg11[%swap3A_309, %swap3A_310], %shift_right_logical3A_302 {strides = array<i32>} : memref<64x128xi32, #tpu.memory_space<vmem>>, vector<16xi32>,
      %add3A_312 = arith.constant 16 : i32
      %add3A_313 = arith.addi %add3A_312, %scan3A_125 : i32
      %swap3A_314 = arith.index_cast %add3A_313 : i32 to index
      %swap3A_315 = arith.constant 32 : index
      %swap3A_316 = tpu.vector_load %arg11[%swap3A_314, %swap3A_315] {strides = array<i32>} : memref<64x128xi32, #tpu.memory_space<vmem>>, vector<16xi32>,
      tpu.vector_store %arg11[%swap3A_314, %swap3A_315], %shift_right_logical3A_308 {strides = array<i32>} : memref<64x128xi32, #tpu.memory_space<vmem>>, vector<16xi32>,
      %add3A_317 = arith.constant 2050 : i32
      %add3A_318 = vector.broadcast %add3A_317 : i32 to vector<16xi32>
      %add3A_319 = arith.addi %shift_right_logical3A_302, %add3A_318 : vector<16xi32>
      %add3A_320 = arith.constant 32 : i32
      %add3A_321 = arith.addi %add3A_320, %scan3A_125 : i32
      %swap3A_322 = arith.index_cast %add3A_321 : i32 to index
      %swap3A_323 = arith.constant 32 : index
      %swap3A_324 = tpu.vector_load %arg11[%swap3A_322, %swap3A_323] {strides = array<i32>} : memref<64x128xi32, #tpu.memory_space<vmem>>, vector<16xi32>,
      tpu.vector_store %arg11[%swap3A_322, %swap3A_323], %add3A_319 {strides = array<i32>} : memref<64x128xi32, #tpu.memory_space<vmem>>, vector<16xi32>,
      %add3A_325 = arith.constant 2050 : i32
      %add3A_326 = vector.broadcast %add3A_325 : i32 to vector<16xi32>
      %add3A_327 = arith.addi %shift_right_logical3A_308, %add3A_326 : vector<16xi32>
      %add3A_328 = arith.constant 48 : i32
      %add3A_329 = arith.addi %add3A_328, %scan3A_125 : i32
      %swap3A_330 = arith.index_cast %add3A_329 : i32 to index
      %swap3A_331 = arith.constant 32 : index
      %swap3A_332 = tpu.vector_load %arg11[%swap3A_330, %swap3A_331] {strides = array<i32>} : memref<64x128xi32, #tpu.memory_space<vmem>>, vector<16xi32>,
      tpu.vector_store %arg11[%swap3A_330, %swap3A_331], %add3A_327 {strides = array<i32>} : memref<64x128xi32, #tpu.memory_space<vmem>>, vector<16xi32>,
      %mul3A_333 = arith.constant 128 : i32
      %mul3A_334 = arith.muli %scan3A_125, %mul3A_333 : i32
      %add3A_335 = arith.constant 48 : i32
      %add3A_336 = arith.addi %mul3A_334, %add3A_335 : i32
      %get3A_337 = arith.index_cast %add3A_336 : i32 to index
      %get3A_338 = tpu.vector_load %arg6[%get3A_337] {strides = array<i32>} : memref<2048xf32, #tpu.memory_space<vmem>>, vector<16xf32>,
      %get3A_339 = arith.index_cast %add3A_336 : i32 to index
      %get3A_340 = tpu.vector_load %arg7[%get3A_339] {strides = array<i32>} : memref<2048xf32, #tpu.memory_space<vmem>>, vector<16xf32>,
      %ge3A_341 = arith.constant 1.000000e+00 : f32
      %ge3A_342 = vector.broadcast %ge3A_341 : f32 to vector<16xf32>
      %ge3A_343 = arith.cmpf oge, %get3A_338, %ge3A_342 : vector<16xf32>
      %add3A_344 = arith.constant 4.096000e+03 : f32
      %add3A_345 = vector.broadcast %add3A_344 : f32 to vector<16xf32>
      %add3A_346 = arith.addf %get3A_338, %add3A_345 : vector<16xf32>
      %select_n3A_347 = arith.select %ge3A_343, %get3A_338, %add3A_346 : vector<16xi1>, vector<16xf32>
      %ge3A_348 = arith.constant 1.000000e+00 : f32
      %ge3A_349 = vector.broadcast %ge3A_348 : f32 to vector<16xf32>
      %ge3A_350 = arith.cmpf oge, %get3A_340, %ge3A_349 : vector<16xf32>
      %add3A_351 = arith.constant 4.096000e+03 : f32
      %add3A_352 = vector.broadcast %add3A_351 : f32 to vector<16xf32>
      %add3A_353 = arith.addf %get3A_340, %add3A_352 : vector<16xf32>
      %select_n3A_354 = arith.select %ge3A_350, %get3A_340, %add3A_353 : vector<16xi1>, vector<16xf32>
      %convert_element_type3A_355 = arith.fptosi %select_n3A_347 : vector<16xf32> to vector<16xi32>
      %convert_element_type3A_356 = arith.fptosi %select_n3A_354 : vector<16xf32> to vector<16xi32>
      %convert_element_type3A_357 = arith.sitofp %convert_element_type3A_355 : vector<16xi32> to vector<16xf32>
      %sub3A_358 = arith.subf %select_n3A_347, %convert_element_type3A_357 : vector<16xf32>
      %swap3A_359 = arith.index_cast %add3A_336 : i32 to index
      %swap3A_360 = tpu.vector_load %arg8[%swap3A_359] {strides = array<i32>} : memref<2048xf32, #tpu.memory_space<vmem>>, vector<16xf32>,
      tpu.vector_store %arg8[%swap3A_359], %sub3A_358 {strides = array<i32>} : memref<2048xf32, #tpu.memory_space<vmem>>, vector<16xf32>,
      %convert_element_type3A_361 = arith.sitofp %convert_element_type3A_356 : vector<16xi32> to vector<16xf32>
      %sub3A_362 = arith.subf %select_n3A_354, %convert_element_type3A_361 : vector<16xf32>
      %swap3A_363 = arith.index_cast %add3A_336 : i32 to index
      %swap3A_364 = tpu.vector_load %arg9[%swap3A_363] {strides = array<i32>} : memref<2048xf32, #tpu.memory_space<vmem>>, vector<16xf32>,
      tpu.vector_store %arg9[%swap3A_363], %sub3A_362 {strides = array<i32>} : memref<2048xf32, #tpu.memory_space<vmem>>, vector<16xf32>,
      %mul3A_365 = arith.constant 4100 : i32
      %mul3A_366 = vector.broadcast %mul3A_365 : i32 to vector<16xi32>
      %mul3A_367 = arith.muli %convert_element_type3A_355, %mul3A_366 : vector<16xi32>
      %add3A_368 = arith.addi %mul3A_367, %convert_element_type3A_356 : vector<16xi32>
      %swap3A_369 = arith.index_cast %add3A_336 : i32 to index
      %swap3A_370 = tpu.vector_load %arg10[%swap3A_369] {strides = array<i32>} : memref<2048xi32, #tpu.memory_space<vmem>>, vector<16xi32>,
      tpu.vector_store %arg10[%swap3A_369], %add3A_368 {strides = array<i32>} : memref<2048xi32, #tpu.memory_space<vmem>>, vector<16xi32>,
      %shift_right_logical3A_371 = arith.constant 1 : i32
      %shift_right_logical3A_372 = vector.broadcast %shift_right_logical3A_371 : i32 to vector<16xi32>
      %shift_right_logical3A_373 = arith.shrui %add3A_368, %shift_right_logical3A_372 : vector<16xi32>
      %add3A_374 = arith.constant 1 : i32
      %add3A_375 = vector.broadcast %add3A_374 : i32 to vector<16xi32>
      %add3A_376 = arith.addi %add3A_368, %add3A_375 : vector<16xi32>
      %shift_right_logical3A_377 = arith.constant 1 : i32
      %shift_right_logical3A_378 = vector.broadcast %shift_right_logical3A_377 : i32 to vector<16xi32>
      %shift_right_logical3A_379 = arith.shrui %add3A_376, %shift_right_logical3A_378 : vector<16xi32>
      %swap3A_380 = arith.index_cast %scan3A_125 : i32 to index
      %swap3A_381 = arith.constant 48 : index
      %swap3A_382 = tpu.vector_load %arg11[%swap3A_380, %swap3A_381] {strides = array<i32>} : memref<64x128xi32, #tpu.memory_space<vmem>>, vector<16xi32>,
      tpu.vector_store %arg11[%swap3A_380, %swap3A_381], %shift_right_logical3A_373 {strides = array<i32>} : memref<64x128xi32, #tpu.memory_space<vmem>>, vector<16xi32>,
      %add3A_383 = arith.constant 16 : i32
      %add3A_384 = arith.addi %add3A_383, %scan3A_125 : i32
      %swap3A_385 = arith.index_cast %add3A_384 : i32 to index
      %swap3A_386 = arith.constant 48 : index
      %swap3A_387 = tpu.vector_load %arg11[%swap3A_385, %swap3A_386] {strides = array<i32>} : memref<64x128xi32, #tpu.memory_space<vmem>>, vector<16xi32>,
      tpu.vector_store %arg11[%swap3A_385, %swap3A_386], %shift_right_logical3A_379 {strides = array<i32>} : memref<64x128xi32, #tpu.memory_space<vmem>>, vector<16xi32>,
      %add3A_388 = arith.constant 2050 : i32
      %add3A_389 = vector.broadcast %add3A_388 : i32 to vector<16xi32>
      %add3A_390 = arith.addi %shift_right_logical3A_373, %add3A_389 : vector<16xi32>
      %add3A_391 = arith.constant 32 : i32
      %add3A_392 = arith.addi %add3A_391, %scan3A_125 : i32
      %swap3A_393 = arith.index_cast %add3A_392 : i32 to index
      %swap3A_394 = arith.constant 48 : index
      %swap3A_395 = tpu.vector_load %arg11[%swap3A_393, %swap3A_394] {strides = array<i32>} : memref<64x128xi32, #tpu.memory_space<vmem>>, vector<16xi32>,
      tpu.vector_store %arg11[%swap3A_393, %swap3A_394], %add3A_390 {strides = array<i32>} : memref<64x128xi32, #tpu.memory_space<vmem>>, vector<16xi32>,
      %add3A_396 = arith.constant 2050 : i32
      %add3A_397 = vector.broadcast %add3A_396 : i32 to vector<16xi32>
      %add3A_398 = arith.addi %shift_right_logical3A_379, %add3A_397 : vector<16xi32>
      %add3A_399 = arith.constant 48 : i32
      %add3A_400 = arith.addi %add3A_399, %scan3A_125 : i32
      %swap3A_401 = arith.index_cast %add3A_400 : i32 to index
      %swap3A_402 = arith.constant 48 : index
      %swap3A_403 = tpu.vector_load %arg11[%swap3A_401, %swap3A_402] {strides = array<i32>} : memref<64x128xi32, #tpu.memory_space<vmem>>, vector<16xi32>,
      tpu.vector_store %arg11[%swap3A_401, %swap3A_402], %add3A_398 {strides = array<i32>} : memref<64x128xi32, #tpu.memory_space<vmem>>, vector<16xi32>,
      %mul3A_404 = arith.constant 128 : i32
      %mul3A_405 = arith.muli %scan3A_125, %mul3A_404 : i32
      %add3A_406 = arith.constant 64 : i32
      %add3A_407 = arith.addi %mul3A_405, %add3A_406 : i32
      %get3A_408 = arith.index_cast %add3A_407 : i32 to index
      %get3A_409 = tpu.vector_load %arg6[%get3A_408] {strides = array<i32>} : memref<2048xf32, #tpu.memory_space<vmem>>, vector<16xf32>,
      %get3A_410 = arith.index_cast %add3A_407 : i32 to index
      %get3A_411 = tpu.vector_load %arg7[%get3A_410] {strides = array<i32>} : memref<2048xf32, #tpu.memory_space<vmem>>, vector<16xf32>,
      %ge3A_412 = arith.constant 1.000000e+00 : f32
      %ge3A_413 = vector.broadcast %ge3A_412 : f32 to vector<16xf32>
      %ge3A_414 = arith.cmpf oge, %get3A_409, %ge3A_413 : vector<16xf32>
      %add3A_415 = arith.constant 4.096000e+03 : f32
      %add3A_416 = vector.broadcast %add3A_415 : f32 to vector<16xf32>
      %add3A_417 = arith.addf %get3A_409, %add3A_416 : vector<16xf32>
      %select_n3A_418 = arith.select %ge3A_414, %get3A_409, %add3A_417 : vector<16xi1>, vector<16xf32>
      %ge3A_419 = arith.constant 1.000000e+00 : f32
      %ge3A_420 = vector.broadcast %ge3A_419 : f32 to vector<16xf32>
      %ge3A_421 = arith.cmpf oge, %get3A_411, %ge3A_420 : vector<16xf32>
      %add3A_422 = arith.constant 4.096000e+03 : f32
      %add3A_423 = vector.broadcast %add3A_422 : f32 to vector<16xf32>
      %add3A_424 = arith.addf %get3A_411, %add3A_423 : vector<16xf32>
      %select_n3A_425 = arith.select %ge3A_421, %get3A_411, %add3A_424 : vector<16xi1>, vector<16xf32>
      %convert_element_type3A_426 = arith.fptosi %select_n3A_418 : vector<16xf32> to vector<16xi32>
      %convert_element_type3A_427 = arith.fptosi %select_n3A_425 : vector<16xf32> to vector<16xi32>
      %convert_element_type3A_428 = arith.sitofp %convert_element_type3A_426 : vector<16xi32> to vector<16xf32>
      %sub3A_429 = arith.subf %select_n3A_418, %convert_element_type3A_428 : vector<16xf32>
      %swap3A_430 = arith.index_cast %add3A_407 : i32 to index
      %swap3A_431 = tpu.vector_load %arg8[%swap3A_430] {strides = array<i32>} : memref<2048xf32, #tpu.memory_space<vmem>>, vector<16xf32>,
      tpu.vector_store %arg8[%swap3A_430], %sub3A_429 {strides = array<i32>} : memref<2048xf32, #tpu.memory_space<vmem>>, vector<16xf32>,
      %convert_element_type3A_432 = arith.sitofp %convert_element_type3A_427 : vector<16xi32> to vector<16xf32>
      %sub3A_433 = arith.subf %select_n3A_425, %convert_element_type3A_432 : vector<16xf32>
      %swap3A_434 = arith.index_cast %add3A_407 : i32 to index
      %swap3A_435 = tpu.vector_load %arg9[%swap3A_434] {strides = array<i32>} : memref<2048xf32, #tpu.memory_space<vmem>>, vector<16xf32>,
      tpu.vector_store %arg9[%swap3A_434], %sub3A_433 {strides = array<i32>} : memref<2048xf32, #tpu.memory_space<vmem>>, vector<16xf32>,
      %mul3A_436 = arith.constant 4100 : i32
      %mul3A_437 = vector.broadcast %mul3A_436 : i32 to vector<16xi32>
      %mul3A_438 = arith.muli %convert_element_type3A_426, %mul3A_437 : vector<16xi32>
      %add3A_439 = arith.addi %mul3A_438, %convert_element_type3A_427 : vector<16xi32>
      %swap3A_440 = arith.index_cast %add3A_407 : i32 to index
      %swap3A_441 = tpu.vector_load %arg10[%swap3A_440] {strides = array<i32>} : memref<2048xi32, #tpu.memory_space<vmem>>, vector<16xi32>,
      tpu.vector_store %arg10[%swap3A_440], %add3A_439 {strides = array<i32>} : memref<2048xi32, #tpu.memory_space<vmem>>, vector<16xi32>,
      %shift_right_logical3A_442 = arith.constant 1 : i32
      %shift_right_logical3A_443 = vector.broadcast %shift_right_logical3A_442 : i32 to vector<16xi32>
      %shift_right_logical3A_444 = arith.shrui %add3A_439, %shift_right_logical3A_443 : vector<16xi32>
      %add3A_445 = arith.constant 1 : i32
      %add3A_446 = vector.broadcast %add3A_445 : i32 to vector<16xi32>
      %add3A_447 = arith.addi %add3A_439, %add3A_446 : vector<16xi32>
      %shift_right_logical3A_448 = arith.constant 1 : i32
      %shift_right_logical3A_449 = vector.broadcast %shift_right_logical3A_448 : i32 to vector<16xi32>
      %shift_right_logical3A_450 = arith.shrui %add3A_447, %shift_right_logical3A_449 : vector<16xi32>
      %swap3A_451 = arith.index_cast %scan3A_125 : i32 to index
      %swap3A_452 = arith.constant 64 : index
      %swap3A_453 = tpu.vector_load %arg11[%swap3A_451, %swap3A_452] {strides = array<i32>} : memref<64x128xi32, #tpu.memory_space<vmem>>, vector<16xi32>,
      tpu.vector_store %arg11[%swap3A_451, %swap3A_452], %shift_right_logical3A_444 {strides = array<i32>} : memref<64x128xi32, #tpu.memory_space<vmem>>, vector<16xi32>,
      %add3A_454 = arith.constant 16 : i32
      %add3A_455 = arith.addi %add3A_454, %scan3A_125 : i32
      %swap3A_456 = arith.index_cast %add3A_455 : i32 to index
      %swap3A_457 = arith.constant 64 : index
      %swap3A_458 = tpu.vector_load %arg11[%swap3A_456, %swap3A_457] {strides = array<i32>} : memref<64x128xi32, #tpu.memory_space<vmem>>, vector<16xi32>,
      tpu.vector_store %arg11[%swap3A_456, %swap3A_457], %shift_right_logical3A_450 {strides = array<i32>} : memref<64x128xi32, #tpu.memory_space<vmem>>, vector<16xi32>,
      %add3A_459 = arith.constant 2050 : i32
      %add3A_460 = vector.broadcast %add3A_459 : i32 to vector<16xi32>
      %add3A_461 = arith.addi %shift_right_logical3A_444, %add3A_460 : vector<16xi32>
      %add3A_462 = arith.constant 32 : i32
      %add3A_463 = arith.addi %add3A_462, %scan3A_125 : i32
      %swap3A_464 = arith.index_cast %add3A_463 : i32 to index
      %swap3A_465 = arith.constant 64 : index
      %swap3A_466 = tpu.vector_load %arg11[%swap3A_464, %swap3A_465] {strides = array<i32>} : memref<64x128xi32, #tpu.memory_space<vmem>>, vector<16xi32>,
      tpu.vector_store %arg11[%swap3A_464, %swap3A_465], %add3A_461 {strides = array<i32>} : memref<64x128xi32, #tpu.memory_space<vmem>>, vector<16xi32>,
      %add3A_467 = arith.constant 2050 : i32
      %add3A_468 = vector.broadcast %add3A_467 : i32 to vector<16xi32>
      %add3A_469 = arith.addi %shift_right_logical3A_450, %add3A_468 : vector<16xi32>
      %add3A_470 = arith.constant 48 : i32
      %add3A_471 = arith.addi %add3A_470, %scan3A_125 : i32
      %swap3A_472 = arith.index_cast %add3A_471 : i32 to index
      %swap3A_473 = arith.constant 64 : index
      %swap3A_474 = tpu.vector_load %arg11[%swap3A_472, %swap3A_473] {strides = array<i32>} : memref<64x128xi32, #tpu.memory_space<vmem>>, vector<16xi32>,
      tpu.vector_store %arg11[%swap3A_472, %swap3A_473], %add3A_469 {strides = array<i32>} : memref<64x128xi32, #tpu.memory_space<vmem>>, vector<16xi32>,
      %mul3A_475 = arith.constant 128 : i32
      %mul3A_476 = arith.muli %scan3A_125, %mul3A_475 : i32
      %add3A_477 = arith.constant 80 : i32
      %add3A_478 = arith.addi %mul3A_476, %add3A_477 : i32
      %get3A_479 = arith.index_cast %add3A_478 : i32 to index
      %get3A_480 = tpu.vector_load %arg6[%get3A_479] {strides = array<i32>} : memref<2048xf32, #tpu.memory_space<vmem>>, vector<16xf32>,
      %get3A_481 = arith.index_cast %add3A_478 : i32 to index
      %get3A_482 = tpu.vector_load %arg7[%get3A_481] {strides = array<i32>} : memref<2048xf32, #tpu.memory_space<vmem>>, vector<16xf32>,
      %ge3A_483 = arith.constant 1.000000e+00 : f32
      %ge3A_484 = vector.broadcast %ge3A_483 : f32 to vector<16xf32>
      %ge3A_485 = arith.cmpf oge, %get3A_480, %ge3A_484 : vector<16xf32>
      %add3A_486 = arith.constant 4.096000e+03 : f32
      %add3A_487 = vector.broadcast %add3A_486 : f32 to vector<16xf32>
      %add3A_488 = arith.addf %get3A_480, %add3A_487 : vector<16xf32>
      %select_n3A_489 = arith.select %ge3A_485, %get3A_480, %add3A_488 : vector<16xi1>, vector<16xf32>
      %ge3A_490 = arith.constant 1.000000e+00 : f32
      %ge3A_491 = vector.broadcast %ge3A_490 : f32 to vector<16xf32>
      %ge3A_492 = arith.cmpf oge, %get3A_482, %ge3A_491 : vector<16xf32>
      %add3A_493 = arith.constant 4.096000e+03 : f32
      %add3A_494 = vector.broadcast %add3A_493 : f32 to vector<16xf32>
      %add3A_495 = arith.addf %get3A_482, %add3A_494 : vector<16xf32>
      %select_n3A_496 = arith.select %ge3A_492, %get3A_482, %add3A_495 : vector<16xi1>, vector<16xf32>
      %convert_element_type3A_497 = arith.fptosi %select_n3A_489 : vector<16xf32> to vector<16xi32>
      %convert_element_type3A_498 = arith.fptosi %select_n3A_496 : vector<16xf32> to vector<16xi32>
      %convert_element_type3A_499 = arith.sitofp %convert_element_type3A_497 : vector<16xi32> to vector<16xf32>
      %sub3A_500 = arith.subf %select_n3A_489, %convert_element_type3A_499 : vector<16xf32>
      %swap3A_501 = arith.index_cast %add3A_478 : i32 to index
      %swap3A_502 = tpu.vector_load %arg8[%swap3A_501] {strides = array<i32>} : memref<2048xf32, #tpu.memory_space<vmem>>, vector<16xf32>,
      tpu.vector_store %arg8[%swap3A_501], %sub3A_500 {strides = array<i32>} : memref<2048xf32, #tpu.memory_space<vmem>>, vector<16xf32>,
      %convert_element_type3A_503 = arith.sitofp %convert_element_type3A_498 : vector<16xi32> to vector<16xf32>
      %sub3A_504 = arith.subf %select_n3A_496, %convert_element_type3A_503 : vector<16xf32>
      %swap3A_505 = arith.index_cast %add3A_478 : i32 to index
      %swap3A_506 = tpu.vector_load %arg9[%swap3A_505] {strides = array<i32>} : memref<2048xf32, #tpu.memory_space<vmem>>, vector<16xf32>,
      tpu.vector_store %arg9[%swap3A_505], %sub3A_504 {strides = array<i32>} : memref<2048xf32, #tpu.memory_space<vmem>>, vector<16xf32>,
      %mul3A_507 = arith.constant 4100 : i32
      %mul3A_508 = vector.broadcast %mul3A_507 : i32 to vector<16xi32>
      %mul3A_509 = arith.muli %convert_element_type3A_497, %mul3A_508 : vector<16xi32>
      %add3A_510 = arith.addi %mul3A_509, %convert_element_type3A_498 : vector<16xi32>
      %swap3A_511 = arith.index_cast %add3A_478 : i32 to index
      %swap3A_512 = tpu.vector_load %arg10[%swap3A_511] {strides = array<i32>} : memref<2048xi32, #tpu.memory_space<vmem>>, vector<16xi32>,
      tpu.vector_store %arg10[%swap3A_511], %add3A_510 {strides = array<i32>} : memref<2048xi32, #tpu.memory_space<vmem>>, vector<16xi32>,
      %shift_right_logical3A_513 = arith.constant 1 : i32
      %shift_right_logical3A_514 = vector.broadcast %shift_right_logical3A_513 : i32 to vector<16xi32>
      %shift_right_logical3A_515 = arith.shrui %add3A_510, %shift_right_logical3A_514 : vector<16xi32>
      %add3A_516 = arith.constant 1 : i32
      %add3A_517 = vector.broadcast %add3A_516 : i32 to vector<16xi32>
      %add3A_518 = arith.addi %add3A_510, %add3A_517 : vector<16xi32>
      %shift_right_logical3A_519 = arith.constant 1 : i32
      %shift_right_logical3A_520 = vector.broadcast %shift_right_logical3A_519 : i32 to vector<16xi32>
      %shift_right_logical3A_521 = arith.shrui %add3A_518, %shift_right_logical3A_520 : vector<16xi32>
      %swap3A_522 = arith.index_cast %scan3A_125 : i32 to index
      %swap3A_523 = arith.constant 80 : index
      %swap3A_524 = tpu.vector_load %arg11[%swap3A_522, %swap3A_523] {strides = array<i32>} : memref<64x128xi32, #tpu.memory_space<vmem>>, vector<16xi32>,
      tpu.vector_store %arg11[%swap3A_522, %swap3A_523], %shift_right_logical3A_515 {strides = array<i32>} : memref<64x128xi32, #tpu.memory_space<vmem>>, vector<16xi32>,
      %add3A_525 = arith.constant 16 : i32
      %add3A_526 = arith.addi %add3A_525, %scan3A_125 : i32
      %swap3A_527 = arith.index_cast %add3A_526 : i32 to index
      %swap3A_528 = arith.constant 80 : index
      %swap3A_529 = tpu.vector_load %arg11[%swap3A_527, %swap3A_528] {strides = array<i32>} : memref<64x128xi32, #tpu.memory_space<vmem>>, vector<16xi32>,
      tpu.vector_store %arg11[%swap3A_527, %swap3A_528], %shift_right_logical3A_521 {strides = array<i32>} : memref<64x128xi32, #tpu.memory_space<vmem>>, vector<16xi32>,
      %add3A_530 = arith.constant 2050 : i32
      %add3A_531 = vector.broadcast %add3A_530 : i32 to vector<16xi32>
      %add3A_532 = arith.addi %shift_right_logical3A_515, %add3A_531 : vector<16xi32>
      %add3A_533 = arith.constant 32 : i32
      %add3A_534 = arith.addi %add3A_533, %scan3A_125 : i32
      %swap3A_535 = arith.index_cast %add3A_534 : i32 to index
      %swap3A_536 = arith.constant 80 : index
      %swap3A_537 = tpu.vector_load %arg11[%swap3A_535, %swap3A_536] {strides = array<i32>} : memref<64x128xi32, #tpu.memory_space<vmem>>, vector<16xi32>,
      tpu.vector_store %arg11[%swap3A_535, %swap3A_536], %add3A_532 {strides = array<i32>} : memref<64x128xi32, #tpu.memory_space<vmem>>, vector<16xi32>,
      %add3A_538 = arith.constant 2050 : i32
      %add3A_539 = vector.broadcast %add3A_538 : i32 to vector<16xi32>
      %add3A_540 = arith.addi %shift_right_logical3A_521, %add3A_539 : vector<16xi32>
      %add3A_541 = arith.constant 48 : i32
      %add3A_542 = arith.addi %add3A_541, %scan3A_125 : i32
      %swap3A_543 = arith.index_cast %add3A_542 : i32 to index
      %swap3A_544 = arith.constant 80 : index
      %swap3A_545 = tpu.vector_load %arg11[%swap3A_543, %swap3A_544] {strides = array<i32>} : memref<64x128xi32, #tpu.memory_space<vmem>>, vector<16xi32>,
      tpu.vector_store %arg11[%swap3A_543, %swap3A_544], %add3A_540 {strides = array<i32>} : memref<64x128xi32, #tpu.memory_space<vmem>>, vector<16xi32>,
      %mul3A_546 = arith.constant 128 : i32
      %mul3A_547 = arith.muli %scan3A_125, %mul3A_546 : i32
      %add3A_548 = arith.constant 96 : i32
      %add3A_549 = arith.addi %mul3A_547, %add3A_548 : i32
      %get3A_550 = arith.index_cast %add3A_549 : i32 to index
      %get3A_551 = tpu.vector_load %arg6[%get3A_550] {strides = array<i32>} : memref<2048xf32, #tpu.memory_space<vmem>>, vector<16xf32>,
      %get3A_552 = arith.index_cast %add3A_549 : i32 to index
      %get3A_553 = tpu.vector_load %arg7[%get3A_552] {strides = array<i32>} : memref<2048xf32, #tpu.memory_space<vmem>>, vector<16xf32>,
      %ge3A_554 = arith.constant 1.000000e+00 : f32
      %ge3A_555 = vector.broadcast %ge3A_554 : f32 to vector<16xf32>
      %ge3A_556 = arith.cmpf oge, %get3A_551, %ge3A_555 : vector<16xf32>
      %add3A_557 = arith.constant 4.096000e+03 : f32
      %add3A_558 = vector.broadcast %add3A_557 : f32 to vector<16xf32>
      %add3A_559 = arith.addf %get3A_551, %add3A_558 : vector<16xf32>
      %select_n3A_560 = arith.select %ge3A_556, %get3A_551, %add3A_559 : vector<16xi1>, vector<16xf32>
      %ge3A_561 = arith.constant 1.000000e+00 : f32
      %ge3A_562 = vector.broadcast %ge3A_561 : f32 to vector<16xf32>
      %ge3A_563 = arith.cmpf oge, %get3A_553, %ge3A_562 : vector<16xf32>
      %add3A_564 = arith.constant 4.096000e+03 : f32
      %add3A_565 = vector.broadcast %add3A_564 : f32 to vector<16xf32>
      %add3A_566 = arith.addf %get3A_553, %add3A_565 : vector<16xf32>
      %select_n3A_567 = arith.select %ge3A_563, %get3A_553, %add3A_566 : vector<16xi1>, vector<16xf32>
      %convert_element_type3A_568 = arith.fptosi %select_n3A_560 : vector<16xf32> to vector<16xi32>
      %convert_element_type3A_569 = arith.fptosi %select_n3A_567 : vector<16xf32> to vector<16xi32>
      %convert_element_type3A_570 = arith.sitofp %convert_element_type3A_568 : vector<16xi32> to vector<16xf32>
      %sub3A_571 = arith.subf %select_n3A_560, %convert_element_type3A_570 : vector<16xf32>
      %swap3A_572 = arith.index_cast %add3A_549 : i32 to index
      %swap3A_573 = tpu.vector_load %arg8[%swap3A_572] {strides = array<i32>} : memref<2048xf32, #tpu.memory_space<vmem>>, vector<16xf32>,
      tpu.vector_store %arg8[%swap3A_572], %sub3A_571 {strides = array<i32>} : memref<2048xf32, #tpu.memory_space<vmem>>, vector<16xf32>,
      %convert_element_type3A_574 = arith.sitofp %convert_element_type3A_569 : vector<16xi32> to vector<16xf32>
      %sub3A_575 = arith.subf %select_n3A_567, %convert_element_type3A_574 : vector<16xf32>
      %swap3A_576 = arith.index_cast %add3A_549 : i32 to index
      %swap3A_577 = tpu.vector_load %arg9[%swap3A_576] {strides = array<i32>} : memref<2048xf32, #tpu.memory_space<vmem>>, vector<16xf32>,
      tpu.vector_store %arg9[%swap3A_576], %sub3A_575 {strides = array<i32>} : memref<2048xf32, #tpu.memory_space<vmem>>, vector<16xf32>,
      %mul3A_578 = arith.constant 4100 : i32
      %mul3A_579 = vector.broadcast %mul3A_578 : i32 to vector<16xi32>
      %mul3A_580 = arith.muli %convert_element_type3A_568, %mul3A_579 : vector<16xi32>
      %add3A_581 = arith.addi %mul3A_580, %convert_element_type3A_569 : vector<16xi32>
      %swap3A_582 = arith.index_cast %add3A_549 : i32 to index
      %swap3A_583 = tpu.vector_load %arg10[%swap3A_582] {strides = array<i32>} : memref<2048xi32, #tpu.memory_space<vmem>>, vector<16xi32>,
      tpu.vector_store %arg10[%swap3A_582], %add3A_581 {strides = array<i32>} : memref<2048xi32, #tpu.memory_space<vmem>>, vector<16xi32>,
      %shift_right_logical3A_584 = arith.constant 1 : i32
      %shift_right_logical3A_585 = vector.broadcast %shift_right_logical3A_584 : i32 to vector<16xi32>
      %shift_right_logical3A_586 = arith.shrui %add3A_581, %shift_right_logical3A_585 : vector<16xi32>
      %add3A_587 = arith.constant 1 : i32
      %add3A_588 = vector.broadcast %add3A_587 : i32 to vector<16xi32>
      %add3A_589 = arith.addi %add3A_581, %add3A_588 : vector<16xi32>
      %shift_right_logical3A_590 = arith.constant 1 : i32
      %shift_right_logical3A_591 = vector.broadcast %shift_right_logical3A_590 : i32 to vector<16xi32>
      %shift_right_logical3A_592 = arith.shrui %add3A_589, %shift_right_logical3A_591 : vector<16xi32>
      %swap3A_593 = arith.index_cast %scan3A_125 : i32 to index
      %swap3A_594 = arith.constant 96 : index
      %swap3A_595 = tpu.vector_load %arg11[%swap3A_593, %swap3A_594] {strides = array<i32>} : memref<64x128xi32, #tpu.memory_space<vmem>>, vector<16xi32>,
      tpu.vector_store %arg11[%swap3A_593, %swap3A_594], %shift_right_logical3A_586 {strides = array<i32>} : memref<64x128xi32, #tpu.memory_space<vmem>>, vector<16xi32>,
      %add3A_596 = arith.constant 16 : i32
      %add3A_597 = arith.addi %add3A_596, %scan3A_125 : i32
      %swap3A_598 = arith.index_cast %add3A_597 : i32 to index
      %swap3A_599 = arith.constant 96 : index
      %swap3A_600 = tpu.vector_load %arg11[%swap3A_598, %swap3A_599] {strides = array<i32>} : memref<64x128xi32, #tpu.memory_space<vmem>>, vector<16xi32>,
      tpu.vector_store %arg11[%swap3A_598, %swap3A_599], %shift_right_logical3A_592 {strides = array<i32>} : memref<64x128xi32, #tpu.memory_space<vmem>>, vector<16xi32>,
      %add3A_601 = arith.constant 2050 : i32
      %add3A_602 = vector.broadcast %add3A_601 : i32 to vector<16xi32>
      %add3A_603 = arith.addi %shift_right_logical3A_586, %add3A_602 : vector<16xi32>
      %add3A_604 = arith.constant 32 : i32
      %add3A_605 = arith.addi %add3A_604, %scan3A_125 : i32
      %swap3A_606 = arith.index_cast %add3A_605 : i32 to index
      %swap3A_607 = arith.constant 96 : index
      %swap3A_608 = tpu.vector_load %arg11[%swap3A_606, %swap3A_607] {strides = array<i32>} : memref<64x128xi32, #tpu.memory_space<vmem>>, vector<16xi32>,
      tpu.vector_store %arg11[%swap3A_606, %swap3A_607], %add3A_603 {strides = array<i32>} : memref<64x128xi32, #tpu.memory_space<vmem>>, vector<16xi32>,
      %add3A_609 = arith.constant 2050 : i32
      %add3A_610 = vector.broadcast %add3A_609 : i32 to vector<16xi32>
      %add3A_611 = arith.addi %shift_right_logical3A_592, %add3A_610 : vector<16xi32>
      %add3A_612 = arith.constant 48 : i32
      %add3A_613 = arith.addi %add3A_612, %scan3A_125 : i32
      %swap3A_614 = arith.index_cast %add3A_613 : i32 to index
      %swap3A_615 = arith.constant 96 : index
      %swap3A_616 = tpu.vector_load %arg11[%swap3A_614, %swap3A_615] {strides = array<i32>} : memref<64x128xi32, #tpu.memory_space<vmem>>, vector<16xi32>,
      tpu.vector_store %arg11[%swap3A_614, %swap3A_615], %add3A_611 {strides = array<i32>} : memref<64x128xi32, #tpu.memory_space<vmem>>, vector<16xi32>,
      %mul3A_617 = arith.constant 128 : i32
      %mul3A_618 = arith.muli %scan3A_125, %mul3A_617 : i32
      %add3A_619 = arith.constant 112 : i32
      %add3A_620 = arith.addi %mul3A_618, %add3A_619 : i32
      %get3A_621 = arith.index_cast %add3A_620 : i32 to index
      %get3A_622 = tpu.vector_load %arg6[%get3A_621] {strides = array<i32>} : memref<2048xf32, #tpu.memory_space<vmem>>, vector<16xf32>,
      %get3A_623 = arith.index_cast %add3A_620 : i32 to index
      %get3A_624 = tpu.vector_load %arg7[%get3A_623] {strides = array<i32>} : memref<2048xf32, #tpu.memory_space<vmem>>, vector<16xf32>,
      %ge3A_625 = arith.constant 1.000000e+00 : f32
      %ge3A_626 = vector.broadcast %ge3A_625 : f32 to vector<16xf32>
      %ge3A_627 = arith.cmpf oge, %get3A_622, %ge3A_626 : vector<16xf32>
      %add3A_628 = arith.constant 4.096000e+03 : f32
      %add3A_629 = vector.broadcast %add3A_628 : f32 to vector<16xf32>
      %add3A_630 = arith.addf %get3A_622, %add3A_629 : vector<16xf32>
      %select_n3A_631 = arith.select %ge3A_627, %get3A_622, %add3A_630 : vector<16xi1>, vector<16xf32>
      %ge3A_632 = arith.constant 1.000000e+00 : f32
      %ge3A_633 = vector.broadcast %ge3A_632 : f32 to vector<16xf32>
      %ge3A_634 = arith.cmpf oge, %get3A_624, %ge3A_633 : vector<16xf32>
      %add3A_635 = arith.constant 4.096000e+03 : f32
      %add3A_636 = vector.broadcast %add3A_635 : f32 to vector<16xf32>
      %add3A_637 = arith.addf %get3A_624, %add3A_636 : vector<16xf32>
      %select_n3A_638 = arith.select %ge3A_634, %get3A_624, %add3A_637 : vector<16xi1>, vector<16xf32>
      %convert_element_type3A_639 = arith.fptosi %select_n3A_631 : vector<16xf32> to vector<16xi32>
      %convert_element_type3A_640 = arith.fptosi %select_n3A_638 : vector<16xf32> to vector<16xi32>
      %convert_element_type3A_641 = arith.sitofp %convert_element_type3A_639 : vector<16xi32> to vector<16xf32>
      %sub3A_642 = arith.subf %select_n3A_631, %convert_element_type3A_641 : vector<16xf32>
      %swap3A_643 = arith.index_cast %add3A_620 : i32 to index
      %swap3A_644 = tpu.vector_load %arg8[%swap3A_643] {strides = array<i32>} : memref<2048xf32, #tpu.memory_space<vmem>>, vector<16xf32>,
      tpu.vector_store %arg8[%swap3A_643], %sub3A_642 {strides = array<i32>} : memref<2048xf32, #tpu.memory_space<vmem>>, vector<16xf32>,
      %convert_element_type3A_645 = arith.sitofp %convert_element_type3A_640 : vector<16xi32> to vector<16xf32>
      %sub3A_646 = arith.subf %select_n3A_638, %convert_element_type3A_645 : vector<16xf32>
      %swap3A_647 = arith.index_cast %add3A_620 : i32 to index
      %swap3A_648 = tpu.vector_load %arg9[%swap3A_647] {strides = array<i32>} : memref<2048xf32, #tpu.memory_space<vmem>>, vector<16xf32>,
      tpu.vector_store %arg9[%swap3A_647], %sub3A_646 {strides = array<i32>} : memref<2048xf32, #tpu.memory_space<vmem>>, vector<16xf32>,
      %mul3A_649 = arith.constant 4100 : i32
      %mul3A_650 = vector.broadcast %mul3A_649 : i32 to vector<16xi32>
      %mul3A_651 = arith.muli %convert_element_type3A_639, %mul3A_650 : vector<16xi32>
      %add3A_652 = arith.addi %mul3A_651, %convert_element_type3A_640 : vector<16xi32>
      %swap3A_653 = arith.index_cast %add3A_620 : i32 to index
      %swap3A_654 = tpu.vector_load %arg10[%swap3A_653] {strides = array<i32>} : memref<2048xi32, #tpu.memory_space<vmem>>, vector<16xi32>,
      tpu.vector_store %arg10[%swap3A_653], %add3A_652 {strides = array<i32>} : memref<2048xi32, #tpu.memory_space<vmem>>, vector<16xi32>,
      %shift_right_logical3A_655 = arith.constant 1 : i32
      %shift_right_logical3A_656 = vector.broadcast %shift_right_logical3A_655 : i32 to vector<16xi32>
      %shift_right_logical3A_657 = arith.shrui %add3A_652, %shift_right_logical3A_656 : vector<16xi32>
      %add3A_658 = arith.constant 1 : i32
      %add3A_659 = vector.broadcast %add3A_658 : i32 to vector<16xi32>
      %add3A_660 = arith.addi %add3A_652, %add3A_659 : vector<16xi32>
      %shift_right_logical3A_661 = arith.constant 1 : i32
      %shift_right_logical3A_662 = vector.broadcast %shift_right_logical3A_661 : i32 to vector<16xi32>
      %shift_right_logical3A_663 = arith.shrui %add3A_660, %shift_right_logical3A_662 : vector<16xi32>
      %swap3A_664 = arith.index_cast %scan3A_125 : i32 to index
      %swap3A_665 = arith.constant 112 : index
      %swap3A_666 = tpu.vector_load %arg11[%swap3A_664, %swap3A_665] {strides = array<i32>} : memref<64x128xi32, #tpu.memory_space<vmem>>, vector<16xi32>,
      tpu.vector_store %arg11[%swap3A_664, %swap3A_665], %shift_right_logical3A_657 {strides = array<i32>} : memref<64x128xi32, #tpu.memory_space<vmem>>, vector<16xi32>,
      %add3A_667 = arith.constant 16 : i32
      %add3A_668 = arith.addi %add3A_667, %scan3A_125 : i32
      %swap3A_669 = arith.index_cast %add3A_668 : i32 to index
      %swap3A_670 = arith.constant 112 : index
      %swap3A_671 = tpu.vector_load %arg11[%swap3A_669, %swap3A_670] {strides = array<i32>} : memref<64x128xi32, #tpu.memory_space<vmem>>, vector<16xi32>,
      tpu.vector_store %arg11[%swap3A_669, %swap3A_670], %shift_right_logical3A_663 {strides = array<i32>} : memref<64x128xi32, #tpu.memory_space<vmem>>, vector<16xi32>,
      %add3A_672 = arith.constant 2050 : i32
      %add3A_673 = vector.broadcast %add3A_672 : i32 to vector<16xi32>
      %add3A_674 = arith.addi %shift_right_logical3A_657, %add3A_673 : vector<16xi32>
      %add3A_675 = arith.constant 32 : i32
      %add3A_676 = arith.addi %add3A_675, %scan3A_125 : i32
      %swap3A_677 = arith.index_cast %add3A_676 : i32 to index
      %swap3A_678 = arith.constant 112 : index
      %swap3A_679 = tpu.vector_load %arg11[%swap3A_677, %swap3A_678] {strides = array<i32>} : memref<64x128xi32, #tpu.memory_space<vmem>>, vector<16xi32>,
      tpu.vector_store %arg11[%swap3A_677, %swap3A_678], %add3A_674 {strides = array<i32>} : memref<64x128xi32, #tpu.memory_space<vmem>>, vector<16xi32>,
      %add3A_680 = arith.constant 2050 : i32
      %add3A_681 = vector.broadcast %add3A_680 : i32 to vector<16xi32>
      %add3A_682 = arith.addi %shift_right_logical3A_663, %add3A_681 : vector<16xi32>
      %add3A_683 = arith.constant 48 : i32
      %add3A_684 = arith.addi %add3A_683, %scan3A_125 : i32
      %swap3A_685 = arith.index_cast %add3A_684 : i32 to index
      %swap3A_686 = arith.constant 112 : index
      %swap3A_687 = tpu.vector_load %arg11[%swap3A_685, %swap3A_686] {strides = array<i32>} : memref<64x128xi32, #tpu.memory_space<vmem>>, vector<16xi32>,
      tpu.vector_store %arg11[%swap3A_685, %swap3A_686], %add3A_682 {strides = array<i32>} : memref<64x128xi32, #tpu.memory_space<vmem>>, vector<16xi32>,
      %add3A_688 = arith.constant 0 : i32
      %add3A_689 = arith.addi %add3A_688, %scan3A_125 : i32
      %mul3A_690 = arith.constant 128 : i32
      %mul3A_691 = arith.muli %add3A_689, %mul3A_690 : i32
      %dma_start3A = arith.constant 0 : i32
      %dma_start3A_692 = tpu.memref_slice %arg12[%mul3A_691, %dma_start3A] : memref<8192x8xf32, #tpu.memory_space<vmem>> -> memref<128x8xf32, #tpu.memory_space<vmem>>
      %dma_start3A_693 = arith.constant 0 : i32
      %dma_start3A_694 = tpu.memref_slice %arg11[%add3A_689, %dma_start3A_693] : memref<64x128xi32, #tpu.memory_space<vmem>> -> memref<1x128xi32, #tpu.memory_space<vmem>>
      %dma_start3A_695 = tpu.memref_squeeze %dma_start3A_694 : memref<1x128xi32, #tpu.memory_space<vmem>> -> memref<128xi32, #tpu.memory_space<vmem>>
      %dma_start3A_696 = arith.constant 0 : i32
      %dma_start3A_697 = arith.constant 0 : i32
      %dma_start3A_698 = tpu.memref_slice %arg4[%dma_start3A_696, %dma_start3A_697] : memref<8405000x8xf32, #tpu.memory_space<hbm>> -> memref<8405000x8xf32, #tpu.memory_space<hbm>>
      tpu.enqueue_indirect_dma source(%dma_start3A_698 : memref<8405000x8xf32, #tpu.memory_space<hbm>>) target(%dma_start3A_692 : memref<128x8xf32, #tpu.memory_space<vmem>>) offsets(%dma_start3A_695 : memref<128xi32, #tpu.memory_space<vmem>>) semaphore(%arg14 : memref<!tpu.dma_semaphore, #tpu.memory_space<semaphore_mem>>)
      %add3A_699 = arith.constant 16 : i32
      %add3A_700 = arith.addi %add3A_699, %scan3A_125 : i32
      %mul3A_701 = arith.constant 128 : i32
      %mul3A_702 = arith.muli %add3A_700, %mul3A_701 : i32
      %dma_start3A_703 = arith.constant 0 : i32
      %dma_start3A_704 = tpu.memref_slice %arg12[%mul3A_702, %dma_start3A_703] : memref<8192x8xf32, #tpu.memory_space<vmem>> -> memref<128x8xf32, #tpu.memory_space<vmem>>
      %dma_start3A_705 = arith.constant 0 : i32
      %dma_start3A_706 = tpu.memref_slice %arg11[%add3A_700, %dma_start3A_705] : memref<64x128xi32, #tpu.memory_space<vmem>> -> memref<1x128xi32, #tpu.memory_space<vmem>>
      %dma_start3A_707 = tpu.memref_squeeze %dma_start3A_706 : memref<1x128xi32, #tpu.memory_space<vmem>> -> memref<128xi32, #tpu.memory_space<vmem>>
      %dma_start3A_708 = arith.constant 0 : i32
      %dma_start3A_709 = arith.constant 0 : i32
      %dma_start3A_710 = tpu.memref_slice %arg4[%dma_start3A_708, %dma_start3A_709] : memref<8405000x8xf32, #tpu.memory_space<hbm>> -> memref<8405000x8xf32, #tpu.memory_space<hbm>>
      tpu.enqueue_indirect_dma source(%dma_start3A_710 : memref<8405000x8xf32, #tpu.memory_space<hbm>>) target(%dma_start3A_704 : memref<128x8xf32, #tpu.memory_space<vmem>>) offsets(%dma_start3A_707 : memref<128xi32, #tpu.memory_space<vmem>>) semaphore(%arg14 : memref<!tpu.dma_semaphore, #tpu.memory_space<semaphore_mem>>)
      %add3A_711 = arith.constant 32 : i32
      %add3A_712 = arith.addi %add3A_711, %scan3A_125 : i32
      %mul3A_713 = arith.constant 128 : i32
      %mul3A_714 = arith.muli %add3A_712, %mul3A_713 : i32
      %dma_start3A_715 = arith.constant 0 : i32
      %dma_start3A_716 = tpu.memref_slice %arg12[%mul3A_714, %dma_start3A_715] : memref<8192x8xf32, #tpu.memory_space<vmem>> -> memref<128x8xf32, #tpu.memory_space<vmem>>
      %dma_start3A_717 = arith.constant 0 : i32
      %dma_start3A_718 = tpu.memref_slice %arg11[%add3A_712, %dma_start3A_717] : memref<64x128xi32, #tpu.memory_space<vmem>> -> memref<1x128xi32, #tpu.memory_space<vmem>>
      %dma_start3A_719 = tpu.memref_squeeze %dma_start3A_718 : memref<1x128xi32, #tpu.memory_space<vmem>> -> memref<128xi32, #tpu.memory_space<vmem>>
      %dma_start3A_720 = arith.constant 0 : i32
      %dma_start3A_721 = arith.constant 0 : i32
      %dma_start3A_722 = tpu.memref_slice %arg4[%dma_start3A_720, %dma_start3A_721] : memref<8405000x8xf32, #tpu.memory_space<hbm>> -> memref<8405000x8xf32, #tpu.memory_space<hbm>>
      tpu.enqueue_indirect_dma source(%dma_start3A_722 : memref<8405000x8xf32, #tpu.memory_space<hbm>>) target(%dma_start3A_716 : memref<128x8xf32, #tpu.memory_space<vmem>>) offsets(%dma_start3A_719 : memref<128xi32, #tpu.memory_space<vmem>>) semaphore(%arg14 : memref<!tpu.dma_semaphore, #tpu.memory_space<semaphore_mem>>)
      %add3A_723 = arith.constant 48 : i32
      %add3A_724 = arith.addi %add3A_723, %scan3A_125 : i32
      %mul3A_725 = arith.constant 128 : i32
      %mul3A_726 = arith.muli %add3A_724, %mul3A_725 : i32
      %dma_start3A_727 = arith.constant 0 : i32
      %dma_start3A_728 = tpu.memref_slice %arg12[%mul3A_726, %dma_start3A_727] : memref<8192x8xf32, #tpu.memory_space<vmem>> -> memref<128x8xf32, #tpu.memory_space<vmem>>
      %dma_start3A_729 = arith.constant 0 : i32
      %dma_start3A_730 = tpu.memref_slice %arg11[%add3A_724, %dma_start3A_729] : memref<64x128xi32, #tpu.memory_space<vmem>> -> memref<1x128xi32, #tpu.memory_space<vmem>>
      %dma_start3A_731 = tpu.memref_squeeze %dma_start3A_730 : memref<1x128xi32, #tpu.memory_space<vmem>> -> memref<128xi32, #tpu.memory_space<vmem>>
      %dma_start3A_732 = arith.constant 0 : i32
      %dma_start3A_733 = arith.constant 0 : i32
      %dma_start3A_734 = tpu.memref_slice %arg4[%dma_start3A_732, %dma_start3A_733] : memref<8405000x8xf32, #tpu.memory_space<hbm>> -> memref<8405000x8xf32, #tpu.memory_space<hbm>>
      tpu.enqueue_indirect_dma source(%dma_start3A_734 : memref<8405000x8xf32, #tpu.memory_space<hbm>>) target(%dma_start3A_728 : memref<128x8xf32, #tpu.memory_space<vmem>>) offsets(%dma_start3A_731 : memref<128xi32, #tpu.memory_space<vmem>>) semaphore(%arg14 : memref<!tpu.dma_semaphore, #tpu.memory_space<semaphore_mem>>)
      %scan3A_735 = arith.constant 0 : i32
      scf.yield %scan3A_735 : i32
    }
    %scan3A_40 = arith.constant 16 : i32
    %scan3A_41 = arith.constant 0 : i32
    %scan3A_42 = arith.constant 0 : i32
    %scan3A_43 = arith.constant 64 : i32
    %scan3A_44 = arith.addi %scan3A_42, %scan3A_43 : i32
    %scan3A_45 = arith.constant 1 : i32
    %scan3A_46 = scf.for %scan3A_125 = %scan3A_42 to %scan3A_44 step %scan3A_45 iter_args(%scan3A_126 = %scan3A_41) -> (i32)  : i32 {
      %mul3A_127 = arith.constant 128 : i32
      %mul3A_128 = arith.muli %scan3A_125, %mul3A_127 : i32
      %dma_wait3A = arith.constant 0 : i32
      %dma_wait3A_129 = tpu.memref_slice %arg12[%mul3A_128, %dma_wait3A] : memref<8192x8xf32, #tpu.memory_space<vmem>> -> memref<128x8xf32, #tpu.memory_space<vmem>>
      %dma_wait3A_130 = arith.constant 0 : i32
      %dma_wait3A_131 = tpu.memref_slice %arg11[%scan3A_125, %dma_wait3A_130] : memref<64x128xi32, #tpu.memory_space<vmem>> -> memref<1x128xi32, #tpu.memory_space<vmem>>
      %dma_wait3A_132 = tpu.memref_squeeze %dma_wait3A_131 : memref<1x128xi32, #tpu.memory_space<vmem>> -> memref<128xi32, #tpu.memory_space<vmem>>
      %dma_wait3A_133 = arith.constant 0 : i32
      %dma_wait3A_134 = arith.constant 0 : i32
      %dma_wait3A_135 = tpu.memref_slice %arg4[%dma_wait3A_133, %dma_wait3A_134] : memref<8405000x8xf32, #tpu.memory_space<hbm>> -> memref<8405000x8xf32, #tpu.memory_space<hbm>>
      tpu.wait_indirect_dma semaphore(%arg14 : memref<!tpu.dma_semaphore, #tpu.memory_space<semaphore_mem>>) src(%dma_wait3A_135 : memref<8405000x8xf32, #tpu.memory_space<hbm>>) dst(%dma_wait3A_129 : memref<128x8xf32, #tpu.memory_space<vmem>>)
      %scan3A_136 = arith.constant 0 : i32
      scf.yield %scan3A_136 : i32
    }
    %scan3A_47 = arith.constant 64 : i32
    %scan3A_48 = arith.constant 0 : i32
    %scan3A_49 = arith.constant 0 : i32
    %scan3A_50 = arith.constant 128 : i32
    %scan3A_51 = arith.addi %scan3A_49, %scan3A_50 : i32
    %scan3A_52 = arith.constant 1 : i32
    %scan3A_53 = scf.for %scan3A_125 = %scan3A_49 to %scan3A_51 step %scan3A_52 iter_args(%scan3A_126 = %scan3A_48) -> (i32)  : i32 {
      %mul3A_127 = arith.constant 16 : i32
      %mul3A_128 = arith.muli %scan3A_125, %mul3A_127 : i32
      %add3A_129 = vector.broadcast %mul3A_128 : i32 to vector<16xi32>
      %add3A_130 = arith.addi %add3A_129, %iota3A : vector<16xi32>
      %get3A = arith.index_cast %mul3A_128 : i32 to index
      %get3A_131 = tpu.vector_load %arg8[%get3A] {strides = array<i32>} : memref<2048xf32, #tpu.memory_space<vmem>>, vector<16xf32>,
      %get3A_132 = arith.index_cast %mul3A_128 : i32 to index
      %get3A_133 = tpu.vector_load %arg9[%get3A_132] {strides = array<i32>} : memref<2048xf32, #tpu.memory_space<vmem>>, vector<16xf32>,
      %get3A_134 = arith.index_cast %mul3A_128 : i32 to index
      %get3A_135 = tpu.vector_load %arg10[%get3A_134] {strides = array<i32>} : memref<2048xi32, #tpu.memory_space<vmem>>, vector<16xi32>,
      %and3A = arith.constant 1 : i32
      %and3A_136 = vector.broadcast %and3A : i32 to vector<16xi32>
      %and3A_137 = arith.andi %get3A_135, %and3A_136 : vector<16xi32>
      %shift_left3A = arith.constant 2 : i32
      %shift_left3A_138 = vector.broadcast %shift_left3A : i32 to vector<16xi32>
      %shift_left3A_139 = arith.shli %and3A_137, %shift_left3A_138 : vector<16xi32>
      %sub3A = arith.constant 4 : i32
      %sub3A_140 = vector.broadcast %sub3A : i32 to vector<16xi32>
      %sub3A_141 = arith.subi %sub3A_140, %shift_left3A_139 : vector<16xi32>
      %add3A_142 = arith.constant 2048 : i32
      %add3A_143 = vector.broadcast %add3A_142 : i32 to vector<16xi32>
      %add3A_144 = arith.addi %add3A_130, %add3A_143 : vector<16xi32>
      %add3A_145 = arith.constant 4096 : i32
      %add3A_146 = vector.broadcast %add3A_145 : i32 to vector<16xi32>
      %add3A_147 = arith.addi %add3A_130, %add3A_146 : vector<16xi32>
      %add3A_148 = arith.constant 6144 : i32
      %add3A_149 = vector.broadcast %add3A_148 : i32 to vector<16xi32>
      %add3A_150 = arith.addi %add3A_130, %add3A_149 : vector<16xi32>
      %add3A_151 = arith.constant 0 : i32
      %add3A_152 = vector.broadcast %add3A_151 : i32 to vector<16xi32>
      %add3A_153 = arith.addi %shift_left3A_139, %add3A_152 : vector<16xi32>
      %add3A_154 = arith.constant 0 : i32
      %add3A_155 = vector.broadcast %add3A_154 : i32 to vector<16xi32>
      %add3A_156 = arith.addi %sub3A_141, %add3A_155 : vector<16xi32>
      %gather3A = tpu.vector_load_idx %arg12[%add3A_130, %add3A_153] : memref<8192x8xf32, #tpu.memory_space<vmem>>[vector<16xi32>, vector<16xi32>], vector<16xf32>,
      %gather3A_157 = tpu.vector_load_idx %arg12[%add3A_144, %add3A_156] : memref<8192x8xf32, #tpu.memory_space<vmem>>[vector<16xi32>, vector<16xi32>], vector<16xf32>,
      %gather3A_158 = tpu.vector_load_idx %arg12[%add3A_147, %add3A_153] : memref<8192x8xf32, #tpu.memory_space<vmem>>[vector<16xi32>, vector<16xi32>], vector<16xf32>,
      %gather3A_159 = tpu.vector_load_idx %arg12[%add3A_150, %add3A_156] : memref<8192x8xf32, #tpu.memory_space<vmem>>[vector<16xi32>, vector<16xi32>], vector<16xf32>,
      %sub3A_160 = arith.subf %gather3A_157, %gather3A_159 : vector<16xf32>
      %mul3A_161 = arith.mulf %get3A_131, %sub3A_160 : vector<16xf32>
      %add3A_162 = arith.addf %gather3A_159, %mul3A_161 : vector<16xf32>
      %sub3A_163 = arith.subf %gather3A, %gather3A_158 : vector<16xf32>
      %mul3A_164 = arith.mulf %get3A_131, %sub3A_163 : vector<16xf32>
      %add3A_165 = arith.addf %gather3A_158, %mul3A_164 : vector<16xf32>
      %sub3A_166 = arith.subf %add3A_165, %add3A_162 : vector<16xf32>
      %mul3A_167 = arith.mulf %get3A_133, %sub3A_166 : vector<16xf32>
      %add3A_168 = arith.addf %add3A_162, %mul3A_167 : vector<16xf32>
      %swap3A = arith.constant 0 : i32
      %swap3A_169 = arith.index_cast %swap3A : i32 to index
      %swap3A_170 = arith.index_cast %mul3A_128 : i32 to index
      %swap3A_171 = tpu.vector_load %arg13[%swap3A_169, %swap3A_170] {strides = array<i32>} : memref<4x2048xf32, #tpu.memory_space<vmem>>, vector<16xf32>,
      tpu.vector_store %arg13[%swap3A_169, %swap3A_170], %add3A_168 {strides = array<i32>} : memref<4x2048xf32, #tpu.memory_space<vmem>>, vector<16xf32>,
      %add3A_172 = arith.constant 1 : i32
      %add3A_173 = vector.broadcast %add3A_172 : i32 to vector<16xi32>
      %add3A_174 = arith.addi %shift_left3A_139, %add3A_173 : vector<16xi32>
      %add3A_175 = arith.constant 1 : i32
      %add3A_176 = vector.broadcast %add3A_175 : i32 to vector<16xi32>
      %add3A_177 = arith.addi %sub3A_141, %add3A_176 : vector<16xi32>
      %gather3A_178 = tpu.vector_load_idx %arg12[%add3A_130, %add3A_174] : memref<8192x8xf32, #tpu.memory_space<vmem>>[vector<16xi32>, vector<16xi32>], vector<16xf32>,
      %gather3A_179 = tpu.vector_load_idx %arg12[%add3A_144, %add3A_177] : memref<8192x8xf32, #tpu.memory_space<vmem>>[vector<16xi32>, vector<16xi32>], vector<16xf32>,
      %gather3A_180 = tpu.vector_load_idx %arg12[%add3A_147, %add3A_174] : memref<8192x8xf32, #tpu.memory_space<vmem>>[vector<16xi32>, vector<16xi32>], vector<16xf32>,
      %gather3A_181 = tpu.vector_load_idx %arg12[%add3A_150, %add3A_177] : memref<8192x8xf32, #tpu.memory_space<vmem>>[vector<16xi32>, vector<16xi32>], vector<16xf32>,
      %sub3A_182 = arith.subf %gather3A_179, %gather3A_181 : vector<16xf32>
      %mul3A_183 = arith.mulf %get3A_131, %sub3A_182 : vector<16xf32>
      %add3A_184 = arith.addf %gather3A_181, %mul3A_183 : vector<16xf32>
      %sub3A_185 = arith.subf %gather3A_178, %gather3A_180 : vector<16xf32>
      %mul3A_186 = arith.mulf %get3A_131, %sub3A_185 : vector<16xf32>
      %add3A_187 = arith.addf %gather3A_180, %mul3A_186 : vector<16xf32>
      %sub3A_188 = arith.subf %add3A_187, %add3A_184 : vector<16xf32>
      %mul3A_189 = arith.mulf %get3A_133, %sub3A_188 : vector<16xf32>
      %add3A_190 = arith.addf %add3A_184, %mul3A_189 : vector<16xf32>
      %swap3A_191 = arith.constant 1 : i32
      %swap3A_192 = arith.index_cast %swap3A_191 : i32 to index
      %swap3A_193 = arith.index_cast %mul3A_128 : i32 to index
      %swap3A_194 = tpu.vector_load %arg13[%swap3A_192, %swap3A_193] {strides = array<i32>} : memref<4x2048xf32, #tpu.memory_space<vmem>>, vector<16xf32>,
      tpu.vector_store %arg13[%swap3A_192, %swap3A_193], %add3A_190 {strides = array<i32>} : memref<4x2048xf32, #tpu.memory_space<vmem>>, vector<16xf32>,
      %add3A_195 = arith.constant 2 : i32
      %add3A_196 = vector.broadcast %add3A_195 : i32 to vector<16xi32>
      %add3A_197 = arith.addi %shift_left3A_139, %add3A_196 : vector<16xi32>
      %add3A_198 = arith.constant 2 : i32
      %add3A_199 = vector.broadcast %add3A_198 : i32 to vector<16xi32>
      %add3A_200 = arith.addi %sub3A_141, %add3A_199 : vector<16xi32>
      %gather3A_201 = tpu.vector_load_idx %arg12[%add3A_130, %add3A_197] : memref<8192x8xf32, #tpu.memory_space<vmem>>[vector<16xi32>, vector<16xi32>], vector<16xf32>,
      %gather3A_202 = tpu.vector_load_idx %arg12[%add3A_144, %add3A_200] : memref<8192x8xf32, #tpu.memory_space<vmem>>[vector<16xi32>, vector<16xi32>], vector<16xf32>,
      %gather3A_203 = tpu.vector_load_idx %arg12[%add3A_147, %add3A_197] : memref<8192x8xf32, #tpu.memory_space<vmem>>[vector<16xi32>, vector<16xi32>], vector<16xf32>,
      %gather3A_204 = tpu.vector_load_idx %arg12[%add3A_150, %add3A_200] : memref<8192x8xf32, #tpu.memory_space<vmem>>[vector<16xi32>, vector<16xi32>], vector<16xf32>,
      %sub3A_205 = arith.subf %gather3A_202, %gather3A_204 : vector<16xf32>
      %mul3A_206 = arith.mulf %get3A_131, %sub3A_205 : vector<16xf32>
      %add3A_207 = arith.addf %gather3A_204, %mul3A_206 : vector<16xf32>
      %sub3A_208 = arith.subf %gather3A_201, %gather3A_203 : vector<16xf32>
      %mul3A_209 = arith.mulf %get3A_131, %sub3A_208 : vector<16xf32>
      %add3A_210 = arith.addf %gather3A_203, %mul3A_209 : vector<16xf32>
      %sub3A_211 = arith.subf %add3A_210, %add3A_207 : vector<16xf32>
      %mul3A_212 = arith.mulf %get3A_133, %sub3A_211 : vector<16xf32>
      %add3A_213 = arith.addf %add3A_207, %mul3A_212 : vector<16xf32>
      %swap3A_214 = arith.constant 2 : i32
      %swap3A_215 = arith.index_cast %swap3A_214 : i32 to index
      %swap3A_216 = arith.index_cast %mul3A_128 : i32 to index
      %swap3A_217 = tpu.vector_load %arg13[%swap3A_215, %swap3A_216] {strides = array<i32>} : memref<4x2048xf32, #tpu.memory_space<vmem>>, vector<16xf32>,
      tpu.vector_store %arg13[%swap3A_215, %swap3A_216], %add3A_213 {strides = array<i32>} : memref<4x2048xf32, #tpu.memory_space<vmem>>, vector<16xf32>,
      %add3A_218 = arith.constant 3 : i32
      %add3A_219 = vector.broadcast %add3A_218 : i32 to vector<16xi32>
      %add3A_220 = arith.addi %shift_left3A_139, %add3A_219 : vector<16xi32>
      %add3A_221 = arith.constant 3 : i32
      %add3A_222 = vector.broadcast %add3A_221 : i32 to vector<16xi32>
      %add3A_223 = arith.addi %sub3A_141, %add3A_222 : vector<16xi32>
      %gather3A_224 = tpu.vector_load_idx %arg12[%add3A_130, %add3A_220] : memref<8192x8xf32, #tpu.memory_space<vmem>>[vector<16xi32>, vector<16xi32>], vector<16xf32>,
      %gather3A_225 = tpu.vector_load_idx %arg12[%add3A_144, %add3A_223] : memref<8192x8xf32, #tpu.memory_space<vmem>>[vector<16xi32>, vector<16xi32>], vector<16xf32>,
      %gather3A_226 = tpu.vector_load_idx %arg12[%add3A_147, %add3A_220] : memref<8192x8xf32, #tpu.memory_space<vmem>>[vector<16xi32>, vector<16xi32>], vector<16xf32>,
      %gather3A_227 = tpu.vector_load_idx %arg12[%add3A_150, %add3A_223] : memref<8192x8xf32, #tpu.memory_space<vmem>>[vector<16xi32>, vector<16xi32>], vector<16xf32>,
      %sub3A_228 = arith.subf %gather3A_225, %gather3A_227 : vector<16xf32>
      %mul3A_229 = arith.mulf %get3A_131, %sub3A_228 : vector<16xf32>
      %add3A_230 = arith.addf %gather3A_227, %mul3A_229 : vector<16xf32>
      %sub3A_231 = arith.subf %gather3A_224, %gather3A_226 : vector<16xf32>
      %mul3A_232 = arith.mulf %get3A_131, %sub3A_231 : vector<16xf32>
      %add3A_233 = arith.addf %gather3A_226, %mul3A_232 : vector<16xf32>
      %sub3A_234 = arith.subf %add3A_233, %add3A_230 : vector<16xf32>
      %mul3A_235 = arith.mulf %get3A_133, %sub3A_234 : vector<16xf32>
      %add3A_236 = arith.addf %add3A_230, %mul3A_235 : vector<16xf32>
      %swap3A_237 = arith.constant 3 : i32
      %swap3A_238 = arith.index_cast %swap3A_237 : i32 to index
      %swap3A_239 = arith.index_cast %mul3A_128 : i32 to index
      %swap3A_240 = tpu.vector_load %arg13[%swap3A_238, %swap3A_239] {strides = array<i32>} : memref<4x2048xf32, #tpu.memory_space<vmem>>, vector<16xf32>,
      tpu.vector_store %arg13[%swap3A_238, %swap3A_239], %add3A_236 {strides = array<i32>} : memref<4x2048xf32, #tpu.memory_space<vmem>>, vector<16xf32>,
      %scan3A_241 = arith.constant 0 : i32
      scf.yield %scan3A_241 : i32
    }
    %scan3A_54 = arith.constant 128 : i32
    %run_scoped3A_55 = arith.constant 0 : i32
    %run_scoped3A_56 = arith.constant 0 : i32
    "tpu.region"() ({
      %run_scoped3A_125 = tpu.sem_alloc : memref<!tpu.dma_semaphore, #tpu.memory_space<semaphore_mem>>
      %dma_start3A = arith.constant 0 : i32
      %dma_start3A_126 = tpu.memref_slice %arg13[%run_scoped3A_55, %dma_start3A] : memref<4x2048xf32, #tpu.memory_space<vmem>> -> memref<1x2048xf32, #tpu.memory_space<vmem>>
      %dma_start3A_127 = tpu.memref_squeeze %dma_start3A_126 : memref<1x2048xf32, #tpu.memory_space<vmem>> -> memref<2048xf32, #tpu.memory_space<vmem>>
      %dma_start3A_128 = tpu.memref_slice %arg5[%run_scoped3A_56, %add3A_33] : memref<4x262144xf32, #tpu.memory_space<hbm>> -> memref<1x2048xf32, #tpu.memory_space<hbm>>
      %dma_start3A_129 = tpu.memref_squeeze %dma_start3A_128 : memref<1x2048xf32, #tpu.memory_space<hbm>> -> memref<2048xf32, #tpu.memory_space<hbm>>
      %dma_start3A_130 = tpu.memref_slice %arg5[%run_scoped3A_56, %add3A_33] : memref<4x262144xf32, #tpu.memory_space<hbm>> -> memref<1x2048xf32, #tpu.memory_space<hbm>>
      %dma_start3A_131 = tpu.memref_squeeze %dma_start3A_130 : memref<1x2048xf32, #tpu.memory_space<hbm>> -> memref<2048xf32, #tpu.memory_space<hbm>>
      %dma_start3A_132 = arith.constant 0 : i32
      %dma_start3A_133 = tpu.memref_slice %arg13[%run_scoped3A_55, %dma_start3A_132] : memref<4x2048xf32, #tpu.memory_space<vmem>> -> memref<1x2048xf32, #tpu.memory_space<vmem>>
      %dma_start3A_134 = tpu.memref_squeeze %dma_start3A_133 : memref<1x2048xf32, #tpu.memory_space<vmem>> -> memref<2048xf32, #tpu.memory_space<vmem>>
      tpu.enqueue_dma source(%dma_start3A_134 : memref<2048xf32, #tpu.memory_space<vmem>>) target(%dma_start3A_131 : memref<2048xf32, #tpu.memory_space<hbm>>) target_semaphore(%run_scoped3A_125 : memref<!tpu.dma_semaphore, #tpu.memory_space<semaphore_mem>>)
      %dma_wait3A = arith.constant 0 : i32
      %dma_wait3A_135 = tpu.memref_slice %arg13[%run_scoped3A_55, %dma_wait3A] : memref<4x2048xf32, #tpu.memory_space<vmem>> -> memref<1x2048xf32, #tpu.memory_space<vmem>>
      %dma_wait3A_136 = tpu.memref_squeeze %dma_wait3A_135 : memref<1x2048xf32, #tpu.memory_space<vmem>> -> memref<2048xf32, #tpu.memory_space<vmem>>
      %dma_wait3A_137 = tpu.memref_slice %arg5[%run_scoped3A_56, %add3A_33] : memref<4x262144xf32, #tpu.memory_space<hbm>> -> memref<1x2048xf32, #tpu.memory_space<hbm>>
      %dma_wait3A_138 = tpu.memref_squeeze %dma_wait3A_137 : memref<1x2048xf32, #tpu.memory_space<hbm>> -> memref<2048xf32, #tpu.memory_space<hbm>>
      %dma_wait3A_139 = tpu.memref_slice %arg5[%run_scoped3A_56, %add3A_33] : memref<4x262144xf32, #tpu.memory_space<hbm>> -> memref<1x2048xf32, #tpu.memory_space<hbm>>
      %dma_wait3A_140 = tpu.memref_squeeze %dma_wait3A_139 : memref<1x2048xf32, #tpu.memory_space<hbm>> -> memref<2048xf32, #tpu.memory_space<hbm>>
      %dma_wait3A_141 = arith.constant 0 : i32
      %dma_wait3A_142 = tpu.memref_slice %arg13[%run_scoped3A_55, %dma_wait3A_141] : memref<4x2048xf32, #tpu.memory_space<vmem>> -> memref<1x2048xf32, #tpu.memory_space<vmem>>
      %dma_wait3A_143 = tpu.memref_squeeze %dma_wait3A_142 : memref<1x2048xf32, #tpu.memory_space<vmem>> -> memref<2048xf32, #tpu.memory_space<vmem>>
      tpu.wait_dma2 semaphore(%run_scoped3A_125 : memref<!tpu.dma_semaphore, #tpu.memory_space<semaphore_mem>>) src(%dma_wait3A_143 : memref<2048xf32, #tpu.memory_space<vmem>>) dst(%dma_wait3A_140 : memref<2048xf32, #tpu.memory_space<hbm>>)
      tpu.yield
    }) : () -> ()
    %run_scoped3A_57 = arith.constant 1 : i32
    %run_scoped3A_58 = arith.constant 1 : i32
    "tpu.region"() ({
      %run_scoped3A_125 = tpu.sem_alloc : memref<!tpu.dma_semaphore, #tpu.memory_space<semaphore_mem>>
      %dma_start3A = arith.constant 0 : i32
      %dma_start3A_126 = tpu.memref_slice %arg13[%run_scoped3A_57, %dma_start3A] : memref<4x2048xf32, #tpu.memory_space<vmem>> -> memref<1x2048xf32, #tpu.memory_space<vmem>>
      %dma_start3A_127 = tpu.memref_squeeze %dma_start3A_126 : memref<1x2048xf32, #tpu.memory_space<vmem>> -> memref<2048xf32, #tpu.memory_space<vmem>>
      %dma_start3A_128 = tpu.memref_slice %arg5[%run_scoped3A_58, %add3A_33] : memref<4x262144xf32, #tpu.memory_space<hbm>> -> memref<1x2048xf32, #tpu.memory_space<hbm>>
      %dma_start3A_129 = tpu.memref_squeeze %dma_start3A_128 : memref<1x2048xf32, #tpu.memory_space<hbm>> -> memref<2048xf32, #tpu.memory_space<hbm>>
      %dma_start3A_130 = tpu.memref_slice %arg5[%run_scoped3A_58, %add3A_33] : memref<4x262144xf32, #tpu.memory_space<hbm>> -> memref<1x2048xf32, #tpu.memory_space<hbm>>
      %dma_start3A_131 = tpu.memref_squeeze %dma_start3A_130 : memref<1x2048xf32, #tpu.memory_space<hbm>> -> memref<2048xf32, #tpu.memory_space<hbm>>
      %dma_start3A_132 = arith.constant 0 : i32
      %dma_start3A_133 = tpu.memref_slice %arg13[%run_scoped3A_57, %dma_start3A_132] : memref<4x2048xf32, #tpu.memory_space<vmem>> -> memref<1x2048xf32, #tpu.memory_space<vmem>>
      %dma_start3A_134 = tpu.memref_squeeze %dma_start3A_133 : memref<1x2048xf32, #tpu.memory_space<vmem>> -> memref<2048xf32, #tpu.memory_space<vmem>>
      tpu.enqueue_dma source(%dma_start3A_134 : memref<2048xf32, #tpu.memory_space<vmem>>) target(%dma_start3A_131 : memref<2048xf32, #tpu.memory_space<hbm>>) target_semaphore(%run_scoped3A_125 : memref<!tpu.dma_semaphore, #tpu.memory_space<semaphore_mem>>)
      %dma_wait3A = arith.constant 0 : i32
      %dma_wait3A_135 = tpu.memref_slice %arg13[%run_scoped3A_57, %dma_wait3A] : memref<4x2048xf32, #tpu.memory_space<vmem>> -> memref<1x2048xf32, #tpu.memory_space<vmem>>
      %dma_wait3A_136 = tpu.memref_squeeze %dma_wait3A_135 : memref<1x2048xf32, #tpu.memory_space<vmem>> -> memref<2048xf32, #tpu.memory_space<vmem>>
      %dma_wait3A_137 = tpu.memref_slice %arg5[%run_scoped3A_58, %add3A_33] : memref<4x262144xf32, #tpu.memory_space<hbm>> -> memref<1x2048xf32, #tpu.memory_space<hbm>>
      %dma_wait3A_138 = tpu.memref_squeeze %dma_wait3A_137 : memref<1x2048xf32, #tpu.memory_space<hbm>> -> memref<2048xf32, #tpu.memory_space<hbm>>
      %dma_wait3A_139 = tpu.memref_slice %arg5[%run_scoped3A_58, %add3A_33] : memref<4x262144xf32, #tpu.memory_space<hbm>> -> memref<1x2048xf32, #tpu.memory_space<hbm>>
      %dma_wait3A_140 = tpu.memref_squeeze %dma_wait3A_139 : memref<1x2048xf32, #tpu.memory_space<hbm>> -> memref<2048xf32, #tpu.memory_space<hbm>>
      %dma_wait3A_141 = arith.constant 0 : i32
      %dma_wait3A_142 = tpu.memref_slice %arg13[%run_scoped3A_57, %dma_wait3A_141] : memref<4x2048xf32, #tpu.memory_space<vmem>> -> memref<1x2048xf32, #tpu.memory_space<vmem>>
      %dma_wait3A_143 = tpu.memref_squeeze %dma_wait3A_142 : memref<1x2048xf32, #tpu.memory_space<vmem>> -> memref<2048xf32, #tpu.memory_space<vmem>>
      tpu.wait_dma2 semaphore(%run_scoped3A_125 : memref<!tpu.dma_semaphore, #tpu.memory_space<semaphore_mem>>) src(%dma_wait3A_143 : memref<2048xf32, #tpu.memory_space<vmem>>) dst(%dma_wait3A_140 : memref<2048xf32, #tpu.memory_space<hbm>>)
      tpu.yield
    }) : () -> ()
    %run_scoped3A_59 = arith.constant 2 : i32
    %run_scoped3A_60 = arith.constant 2 : i32
    "tpu.region"() ({
      %run_scoped3A_125 = tpu.sem_alloc : memref<!tpu.dma_semaphore, #tpu.memory_space<semaphore_mem>>
      %dma_start3A = arith.constant 0 : i32
      %dma_start3A_126 = tpu.memref_slice %arg13[%run_scoped3A_59, %dma_start3A] : memref<4x2048xf32, #tpu.memory_space<vmem>> -> memref<1x2048xf32, #tpu.memory_space<vmem>>
      %dma_start3A_127 = tpu.memref_squeeze %dma_start3A_126 : memref<1x2048xf32, #tpu.memory_space<vmem>> -> memref<2048xf32, #tpu.memory_space<vmem>>
      %dma_start3A_128 = tpu.memref_slice %arg5[%run_scoped3A_60, %add3A_33] : memref<4x262144xf32, #tpu.memory_space<hbm>> -> memref<1x2048xf32, #tpu.memory_space<hbm>>
      %dma_start3A_129 = tpu.memref_squeeze %dma_start3A_128 : memref<1x2048xf32, #tpu.memory_space<hbm>> -> memref<2048xf32, #tpu.memory_space<hbm>>
      %dma_start3A_130 = tpu.memref_slice %arg5[%run_scoped3A_60, %add3A_33] : memref<4x262144xf32, #tpu.memory_space<hbm>> -> memref<1x2048xf32, #tpu.memory_space<hbm>>
      %dma_start3A_131 = tpu.memref_squeeze %dma_start3A_130 : memref<1x2048xf32, #tpu.memory_space<hbm>> -> memref<2048xf32, #tpu.memory_space<hbm>>
      %dma_start3A_132 = arith.constant 0 : i32
      %dma_start3A_133 = tpu.memref_slice %arg13[%run_scoped3A_59, %dma_start3A_132] : memref<4x2048xf32, #tpu.memory_space<vmem>> -> memref<1x2048xf32, #tpu.memory_space<vmem>>
      %dma_start3A_134 = tpu.memref_squeeze %dma_start3A_133 : memref<1x2048xf32, #tpu.memory_space<vmem>> -> memref<2048xf32, #tpu.memory_space<vmem>>
      tpu.enqueue_dma source(%dma_start3A_134 : memref<2048xf32, #tpu.memory_space<vmem>>) target(%dma_start3A_131 : memref<2048xf32, #tpu.memory_space<hbm>>) target_semaphore(%run_scoped3A_125 : memref<!tpu.dma_semaphore, #tpu.memory_space<semaphore_mem>>)
      %dma_wait3A = arith.constant 0 : i32
      %dma_wait3A_135 = tpu.memref_slice %arg13[%run_scoped3A_59, %dma_wait3A] : memref<4x2048xf32, #tpu.memory_space<vmem>> -> memref<1x2048xf32, #tpu.memory_space<vmem>>
      %dma_wait3A_136 = tpu.memref_squeeze %dma_wait3A_135 : memref<1x2048xf32, #tpu.memory_space<vmem>> -> memref<2048xf32, #tpu.memory_space<vmem>>
      %dma_wait3A_137 = tpu.memref_slice %arg5[%run_scoped3A_60, %add3A_33] : memref<4x262144xf32, #tpu.memory_space<hbm>> -> memref<1x2048xf32, #tpu.memory_space<hbm>>
      %dma_wait3A_138 = tpu.memref_squeeze %dma_wait3A_137 : memref<1x2048xf32, #tpu.memory_space<hbm>> -> memref<2048xf32, #tpu.memory_space<hbm>>
      %dma_wait3A_139 = tpu.memref_slice %arg5[%run_scoped3A_60, %add3A_33] : memref<4x262144xf32, #tpu.memory_space<hbm>> -> memref<1x2048xf32, #tpu.memory_space<hbm>>
      %dma_wait3A_140 = tpu.memref_squeeze %dma_wait3A_139 : memref<1x2048xf32, #tpu.memory_space<hbm>> -> memref<2048xf32, #tpu.memory_space<hbm>>
      %dma_wait3A_141 = arith.constant 0 : i32
      %dma_wait3A_142 = tpu.memref_slice %arg13[%run_scoped3A_59, %dma_wait3A_141] : memref<4x2048xf32, #tpu.memory_space<vmem>> -> memref<1x2048xf32, #tpu.memory_space<vmem>>
      %dma_wait3A_143 = tpu.memref_squeeze %dma_wait3A_142 : memref<1x2048xf32, #tpu.memory_space<vmem>> -> memref<2048xf32, #tpu.memory_space<vmem>>
      tpu.wait_dma2 semaphore(%run_scoped3A_125 : memref<!tpu.dma_semaphore, #tpu.memory_space<semaphore_mem>>) src(%dma_wait3A_143 : memref<2048xf32, #tpu.memory_space<vmem>>) dst(%dma_wait3A_140 : memref<2048xf32, #tpu.memory_space<hbm>>)
      tpu.yield
    }) : () -> ()
    %run_scoped3A_61 = arith.constant 3 : i32
    %run_scoped3A_62 = arith.constant 3 : i32
    "tpu.region"() ({
      %run_scoped3A_125 = tpu.sem_alloc : memref<!tpu.dma_semaphore, #tpu.memory_space<semaphore_mem>>
      %dma_start3A = arith.constant 0 : i32
      %dma_start3A_126 = tpu.memref_slice %arg13[%run_scoped3A_61, %dma_start3A] : memref<4x2048xf32, #tpu.memory_space<vmem>> -> memref<1x2048xf32, #tpu.memory_space<vmem>>
      %dma_start3A_127 = tpu.memref_squeeze %dma_start3A_126 : memref<1x2048xf32, #tpu.memory_space<vmem>> -> memref<2048xf32, #tpu.memory_space<vmem>>
      %dma_start3A_128 = tpu.memref_slice %arg5[%run_scoped3A_62, %add3A_33] : memref<4x262144xf32, #tpu.memory_space<hbm>> -> memref<1x2048xf32, #tpu.memory_space<hbm>>
      %dma_start3A_129 = tpu.memref_squeeze %dma_start3A_128 : memref<1x2048xf32, #tpu.memory_space<hbm>> -> memref<2048xf32, #tpu.memory_space<hbm>>
      %dma_start3A_130 = tpu.memref_slice %arg5[%run_scoped3A_62, %add3A_33] : memref<4x262144xf32, #tpu.memory_space<hbm>> -> memref<1x2048xf32, #tpu.memory_space<hbm>>
      %dma_start3A_131 = tpu.memref_squeeze %dma_start3A_130 : memref<1x2048xf32, #tpu.memory_space<hbm>> -> memref<2048xf32, #tpu.memory_space<hbm>>
      %dma_start3A_132 = arith.constant 0 : i32
      %dma_start3A_133 = tpu.memref_slice %arg13[%run_scoped3A_61, %dma_start3A_132] : memref<4x2048xf32, #tpu.memory_space<vmem>> -> memref<1x2048xf32, #tpu.memory_space<vmem>>
      %dma_start3A_134 = tpu.memref_squeeze %dma_start3A_133 : memref<1x2048xf32, #tpu.memory_space<vmem>> -> memref<2048xf32, #tpu.memory_space<vmem>>
      tpu.enqueue_dma source(%dma_start3A_134 : memref<2048xf32, #tpu.memory_space<vmem>>) target(%dma_start3A_131 : memref<2048xf32, #tpu.memory_space<hbm>>) target_semaphore(%run_scoped3A_125 : memref<!tpu.dma_semaphore, #tpu.memory_space<semaphore_mem>>)
      %dma_wait3A = arith.constant 0 : i32
      %dma_wait3A_135 = tpu.memref_slice %arg13[%run_scoped3A_61, %dma_wait3A] : memref<4x2048xf32, #tpu.memory_space<vmem>> -> memref<1x2048xf32, #tpu.memory_space<vmem>>
      %dma_wait3A_136 = tpu.memref_squeeze %dma_wait3A_135 : memref<1x2048xf32, #tpu.memory_space<vmem>> -> memref<2048xf32, #tpu.memory_space<vmem>>
      %dma_wait3A_137 = tpu.memref_slice %arg5[%run_scoped3A_62, %add3A_33] : memref<4x262144xf32, #tpu.memory_space<hbm>> -> memref<1x2048xf32, #tpu.memory_space<hbm>>
      %dma_wait3A_138 = tpu.memref_squeeze %dma_wait3A_137 : memref<1x2048xf32, #tpu.memory_space<hbm>> -> memref<2048xf32, #tpu.memory_space<hbm>>
      %dma_wait3A_139 = tpu.memref_slice %arg5[%run_scoped3A_62, %add3A_33] : memref<4x262144xf32, #tpu.memory_space<hbm>> -> memref<1x2048xf32, #tpu.memory_space<hbm>>
      %dma_wait3A_140 = tpu.memref_squeeze %dma_wait3A_139 : memref<1x2048xf32, #tpu.memory_space<hbm>> -> memref<2048xf32, #tpu.memory_space<hbm>>
      %dma_wait3A_141 = arith.constant 0 : i32
      %dma_wait3A_142 = tpu.memref_slice %arg13[%run_scoped3A_61, %dma_wait3A_141] : memref<4x2048xf32, #tpu.memory_space<vmem>> -> memref<1x2048xf32, #tpu.memory_space<vmem>>
      %dma_wait3A_143 = tpu.memref_squeeze %dma_wait3A_142 : memref<1x2048xf32, #tpu.memory_space<vmem>> -> memref<2048xf32, #tpu.memory_space<vmem>>
      tpu.wait_dma2 semaphore(%run_scoped3A_125 : memref<!tpu.dma_semaphore, #tpu.memory_space<semaphore_mem>>) src(%dma_wait3A_143 : memref<2048xf32, #tpu.memory_space<vmem>>) dst(%dma_wait3A_140 : memref<2048xf32, #tpu.memory_space<hbm>>)
      tpu.yield
    }) : () -> ()
    %add3A_63 = arith.constant 4096 : i32
    %add3A_64 = arith.addi %mul3A_2, %add3A_63 : i32
    "tpu.region"() ({
      %run_scoped3A_125 = tpu.sem_alloc : memref<!tpu.dma_semaphore, #tpu.memory_space<semaphore_mem>>
      %dma_start3A = tpu.memref_slice %arg2[%add3A_64] : memref<262144xf32, #tpu.memory_space<hbm>> -> memref<2048xf32, #tpu.memory_space<hbm>>
      %dma_start3A_126 = tpu.memref_slice %arg2[%add3A_64] : memref<262144xf32, #tpu.memory_space<hbm>> -> memref<2048xf32, #tpu.memory_space<hbm>>
      tpu.enqueue_dma source(%dma_start3A_126 : memref<2048xf32, #tpu.memory_space<hbm>>) target(%arg6 : memref<2048xf32, #tpu.memory_space<vmem>>) target_semaphore(%run_scoped3A_125 : memref<!tpu.dma_semaphore, #tpu.memory_space<semaphore_mem>>)
      %dma_wait3A = tpu.memref_slice %arg2[%add3A_64] : memref<262144xf32, #tpu.memory_space<hbm>> -> memref<2048xf32, #tpu.memory_space<hbm>>
      %dma_wait3A_127 = tpu.memref_slice %arg2[%add3A_64] : memref<262144xf32, #tpu.memory_space<hbm>> -> memref<2048xf32, #tpu.memory_space<hbm>>
      tpu.wait_dma2 semaphore(%run_scoped3A_125 : memref<!tpu.dma_semaphore, #tpu.memory_space<semaphore_mem>>) src(%dma_wait3A_127 : memref<2048xf32, #tpu.memory_space<hbm>>) dst(%arg6 : memref<2048xf32, #tpu.memory_space<vmem>>)
      tpu.yield
    }) : () -> ()
    "tpu.region"() ({
      %run_scoped3A_125 = tpu.sem_alloc : memref<!tpu.dma_semaphore, #tpu.memory_space<semaphore_mem>>
      %dma_start3A = tpu.memref_slice %arg3[%add3A_64] : memref<262144xf32, #tpu.memory_space<hbm>> -> memref<2048xf32, #tpu.memory_space<hbm>>
      %dma_start3A_126 = tpu.memref_slice %arg3[%add3A_64] : memref<262144xf32, #tpu.memory_space<hbm>> -> memref<2048xf32, #tpu.memory_space<hbm>>
      tpu.enqueue_dma source(%dma_start3A_126 : memref<2048xf32, #tpu.memory_space<hbm>>) target(%arg7 : memref<2048xf32, #tpu.memory_space<vmem>>) target_semaphore(%run_scoped3A_125 : memref<!tpu.dma_semaphore, #tpu.memory_space<semaphore_mem>>)
      %dma_wait3A = tpu.memref_slice %arg3[%add3A_64] : memref<262144xf32, #tpu.memory_space<hbm>> -> memref<2048xf32, #tpu.memory_space<hbm>>
      %dma_wait3A_127 = tpu.memref_slice %arg3[%add3A_64] : memref<262144xf32, #tpu.memory_space<hbm>> -> memref<2048xf32, #tpu.memory_space<hbm>>
      tpu.wait_dma2 semaphore(%run_scoped3A_125 : memref<!tpu.dma_semaphore, #tpu.memory_space<semaphore_mem>>) src(%dma_wait3A_127 : memref<2048xf32, #tpu.memory_space<hbm>>) dst(%arg7 : memref<2048xf32, #tpu.memory_space<vmem>>)
      tpu.yield
    }) : () -> ()
    %scan3A_65 = arith.constant 0 : i32
    %scan3A_66 = arith.constant 0 : i32
    %scan3A_67 = arith.constant 16 : i32
    %scan3A_68 = arith.addi %scan3A_66, %scan3A_67 : i32
    %scan3A_69 = arith.constant 1 : i32
    %scan3A_70 = scf.for %scan3A_125 = %scan3A_66 to %scan3A_68 step %scan3A_69 iter_args(%scan3A_126 = %scan3A_65) -> (i32)  : i32 {
      %mul3A_127 = arith.constant 128 : i32
      %mul3A_128 = arith.muli %scan3A_125, %mul3A_127 : i32
      %add3A_129 = arith.constant 0 : i32
      %add3A_130 = arith.addi %mul3A_128, %add3A_129 : i32
      %get3A = arith.index_cast %add3A_130 : i32 to index
      %get3A_131 = tpu.vector_load %arg6[%get3A] {strides = array<i32>} : memref<2048xf32, #tpu.memory_space<vmem>>, vector<16xf32>,
      %get3A_132 = arith.index_cast %add3A_130 : i32 to index
      %get3A_133 = tpu.vector_load %arg7[%get3A_132] {strides = array<i32>} : memref<2048xf32, #tpu.memory_space<vmem>>, vector<16xf32>,
      %ge3A = arith.constant 1.000000e+00 : f32
      %ge3A_134 = vector.broadcast %ge3A : f32 to vector<16xf32>
      %ge3A_135 = arith.cmpf oge, %get3A_131, %ge3A_134 : vector<16xf32>
      %add3A_136 = arith.constant 4.096000e+03 : f32
      %add3A_137 = vector.broadcast %add3A_136 : f32 to vector<16xf32>
      %add3A_138 = arith.addf %get3A_131, %add3A_137 : vector<16xf32>
      %select_n3A = arith.select %ge3A_135, %get3A_131, %add3A_138 : vector<16xi1>, vector<16xf32>
      %ge3A_139 = arith.constant 1.000000e+00 : f32
      %ge3A_140 = vector.broadcast %ge3A_139 : f32 to vector<16xf32>
      %ge3A_141 = arith.cmpf oge, %get3A_133, %ge3A_140 : vector<16xf32>
      %add3A_142 = arith.constant 4.096000e+03 : f32
      %add3A_143 = vector.broadcast %add3A_142 : f32 to vector<16xf32>
      %add3A_144 = arith.addf %get3A_133, %add3A_143 : vector<16xf32>
      %select_n3A_145 = arith.select %ge3A_141, %get3A_133, %add3A_144 : vector<16xi1>, vector<16xf32>
      %convert_element_type3A = arith.fptosi %select_n3A : vector<16xf32> to vector<16xi32>
      %convert_element_type3A_146 = arith.fptosi %select_n3A_145 : vector<16xf32> to vector<16xi32>
      %convert_element_type3A_147 = arith.sitofp %convert_element_type3A : vector<16xi32> to vector<16xf32>
      %sub3A = arith.subf %select_n3A, %convert_element_type3A_147 : vector<16xf32>
      %swap3A = arith.index_cast %add3A_130 : i32 to index
      %swap3A_148 = tpu.vector_load %arg8[%swap3A] {strides = array<i32>} : memref<2048xf32, #tpu.memory_space<vmem>>, vector<16xf32>,
      tpu.vector_store %arg8[%swap3A], %sub3A {strides = array<i32>} : memref<2048xf32, #tpu.memory_space<vmem>>, vector<16xf32>,
      %convert_element_type3A_149 = arith.sitofp %convert_element_type3A_146 : vector<16xi32> to vector<16xf32>
      %sub3A_150 = arith.subf %select_n3A_145, %convert_element_type3A_149 : vector<16xf32>
      %swap3A_151 = arith.index_cast %add3A_130 : i32 to index
      %swap3A_152 = tpu.vector_load %arg9[%swap3A_151] {strides = array<i32>} : memref<2048xf32, #tpu.memory_space<vmem>>, vector<16xf32>,
      tpu.vector_store %arg9[%swap3A_151], %sub3A_150 {strides = array<i32>} : memref<2048xf32, #tpu.memory_space<vmem>>, vector<16xf32>,
      %mul3A_153 = arith.constant 4100 : i32
      %mul3A_154 = vector.broadcast %mul3A_153 : i32 to vector<16xi32>
      %mul3A_155 = arith.muli %convert_element_type3A, %mul3A_154 : vector<16xi32>
      %add3A_156 = arith.addi %mul3A_155, %convert_element_type3A_146 : vector<16xi32>
      %swap3A_157 = arith.index_cast %add3A_130 : i32 to index
      %swap3A_158 = tpu.vector_load %arg10[%swap3A_157] {strides = array<i32>} : memref<2048xi32, #tpu.memory_space<vmem>>, vector<16xi32>,
      tpu.vector_store %arg10[%swap3A_157], %add3A_156 {strides = array<i32>} : memref<2048xi32, #tpu.memory_space<vmem>>, vector<16xi32>,
      %shift_right_logical3A = arith.constant 1 : i32
      %shift_right_logical3A_159 = vector.broadcast %shift_right_logical3A : i32 to vector<16xi32>
      %shift_right_logical3A_160 = arith.shrui %add3A_156, %shift_right_logical3A_159 : vector<16xi32>
      %add3A_161 = arith.constant 1 : i32
      %add3A_162 = vector.broadcast %add3A_161 : i32 to vector<16xi32>
      %add3A_163 = arith.addi %add3A_156, %add3A_162 : vector<16xi32>
      %shift_right_logical3A_164 = arith.constant 1 : i32
      %shift_right_logical3A_165 = vector.broadcast %shift_right_logical3A_164 : i32 to vector<16xi32>
      %shift_right_logical3A_166 = arith.shrui %add3A_163, %shift_right_logical3A_165 : vector<16xi32>
      %swap3A_167 = arith.index_cast %scan3A_125 : i32 to index
      %swap3A_168 = arith.constant 0 : index
      %swap3A_169 = tpu.vector_load %arg11[%swap3A_167, %swap3A_168] {strides = array<i32>} : memref<64x128xi32, #tpu.memory_space<vmem>>, vector<16xi32>,
      tpu.vector_store %arg11[%swap3A_167, %swap3A_168], %shift_right_logical3A_160 {strides = array<i32>} : memref<64x128xi32, #tpu.memory_space<vmem>>, vector<16xi32>,
      %add3A_170 = arith.constant 16 : i32
      %add3A_171 = arith.addi %add3A_170, %scan3A_125 : i32
      %swap3A_172 = arith.index_cast %add3A_171 : i32 to index
      %swap3A_173 = arith.constant 0 : index
      %swap3A_174 = tpu.vector_load %arg11[%swap3A_172, %swap3A_173] {strides = array<i32>} : memref<64x128xi32, #tpu.memory_space<vmem>>, vector<16xi32>,
      tpu.vector_store %arg11[%swap3A_172, %swap3A_173], %shift_right_logical3A_166 {strides = array<i32>} : memref<64x128xi32, #tpu.memory_space<vmem>>, vector<16xi32>,
      %add3A_175 = arith.constant 2050 : i32
      %add3A_176 = vector.broadcast %add3A_175 : i32 to vector<16xi32>
      %add3A_177 = arith.addi %shift_right_logical3A_160, %add3A_176 : vector<16xi32>
      %add3A_178 = arith.constant 32 : i32
      %add3A_179 = arith.addi %add3A_178, %scan3A_125 : i32
      %swap3A_180 = arith.index_cast %add3A_179 : i32 to index
      %swap3A_181 = arith.constant 0 : index
      %swap3A_182 = tpu.vector_load %arg11[%swap3A_180, %swap3A_181] {strides = array<i32>} : memref<64x128xi32, #tpu.memory_space<vmem>>, vector<16xi32>,
      tpu.vector_store %arg11[%swap3A_180, %swap3A_181], %add3A_177 {strides = array<i32>} : memref<64x128xi32, #tpu.memory_space<vmem>>, vector<16xi32>,
      %add3A_183 = arith.constant 2050 : i32
      %add3A_184 = vector.broadcast %add3A_183 : i32 to vector<16xi32>
      %add3A_185 = arith.addi %shift_right_logical3A_166, %add3A_184 : vector<16xi32>
      %add3A_186 = arith.constant 48 : i32
      %add3A_187 = arith.addi %add3A_186, %scan3A_125 : i32
      %swap3A_188 = arith.index_cast %add3A_187 : i32 to index
      %swap3A_189 = arith.constant 0 : index
      %swap3A_190 = tpu.vector_load %arg11[%swap3A_188, %swap3A_189] {strides = array<i32>} : memref<64x128xi32, #tpu.memory_space<vmem>>, vector<16xi32>,
      tpu.vector_store %arg11[%swap3A_188, %swap3A_189], %add3A_185 {strides = array<i32>} : memref<64x128xi32, #tpu.memory_space<vmem>>, vector<16xi32>,
      %mul3A_191 = arith.constant 128 : i32
      %mul3A_192 = arith.muli %scan3A_125, %mul3A_191 : i32
      %add3A_193 = arith.constant 16 : i32
      %add3A_194 = arith.addi %mul3A_192, %add3A_193 : i32
      %get3A_195 = arith.index_cast %add3A_194 : i32 to index
      %get3A_196 = tpu.vector_load %arg6[%get3A_195] {strides = array<i32>} : memref<2048xf32, #tpu.memory_space<vmem>>, vector<16xf32>,
      %get3A_197 = arith.index_cast %add3A_194 : i32 to index
      %get3A_198 = tpu.vector_load %arg7[%get3A_197] {strides = array<i32>} : memref<2048xf32, #tpu.memory_space<vmem>>, vector<16xf32>,
      %ge3A_199 = arith.constant 1.000000e+00 : f32
      %ge3A_200 = vector.broadcast %ge3A_199 : f32 to vector<16xf32>
      %ge3A_201 = arith.cmpf oge, %get3A_196, %ge3A_200 : vector<16xf32>
      %add3A_202 = arith.constant 4.096000e+03 : f32
      %add3A_203 = vector.broadcast %add3A_202 : f32 to vector<16xf32>
      %add3A_204 = arith.addf %get3A_196, %add3A_203 : vector<16xf32>
      %select_n3A_205 = arith.select %ge3A_201, %get3A_196, %add3A_204 : vector<16xi1>, vector<16xf32>
      %ge3A_206 = arith.constant 1.000000e+00 : f32
      %ge3A_207 = vector.broadcast %ge3A_206 : f32 to vector<16xf32>
      %ge3A_208 = arith.cmpf oge, %get3A_198, %ge3A_207 : vector<16xf32>
      %add3A_209 = arith.constant 4.096000e+03 : f32
      %add3A_210 = vector.broadcast %add3A_209 : f32 to vector<16xf32>
      %add3A_211 = arith.addf %get3A_198, %add3A_210 : vector<16xf32>
      %select_n3A_212 = arith.select %ge3A_208, %get3A_198, %add3A_211 : vector<16xi1>, vector<16xf32>
      %convert_element_type3A_213 = arith.fptosi %select_n3A_205 : vector<16xf32> to vector<16xi32>
      %convert_element_type3A_214 = arith.fptosi %select_n3A_212 : vector<16xf32> to vector<16xi32>
      %convert_element_type3A_215 = arith.sitofp %convert_element_type3A_213 : vector<16xi32> to vector<16xf32>
      %sub3A_216 = arith.subf %select_n3A_205, %convert_element_type3A_215 : vector<16xf32>
      %swap3A_217 = arith.index_cast %add3A_194 : i32 to index
      %swap3A_218 = tpu.vector_load %arg8[%swap3A_217] {strides = array<i32>} : memref<2048xf32, #tpu.memory_space<vmem>>, vector<16xf32>,
      tpu.vector_store %arg8[%swap3A_217], %sub3A_216 {strides = array<i32>} : memref<2048xf32, #tpu.memory_space<vmem>>, vector<16xf32>,
      %convert_element_type3A_219 = arith.sitofp %convert_element_type3A_214 : vector<16xi32> to vector<16xf32>
      %sub3A_220 = arith.subf %select_n3A_212, %convert_element_type3A_219 : vector<16xf32>
      %swap3A_221 = arith.index_cast %add3A_194 : i32 to index
      %swap3A_222 = tpu.vector_load %arg9[%swap3A_221] {strides = array<i32>} : memref<2048xf32, #tpu.memory_space<vmem>>, vector<16xf32>,
      tpu.vector_store %arg9[%swap3A_221], %sub3A_220 {strides = array<i32>} : memref<2048xf32, #tpu.memory_space<vmem>>, vector<16xf32>,
      %mul3A_223 = arith.constant 4100 : i32
      %mul3A_224 = vector.broadcast %mul3A_223 : i32 to vector<16xi32>
      %mul3A_225 = arith.muli %convert_element_type3A_213, %mul3A_224 : vector<16xi32>
      %add3A_226 = arith.addi %mul3A_225, %convert_element_type3A_214 : vector<16xi32>
      %swap3A_227 = arith.index_cast %add3A_194 : i32 to index
      %swap3A_228 = tpu.vector_load %arg10[%swap3A_227] {strides = array<i32>} : memref<2048xi32, #tpu.memory_space<vmem>>, vector<16xi32>,
      tpu.vector_store %arg10[%swap3A_227], %add3A_226 {strides = array<i32>} : memref<2048xi32, #tpu.memory_space<vmem>>, vector<16xi32>,
      %shift_right_logical3A_229 = arith.constant 1 : i32
      %shift_right_logical3A_230 = vector.broadcast %shift_right_logical3A_229 : i32 to vector<16xi32>
      %shift_right_logical3A_231 = arith.shrui %add3A_226, %shift_right_logical3A_230 : vector<16xi32>
      %add3A_232 = arith.constant 1 : i32
      %add3A_233 = vector.broadcast %add3A_232 : i32 to vector<16xi32>
      %add3A_234 = arith.addi %add3A_226, %add3A_233 : vector<16xi32>
      %shift_right_logical3A_235 = arith.constant 1 : i32
      %shift_right_logical3A_236 = vector.broadcast %shift_right_logical3A_235 : i32 to vector<16xi32>
      %shift_right_logical3A_237 = arith.shrui %add3A_234, %shift_right_logical3A_236 : vector<16xi32>
      %swap3A_238 = arith.index_cast %scan3A_125 : i32 to index
      %swap3A_239 = arith.constant 16 : index
      %swap3A_240 = tpu.vector_load %arg11[%swap3A_238, %swap3A_239] {strides = array<i32>} : memref<64x128xi32, #tpu.memory_space<vmem>>, vector<16xi32>,
      tpu.vector_store %arg11[%swap3A_238, %swap3A_239], %shift_right_logical3A_231 {strides = array<i32>} : memref<64x128xi32, #tpu.memory_space<vmem>>, vector<16xi32>,
      %add3A_241 = arith.constant 16 : i32
      %add3A_242 = arith.addi %add3A_241, %scan3A_125 : i32
      %swap3A_243 = arith.index_cast %add3A_242 : i32 to index
      %swap3A_244 = arith.constant 16 : index
      %swap3A_245 = tpu.vector_load %arg11[%swap3A_243, %swap3A_244] {strides = array<i32>} : memref<64x128xi32, #tpu.memory_space<vmem>>, vector<16xi32>,
      tpu.vector_store %arg11[%swap3A_243, %swap3A_244], %shift_right_logical3A_237 {strides = array<i32>} : memref<64x128xi32, #tpu.memory_space<vmem>>, vector<16xi32>,
      %add3A_246 = arith.constant 2050 : i32
      %add3A_247 = vector.broadcast %add3A_246 : i32 to vector<16xi32>
      %add3A_248 = arith.addi %shift_right_logical3A_231, %add3A_247 : vector<16xi32>
      %add3A_249 = arith.constant 32 : i32
      %add3A_250 = arith.addi %add3A_249, %scan3A_125 : i32
      %swap3A_251 = arith.index_cast %add3A_250 : i32 to index
      %swap3A_252 = arith.constant 16 : index
      %swap3A_253 = tpu.vector_load %arg11[%swap3A_251, %swap3A_252] {strides = array<i32>} : memref<64x128xi32, #tpu.memory_space<vmem>>, vector<16xi32>,
      tpu.vector_store %arg11[%swap3A_251, %swap3A_252], %add3A_248 {strides = array<i32>} : memref<64x128xi32, #tpu.memory_space<vmem>>, vector<16xi32>,
      %add3A_254 = arith.constant 2050 : i32
      %add3A_255 = vector.broadcast %add3A_254 : i32 to vector<16xi32>
      %add3A_256 = arith.addi %shift_right_logical3A_237, %add3A_255 : vector<16xi32>
      %add3A_257 = arith.constant 48 : i32
      %add3A_258 = arith.addi %add3A_257, %scan3A_125 : i32
      %swap3A_259 = arith.index_cast %add3A_258 : i32 to index
      %swap3A_260 = arith.constant 16 : index
      %swap3A_261 = tpu.vector_load %arg11[%swap3A_259, %swap3A_260] {strides = array<i32>} : memref<64x128xi32, #tpu.memory_space<vmem>>, vector<16xi32>,
      tpu.vector_store %arg11[%swap3A_259, %swap3A_260], %add3A_256 {strides = array<i32>} : memref<64x128xi32, #tpu.memory_space<vmem>>, vector<16xi32>,
      %mul3A_262 = arith.constant 128 : i32
      %mul3A_263 = arith.muli %scan3A_125, %mul3A_262 : i32
      %add3A_264 = arith.constant 32 : i32
      %add3A_265 = arith.addi %mul3A_263, %add3A_264 : i32
      %get3A_266 = arith.index_cast %add3A_265 : i32 to index
      %get3A_267 = tpu.vector_load %arg6[%get3A_266] {strides = array<i32>} : memref<2048xf32, #tpu.memory_space<vmem>>, vector<16xf32>,
      %get3A_268 = arith.index_cast %add3A_265 : i32 to index
      %get3A_269 = tpu.vector_load %arg7[%get3A_268] {strides = array<i32>} : memref<2048xf32, #tpu.memory_space<vmem>>, vector<16xf32>,
      %ge3A_270 = arith.constant 1.000000e+00 : f32
      %ge3A_271 = vector.broadcast %ge3A_270 : f32 to vector<16xf32>
      %ge3A_272 = arith.cmpf oge, %get3A_267, %ge3A_271 : vector<16xf32>
      %add3A_273 = arith.constant 4.096000e+03 : f32
      %add3A_274 = vector.broadcast %add3A_273 : f32 to vector<16xf32>
      %add3A_275 = arith.addf %get3A_267, %add3A_274 : vector<16xf32>
      %select_n3A_276 = arith.select %ge3A_272, %get3A_267, %add3A_275 : vector<16xi1>, vector<16xf32>
      %ge3A_277 = arith.constant 1.000000e+00 : f32
      %ge3A_278 = vector.broadcast %ge3A_277 : f32 to vector<16xf32>
      %ge3A_279 = arith.cmpf oge, %get3A_269, %ge3A_278 : vector<16xf32>
      %add3A_280 = arith.constant 4.096000e+03 : f32
      %add3A_281 = vector.broadcast %add3A_280 : f32 to vector<16xf32>
      %add3A_282 = arith.addf %get3A_269, %add3A_281 : vector<16xf32>
      %select_n3A_283 = arith.select %ge3A_279, %get3A_269, %add3A_282 : vector<16xi1>, vector<16xf32>
      %convert_element_type3A_284 = arith.fptosi %select_n3A_276 : vector<16xf32> to vector<16xi32>
      %convert_element_type3A_285 = arith.fptosi %select_n3A_283 : vector<16xf32> to vector<16xi32>
      %convert_element_type3A_286 = arith.sitofp %convert_element_type3A_284 : vector<16xi32> to vector<16xf32>
      %sub3A_287 = arith.subf %select_n3A_276, %convert_element_type3A_286 : vector<16xf32>
      %swap3A_288 = arith.index_cast %add3A_265 : i32 to index
      %swap3A_289 = tpu.vector_load %arg8[%swap3A_288] {strides = array<i32>} : memref<2048xf32, #tpu.memory_space<vmem>>, vector<16xf32>,
      tpu.vector_store %arg8[%swap3A_288], %sub3A_287 {strides = array<i32>} : memref<2048xf32, #tpu.memory_space<vmem>>, vector<16xf32>,
      %convert_element_type3A_290 = arith.sitofp %convert_element_type3A_285 : vector<16xi32> to vector<16xf32>
      %sub3A_291 = arith.subf %select_n3A_283, %convert_element_type3A_290 : vector<16xf32>
      %swap3A_292 = arith.index_cast %add3A_265 : i32 to index
      %swap3A_293 = tpu.vector_load %arg9[%swap3A_292] {strides = array<i32>} : memref<2048xf32, #tpu.memory_space<vmem>>, vector<16xf32>,
      tpu.vector_store %arg9[%swap3A_292], %sub3A_291 {strides = array<i32>} : memref<2048xf32, #tpu.memory_space<vmem>>, vector<16xf32>,
      %mul3A_294 = arith.constant 4100 : i32
      %mul3A_295 = vector.broadcast %mul3A_294 : i32 to vector<16xi32>
      %mul3A_296 = arith.muli %convert_element_type3A_284, %mul3A_295 : vector<16xi32>
      %add3A_297 = arith.addi %mul3A_296, %convert_element_type3A_285 : vector<16xi32>
      %swap3A_298 = arith.index_cast %add3A_265 : i32 to index
      %swap3A_299 = tpu.vector_load %arg10[%swap3A_298] {strides = array<i32>} : memref<2048xi32, #tpu.memory_space<vmem>>, vector<16xi32>,
      tpu.vector_store %arg10[%swap3A_298], %add3A_297 {strides = array<i32>} : memref<2048xi32, #tpu.memory_space<vmem>>, vector<16xi32>,
      %shift_right_logical3A_300 = arith.constant 1 : i32
      %shift_right_logical3A_301 = vector.broadcast %shift_right_logical3A_300 : i32 to vector<16xi32>
      %shift_right_logical3A_302 = arith.shrui %add3A_297, %shift_right_logical3A_301 : vector<16xi32>
      %add3A_303 = arith.constant 1 : i32
      %add3A_304 = vector.broadcast %add3A_303 : i32 to vector<16xi32>
      %add3A_305 = arith.addi %add3A_297, %add3A_304 : vector<16xi32>
      %shift_right_logical3A_306 = arith.constant 1 : i32
      %shift_right_logical3A_307 = vector.broadcast %shift_right_logical3A_306 : i32 to vector<16xi32>
      %shift_right_logical3A_308 = arith.shrui %add3A_305, %shift_right_logical3A_307 : vector<16xi32>
      %swap3A_309 = arith.index_cast %scan3A_125 : i32 to index
      %swap3A_310 = arith.constant 32 : index
      %swap3A_311 = tpu.vector_load %arg11[%swap3A_309, %swap3A_310] {strides = array<i32>} : memref<64x128xi32, #tpu.memory_space<vmem>>, vector<16xi32>,
      tpu.vector_store %arg11[%swap3A_309, %swap3A_310], %shift_right_logical3A_302 {strides = array<i32>} : memref<64x128xi32, #tpu.memory_space<vmem>>, vector<16xi32>,
      %add3A_312 = arith.constant 16 : i32
      %add3A_313 = arith.addi %add3A_312, %scan3A_125 : i32
      %swap3A_314 = arith.index_cast %add3A_313 : i32 to index
      %swap3A_315 = arith.constant 32 : index
      %swap3A_316 = tpu.vector_load %arg11[%swap3A_314, %swap3A_315] {strides = array<i32>} : memref<64x128xi32, #tpu.memory_space<vmem>>, vector<16xi32>,
      tpu.vector_store %arg11[%swap3A_314, %swap3A_315], %shift_right_logical3A_308 {strides = array<i32>} : memref<64x128xi32, #tpu.memory_space<vmem>>, vector<16xi32>,
      %add3A_317 = arith.constant 2050 : i32
      %add3A_318 = vector.broadcast %add3A_317 : i32 to vector<16xi32>
      %add3A_319 = arith.addi %shift_right_logical3A_302, %add3A_318 : vector<16xi32>
      %add3A_320 = arith.constant 32 : i32
      %add3A_321 = arith.addi %add3A_320, %scan3A_125 : i32
      %swap3A_322 = arith.index_cast %add3A_321 : i32 to index
      %swap3A_323 = arith.constant 32 : index
      %swap3A_324 = tpu.vector_load %arg11[%swap3A_322, %swap3A_323] {strides = array<i32>} : memref<64x128xi32, #tpu.memory_space<vmem>>, vector<16xi32>,
      tpu.vector_store %arg11[%swap3A_322, %swap3A_323], %add3A_319 {strides = array<i32>} : memref<64x128xi32, #tpu.memory_space<vmem>>, vector<16xi32>,
      %add3A_325 = arith.constant 2050 : i32
      %add3A_326 = vector.broadcast %add3A_325 : i32 to vector<16xi32>
      %add3A_327 = arith.addi %shift_right_logical3A_308, %add3A_326 : vector<16xi32>
      %add3A_328 = arith.constant 48 : i32
      %add3A_329 = arith.addi %add3A_328, %scan3A_125 : i32
      %swap3A_330 = arith.index_cast %add3A_329 : i32 to index
      %swap3A_331 = arith.constant 32 : index
      %swap3A_332 = tpu.vector_load %arg11[%swap3A_330, %swap3A_331] {strides = array<i32>} : memref<64x128xi32, #tpu.memory_space<vmem>>, vector<16xi32>,
      tpu.vector_store %arg11[%swap3A_330, %swap3A_331], %add3A_327 {strides = array<i32>} : memref<64x128xi32, #tpu.memory_space<vmem>>, vector<16xi32>,
      %mul3A_333 = arith.constant 128 : i32
      %mul3A_334 = arith.muli %scan3A_125, %mul3A_333 : i32
      %add3A_335 = arith.constant 48 : i32
      %add3A_336 = arith.addi %mul3A_334, %add3A_335 : i32
      %get3A_337 = arith.index_cast %add3A_336 : i32 to index
      %get3A_338 = tpu.vector_load %arg6[%get3A_337] {strides = array<i32>} : memref<2048xf32, #tpu.memory_space<vmem>>, vector<16xf32>,
      %get3A_339 = arith.index_cast %add3A_336 : i32 to index
      %get3A_340 = tpu.vector_load %arg7[%get3A_339] {strides = array<i32>} : memref<2048xf32, #tpu.memory_space<vmem>>, vector<16xf32>,
      %ge3A_341 = arith.constant 1.000000e+00 : f32
      %ge3A_342 = vector.broadcast %ge3A_341 : f32 to vector<16xf32>
      %ge3A_343 = arith.cmpf oge, %get3A_338, %ge3A_342 : vector<16xf32>
      %add3A_344 = arith.constant 4.096000e+03 : f32
      %add3A_345 = vector.broadcast %add3A_344 : f32 to vector<16xf32>
      %add3A_346 = arith.addf %get3A_338, %add3A_345 : vector<16xf32>
      %select_n3A_347 = arith.select %ge3A_343, %get3A_338, %add3A_346 : vector<16xi1>, vector<16xf32>
      %ge3A_348 = arith.constant 1.000000e+00 : f32
      %ge3A_349 = vector.broadcast %ge3A_348 : f32 to vector<16xf32>
      %ge3A_350 = arith.cmpf oge, %get3A_340, %ge3A_349 : vector<16xf32>
      %add3A_351 = arith.constant 4.096000e+03 : f32
      %add3A_352 = vector.broadcast %add3A_351 : f32 to vector<16xf32>
      %add3A_353 = arith.addf %get3A_340, %add3A_352 : vector<16xf32>
      %select_n3A_354 = arith.select %ge3A_350, %get3A_340, %add3A_353 : vector<16xi1>, vector<16xf32>
      %convert_element_type3A_355 = arith.fptosi %select_n3A_347 : vector<16xf32> to vector<16xi32>
      %convert_element_type3A_356 = arith.fptosi %select_n3A_354 : vector<16xf32> to vector<16xi32>
      %convert_element_type3A_357 = arith.sitofp %convert_element_type3A_355 : vector<16xi32> to vector<16xf32>
      %sub3A_358 = arith.subf %select_n3A_347, %convert_element_type3A_357 : vector<16xf32>
      %swap3A_359 = arith.index_cast %add3A_336 : i32 to index
      %swap3A_360 = tpu.vector_load %arg8[%swap3A_359] {strides = array<i32>} : memref<2048xf32, #tpu.memory_space<vmem>>, vector<16xf32>,
      tpu.vector_store %arg8[%swap3A_359], %sub3A_358 {strides = array<i32>} : memref<2048xf32, #tpu.memory_space<vmem>>, vector<16xf32>,
      %convert_element_type3A_361 = arith.sitofp %convert_element_type3A_356 : vector<16xi32> to vector<16xf32>
      %sub3A_362 = arith.subf %select_n3A_354, %convert_element_type3A_361 : vector<16xf32>
      %swap3A_363 = arith.index_cast %add3A_336 : i32 to index
      %swap3A_364 = tpu.vector_load %arg9[%swap3A_363] {strides = array<i32>} : memref<2048xf32, #tpu.memory_space<vmem>>, vector<16xf32>,
      tpu.vector_store %arg9[%swap3A_363], %sub3A_362 {strides = array<i32>} : memref<2048xf32, #tpu.memory_space<vmem>>, vector<16xf32>,
      %mul3A_365 = arith.constant 4100 : i32
      %mul3A_366 = vector.broadcast %mul3A_365 : i32 to vector<16xi32>
      %mul3A_367 = arith.muli %convert_element_type3A_355, %mul3A_366 : vector<16xi32>
      %add3A_368 = arith.addi %mul3A_367, %convert_element_type3A_356 : vector<16xi32>
      %swap3A_369 = arith.index_cast %add3A_336 : i32 to index
      %swap3A_370 = tpu.vector_load %arg10[%swap3A_369] {strides = array<i32>} : memref<2048xi32, #tpu.memory_space<vmem>>, vector<16xi32>,
      tpu.vector_store %arg10[%swap3A_369], %add3A_368 {strides = array<i32>} : memref<2048xi32, #tpu.memory_space<vmem>>, vector<16xi32>,
      %shift_right_logical3A_371 = arith.constant 1 : i32
      %shift_right_logical3A_372 = vector.broadcast %shift_right_logical3A_371 : i32 to vector<16xi32>
      %shift_right_logical3A_373 = arith.shrui %add3A_368, %shift_right_logical3A_372 : vector<16xi32>
      %add3A_374 = arith.constant 1 : i32
      %add3A_375 = vector.broadcast %add3A_374 : i32 to vector<16xi32>
      %add3A_376 = arith.addi %add3A_368, %add3A_375 : vector<16xi32>
      %shift_right_logical3A_377 = arith.constant 1 : i32
      %shift_right_logical3A_378 = vector.broadcast %shift_right_logical3A_377 : i32 to vector<16xi32>
      %shift_right_logical3A_379 = arith.shrui %add3A_376, %shift_right_logical3A_378 : vector<16xi32>
      %swap3A_380 = arith.index_cast %scan3A_125 : i32 to index
      %swap3A_381 = arith.constant 48 : index
      %swap3A_382 = tpu.vector_load %arg11[%swap3A_380, %swap3A_381] {strides = array<i32>} : memref<64x128xi32, #tpu.memory_space<vmem>>, vector<16xi32>,
      tpu.vector_store %arg11[%swap3A_380, %swap3A_381], %shift_right_logical3A_373 {strides = array<i32>} : memref<64x128xi32, #tpu.memory_space<vmem>>, vector<16xi32>,
      %add3A_383 = arith.constant 16 : i32
      %add3A_384 = arith.addi %add3A_383, %scan3A_125 : i32
      %swap3A_385 = arith.index_cast %add3A_384 : i32 to index
      %swap3A_386 = arith.constant 48 : index
      %swap3A_387 = tpu.vector_load %arg11[%swap3A_385, %swap3A_386] {strides = array<i32>} : memref<64x128xi32, #tpu.memory_space<vmem>>, vector<16xi32>,
      tpu.vector_store %arg11[%swap3A_385, %swap3A_386], %shift_right_logical3A_379 {strides = array<i32>} : memref<64x128xi32, #tpu.memory_space<vmem>>, vector<16xi32>,
      %add3A_388 = arith.constant 2050 : i32
      %add3A_389 = vector.broadcast %add3A_388 : i32 to vector<16xi32>
      %add3A_390 = arith.addi %shift_right_logical3A_373, %add3A_389 : vector<16xi32>
      %add3A_391 = arith.constant 32 : i32
      %add3A_392 = arith.addi %add3A_391, %scan3A_125 : i32
      %swap3A_393 = arith.index_cast %add3A_392 : i32 to index
      %swap3A_394 = arith.constant 48 : index
      %swap3A_395 = tpu.vector_load %arg11[%swap3A_393, %swap3A_394] {strides = array<i32>} : memref<64x128xi32, #tpu.memory_space<vmem>>, vector<16xi32>,
      tpu.vector_store %arg11[%swap3A_393, %swap3A_394], %add3A_390 {strides = array<i32>} : memref<64x128xi32, #tpu.memory_space<vmem>>, vector<16xi32>,
      %add3A_396 = arith.constant 2050 : i32
      %add3A_397 = vector.broadcast %add3A_396 : i32 to vector<16xi32>
      %add3A_398 = arith.addi %shift_right_logical3A_379, %add3A_397 : vector<16xi32>
      %add3A_399 = arith.constant 48 : i32
      %add3A_400 = arith.addi %add3A_399, %scan3A_125 : i32
      %swap3A_401 = arith.index_cast %add3A_400 : i32 to index
      %swap3A_402 = arith.constant 48 : index
      %swap3A_403 = tpu.vector_load %arg11[%swap3A_401, %swap3A_402] {strides = array<i32>} : memref<64x128xi32, #tpu.memory_space<vmem>>, vector<16xi32>,
      tpu.vector_store %arg11[%swap3A_401, %swap3A_402], %add3A_398 {strides = array<i32>} : memref<64x128xi32, #tpu.memory_space<vmem>>, vector<16xi32>,
      %mul3A_404 = arith.constant 128 : i32
      %mul3A_405 = arith.muli %scan3A_125, %mul3A_404 : i32
      %add3A_406 = arith.constant 64 : i32
      %add3A_407 = arith.addi %mul3A_405, %add3A_406 : i32
      %get3A_408 = arith.index_cast %add3A_407 : i32 to index
      %get3A_409 = tpu.vector_load %arg6[%get3A_408] {strides = array<i32>} : memref<2048xf32, #tpu.memory_space<vmem>>, vector<16xf32>,
      %get3A_410 = arith.index_cast %add3A_407 : i32 to index
      %get3A_411 = tpu.vector_load %arg7[%get3A_410] {strides = array<i32>} : memref<2048xf32, #tpu.memory_space<vmem>>, vector<16xf32>,
      %ge3A_412 = arith.constant 1.000000e+00 : f32
      %ge3A_413 = vector.broadcast %ge3A_412 : f32 to vector<16xf32>
      %ge3A_414 = arith.cmpf oge, %get3A_409, %ge3A_413 : vector<16xf32>
      %add3A_415 = arith.constant 4.096000e+03 : f32
      %add3A_416 = vector.broadcast %add3A_415 : f32 to vector<16xf32>
      %add3A_417 = arith.addf %get3A_409, %add3A_416 : vector<16xf32>
      %select_n3A_418 = arith.select %ge3A_414, %get3A_409, %add3A_417 : vector<16xi1>, vector<16xf32>
      %ge3A_419 = arith.constant 1.000000e+00 : f32
      %ge3A_420 = vector.broadcast %ge3A_419 : f32 to vector<16xf32>
      %ge3A_421 = arith.cmpf oge, %get3A_411, %ge3A_420 : vector<16xf32>
      %add3A_422 = arith.constant 4.096000e+03 : f32
      %add3A_423 = vector.broadcast %add3A_422 : f32 to vector<16xf32>
      %add3A_424 = arith.addf %get3A_411, %add3A_423 : vector<16xf32>
      %select_n3A_425 = arith.select %ge3A_421, %get3A_411, %add3A_424 : vector<16xi1>, vector<16xf32>
      %convert_element_type3A_426 = arith.fptosi %select_n3A_418 : vector<16xf32> to vector<16xi32>
      %convert_element_type3A_427 = arith.fptosi %select_n3A_425 : vector<16xf32> to vector<16xi32>
      %convert_element_type3A_428 = arith.sitofp %convert_element_type3A_426 : vector<16xi32> to vector<16xf32>
      %sub3A_429 = arith.subf %select_n3A_418, %convert_element_type3A_428 : vector<16xf32>
      %swap3A_430 = arith.index_cast %add3A_407 : i32 to index
      %swap3A_431 = tpu.vector_load %arg8[%swap3A_430] {strides = array<i32>} : memref<2048xf32, #tpu.memory_space<vmem>>, vector<16xf32>,
      tpu.vector_store %arg8[%swap3A_430], %sub3A_429 {strides = array<i32>} : memref<2048xf32, #tpu.memory_space<vmem>>, vector<16xf32>,
      %convert_element_type3A_432 = arith.sitofp %convert_element_type3A_427 : vector<16xi32> to vector<16xf32>
      %sub3A_433 = arith.subf %select_n3A_425, %convert_element_type3A_432 : vector<16xf32>
      %swap3A_434 = arith.index_cast %add3A_407 : i32 to index
      %swap3A_435 = tpu.vector_load %arg9[%swap3A_434] {strides = array<i32>} : memref<2048xf32, #tpu.memory_space<vmem>>, vector<16xf32>,
      tpu.vector_store %arg9[%swap3A_434], %sub3A_433 {strides = array<i32>} : memref<2048xf32, #tpu.memory_space<vmem>>, vector<16xf32>,
      %mul3A_436 = arith.constant 4100 : i32
      %mul3A_437 = vector.broadcast %mul3A_436 : i32 to vector<16xi32>
      %mul3A_438 = arith.muli %convert_element_type3A_426, %mul3A_437 : vector<16xi32>
      %add3A_439 = arith.addi %mul3A_438, %convert_element_type3A_427 : vector<16xi32>
      %swap3A_440 = arith.index_cast %add3A_407 : i32 to index
      %swap3A_441 = tpu.vector_load %arg10[%swap3A_440] {strides = array<i32>} : memref<2048xi32, #tpu.memory_space<vmem>>, vector<16xi32>,
      tpu.vector_store %arg10[%swap3A_440], %add3A_439 {strides = array<i32>} : memref<2048xi32, #tpu.memory_space<vmem>>, vector<16xi32>,
      %shift_right_logical3A_442 = arith.constant 1 : i32
      %shift_right_logical3A_443 = vector.broadcast %shift_right_logical3A_442 : i32 to vector<16xi32>
      %shift_right_logical3A_444 = arith.shrui %add3A_439, %shift_right_logical3A_443 : vector<16xi32>
      %add3A_445 = arith.constant 1 : i32
      %add3A_446 = vector.broadcast %add3A_445 : i32 to vector<16xi32>
      %add3A_447 = arith.addi %add3A_439, %add3A_446 : vector<16xi32>
      %shift_right_logical3A_448 = arith.constant 1 : i32
      %shift_right_logical3A_449 = vector.broadcast %shift_right_logical3A_448 : i32 to vector<16xi32>
      %shift_right_logical3A_450 = arith.shrui %add3A_447, %shift_right_logical3A_449 : vector<16xi32>
      %swap3A_451 = arith.index_cast %scan3A_125 : i32 to index
      %swap3A_452 = arith.constant 64 : index
      %swap3A_453 = tpu.vector_load %arg11[%swap3A_451, %swap3A_452] {strides = array<i32>} : memref<64x128xi32, #tpu.memory_space<vmem>>, vector<16xi32>,
      tpu.vector_store %arg11[%swap3A_451, %swap3A_452], %shift_right_logical3A_444 {strides = array<i32>} : memref<64x128xi32, #tpu.memory_space<vmem>>, vector<16xi32>,
      %add3A_454 = arith.constant 16 : i32
      %add3A_455 = arith.addi %add3A_454, %scan3A_125 : i32
      %swap3A_456 = arith.index_cast %add3A_455 : i32 to index
      %swap3A_457 = arith.constant 64 : index
      %swap3A_458 = tpu.vector_load %arg11[%swap3A_456, %swap3A_457] {strides = array<i32>} : memref<64x128xi32, #tpu.memory_space<vmem>>, vector<16xi32>,
      tpu.vector_store %arg11[%swap3A_456, %swap3A_457], %shift_right_logical3A_450 {strides = array<i32>} : memref<64x128xi32, #tpu.memory_space<vmem>>, vector<16xi32>,
      %add3A_459 = arith.constant 2050 : i32
      %add3A_460 = vector.broadcast %add3A_459 : i32 to vector<16xi32>
      %add3A_461 = arith.addi %shift_right_logical3A_444, %add3A_460 : vector<16xi32>
      %add3A_462 = arith.constant 32 : i32
      %add3A_463 = arith.addi %add3A_462, %scan3A_125 : i32
      %swap3A_464 = arith.index_cast %add3A_463 : i32 to index
      %swap3A_465 = arith.constant 64 : index
      %swap3A_466 = tpu.vector_load %arg11[%swap3A_464, %swap3A_465] {strides = array<i32>} : memref<64x128xi32, #tpu.memory_space<vmem>>, vector<16xi32>,
      tpu.vector_store %arg11[%swap3A_464, %swap3A_465], %add3A_461 {strides = array<i32>} : memref<64x128xi32, #tpu.memory_space<vmem>>, vector<16xi32>,
      %add3A_467 = arith.constant 2050 : i32
      %add3A_468 = vector.broadcast %add3A_467 : i32 to vector<16xi32>
      %add3A_469 = arith.addi %shift_right_logical3A_450, %add3A_468 : vector<16xi32>
      %add3A_470 = arith.constant 48 : i32
      %add3A_471 = arith.addi %add3A_470, %scan3A_125 : i32
      %swap3A_472 = arith.index_cast %add3A_471 : i32 to index
      %swap3A_473 = arith.constant 64 : index
      %swap3A_474 = tpu.vector_load %arg11[%swap3A_472, %swap3A_473] {strides = array<i32>} : memref<64x128xi32, #tpu.memory_space<vmem>>, vector<16xi32>,
      tpu.vector_store %arg11[%swap3A_472, %swap3A_473], %add3A_469 {strides = array<i32>} : memref<64x128xi32, #tpu.memory_space<vmem>>, vector<16xi32>,
      %mul3A_475 = arith.constant 128 : i32
      %mul3A_476 = arith.muli %scan3A_125, %mul3A_475 : i32
      %add3A_477 = arith.constant 80 : i32
      %add3A_478 = arith.addi %mul3A_476, %add3A_477 : i32
      %get3A_479 = arith.index_cast %add3A_478 : i32 to index
      %get3A_480 = tpu.vector_load %arg6[%get3A_479] {strides = array<i32>} : memref<2048xf32, #tpu.memory_space<vmem>>, vector<16xf32>,
      %get3A_481 = arith.index_cast %add3A_478 : i32 to index
      %get3A_482 = tpu.vector_load %arg7[%get3A_481] {strides = array<i32>} : memref<2048xf32, #tpu.memory_space<vmem>>, vector<16xf32>,
      %ge3A_483 = arith.constant 1.000000e+00 : f32
      %ge3A_484 = vector.broadcast %ge3A_483 : f32 to vector<16xf32>
      %ge3A_485 = arith.cmpf oge, %get3A_480, %ge3A_484 : vector<16xf32>
      %add3A_486 = arith.constant 4.096000e+03 : f32
      %add3A_487 = vector.broadcast %add3A_486 : f32 to vector<16xf32>
      %add3A_488 = arith.addf %get3A_480, %add3A_487 : vector<16xf32>
      %select_n3A_489 = arith.select %ge3A_485, %get3A_480, %add3A_488 : vector<16xi1>, vector<16xf32>
      %ge3A_490 = arith.constant 1.000000e+00 : f32
      %ge3A_491 = vector.broadcast %ge3A_490 : f32 to vector<16xf32>
      %ge3A_492 = arith.cmpf oge, %get3A_482, %ge3A_491 : vector<16xf32>
      %add3A_493 = arith.constant 4.096000e+03 : f32
      %add3A_494 = vector.broadcast %add3A_493 : f32 to vector<16xf32>
      %add3A_495 = arith.addf %get3A_482, %add3A_494 : vector<16xf32>
      %select_n3A_496 = arith.select %ge3A_492, %get3A_482, %add3A_495 : vector<16xi1>, vector<16xf32>
      %convert_element_type3A_497 = arith.fptosi %select_n3A_489 : vector<16xf32> to vector<16xi32>
      %convert_element_type3A_498 = arith.fptosi %select_n3A_496 : vector<16xf32> to vector<16xi32>
      %convert_element_type3A_499 = arith.sitofp %convert_element_type3A_497 : vector<16xi32> to vector<16xf32>
      %sub3A_500 = arith.subf %select_n3A_489, %convert_element_type3A_499 : vector<16xf32>
      %swap3A_501 = arith.index_cast %add3A_478 : i32 to index
      %swap3A_502 = tpu.vector_load %arg8[%swap3A_501] {strides = array<i32>} : memref<2048xf32, #tpu.memory_space<vmem>>, vector<16xf32>,
      tpu.vector_store %arg8[%swap3A_501], %sub3A_500 {strides = array<i32>} : memref<2048xf32, #tpu.memory_space<vmem>>, vector<16xf32>,
      %convert_element_type3A_503 = arith.sitofp %convert_element_type3A_498 : vector<16xi32> to vector<16xf32>
      %sub3A_504 = arith.subf %select_n3A_496, %convert_element_type3A_503 : vector<16xf32>
      %swap3A_505 = arith.index_cast %add3A_478 : i32 to index
      %swap3A_506 = tpu.vector_load %arg9[%swap3A_505] {strides = array<i32>} : memref<2048xf32, #tpu.memory_space<vmem>>, vector<16xf32>,
      tpu.vector_store %arg9[%swap3A_505], %sub3A_504 {strides = array<i32>} : memref<2048xf32, #tpu.memory_space<vmem>>, vector<16xf32>,
      %mul3A_507 = arith.constant 4100 : i32
      %mul3A_508 = vector.broadcast %mul3A_507 : i32 to vector<16xi32>
      %mul3A_509 = arith.muli %convert_element_type3A_497, %mul3A_508 : vector<16xi32>
      %add3A_510 = arith.addi %mul3A_509, %convert_element_type3A_498 : vector<16xi32>
      %swap3A_511 = arith.index_cast %add3A_478 : i32 to index
      %swap3A_512 = tpu.vector_load %arg10[%swap3A_511] {strides = array<i32>} : memref<2048xi32, #tpu.memory_space<vmem>>, vector<16xi32>,
      tpu.vector_store %arg10[%swap3A_511], %add3A_510 {strides = array<i32>} : memref<2048xi32, #tpu.memory_space<vmem>>, vector<16xi32>,
      %shift_right_logical3A_513 = arith.constant 1 : i32
      %shift_right_logical3A_514 = vector.broadcast %shift_right_logical3A_513 : i32 to vector<16xi32>
      %shift_right_logical3A_515 = arith.shrui %add3A_510, %shift_right_logical3A_514 : vector<16xi32>
      %add3A_516 = arith.constant 1 : i32
      %add3A_517 = vector.broadcast %add3A_516 : i32 to vector<16xi32>
      %add3A_518 = arith.addi %add3A_510, %add3A_517 : vector<16xi32>
      %shift_right_logical3A_519 = arith.constant 1 : i32
      %shift_right_logical3A_520 = vector.broadcast %shift_right_logical3A_519 : i32 to vector<16xi32>
      %shift_right_logical3A_521 = arith.shrui %add3A_518, %shift_right_logical3A_520 : vector<16xi32>
      %swap3A_522 = arith.index_cast %scan3A_125 : i32 to index
      %swap3A_523 = arith.constant 80 : index
      %swap3A_524 = tpu.vector_load %arg11[%swap3A_522, %swap3A_523] {strides = array<i32>} : memref<64x128xi32, #tpu.memory_space<vmem>>, vector<16xi32>,
      tpu.vector_store %arg11[%swap3A_522, %swap3A_523], %shift_right_logical3A_515 {strides = array<i32>} : memref<64x128xi32, #tpu.memory_space<vmem>>, vector<16xi32>,
      %add3A_525 = arith.constant 16 : i32
      %add3A_526 = arith.addi %add3A_525, %scan3A_125 : i32
      %swap3A_527 = arith.index_cast %add3A_526 : i32 to index
      %swap3A_528 = arith.constant 80 : index
      %swap3A_529 = tpu.vector_load %arg11[%swap3A_527, %swap3A_528] {strides = array<i32>} : memref<64x128xi32, #tpu.memory_space<vmem>>, vector<16xi32>,
      tpu.vector_store %arg11[%swap3A_527, %swap3A_528], %shift_right_logical3A_521 {strides = array<i32>} : memref<64x128xi32, #tpu.memory_space<vmem>>, vector<16xi32>,
      %add3A_530 = arith.constant 2050 : i32
      %add3A_531 = vector.broadcast %add3A_530 : i32 to vector<16xi32>
      %add3A_532 = arith.addi %shift_right_logical3A_515, %add3A_531 : vector<16xi32>
      %add3A_533 = arith.constant 32 : i32
      %add3A_534 = arith.addi %add3A_533, %scan3A_125 : i32
      %swap3A_535 = arith.index_cast %add3A_534 : i32 to index
      %swap3A_536 = arith.constant 80 : index
      %swap3A_537 = tpu.vector_load %arg11[%swap3A_535, %swap3A_536] {strides = array<i32>} : memref<64x128xi32, #tpu.memory_space<vmem>>, vector<16xi32>,
      tpu.vector_store %arg11[%swap3A_535, %swap3A_536], %add3A_532 {strides = array<i32>} : memref<64x128xi32, #tpu.memory_space<vmem>>, vector<16xi32>,
      %add3A_538 = arith.constant 2050 : i32
      %add3A_539 = vector.broadcast %add3A_538 : i32 to vector<16xi32>
      %add3A_540 = arith.addi %shift_right_logical3A_521, %add3A_539 : vector<16xi32>
      %add3A_541 = arith.constant 48 : i32
      %add3A_542 = arith.addi %add3A_541, %scan3A_125 : i32
      %swap3A_543 = arith.index_cast %add3A_542 : i32 to index
      %swap3A_544 = arith.constant 80 : index
      %swap3A_545 = tpu.vector_load %arg11[%swap3A_543, %swap3A_544] {strides = array<i32>} : memref<64x128xi32, #tpu.memory_space<vmem>>, vector<16xi32>,
      tpu.vector_store %arg11[%swap3A_543, %swap3A_544], %add3A_540 {strides = array<i32>} : memref<64x128xi32, #tpu.memory_space<vmem>>, vector<16xi32>,
      %mul3A_546 = arith.constant 128 : i32
      %mul3A_547 = arith.muli %scan3A_125, %mul3A_546 : i32
      %add3A_548 = arith.constant 96 : i32
      %add3A_549 = arith.addi %mul3A_547, %add3A_548 : i32
      %get3A_550 = arith.index_cast %add3A_549 : i32 to index
      %get3A_551 = tpu.vector_load %arg6[%get3A_550] {strides = array<i32>} : memref<2048xf32, #tpu.memory_space<vmem>>, vector<16xf32>,
      %get3A_552 = arith.index_cast %add3A_549 : i32 to index
      %get3A_553 = tpu.vector_load %arg7[%get3A_552] {strides = array<i32>} : memref<2048xf32, #tpu.memory_space<vmem>>, vector<16xf32>,
      %ge3A_554 = arith.constant 1.000000e+00 : f32
      %ge3A_555 = vector.broadcast %ge3A_554 : f32 to vector<16xf32>
      %ge3A_556 = arith.cmpf oge, %get3A_551, %ge3A_555 : vector<16xf32>
      %add3A_557 = arith.constant 4.096000e+03 : f32
      %add3A_558 = vector.broadcast %add3A_557 : f32 to vector<16xf32>
      %add3A_559 = arith.addf %get3A_551, %add3A_558 : vector<16xf32>
      %select_n3A_560 = arith.select %ge3A_556, %get3A_551, %add3A_559 : vector<16xi1>, vector<16xf32>
      %ge3A_561 = arith.constant 1.000000e+00 : f32
      %ge3A_562 = vector.broadcast %ge3A_561 : f32 to vector<16xf32>
      %ge3A_563 = arith.cmpf oge, %get3A_553, %ge3A_562 : vector<16xf32>
      %add3A_564 = arith.constant 4.096000e+03 : f32
      %add3A_565 = vector.broadcast %add3A_564 : f32 to vector<16xf32>
      %add3A_566 = arith.addf %get3A_553, %add3A_565 : vector<16xf32>
      %select_n3A_567 = arith.select %ge3A_563, %get3A_553, %add3A_566 : vector<16xi1>, vector<16xf32>
      %convert_element_type3A_568 = arith.fptosi %select_n3A_560 : vector<16xf32> to vector<16xi32>
      %convert_element_type3A_569 = arith.fptosi %select_n3A_567 : vector<16xf32> to vector<16xi32>
      %convert_element_type3A_570 = arith.sitofp %convert_element_type3A_568 : vector<16xi32> to vector<16xf32>
      %sub3A_571 = arith.subf %select_n3A_560, %convert_element_type3A_570 : vector<16xf32>
      %swap3A_572 = arith.index_cast %add3A_549 : i32 to index
      %swap3A_573 = tpu.vector_load %arg8[%swap3A_572] {strides = array<i32>} : memref<2048xf32, #tpu.memory_space<vmem>>, vector<16xf32>,
      tpu.vector_store %arg8[%swap3A_572], %sub3A_571 {strides = array<i32>} : memref<2048xf32, #tpu.memory_space<vmem>>, vector<16xf32>,
      %convert_element_type3A_574 = arith.sitofp %convert_element_type3A_569 : vector<16xi32> to vector<16xf32>
      %sub3A_575 = arith.subf %select_n3A_567, %convert_element_type3A_574 : vector<16xf32>
      %swap3A_576 = arith.index_cast %add3A_549 : i32 to index
      %swap3A_577 = tpu.vector_load %arg9[%swap3A_576] {strides = array<i32>} : memref<2048xf32, #tpu.memory_space<vmem>>, vector<16xf32>,
      tpu.vector_store %arg9[%swap3A_576], %sub3A_575 {strides = array<i32>} : memref<2048xf32, #tpu.memory_space<vmem>>, vector<16xf32>,
      %mul3A_578 = arith.constant 4100 : i32
      %mul3A_579 = vector.broadcast %mul3A_578 : i32 to vector<16xi32>
      %mul3A_580 = arith.muli %convert_element_type3A_568, %mul3A_579 : vector<16xi32>
      %add3A_581 = arith.addi %mul3A_580, %convert_element_type3A_569 : vector<16xi32>
      %swap3A_582 = arith.index_cast %add3A_549 : i32 to index
      %swap3A_583 = tpu.vector_load %arg10[%swap3A_582] {strides = array<i32>} : memref<2048xi32, #tpu.memory_space<vmem>>, vector<16xi32>,
      tpu.vector_store %arg10[%swap3A_582], %add3A_581 {strides = array<i32>} : memref<2048xi32, #tpu.memory_space<vmem>>, vector<16xi32>,
      %shift_right_logical3A_584 = arith.constant 1 : i32
      %shift_right_logical3A_585 = vector.broadcast %shift_right_logical3A_584 : i32 to vector<16xi32>
      %shift_right_logical3A_586 = arith.shrui %add3A_581, %shift_right_logical3A_585 : vector<16xi32>
      %add3A_587 = arith.constant 1 : i32
      %add3A_588 = vector.broadcast %add3A_587 : i32 to vector<16xi32>
      %add3A_589 = arith.addi %add3A_581, %add3A_588 : vector<16xi32>
      %shift_right_logical3A_590 = arith.constant 1 : i32
      %shift_right_logical3A_591 = vector.broadcast %shift_right_logical3A_590 : i32 to vector<16xi32>
      %shift_right_logical3A_592 = arith.shrui %add3A_589, %shift_right_logical3A_591 : vector<16xi32>
      %swap3A_593 = arith.index_cast %scan3A_125 : i32 to index
      %swap3A_594 = arith.constant 96 : index
      %swap3A_595 = tpu.vector_load %arg11[%swap3A_593, %swap3A_594] {strides = array<i32>} : memref<64x128xi32, #tpu.memory_space<vmem>>, vector<16xi32>,
      tpu.vector_store %arg11[%swap3A_593, %swap3A_594], %shift_right_logical3A_586 {strides = array<i32>} : memref<64x128xi32, #tpu.memory_space<vmem>>, vector<16xi32>,
      %add3A_596 = arith.constant 16 : i32
      %add3A_597 = arith.addi %add3A_596, %scan3A_125 : i32
      %swap3A_598 = arith.index_cast %add3A_597 : i32 to index
      %swap3A_599 = arith.constant 96 : index
      %swap3A_600 = tpu.vector_load %arg11[%swap3A_598, %swap3A_599] {strides = array<i32>} : memref<64x128xi32, #tpu.memory_space<vmem>>, vector<16xi32>,
      tpu.vector_store %arg11[%swap3A_598, %swap3A_599], %shift_right_logical3A_592 {strides = array<i32>} : memref<64x128xi32, #tpu.memory_space<vmem>>, vector<16xi32>,
      %add3A_601 = arith.constant 2050 : i32
      %add3A_602 = vector.broadcast %add3A_601 : i32 to vector<16xi32>
      %add3A_603 = arith.addi %shift_right_logical3A_586, %add3A_602 : vector<16xi32>
      %add3A_604 = arith.constant 32 : i32
      %add3A_605 = arith.addi %add3A_604, %scan3A_125 : i32
      %swap3A_606 = arith.index_cast %add3A_605 : i32 to index
      %swap3A_607 = arith.constant 96 : index
      %swap3A_608 = tpu.vector_load %arg11[%swap3A_606, %swap3A_607] {strides = array<i32>} : memref<64x128xi32, #tpu.memory_space<vmem>>, vector<16xi32>,
      tpu.vector_store %arg11[%swap3A_606, %swap3A_607], %add3A_603 {strides = array<i32>} : memref<64x128xi32, #tpu.memory_space<vmem>>, vector<16xi32>,
      %add3A_609 = arith.constant 2050 : i32
      %add3A_610 = vector.broadcast %add3A_609 : i32 to vector<16xi32>
      %add3A_611 = arith.addi %shift_right_logical3A_592, %add3A_610 : vector<16xi32>
      %add3A_612 = arith.constant 48 : i32
      %add3A_613 = arith.addi %add3A_612, %scan3A_125 : i32
      %swap3A_614 = arith.index_cast %add3A_613 : i32 to index
      %swap3A_615 = arith.constant 96 : index
      %swap3A_616 = tpu.vector_load %arg11[%swap3A_614, %swap3A_615] {strides = array<i32>} : memref<64x128xi32, #tpu.memory_space<vmem>>, vector<16xi32>,
      tpu.vector_store %arg11[%swap3A_614, %swap3A_615], %add3A_611 {strides = array<i32>} : memref<64x128xi32, #tpu.memory_space<vmem>>, vector<16xi32>,
      %mul3A_617 = arith.constant 128 : i32
      %mul3A_618 = arith.muli %scan3A_125, %mul3A_617 : i32
      %add3A_619 = arith.constant 112 : i32
      %add3A_620 = arith.addi %mul3A_618, %add3A_619 : i32
      %get3A_621 = arith.index_cast %add3A_620 : i32 to index
      %get3A_622 = tpu.vector_load %arg6[%get3A_621] {strides = array<i32>} : memref<2048xf32, #tpu.memory_space<vmem>>, vector<16xf32>,
      %get3A_623 = arith.index_cast %add3A_620 : i32 to index
      %get3A_624 = tpu.vector_load %arg7[%get3A_623] {strides = array<i32>} : memref<2048xf32, #tpu.memory_space<vmem>>, vector<16xf32>,
      %ge3A_625 = arith.constant 1.000000e+00 : f32
      %ge3A_626 = vector.broadcast %ge3A_625 : f32 to vector<16xf32>
      %ge3A_627 = arith.cmpf oge, %get3A_622, %ge3A_626 : vector<16xf32>
      %add3A_628 = arith.constant 4.096000e+03 : f32
      %add3A_629 = vector.broadcast %add3A_628 : f32 to vector<16xf32>
      %add3A_630 = arith.addf %get3A_622, %add3A_629 : vector<16xf32>
      %select_n3A_631 = arith.select %ge3A_627, %get3A_622, %add3A_630 : vector<16xi1>, vector<16xf32>
      %ge3A_632 = arith.constant 1.000000e+00 : f32
      %ge3A_633 = vector.broadcast %ge3A_632 : f32 to vector<16xf32>
      %ge3A_634 = arith.cmpf oge, %get3A_624, %ge3A_633 : vector<16xf32>
      %add3A_635 = arith.constant 4.096000e+03 : f32
      %add3A_636 = vector.broadcast %add3A_635 : f32 to vector<16xf32>
      %add3A_637 = arith.addf %get3A_624, %add3A_636 : vector<16xf32>
      %select_n3A_638 = arith.select %ge3A_634, %get3A_624, %add3A_637 : vector<16xi1>, vector<16xf32>
      %convert_element_type3A_639 = arith.fptosi %select_n3A_631 : vector<16xf32> to vector<16xi32>
      %convert_element_type3A_640 = arith.fptosi %select_n3A_638 : vector<16xf32> to vector<16xi32>
      %convert_element_type3A_641 = arith.sitofp %convert_element_type3A_639 : vector<16xi32> to vector<16xf32>
      %sub3A_642 = arith.subf %select_n3A_631, %convert_element_type3A_641 : vector<16xf32>
      %swap3A_643 = arith.index_cast %add3A_620 : i32 to index
      %swap3A_644 = tpu.vector_load %arg8[%swap3A_643] {strides = array<i32>} : memref<2048xf32, #tpu.memory_space<vmem>>, vector<16xf32>,
      tpu.vector_store %arg8[%swap3A_643], %sub3A_642 {strides = array<i32>} : memref<2048xf32, #tpu.memory_space<vmem>>, vector<16xf32>,
      %convert_element_type3A_645 = arith.sitofp %convert_element_type3A_640 : vector<16xi32> to vector<16xf32>
      %sub3A_646 = arith.subf %select_n3A_638, %convert_element_type3A_645 : vector<16xf32>
      %swap3A_647 = arith.index_cast %add3A_620 : i32 to index
      %swap3A_648 = tpu.vector_load %arg9[%swap3A_647] {strides = array<i32>} : memref<2048xf32, #tpu.memory_space<vmem>>, vector<16xf32>,
      tpu.vector_store %arg9[%swap3A_647], %sub3A_646 {strides = array<i32>} : memref<2048xf32, #tpu.memory_space<vmem>>, vector<16xf32>,
      %mul3A_649 = arith.constant 4100 : i32
      %mul3A_650 = vector.broadcast %mul3A_649 : i32 to vector<16xi32>
      %mul3A_651 = arith.muli %convert_element_type3A_639, %mul3A_650 : vector<16xi32>
      %add3A_652 = arith.addi %mul3A_651, %convert_element_type3A_640 : vector<16xi32>
      %swap3A_653 = arith.index_cast %add3A_620 : i32 to index
      %swap3A_654 = tpu.vector_load %arg10[%swap3A_653] {strides = array<i32>} : memref<2048xi32, #tpu.memory_space<vmem>>, vector<16xi32>,
      tpu.vector_store %arg10[%swap3A_653], %add3A_652 {strides = array<i32>} : memref<2048xi32, #tpu.memory_space<vmem>>, vector<16xi32>,
      %shift_right_logical3A_655 = arith.constant 1 : i32
      %shift_right_logical3A_656 = vector.broadcast %shift_right_logical3A_655 : i32 to vector<16xi32>
      %shift_right_logical3A_657 = arith.shrui %add3A_652, %shift_right_logical3A_656 : vector<16xi32>
      %add3A_658 = arith.constant 1 : i32
      %add3A_659 = vector.broadcast %add3A_658 : i32 to vector<16xi32>
      %add3A_660 = arith.addi %add3A_652, %add3A_659 : vector<16xi32>
      %shift_right_logical3A_661 = arith.constant 1 : i32
      %shift_right_logical3A_662 = vector.broadcast %shift_right_logical3A_661 : i32 to vector<16xi32>
      %shift_right_logical3A_663 = arith.shrui %add3A_660, %shift_right_logical3A_662 : vector<16xi32>
      %swap3A_664 = arith.index_cast %scan3A_125 : i32 to index
      %swap3A_665 = arith.constant 112 : index
      %swap3A_666 = tpu.vector_load %arg11[%swap3A_664, %swap3A_665] {strides = array<i32>} : memref<64x128xi32, #tpu.memory_space<vmem>>, vector<16xi32>,
      tpu.vector_store %arg11[%swap3A_664, %swap3A_665], %shift_right_logical3A_657 {strides = array<i32>} : memref<64x128xi32, #tpu.memory_space<vmem>>, vector<16xi32>,
      %add3A_667 = arith.constant 16 : i32
      %add3A_668 = arith.addi %add3A_667, %scan3A_125 : i32
      %swap3A_669 = arith.index_cast %add3A_668 : i32 to index
      %swap3A_670 = arith.constant 112 : index
      %swap3A_671 = tpu.vector_load %arg11[%swap3A_669, %swap3A_670] {strides = array<i32>} : memref<64x128xi32, #tpu.memory_space<vmem>>, vector<16xi32>,
      tpu.vector_store %arg11[%swap3A_669, %swap3A_670], %shift_right_logical3A_663 {strides = array<i32>} : memref<64x128xi32, #tpu.memory_space<vmem>>, vector<16xi32>,
      %add3A_672 = arith.constant 2050 : i32
      %add3A_673 = vector.broadcast %add3A_672 : i32 to vector<16xi32>
      %add3A_674 = arith.addi %shift_right_logical3A_657, %add3A_673 : vector<16xi32>
      %add3A_675 = arith.constant 32 : i32
      %add3A_676 = arith.addi %add3A_675, %scan3A_125 : i32
      %swap3A_677 = arith.index_cast %add3A_676 : i32 to index
      %swap3A_678 = arith.constant 112 : index
      %swap3A_679 = tpu.vector_load %arg11[%swap3A_677, %swap3A_678] {strides = array<i32>} : memref<64x128xi32, #tpu.memory_space<vmem>>, vector<16xi32>,
      tpu.vector_store %arg11[%swap3A_677, %swap3A_678], %add3A_674 {strides = array<i32>} : memref<64x128xi32, #tpu.memory_space<vmem>>, vector<16xi32>,
      %add3A_680 = arith.constant 2050 : i32
      %add3A_681 = vector.broadcast %add3A_680 : i32 to vector<16xi32>
      %add3A_682 = arith.addi %shift_right_logical3A_663, %add3A_681 : vector<16xi32>
      %add3A_683 = arith.constant 48 : i32
      %add3A_684 = arith.addi %add3A_683, %scan3A_125 : i32
      %swap3A_685 = arith.index_cast %add3A_684 : i32 to index
      %swap3A_686 = arith.constant 112 : index
      %swap3A_687 = tpu.vector_load %arg11[%swap3A_685, %swap3A_686] {strides = array<i32>} : memref<64x128xi32, #tpu.memory_space<vmem>>, vector<16xi32>,
      tpu.vector_store %arg11[%swap3A_685, %swap3A_686], %add3A_682 {strides = array<i32>} : memref<64x128xi32, #tpu.memory_space<vmem>>, vector<16xi32>,
      %add3A_688 = arith.constant 0 : i32
      %add3A_689 = arith.addi %add3A_688, %scan3A_125 : i32
      %mul3A_690 = arith.constant 128 : i32
      %mul3A_691 = arith.muli %add3A_689, %mul3A_690 : i32
      %dma_start3A = arith.constant 0 : i32
      %dma_start3A_692 = tpu.memref_slice %arg12[%mul3A_691, %dma_start3A] : memref<8192x8xf32, #tpu.memory_space<vmem>> -> memref<128x8xf32, #tpu.memory_space<vmem>>
      %dma_start3A_693 = arith.constant 0 : i32
      %dma_start3A_694 = tpu.memref_slice %arg11[%add3A_689, %dma_start3A_693] : memref<64x128xi32, #tpu.memory_space<vmem>> -> memref<1x128xi32, #tpu.memory_space<vmem>>
      %dma_start3A_695 = tpu.memref_squeeze %dma_start3A_694 : memref<1x128xi32, #tpu.memory_space<vmem>> -> memref<128xi32, #tpu.memory_space<vmem>>
      %dma_start3A_696 = arith.constant 0 : i32
      %dma_start3A_697 = arith.constant 0 : i32
      %dma_start3A_698 = tpu.memref_slice %arg4[%dma_start3A_696, %dma_start3A_697] : memref<8405000x8xf32, #tpu.memory_space<hbm>> -> memref<8405000x8xf32, #tpu.memory_space<hbm>>
      tpu.enqueue_indirect_dma source(%dma_start3A_698 : memref<8405000x8xf32, #tpu.memory_space<hbm>>) target(%dma_start3A_692 : memref<128x8xf32, #tpu.memory_space<vmem>>) offsets(%dma_start3A_695 : memref<128xi32, #tpu.memory_space<vmem>>) semaphore(%arg14 : memref<!tpu.dma_semaphore, #tpu.memory_space<semaphore_mem>>)
      %add3A_699 = arith.constant 16 : i32
      %add3A_700 = arith.addi %add3A_699, %scan3A_125 : i32
      %mul3A_701 = arith.constant 128 : i32
      %mul3A_702 = arith.muli %add3A_700, %mul3A_701 : i32
      %dma_start3A_703 = arith.constant 0 : i32
      %dma_start3A_704 = tpu.memref_slice %arg12[%mul3A_702, %dma_start3A_703] : memref<8192x8xf32, #tpu.memory_space<vmem>> -> memref<128x8xf32, #tpu.memory_space<vmem>>
      %dma_start3A_705 = arith.constant 0 : i32
      %dma_start3A_706 = tpu.memref_slice %arg11[%add3A_700, %dma_start3A_705] : memref<64x128xi32, #tpu.memory_space<vmem>> -> memref<1x128xi32, #tpu.memory_space<vmem>>
      %dma_start3A_707 = tpu.memref_squeeze %dma_start3A_706 : memref<1x128xi32, #tpu.memory_space<vmem>> -> memref<128xi32, #tpu.memory_space<vmem>>
      %dma_start3A_708 = arith.constant 0 : i32
      %dma_start3A_709 = arith.constant 0 : i32
      %dma_start3A_710 = tpu.memref_slice %arg4[%dma_start3A_708, %dma_start3A_709] : memref<8405000x8xf32, #tpu.memory_space<hbm>> -> memref<8405000x8xf32, #tpu.memory_space<hbm>>
      tpu.enqueue_indirect_dma source(%dma_start3A_710 : memref<8405000x8xf32, #tpu.memory_space<hbm>>) target(%dma_start3A_704 : memref<128x8xf32, #tpu.memory_space<vmem>>) offsets(%dma_start3A_707 : memref<128xi32, #tpu.memory_space<vmem>>) semaphore(%arg14 : memref<!tpu.dma_semaphore, #tpu.memory_space<semaphore_mem>>)
      %add3A_711 = arith.constant 32 : i32
      %add3A_712 = arith.addi %add3A_711, %scan3A_125 : i32
      %mul3A_713 = arith.constant 128 : i32
      %mul3A_714 = arith.muli %add3A_712, %mul3A_713 : i32
      %dma_start3A_715 = arith.constant 0 : i32
      %dma_start3A_716 = tpu.memref_slice %arg12[%mul3A_714, %dma_start3A_715] : memref<8192x8xf32, #tpu.memory_space<vmem>> -> memref<128x8xf32, #tpu.memory_space<vmem>>
      %dma_start3A_717 = arith.constant 0 : i32
      %dma_start3A_718 = tpu.memref_slice %arg11[%add3A_712, %dma_start3A_717] : memref<64x128xi32, #tpu.memory_space<vmem>> -> memref<1x128xi32, #tpu.memory_space<vmem>>
      %dma_start3A_719 = tpu.memref_squeeze %dma_start3A_718 : memref<1x128xi32, #tpu.memory_space<vmem>> -> memref<128xi32, #tpu.memory_space<vmem>>
      %dma_start3A_720 = arith.constant 0 : i32
      %dma_start3A_721 = arith.constant 0 : i32
      %dma_start3A_722 = tpu.memref_slice %arg4[%dma_start3A_720, %dma_start3A_721] : memref<8405000x8xf32, #tpu.memory_space<hbm>> -> memref<8405000x8xf32, #tpu.memory_space<hbm>>
      tpu.enqueue_indirect_dma source(%dma_start3A_722 : memref<8405000x8xf32, #tpu.memory_space<hbm>>) target(%dma_start3A_716 : memref<128x8xf32, #tpu.memory_space<vmem>>) offsets(%dma_start3A_719 : memref<128xi32, #tpu.memory_space<vmem>>) semaphore(%arg14 : memref<!tpu.dma_semaphore, #tpu.memory_space<semaphore_mem>>)
      %add3A_723 = arith.constant 48 : i32
      %add3A_724 = arith.addi %add3A_723, %scan3A_125 : i32
      %mul3A_725 = arith.constant 128 : i32
      %mul3A_726 = arith.muli %add3A_724, %mul3A_725 : i32
      %dma_start3A_727 = arith.constant 0 : i32
      %dma_start3A_728 = tpu.memref_slice %arg12[%mul3A_726, %dma_start3A_727] : memref<8192x8xf32, #tpu.memory_space<vmem>> -> memref<128x8xf32, #tpu.memory_space<vmem>>
      %dma_start3A_729 = arith.constant 0 : i32
      %dma_start3A_730 = tpu.memref_slice %arg11[%add3A_724, %dma_start3A_729] : memref<64x128xi32, #tpu.memory_space<vmem>> -> memref<1x128xi32, #tpu.memory_space<vmem>>
      %dma_start3A_731 = tpu.memref_squeeze %dma_start3A_730 : memref<1x128xi32, #tpu.memory_space<vmem>> -> memref<128xi32, #tpu.memory_space<vmem>>
      %dma_start3A_732 = arith.constant 0 : i32
      %dma_start3A_733 = arith.constant 0 : i32
      %dma_start3A_734 = tpu.memref_slice %arg4[%dma_start3A_732, %dma_start3A_733] : memref<8405000x8xf32, #tpu.memory_space<hbm>> -> memref<8405000x8xf32, #tpu.memory_space<hbm>>
      tpu.enqueue_indirect_dma source(%dma_start3A_734 : memref<8405000x8xf32, #tpu.memory_space<hbm>>) target(%dma_start3A_728 : memref<128x8xf32, #tpu.memory_space<vmem>>) offsets(%dma_start3A_731 : memref<128xi32, #tpu.memory_space<vmem>>) semaphore(%arg14 : memref<!tpu.dma_semaphore, #tpu.memory_space<semaphore_mem>>)
      %scan3A_735 = arith.constant 0 : i32
      scf.yield %scan3A_735 : i32
    }
    %scan3A_71 = arith.constant 16 : i32
    %scan3A_72 = arith.constant 0 : i32
    %scan3A_73 = arith.constant 0 : i32
    %scan3A_74 = arith.constant 64 : i32
    %scan3A_75 = arith.addi %scan3A_73, %scan3A_74 : i32
    %scan3A_76 = arith.constant 1 : i32
    %scan3A_77 = scf.for %scan3A_125 = %scan3A_73 to %scan3A_75 step %scan3A_76 iter_args(%scan3A_126 = %scan3A_72) -> (i32)  : i32 {
      %mul3A_127 = arith.constant 128 : i32
      %mul3A_128 = arith.muli %scan3A_125, %mul3A_127 : i32
      %dma_wait3A = arith.constant 0 : i32
      %dma_wait3A_129 = tpu.memref_slice %arg12[%mul3A_128, %dma_wait3A] : memref<8192x8xf32, #tpu.memory_space<vmem>> -> memref<128x8xf32, #tpu.memory_space<vmem>>
      %dma_wait3A_130 = arith.constant 0 : i32
      %dma_wait3A_131 = tpu.memref_slice %arg11[%scan3A_125, %dma_wait3A_130] : memref<64x128xi32, #tpu.memory_space<vmem>> -> memref<1x128xi32, #tpu.memory_space<vmem>>
      %dma_wait3A_132 = tpu.memref_squeeze %dma_wait3A_131 : memref<1x128xi32, #tpu.memory_space<vmem>> -> memref<128xi32, #tpu.memory_space<vmem>>
      %dma_wait3A_133 = arith.constant 0 : i32
      %dma_wait3A_134 = arith.constant 0 : i32
      %dma_wait3A_135 = tpu.memref_slice %arg4[%dma_wait3A_133, %dma_wait3A_134] : memref<8405000x8xf32, #tpu.memory_space<hbm>> -> memref<8405000x8xf32, #tpu.memory_space<hbm>>
      tpu.wait_indirect_dma semaphore(%arg14 : memref<!tpu.dma_semaphore, #tpu.memory_space<semaphore_mem>>) src(%dma_wait3A_135 : memref<8405000x8xf32, #tpu.memory_space<hbm>>) dst(%dma_wait3A_129 : memref<128x8xf32, #tpu.memory_space<vmem>>)
      %scan3A_136 = arith.constant 0 : i32
      scf.yield %scan3A_136 : i32
    }
    %scan3A_78 = arith.constant 64 : i32
    %scan3A_79 = arith.constant 0 : i32
    %scan3A_80 = arith.constant 0 : i32
    %scan3A_81 = arith.constant 128 : i32
    %scan3A_82 = arith.addi %scan3A_80, %scan3A_81 : i32
    %scan3A_83 = arith.constant 1 : i32
    %scan3A_84 = scf.for %scan3A_125 = %scan3A_80 to %scan3A_82 step %scan3A_83 iter_args(%scan3A_126 = %scan3A_79) -> (i32)  : i32 {
      %mul3A_127 = arith.constant 16 : i32
      %mul3A_128 = arith.muli %scan3A_125, %mul3A_127 : i32
      %add3A_129 = vector.broadcast %mul3A_128 : i32 to vector<16xi32>
      %add3A_130 = arith.addi %add3A_129, %iota3A : vector<16xi32>
      %get3A = arith.index_cast %mul3A_128 : i32 to index
      %get3A_131 = tpu.vector_load %arg8[%get3A] {strides = array<i32>} : memref<2048xf32, #tpu.memory_space<vmem>>, vector<16xf32>,
      %get3A_132 = arith.index_cast %mul3A_128 : i32 to index
      %get3A_133 = tpu.vector_load %arg9[%get3A_132] {strides = array<i32>} : memref<2048xf32, #tpu.memory_space<vmem>>, vector<16xf32>,
      %get3A_134 = arith.index_cast %mul3A_128 : i32 to index
      %get3A_135 = tpu.vector_load %arg10[%get3A_134] {strides = array<i32>} : memref<2048xi32, #tpu.memory_space<vmem>>, vector<16xi32>,
      %and3A = arith.constant 1 : i32
      %and3A_136 = vector.broadcast %and3A : i32 to vector<16xi32>
      %and3A_137 = arith.andi %get3A_135, %and3A_136 : vector<16xi32>
      %shift_left3A = arith.constant 2 : i32
      %shift_left3A_138 = vector.broadcast %shift_left3A : i32 to vector<16xi32>
      %shift_left3A_139 = arith.shli %and3A_137, %shift_left3A_138 : vector<16xi32>
      %sub3A = arith.constant 4 : i32
      %sub3A_140 = vector.broadcast %sub3A : i32 to vector<16xi32>
      %sub3A_141 = arith.subi %sub3A_140, %shift_left3A_139 : vector<16xi32>
      %add3A_142 = arith.constant 2048 : i32
      %add3A_143 = vector.broadcast %add3A_142 : i32 to vector<16xi32>
      %add3A_144 = arith.addi %add3A_130, %add3A_143 : vector<16xi32>
      %add3A_145 = arith.constant 4096 : i32
      %add3A_146 = vector.broadcast %add3A_145 : i32 to vector<16xi32>
      %add3A_147 = arith.addi %add3A_130, %add3A_146 : vector<16xi32>
      %add3A_148 = arith.constant 6144 : i32
      %add3A_149 = vector.broadcast %add3A_148 : i32 to vector<16xi32>
      %add3A_150 = arith.addi %add3A_130, %add3A_149 : vector<16xi32>
      %add3A_151 = arith.constant 0 : i32
      %add3A_152 = vector.broadcast %add3A_151 : i32 to vector<16xi32>
      %add3A_153 = arith.addi %shift_left3A_139, %add3A_152 : vector<16xi32>
      %add3A_154 = arith.constant 0 : i32
      %add3A_155 = vector.broadcast %add3A_154 : i32 to vector<16xi32>
      %add3A_156 = arith.addi %sub3A_141, %add3A_155 : vector<16xi32>
      %gather3A = tpu.vector_load_idx %arg12[%add3A_130, %add3A_153] : memref<8192x8xf32, #tpu.memory_space<vmem>>[vector<16xi32>, vector<16xi32>], vector<16xf32>,
      %gather3A_157 = tpu.vector_load_idx %arg12[%add3A_144, %add3A_156] : memref<8192x8xf32, #tpu.memory_space<vmem>>[vector<16xi32>, vector<16xi32>], vector<16xf32>,
      %gather3A_158 = tpu.vector_load_idx %arg12[%add3A_147, %add3A_153] : memref<8192x8xf32, #tpu.memory_space<vmem>>[vector<16xi32>, vector<16xi32>], vector<16xf32>,
      %gather3A_159 = tpu.vector_load_idx %arg12[%add3A_150, %add3A_156] : memref<8192x8xf32, #tpu.memory_space<vmem>>[vector<16xi32>, vector<16xi32>], vector<16xf32>,
      %sub3A_160 = arith.subf %gather3A_157, %gather3A_159 : vector<16xf32>
      %mul3A_161 = arith.mulf %get3A_131, %sub3A_160 : vector<16xf32>
      %add3A_162 = arith.addf %gather3A_159, %mul3A_161 : vector<16xf32>
      %sub3A_163 = arith.subf %gather3A, %gather3A_158 : vector<16xf32>
      %mul3A_164 = arith.mulf %get3A_131, %sub3A_163 : vector<16xf32>
      %add3A_165 = arith.addf %gather3A_158, %mul3A_164 : vector<16xf32>
      %sub3A_166 = arith.subf %add3A_165, %add3A_162 : vector<16xf32>
      %mul3A_167 = arith.mulf %get3A_133, %sub3A_166 : vector<16xf32>
      %add3A_168 = arith.addf %add3A_162, %mul3A_167 : vector<16xf32>
      %swap3A = arith.constant 0 : i32
      %swap3A_169 = arith.index_cast %swap3A : i32 to index
      %swap3A_170 = arith.index_cast %mul3A_128 : i32 to index
      %swap3A_171 = tpu.vector_load %arg13[%swap3A_169, %swap3A_170] {strides = array<i32>} : memref<4x2048xf32, #tpu.memory_space<vmem>>, vector<16xf32>,
      tpu.vector_store %arg13[%swap3A_169, %swap3A_170], %add3A_168 {strides = array<i32>} : memref<4x2048xf32, #tpu.memory_space<vmem>>, vector<16xf32>,
      %add3A_172 = arith.constant 1 : i32
      %add3A_173 = vector.broadcast %add3A_172 : i32 to vector<16xi32>
      %add3A_174 = arith.addi %shift_left3A_139, %add3A_173 : vector<16xi32>
      %add3A_175 = arith.constant 1 : i32
      %add3A_176 = vector.broadcast %add3A_175 : i32 to vector<16xi32>
      %add3A_177 = arith.addi %sub3A_141, %add3A_176 : vector<16xi32>
      %gather3A_178 = tpu.vector_load_idx %arg12[%add3A_130, %add3A_174] : memref<8192x8xf32, #tpu.memory_space<vmem>>[vector<16xi32>, vector<16xi32>], vector<16xf32>,
      %gather3A_179 = tpu.vector_load_idx %arg12[%add3A_144, %add3A_177] : memref<8192x8xf32, #tpu.memory_space<vmem>>[vector<16xi32>, vector<16xi32>], vector<16xf32>,
      %gather3A_180 = tpu.vector_load_idx %arg12[%add3A_147, %add3A_174] : memref<8192x8xf32, #tpu.memory_space<vmem>>[vector<16xi32>, vector<16xi32>], vector<16xf32>,
      %gather3A_181 = tpu.vector_load_idx %arg12[%add3A_150, %add3A_177] : memref<8192x8xf32, #tpu.memory_space<vmem>>[vector<16xi32>, vector<16xi32>], vector<16xf32>,
      %sub3A_182 = arith.subf %gather3A_179, %gather3A_181 : vector<16xf32>
      %mul3A_183 = arith.mulf %get3A_131, %sub3A_182 : vector<16xf32>
      %add3A_184 = arith.addf %gather3A_181, %mul3A_183 : vector<16xf32>
      %sub3A_185 = arith.subf %gather3A_178, %gather3A_180 : vector<16xf32>
      %mul3A_186 = arith.mulf %get3A_131, %sub3A_185 : vector<16xf32>
      %add3A_187 = arith.addf %gather3A_180, %mul3A_186 : vector<16xf32>
      %sub3A_188 = arith.subf %add3A_187, %add3A_184 : vector<16xf32>
      %mul3A_189 = arith.mulf %get3A_133, %sub3A_188 : vector<16xf32>
      %add3A_190 = arith.addf %add3A_184, %mul3A_189 : vector<16xf32>
      %swap3A_191 = arith.constant 1 : i32
      %swap3A_192 = arith.index_cast %swap3A_191 : i32 to index
      %swap3A_193 = arith.index_cast %mul3A_128 : i32 to index
      %swap3A_194 = tpu.vector_load %arg13[%swap3A_192, %swap3A_193] {strides = array<i32>} : memref<4x2048xf32, #tpu.memory_space<vmem>>, vector<16xf32>,
      tpu.vector_store %arg13[%swap3A_192, %swap3A_193], %add3A_190 {strides = array<i32>} : memref<4x2048xf32, #tpu.memory_space<vmem>>, vector<16xf32>,
      %add3A_195 = arith.constant 2 : i32
      %add3A_196 = vector.broadcast %add3A_195 : i32 to vector<16xi32>
      %add3A_197 = arith.addi %shift_left3A_139, %add3A_196 : vector<16xi32>
      %add3A_198 = arith.constant 2 : i32
      %add3A_199 = vector.broadcast %add3A_198 : i32 to vector<16xi32>
      %add3A_200 = arith.addi %sub3A_141, %add3A_199 : vector<16xi32>
      %gather3A_201 = tpu.vector_load_idx %arg12[%add3A_130, %add3A_197] : memref<8192x8xf32, #tpu.memory_space<vmem>>[vector<16xi32>, vector<16xi32>], vector<16xf32>,
      %gather3A_202 = tpu.vector_load_idx %arg12[%add3A_144, %add3A_200] : memref<8192x8xf32, #tpu.memory_space<vmem>>[vector<16xi32>, vector<16xi32>], vector<16xf32>,
      %gather3A_203 = tpu.vector_load_idx %arg12[%add3A_147, %add3A_197] : memref<8192x8xf32, #tpu.memory_space<vmem>>[vector<16xi32>, vector<16xi32>], vector<16xf32>,
      %gather3A_204 = tpu.vector_load_idx %arg12[%add3A_150, %add3A_200] : memref<8192x8xf32, #tpu.memory_space<vmem>>[vector<16xi32>, vector<16xi32>], vector<16xf32>,
      %sub3A_205 = arith.subf %gather3A_202, %gather3A_204 : vector<16xf32>
      %mul3A_206 = arith.mulf %get3A_131, %sub3A_205 : vector<16xf32>
      %add3A_207 = arith.addf %gather3A_204, %mul3A_206 : vector<16xf32>
      %sub3A_208 = arith.subf %gather3A_201, %gather3A_203 : vector<16xf32>
      %mul3A_209 = arith.mulf %get3A_131, %sub3A_208 : vector<16xf32>
      %add3A_210 = arith.addf %gather3A_203, %mul3A_209 : vector<16xf32>
      %sub3A_211 = arith.subf %add3A_210, %add3A_207 : vector<16xf32>
      %mul3A_212 = arith.mulf %get3A_133, %sub3A_211 : vector<16xf32>
      %add3A_213 = arith.addf %add3A_207, %mul3A_212 : vector<16xf32>
      %swap3A_214 = arith.constant 2 : i32
      %swap3A_215 = arith.index_cast %swap3A_214 : i32 to index
      %swap3A_216 = arith.index_cast %mul3A_128 : i32 to index
      %swap3A_217 = tpu.vector_load %arg13[%swap3A_215, %swap3A_216] {strides = array<i32>} : memref<4x2048xf32, #tpu.memory_space<vmem>>, vector<16xf32>,
      tpu.vector_store %arg13[%swap3A_215, %swap3A_216], %add3A_213 {strides = array<i32>} : memref<4x2048xf32, #tpu.memory_space<vmem>>, vector<16xf32>,
      %add3A_218 = arith.constant 3 : i32
      %add3A_219 = vector.broadcast %add3A_218 : i32 to vector<16xi32>
      %add3A_220 = arith.addi %shift_left3A_139, %add3A_219 : vector<16xi32>
      %add3A_221 = arith.constant 3 : i32
      %add3A_222 = vector.broadcast %add3A_221 : i32 to vector<16xi32>
      %add3A_223 = arith.addi %sub3A_141, %add3A_222 : vector<16xi32>
      %gather3A_224 = tpu.vector_load_idx %arg12[%add3A_130, %add3A_220] : memref<8192x8xf32, #tpu.memory_space<vmem>>[vector<16xi32>, vector<16xi32>], vector<16xf32>,
      %gather3A_225 = tpu.vector_load_idx %arg12[%add3A_144, %add3A_223] : memref<8192x8xf32, #tpu.memory_space<vmem>>[vector<16xi32>, vector<16xi32>], vector<16xf32>,
      %gather3A_226 = tpu.vector_load_idx %arg12[%add3A_147, %add3A_220] : memref<8192x8xf32, #tpu.memory_space<vmem>>[vector<16xi32>, vector<16xi32>], vector<16xf32>,
      %gather3A_227 = tpu.vector_load_idx %arg12[%add3A_150, %add3A_223] : memref<8192x8xf32, #tpu.memory_space<vmem>>[vector<16xi32>, vector<16xi32>], vector<16xf32>,
      %sub3A_228 = arith.subf %gather3A_225, %gather3A_227 : vector<16xf32>
      %mul3A_229 = arith.mulf %get3A_131, %sub3A_228 : vector<16xf32>
      %add3A_230 = arith.addf %gather3A_227, %mul3A_229 : vector<16xf32>
      %sub3A_231 = arith.subf %gather3A_224, %gather3A_226 : vector<16xf32>
      %mul3A_232 = arith.mulf %get3A_131, %sub3A_231 : vector<16xf32>
      %add3A_233 = arith.addf %gather3A_226, %mul3A_232 : vector<16xf32>
      %sub3A_234 = arith.subf %add3A_233, %add3A_230 : vector<16xf32>
      %mul3A_235 = arith.mulf %get3A_133, %sub3A_234 : vector<16xf32>
      %add3A_236 = arith.addf %add3A_230, %mul3A_235 : vector<16xf32>
      %swap3A_237 = arith.constant 3 : i32
      %swap3A_238 = arith.index_cast %swap3A_237 : i32 to index
      %swap3A_239 = arith.index_cast %mul3A_128 : i32 to index
      %swap3A_240 = tpu.vector_load %arg13[%swap3A_238, %swap3A_239] {strides = array<i32>} : memref<4x2048xf32, #tpu.memory_space<vmem>>, vector<16xf32>,
      tpu.vector_store %arg13[%swap3A_238, %swap3A_239], %add3A_236 {strides = array<i32>} : memref<4x2048xf32, #tpu.memory_space<vmem>>, vector<16xf32>,
      %scan3A_241 = arith.constant 0 : i32
      scf.yield %scan3A_241 : i32
    }
    %scan3A_85 = arith.constant 128 : i32
    %run_scoped3A_86 = arith.constant 0 : i32
    %run_scoped3A_87 = arith.constant 0 : i32
    "tpu.region"() ({
      %run_scoped3A_125 = tpu.sem_alloc : memref<!tpu.dma_semaphore, #tpu.memory_space<semaphore_mem>>
      %dma_start3A = arith.constant 0 : i32
      %dma_start3A_126 = tpu.memref_slice %arg13[%run_scoped3A_86, %dma_start3A] : memref<4x2048xf32, #tpu.memory_space<vmem>> -> memref<1x2048xf32, #tpu.memory_space<vmem>>
      %dma_start3A_127 = tpu.memref_squeeze %dma_start3A_126 : memref<1x2048xf32, #tpu.memory_space<vmem>> -> memref<2048xf32, #tpu.memory_space<vmem>>
      %dma_start3A_128 = tpu.memref_slice %arg5[%run_scoped3A_87, %add3A_64] : memref<4x262144xf32, #tpu.memory_space<hbm>> -> memref<1x2048xf32, #tpu.memory_space<hbm>>
      %dma_start3A_129 = tpu.memref_squeeze %dma_start3A_128 : memref<1x2048xf32, #tpu.memory_space<hbm>> -> memref<2048xf32, #tpu.memory_space<hbm>>
      %dma_start3A_130 = tpu.memref_slice %arg5[%run_scoped3A_87, %add3A_64] : memref<4x262144xf32, #tpu.memory_space<hbm>> -> memref<1x2048xf32, #tpu.memory_space<hbm>>
      %dma_start3A_131 = tpu.memref_squeeze %dma_start3A_130 : memref<1x2048xf32, #tpu.memory_space<hbm>> -> memref<2048xf32, #tpu.memory_space<hbm>>
      %dma_start3A_132 = arith.constant 0 : i32
      %dma_start3A_133 = tpu.memref_slice %arg13[%run_scoped3A_86, %dma_start3A_132] : memref<4x2048xf32, #tpu.memory_space<vmem>> -> memref<1x2048xf32, #tpu.memory_space<vmem>>
      %dma_start3A_134 = tpu.memref_squeeze %dma_start3A_133 : memref<1x2048xf32, #tpu.memory_space<vmem>> -> memref<2048xf32, #tpu.memory_space<vmem>>
      tpu.enqueue_dma source(%dma_start3A_134 : memref<2048xf32, #tpu.memory_space<vmem>>) target(%dma_start3A_131 : memref<2048xf32, #tpu.memory_space<hbm>>) target_semaphore(%run_scoped3A_125 : memref<!tpu.dma_semaphore, #tpu.memory_space<semaphore_mem>>)
      %dma_wait3A = arith.constant 0 : i32
      %dma_wait3A_135 = tpu.memref_slice %arg13[%run_scoped3A_86, %dma_wait3A] : memref<4x2048xf32, #tpu.memory_space<vmem>> -> memref<1x2048xf32, #tpu.memory_space<vmem>>
      %dma_wait3A_136 = tpu.memref_squeeze %dma_wait3A_135 : memref<1x2048xf32, #tpu.memory_space<vmem>> -> memref<2048xf32, #tpu.memory_space<vmem>>
      %dma_wait3A_137 = tpu.memref_slice %arg5[%run_scoped3A_87, %add3A_64] : memref<4x262144xf32, #tpu.memory_space<hbm>> -> memref<1x2048xf32, #tpu.memory_space<hbm>>
      %dma_wait3A_138 = tpu.memref_squeeze %dma_wait3A_137 : memref<1x2048xf32, #tpu.memory_space<hbm>> -> memref<2048xf32, #tpu.memory_space<hbm>>
      %dma_wait3A_139 = tpu.memref_slice %arg5[%run_scoped3A_87, %add3A_64] : memref<4x262144xf32, #tpu.memory_space<hbm>> -> memref<1x2048xf32, #tpu.memory_space<hbm>>
      %dma_wait3A_140 = tpu.memref_squeeze %dma_wait3A_139 : memref<1x2048xf32, #tpu.memory_space<hbm>> -> memref<2048xf32, #tpu.memory_space<hbm>>
      %dma_wait3A_141 = arith.constant 0 : i32
      %dma_wait3A_142 = tpu.memref_slice %arg13[%run_scoped3A_86, %dma_wait3A_141] : memref<4x2048xf32, #tpu.memory_space<vmem>> -> memref<1x2048xf32, #tpu.memory_space<vmem>>
      %dma_wait3A_143 = tpu.memref_squeeze %dma_wait3A_142 : memref<1x2048xf32, #tpu.memory_space<vmem>> -> memref<2048xf32, #tpu.memory_space<vmem>>
      tpu.wait_dma2 semaphore(%run_scoped3A_125 : memref<!tpu.dma_semaphore, #tpu.memory_space<semaphore_mem>>) src(%dma_wait3A_143 : memref<2048xf32, #tpu.memory_space<vmem>>) dst(%dma_wait3A_140 : memref<2048xf32, #tpu.memory_space<hbm>>)
      tpu.yield
    }) : () -> ()
    %run_scoped3A_88 = arith.constant 1 : i32
    %run_scoped3A_89 = arith.constant 1 : i32
    "tpu.region"() ({
      %run_scoped3A_125 = tpu.sem_alloc : memref<!tpu.dma_semaphore, #tpu.memory_space<semaphore_mem>>
      %dma_start3A = arith.constant 0 : i32
      %dma_start3A_126 = tpu.memref_slice %arg13[%run_scoped3A_88, %dma_start3A] : memref<4x2048xf32, #tpu.memory_space<vmem>> -> memref<1x2048xf32, #tpu.memory_space<vmem>>
      %dma_start3A_127 = tpu.memref_squeeze %dma_start3A_126 : memref<1x2048xf32, #tpu.memory_space<vmem>> -> memref<2048xf32, #tpu.memory_space<vmem>>
      %dma_start3A_128 = tpu.memref_slice %arg5[%run_scoped3A_89, %add3A_64] : memref<4x262144xf32, #tpu.memory_space<hbm>> -> memref<1x2048xf32, #tpu.memory_space<hbm>>
      %dma_start3A_129 = tpu.memref_squeeze %dma_start3A_128 : memref<1x2048xf32, #tpu.memory_space<hbm>> -> memref<2048xf32, #tpu.memory_space<hbm>>
      %dma_start3A_130 = tpu.memref_slice %arg5[%run_scoped3A_89, %add3A_64] : memref<4x262144xf32, #tpu.memory_space<hbm>> -> memref<1x2048xf32, #tpu.memory_space<hbm>>
      %dma_start3A_131 = tpu.memref_squeeze %dma_start3A_130 : memref<1x2048xf32, #tpu.memory_space<hbm>> -> memref<2048xf32, #tpu.memory_space<hbm>>
      %dma_start3A_132 = arith.constant 0 : i32
      %dma_start3A_133 = tpu.memref_slice %arg13[%run_scoped3A_88, %dma_start3A_132] : memref<4x2048xf32, #tpu.memory_space<vmem>> -> memref<1x2048xf32, #tpu.memory_space<vmem>>
      %dma_start3A_134 = tpu.memref_squeeze %dma_start3A_133 : memref<1x2048xf32, #tpu.memory_space<vmem>> -> memref<2048xf32, #tpu.memory_space<vmem>>
      tpu.enqueue_dma source(%dma_start3A_134 : memref<2048xf32, #tpu.memory_space<vmem>>) target(%dma_start3A_131 : memref<2048xf32, #tpu.memory_space<hbm>>) target_semaphore(%run_scoped3A_125 : memref<!tpu.dma_semaphore, #tpu.memory_space<semaphore_mem>>)
      %dma_wait3A = arith.constant 0 : i32
      %dma_wait3A_135 = tpu.memref_slice %arg13[%run_scoped3A_88, %dma_wait3A] : memref<4x2048xf32, #tpu.memory_space<vmem>> -> memref<1x2048xf32, #tpu.memory_space<vmem>>
      %dma_wait3A_136 = tpu.memref_squeeze %dma_wait3A_135 : memref<1x2048xf32, #tpu.memory_space<vmem>> -> memref<2048xf32, #tpu.memory_space<vmem>>
      %dma_wait3A_137 = tpu.memref_slice %arg5[%run_scoped3A_89, %add3A_64] : memref<4x262144xf32, #tpu.memory_space<hbm>> -> memref<1x2048xf32, #tpu.memory_space<hbm>>
      %dma_wait3A_138 = tpu.memref_squeeze %dma_wait3A_137 : memref<1x2048xf32, #tpu.memory_space<hbm>> -> memref<2048xf32, #tpu.memory_space<hbm>>
      %dma_wait3A_139 = tpu.memref_slice %arg5[%run_scoped3A_89, %add3A_64] : memref<4x262144xf32, #tpu.memory_space<hbm>> -> memref<1x2048xf32, #tpu.memory_space<hbm>>
      %dma_wait3A_140 = tpu.memref_squeeze %dma_wait3A_139 : memref<1x2048xf32, #tpu.memory_space<hbm>> -> memref<2048xf32, #tpu.memory_space<hbm>>
      %dma_wait3A_141 = arith.constant 0 : i32
      %dma_wait3A_142 = tpu.memref_slice %arg13[%run_scoped3A_88, %dma_wait3A_141] : memref<4x2048xf32, #tpu.memory_space<vmem>> -> memref<1x2048xf32, #tpu.memory_space<vmem>>
      %dma_wait3A_143 = tpu.memref_squeeze %dma_wait3A_142 : memref<1x2048xf32, #tpu.memory_space<vmem>> -> memref<2048xf32, #tpu.memory_space<vmem>>
      tpu.wait_dma2 semaphore(%run_scoped3A_125 : memref<!tpu.dma_semaphore, #tpu.memory_space<semaphore_mem>>) src(%dma_wait3A_143 : memref<2048xf32, #tpu.memory_space<vmem>>) dst(%dma_wait3A_140 : memref<2048xf32, #tpu.memory_space<hbm>>)
      tpu.yield
    }) : () -> ()
    %run_scoped3A_90 = arith.constant 2 : i32
    %run_scoped3A_91 = arith.constant 2 : i32
    "tpu.region"() ({
      %run_scoped3A_125 = tpu.sem_alloc : memref<!tpu.dma_semaphore, #tpu.memory_space<semaphore_mem>>
      %dma_start3A = arith.constant 0 : i32
      %dma_start3A_126 = tpu.memref_slice %arg13[%run_scoped3A_90, %dma_start3A] : memref<4x2048xf32, #tpu.memory_space<vmem>> -> memref<1x2048xf32, #tpu.memory_space<vmem>>
      %dma_start3A_127 = tpu.memref_squeeze %dma_start3A_126 : memref<1x2048xf32, #tpu.memory_space<vmem>> -> memref<2048xf32, #tpu.memory_space<vmem>>
      %dma_start3A_128 = tpu.memref_slice %arg5[%run_scoped3A_91, %add3A_64] : memref<4x262144xf32, #tpu.memory_space<hbm>> -> memref<1x2048xf32, #tpu.memory_space<hbm>>
      %dma_start3A_129 = tpu.memref_squeeze %dma_start3A_128 : memref<1x2048xf32, #tpu.memory_space<hbm>> -> memref<2048xf32, #tpu.memory_space<hbm>>
      %dma_start3A_130 = tpu.memref_slice %arg5[%run_scoped3A_91, %add3A_64] : memref<4x262144xf32, #tpu.memory_space<hbm>> -> memref<1x2048xf32, #tpu.memory_space<hbm>>
      %dma_start3A_131 = tpu.memref_squeeze %dma_start3A_130 : memref<1x2048xf32, #tpu.memory_space<hbm>> -> memref<2048xf32, #tpu.memory_space<hbm>>
      %dma_start3A_132 = arith.constant 0 : i32
      %dma_start3A_133 = tpu.memref_slice %arg13[%run_scoped3A_90, %dma_start3A_132] : memref<4x2048xf32, #tpu.memory_space<vmem>> -> memref<1x2048xf32, #tpu.memory_space<vmem>>
      %dma_start3A_134 = tpu.memref_squeeze %dma_start3A_133 : memref<1x2048xf32, #tpu.memory_space<vmem>> -> memref<2048xf32, #tpu.memory_space<vmem>>
      tpu.enqueue_dma source(%dma_start3A_134 : memref<2048xf32, #tpu.memory_space<vmem>>) target(%dma_start3A_131 : memref<2048xf32, #tpu.memory_space<hbm>>) target_semaphore(%run_scoped3A_125 : memref<!tpu.dma_semaphore, #tpu.memory_space<semaphore_mem>>)
      %dma_wait3A = arith.constant 0 : i32
      %dma_wait3A_135 = tpu.memref_slice %arg13[%run_scoped3A_90, %dma_wait3A] : memref<4x2048xf32, #tpu.memory_space<vmem>> -> memref<1x2048xf32, #tpu.memory_space<vmem>>
      %dma_wait3A_136 = tpu.memref_squeeze %dma_wait3A_135 : memref<1x2048xf32, #tpu.memory_space<vmem>> -> memref<2048xf32, #tpu.memory_space<vmem>>
      %dma_wait3A_137 = tpu.memref_slice %arg5[%run_scoped3A_91, %add3A_64] : memref<4x262144xf32, #tpu.memory_space<hbm>> -> memref<1x2048xf32, #tpu.memory_space<hbm>>
      %dma_wait3A_138 = tpu.memref_squeeze %dma_wait3A_137 : memref<1x2048xf32, #tpu.memory_space<hbm>> -> memref<2048xf32, #tpu.memory_space<hbm>>
      %dma_wait3A_139 = tpu.memref_slice %arg5[%run_scoped3A_91, %add3A_64] : memref<4x262144xf32, #tpu.memory_space<hbm>> -> memref<1x2048xf32, #tpu.memory_space<hbm>>
      %dma_wait3A_140 = tpu.memref_squeeze %dma_wait3A_139 : memref<1x2048xf32, #tpu.memory_space<hbm>> -> memref<2048xf32, #tpu.memory_space<hbm>>
      %dma_wait3A_141 = arith.constant 0 : i32
      %dma_wait3A_142 = tpu.memref_slice %arg13[%run_scoped3A_90, %dma_wait3A_141] : memref<4x2048xf32, #tpu.memory_space<vmem>> -> memref<1x2048xf32, #tpu.memory_space<vmem>>
      %dma_wait3A_143 = tpu.memref_squeeze %dma_wait3A_142 : memref<1x2048xf32, #tpu.memory_space<vmem>> -> memref<2048xf32, #tpu.memory_space<vmem>>
      tpu.wait_dma2 semaphore(%run_scoped3A_125 : memref<!tpu.dma_semaphore, #tpu.memory_space<semaphore_mem>>) src(%dma_wait3A_143 : memref<2048xf32, #tpu.memory_space<vmem>>) dst(%dma_wait3A_140 : memref<2048xf32, #tpu.memory_space<hbm>>)
      tpu.yield
    }) : () -> ()
    %run_scoped3A_92 = arith.constant 3 : i32
    %run_scoped3A_93 = arith.constant 3 : i32
    "tpu.region"() ({
      %run_scoped3A_125 = tpu.sem_alloc : memref<!tpu.dma_semaphore, #tpu.memory_space<semaphore_mem>>
      %dma_start3A = arith.constant 0 : i32
      %dma_start3A_126 = tpu.memref_slice %arg13[%run_scoped3A_92, %dma_start3A] : memref<4x2048xf32, #tpu.memory_space<vmem>> -> memref<1x2048xf32, #tpu.memory_space<vmem>>
      %dma_start3A_127 = tpu.memref_squeeze %dma_start3A_126 : memref<1x2048xf32, #tpu.memory_space<vmem>> -> memref<2048xf32, #tpu.memory_space<vmem>>
      %dma_start3A_128 = tpu.memref_slice %arg5[%run_scoped3A_93, %add3A_64] : memref<4x262144xf32, #tpu.memory_space<hbm>> -> memref<1x2048xf32, #tpu.memory_space<hbm>>
      %dma_start3A_129 = tpu.memref_squeeze %dma_start3A_128 : memref<1x2048xf32, #tpu.memory_space<hbm>> -> memref<2048xf32, #tpu.memory_space<hbm>>
      %dma_start3A_130 = tpu.memref_slice %arg5[%run_scoped3A_93, %add3A_64] : memref<4x262144xf32, #tpu.memory_space<hbm>> -> memref<1x2048xf32, #tpu.memory_space<hbm>>
      %dma_start3A_131 = tpu.memref_squeeze %dma_start3A_130 : memref<1x2048xf32, #tpu.memory_space<hbm>> -> memref<2048xf32, #tpu.memory_space<hbm>>
      %dma_start3A_132 = arith.constant 0 : i32
      %dma_start3A_133 = tpu.memref_slice %arg13[%run_scoped3A_92, %dma_start3A_132] : memref<4x2048xf32, #tpu.memory_space<vmem>> -> memref<1x2048xf32, #tpu.memory_space<vmem>>
      %dma_start3A_134 = tpu.memref_squeeze %dma_start3A_133 : memref<1x2048xf32, #tpu.memory_space<vmem>> -> memref<2048xf32, #tpu.memory_space<vmem>>
      tpu.enqueue_dma source(%dma_start3A_134 : memref<2048xf32, #tpu.memory_space<vmem>>) target(%dma_start3A_131 : memref<2048xf32, #tpu.memory_space<hbm>>) target_semaphore(%run_scoped3A_125 : memref<!tpu.dma_semaphore, #tpu.memory_space<semaphore_mem>>)
      %dma_wait3A = arith.constant 0 : i32
      %dma_wait3A_135 = tpu.memref_slice %arg13[%run_scoped3A_92, %dma_wait3A] : memref<4x2048xf32, #tpu.memory_space<vmem>> -> memref<1x2048xf32, #tpu.memory_space<vmem>>
      %dma_wait3A_136 = tpu.memref_squeeze %dma_wait3A_135 : memref<1x2048xf32, #tpu.memory_space<vmem>> -> memref<2048xf32, #tpu.memory_space<vmem>>
      %dma_wait3A_137 = tpu.memref_slice %arg5[%run_scoped3A_93, %add3A_64] : memref<4x262144xf32, #tpu.memory_space<hbm>> -> memref<1x2048xf32, #tpu.memory_space<hbm>>
      %dma_wait3A_138 = tpu.memref_squeeze %dma_wait3A_137 : memref<1x2048xf32, #tpu.memory_space<hbm>> -> memref<2048xf32, #tpu.memory_space<hbm>>
      %dma_wait3A_139 = tpu.memref_slice %arg5[%run_scoped3A_93, %add3A_64] : memref<4x262144xf32, #tpu.memory_space<hbm>> -> memref<1x2048xf32, #tpu.memory_space<hbm>>
      %dma_wait3A_140 = tpu.memref_squeeze %dma_wait3A_139 : memref<1x2048xf32, #tpu.memory_space<hbm>> -> memref<2048xf32, #tpu.memory_space<hbm>>
      %dma_wait3A_141 = arith.constant 0 : i32
      %dma_wait3A_142 = tpu.memref_slice %arg13[%run_scoped3A_92, %dma_wait3A_141] : memref<4x2048xf32, #tpu.memory_space<vmem>> -> memref<1x2048xf32, #tpu.memory_space<vmem>>
      %dma_wait3A_143 = tpu.memref_squeeze %dma_wait3A_142 : memref<1x2048xf32, #tpu.memory_space<vmem>> -> memref<2048xf32, #tpu.memory_space<vmem>>
      tpu.wait_dma2 semaphore(%run_scoped3A_125 : memref<!tpu.dma_semaphore, #tpu.memory_space<semaphore_mem>>) src(%dma_wait3A_143 : memref<2048xf32, #tpu.memory_space<vmem>>) dst(%dma_wait3A_140 : memref<2048xf32, #tpu.memory_space<hbm>>)
      tpu.yield
    }) : () -> ()
    %add3A_94 = arith.constant 6144 : i32
    %add3A_95 = arith.addi %mul3A_2, %add3A_94 : i32
    "tpu.region"() ({
      %run_scoped3A_125 = tpu.sem_alloc : memref<!tpu.dma_semaphore, #tpu.memory_space<semaphore_mem>>
      %dma_start3A = tpu.memref_slice %arg2[%add3A_95] : memref<262144xf32, #tpu.memory_space<hbm>> -> memref<2048xf32, #tpu.memory_space<hbm>>
      %dma_start3A_126 = tpu.memref_slice %arg2[%add3A_95] : memref<262144xf32, #tpu.memory_space<hbm>> -> memref<2048xf32, #tpu.memory_space<hbm>>
      tpu.enqueue_dma source(%dma_start3A_126 : memref<2048xf32, #tpu.memory_space<hbm>>) target(%arg6 : memref<2048xf32, #tpu.memory_space<vmem>>) target_semaphore(%run_scoped3A_125 : memref<!tpu.dma_semaphore, #tpu.memory_space<semaphore_mem>>)
      %dma_wait3A = tpu.memref_slice %arg2[%add3A_95] : memref<262144xf32, #tpu.memory_space<hbm>> -> memref<2048xf32, #tpu.memory_space<hbm>>
      %dma_wait3A_127 = tpu.memref_slice %arg2[%add3A_95] : memref<262144xf32, #tpu.memory_space<hbm>> -> memref<2048xf32, #tpu.memory_space<hbm>>
      tpu.wait_dma2 semaphore(%run_scoped3A_125 : memref<!tpu.dma_semaphore, #tpu.memory_space<semaphore_mem>>) src(%dma_wait3A_127 : memref<2048xf32, #tpu.memory_space<hbm>>) dst(%arg6 : memref<2048xf32, #tpu.memory_space<vmem>>)
      tpu.yield
    }) : () -> ()
    "tpu.region"() ({
      %run_scoped3A_125 = tpu.sem_alloc : memref<!tpu.dma_semaphore, #tpu.memory_space<semaphore_mem>>
      %dma_start3A = tpu.memref_slice %arg3[%add3A_95] : memref<262144xf32, #tpu.memory_space<hbm>> -> memref<2048xf32, #tpu.memory_space<hbm>>
      %dma_start3A_126 = tpu.memref_slice %arg3[%add3A_95] : memref<262144xf32, #tpu.memory_space<hbm>> -> memref<2048xf32, #tpu.memory_space<hbm>>
      tpu.enqueue_dma source(%dma_start3A_126 : memref<2048xf32, #tpu.memory_space<hbm>>) target(%arg7 : memref<2048xf32, #tpu.memory_space<vmem>>) target_semaphore(%run_scoped3A_125 : memref<!tpu.dma_semaphore, #tpu.memory_space<semaphore_mem>>)
      %dma_wait3A = tpu.memref_slice %arg3[%add3A_95] : memref<262144xf32, #tpu.memory_space<hbm>> -> memref<2048xf32, #tpu.memory_space<hbm>>
      %dma_wait3A_127 = tpu.memref_slice %arg3[%add3A_95] : memref<262144xf32, #tpu.memory_space<hbm>> -> memref<2048xf32, #tpu.memory_space<hbm>>
      tpu.wait_dma2 semaphore(%run_scoped3A_125 : memref<!tpu.dma_semaphore, #tpu.memory_space<semaphore_mem>>) src(%dma_wait3A_127 : memref<2048xf32, #tpu.memory_space<hbm>>) dst(%arg7 : memref<2048xf32, #tpu.memory_space<vmem>>)
      tpu.yield
    }) : () -> ()
    %scan3A_96 = arith.constant 0 : i32
    %scan3A_97 = arith.constant 0 : i32
    %scan3A_98 = arith.constant 16 : i32
    %scan3A_99 = arith.addi %scan3A_97, %scan3A_98 : i32
    %scan3A_100 = arith.constant 1 : i32
    %scan3A_101 = scf.for %scan3A_125 = %scan3A_97 to %scan3A_99 step %scan3A_100 iter_args(%scan3A_126 = %scan3A_96) -> (i32)  : i32 {
      %mul3A_127 = arith.constant 128 : i32
      %mul3A_128 = arith.muli %scan3A_125, %mul3A_127 : i32
      %add3A_129 = arith.constant 0 : i32
      %add3A_130 = arith.addi %mul3A_128, %add3A_129 : i32
      %get3A = arith.index_cast %add3A_130 : i32 to index
      %get3A_131 = tpu.vector_load %arg6[%get3A] {strides = array<i32>} : memref<2048xf32, #tpu.memory_space<vmem>>, vector<16xf32>,
      %get3A_132 = arith.index_cast %add3A_130 : i32 to index
      %get3A_133 = tpu.vector_load %arg7[%get3A_132] {strides = array<i32>} : memref<2048xf32, #tpu.memory_space<vmem>>, vector<16xf32>,
      %ge3A = arith.constant 1.000000e+00 : f32
      %ge3A_134 = vector.broadcast %ge3A : f32 to vector<16xf32>
      %ge3A_135 = arith.cmpf oge, %get3A_131, %ge3A_134 : vector<16xf32>
      %add3A_136 = arith.constant 4.096000e+03 : f32
      %add3A_137 = vector.broadcast %add3A_136 : f32 to vector<16xf32>
      %add3A_138 = arith.addf %get3A_131, %add3A_137 : vector<16xf32>
      %select_n3A = arith.select %ge3A_135, %get3A_131, %add3A_138 : vector<16xi1>, vector<16xf32>
      %ge3A_139 = arith.constant 1.000000e+00 : f32
      %ge3A_140 = vector.broadcast %ge3A_139 : f32 to vector<16xf32>
      %ge3A_141 = arith.cmpf oge, %get3A_133, %ge3A_140 : vector<16xf32>
      %add3A_142 = arith.constant 4.096000e+03 : f32
      %add3A_143 = vector.broadcast %add3A_142 : f32 to vector<16xf32>
      %add3A_144 = arith.addf %get3A_133, %add3A_143 : vector<16xf32>
      %select_n3A_145 = arith.select %ge3A_141, %get3A_133, %add3A_144 : vector<16xi1>, vector<16xf32>
      %convert_element_type3A = arith.fptosi %select_n3A : vector<16xf32> to vector<16xi32>
      %convert_element_type3A_146 = arith.fptosi %select_n3A_145 : vector<16xf32> to vector<16xi32>
      %convert_element_type3A_147 = arith.sitofp %convert_element_type3A : vector<16xi32> to vector<16xf32>
      %sub3A = arith.subf %select_n3A, %convert_element_type3A_147 : vector<16xf32>
      %swap3A = arith.index_cast %add3A_130 : i32 to index
      %swap3A_148 = tpu.vector_load %arg8[%swap3A] {strides = array<i32>} : memref<2048xf32, #tpu.memory_space<vmem>>, vector<16xf32>,
      tpu.vector_store %arg8[%swap3A], %sub3A {strides = array<i32>} : memref<2048xf32, #tpu.memory_space<vmem>>, vector<16xf32>,
      %convert_element_type3A_149 = arith.sitofp %convert_element_type3A_146 : vector<16xi32> to vector<16xf32>
      %sub3A_150 = arith.subf %select_n3A_145, %convert_element_type3A_149 : vector<16xf32>
      %swap3A_151 = arith.index_cast %add3A_130 : i32 to index
      %swap3A_152 = tpu.vector_load %arg9[%swap3A_151] {strides = array<i32>} : memref<2048xf32, #tpu.memory_space<vmem>>, vector<16xf32>,
      tpu.vector_store %arg9[%swap3A_151], %sub3A_150 {strides = array<i32>} : memref<2048xf32, #tpu.memory_space<vmem>>, vector<16xf32>,
      %mul3A_153 = arith.constant 4100 : i32
      %mul3A_154 = vector.broadcast %mul3A_153 : i32 to vector<16xi32>
      %mul3A_155 = arith.muli %convert_element_type3A, %mul3A_154 : vector<16xi32>
      %add3A_156 = arith.addi %mul3A_155, %convert_element_type3A_146 : vector<16xi32>
      %swap3A_157 = arith.index_cast %add3A_130 : i32 to index
      %swap3A_158 = tpu.vector_load %arg10[%swap3A_157] {strides = array<i32>} : memref<2048xi32, #tpu.memory_space<vmem>>, vector<16xi32>,
      tpu.vector_store %arg10[%swap3A_157], %add3A_156 {strides = array<i32>} : memref<2048xi32, #tpu.memory_space<vmem>>, vector<16xi32>,
      %shift_right_logical3A = arith.constant 1 : i32
      %shift_right_logical3A_159 = vector.broadcast %shift_right_logical3A : i32 to vector<16xi32>
      %shift_right_logical3A_160 = arith.shrui %add3A_156, %shift_right_logical3A_159 : vector<16xi32>
      %add3A_161 = arith.constant 1 : i32
      %add3A_162 = vector.broadcast %add3A_161 : i32 to vector<16xi32>
      %add3A_163 = arith.addi %add3A_156, %add3A_162 : vector<16xi32>
      %shift_right_logical3A_164 = arith.constant 1 : i32
      %shift_right_logical3A_165 = vector.broadcast %shift_right_logical3A_164 : i32 to vector<16xi32>
      %shift_right_logical3A_166 = arith.shrui %add3A_163, %shift_right_logical3A_165 : vector<16xi32>
      %swap3A_167 = arith.index_cast %scan3A_125 : i32 to index
      %swap3A_168 = arith.constant 0 : index
      %swap3A_169 = tpu.vector_load %arg11[%swap3A_167, %swap3A_168] {strides = array<i32>} : memref<64x128xi32, #tpu.memory_space<vmem>>, vector<16xi32>,
      tpu.vector_store %arg11[%swap3A_167, %swap3A_168], %shift_right_logical3A_160 {strides = array<i32>} : memref<64x128xi32, #tpu.memory_space<vmem>>, vector<16xi32>,
      %add3A_170 = arith.constant 16 : i32
      %add3A_171 = arith.addi %add3A_170, %scan3A_125 : i32
      %swap3A_172 = arith.index_cast %add3A_171 : i32 to index
      %swap3A_173 = arith.constant 0 : index
      %swap3A_174 = tpu.vector_load %arg11[%swap3A_172, %swap3A_173] {strides = array<i32>} : memref<64x128xi32, #tpu.memory_space<vmem>>, vector<16xi32>,
      tpu.vector_store %arg11[%swap3A_172, %swap3A_173], %shift_right_logical3A_166 {strides = array<i32>} : memref<64x128xi32, #tpu.memory_space<vmem>>, vector<16xi32>,
      %add3A_175 = arith.constant 2050 : i32
      %add3A_176 = vector.broadcast %add3A_175 : i32 to vector<16xi32>
      %add3A_177 = arith.addi %shift_right_logical3A_160, %add3A_176 : vector<16xi32>
      %add3A_178 = arith.constant 32 : i32
      %add3A_179 = arith.addi %add3A_178, %scan3A_125 : i32
      %swap3A_180 = arith.index_cast %add3A_179 : i32 to index
      %swap3A_181 = arith.constant 0 : index
      %swap3A_182 = tpu.vector_load %arg11[%swap3A_180, %swap3A_181] {strides = array<i32>} : memref<64x128xi32, #tpu.memory_space<vmem>>, vector<16xi32>,
      tpu.vector_store %arg11[%swap3A_180, %swap3A_181], %add3A_177 {strides = array<i32>} : memref<64x128xi32, #tpu.memory_space<vmem>>, vector<16xi32>,
      %add3A_183 = arith.constant 2050 : i32
      %add3A_184 = vector.broadcast %add3A_183 : i32 to vector<16xi32>
      %add3A_185 = arith.addi %shift_right_logical3A_166, %add3A_184 : vector<16xi32>
      %add3A_186 = arith.constant 48 : i32
      %add3A_187 = arith.addi %add3A_186, %scan3A_125 : i32
      %swap3A_188 = arith.index_cast %add3A_187 : i32 to index
      %swap3A_189 = arith.constant 0 : index
      %swap3A_190 = tpu.vector_load %arg11[%swap3A_188, %swap3A_189] {strides = array<i32>} : memref<64x128xi32, #tpu.memory_space<vmem>>, vector<16xi32>,
      tpu.vector_store %arg11[%swap3A_188, %swap3A_189], %add3A_185 {strides = array<i32>} : memref<64x128xi32, #tpu.memory_space<vmem>>, vector<16xi32>,
      %mul3A_191 = arith.constant 128 : i32
      %mul3A_192 = arith.muli %scan3A_125, %mul3A_191 : i32
      %add3A_193 = arith.constant 16 : i32
      %add3A_194 = arith.addi %mul3A_192, %add3A_193 : i32
      %get3A_195 = arith.index_cast %add3A_194 : i32 to index
      %get3A_196 = tpu.vector_load %arg6[%get3A_195] {strides = array<i32>} : memref<2048xf32, #tpu.memory_space<vmem>>, vector<16xf32>,
      %get3A_197 = arith.index_cast %add3A_194 : i32 to index
      %get3A_198 = tpu.vector_load %arg7[%get3A_197] {strides = array<i32>} : memref<2048xf32, #tpu.memory_space<vmem>>, vector<16xf32>,
      %ge3A_199 = arith.constant 1.000000e+00 : f32
      %ge3A_200 = vector.broadcast %ge3A_199 : f32 to vector<16xf32>
      %ge3A_201 = arith.cmpf oge, %get3A_196, %ge3A_200 : vector<16xf32>
      %add3A_202 = arith.constant 4.096000e+03 : f32
      %add3A_203 = vector.broadcast %add3A_202 : f32 to vector<16xf32>
      %add3A_204 = arith.addf %get3A_196, %add3A_203 : vector<16xf32>
      %select_n3A_205 = arith.select %ge3A_201, %get3A_196, %add3A_204 : vector<16xi1>, vector<16xf32>
      %ge3A_206 = arith.constant 1.000000e+00 : f32
      %ge3A_207 = vector.broadcast %ge3A_206 : f32 to vector<16xf32>
      %ge3A_208 = arith.cmpf oge, %get3A_198, %ge3A_207 : vector<16xf32>
      %add3A_209 = arith.constant 4.096000e+03 : f32
      %add3A_210 = vector.broadcast %add3A_209 : f32 to vector<16xf32>
      %add3A_211 = arith.addf %get3A_198, %add3A_210 : vector<16xf32>
      %select_n3A_212 = arith.select %ge3A_208, %get3A_198, %add3A_211 : vector<16xi1>, vector<16xf32>
      %convert_element_type3A_213 = arith.fptosi %select_n3A_205 : vector<16xf32> to vector<16xi32>
      %convert_element_type3A_214 = arith.fptosi %select_n3A_212 : vector<16xf32> to vector<16xi32>
      %convert_element_type3A_215 = arith.sitofp %convert_element_type3A_213 : vector<16xi32> to vector<16xf32>
      %sub3A_216 = arith.subf %select_n3A_205, %convert_element_type3A_215 : vector<16xf32>
      %swap3A_217 = arith.index_cast %add3A_194 : i32 to index
      %swap3A_218 = tpu.vector_load %arg8[%swap3A_217] {strides = array<i32>} : memref<2048xf32, #tpu.memory_space<vmem>>, vector<16xf32>,
      tpu.vector_store %arg8[%swap3A_217], %sub3A_216 {strides = array<i32>} : memref<2048xf32, #tpu.memory_space<vmem>>, vector<16xf32>,
      %convert_element_type3A_219 = arith.sitofp %convert_element_type3A_214 : vector<16xi32> to vector<16xf32>
      %sub3A_220 = arith.subf %select_n3A_212, %convert_element_type3A_219 : vector<16xf32>
      %swap3A_221 = arith.index_cast %add3A_194 : i32 to index
      %swap3A_222 = tpu.vector_load %arg9[%swap3A_221] {strides = array<i32>} : memref<2048xf32, #tpu.memory_space<vmem>>, vector<16xf32>,
      tpu.vector_store %arg9[%swap3A_221], %sub3A_220 {strides = array<i32>} : memref<2048xf32, #tpu.memory_space<vmem>>, vector<16xf32>,
      %mul3A_223 = arith.constant 4100 : i32
      %mul3A_224 = vector.broadcast %mul3A_223 : i32 to vector<16xi32>
      %mul3A_225 = arith.muli %convert_element_type3A_213, %mul3A_224 : vector<16xi32>
      %add3A_226 = arith.addi %mul3A_225, %convert_element_type3A_214 : vector<16xi32>
      %swap3A_227 = arith.index_cast %add3A_194 : i32 to index
      %swap3A_228 = tpu.vector_load %arg10[%swap3A_227] {strides = array<i32>} : memref<2048xi32, #tpu.memory_space<vmem>>, vector<16xi32>,
      tpu.vector_store %arg10[%swap3A_227], %add3A_226 {strides = array<i32>} : memref<2048xi32, #tpu.memory_space<vmem>>, vector<16xi32>,
      %shift_right_logical3A_229 = arith.constant 1 : i32
      %shift_right_logical3A_230 = vector.broadcast %shift_right_logical3A_229 : i32 to vector<16xi32>
      %shift_right_logical3A_231 = arith.shrui %add3A_226, %shift_right_logical3A_230 : vector<16xi32>
      %add3A_232 = arith.constant 1 : i32
      %add3A_233 = vector.broadcast %add3A_232 : i32 to vector<16xi32>
      %add3A_234 = arith.addi %add3A_226, %add3A_233 : vector<16xi32>
      %shift_right_logical3A_235 = arith.constant 1 : i32
      %shift_right_logical3A_236 = vector.broadcast %shift_right_logical3A_235 : i32 to vector<16xi32>
      %shift_right_logical3A_237 = arith.shrui %add3A_234, %shift_right_logical3A_236 : vector<16xi32>
      %swap3A_238 = arith.index_cast %scan3A_125 : i32 to index
      %swap3A_239 = arith.constant 16 : index
      %swap3A_240 = tpu.vector_load %arg11[%swap3A_238, %swap3A_239] {strides = array<i32>} : memref<64x128xi32, #tpu.memory_space<vmem>>, vector<16xi32>,
      tpu.vector_store %arg11[%swap3A_238, %swap3A_239], %shift_right_logical3A_231 {strides = array<i32>} : memref<64x128xi32, #tpu.memory_space<vmem>>, vector<16xi32>,
      %add3A_241 = arith.constant 16 : i32
      %add3A_242 = arith.addi %add3A_241, %scan3A_125 : i32
      %swap3A_243 = arith.index_cast %add3A_242 : i32 to index
      %swap3A_244 = arith.constant 16 : index
      %swap3A_245 = tpu.vector_load %arg11[%swap3A_243, %swap3A_244] {strides = array<i32>} : memref<64x128xi32, #tpu.memory_space<vmem>>, vector<16xi32>,
      tpu.vector_store %arg11[%swap3A_243, %swap3A_244], %shift_right_logical3A_237 {strides = array<i32>} : memref<64x128xi32, #tpu.memory_space<vmem>>, vector<16xi32>,
      %add3A_246 = arith.constant 2050 : i32
      %add3A_247 = vector.broadcast %add3A_246 : i32 to vector<16xi32>
      %add3A_248 = arith.addi %shift_right_logical3A_231, %add3A_247 : vector<16xi32>
      %add3A_249 = arith.constant 32 : i32
      %add3A_250 = arith.addi %add3A_249, %scan3A_125 : i32
      %swap3A_251 = arith.index_cast %add3A_250 : i32 to index
      %swap3A_252 = arith.constant 16 : index
      %swap3A_253 = tpu.vector_load %arg11[%swap3A_251, %swap3A_252] {strides = array<i32>} : memref<64x128xi32, #tpu.memory_space<vmem>>, vector<16xi32>,
      tpu.vector_store %arg11[%swap3A_251, %swap3A_252], %add3A_248 {strides = array<i32>} : memref<64x128xi32, #tpu.memory_space<vmem>>, vector<16xi32>,
      %add3A_254 = arith.constant 2050 : i32
      %add3A_255 = vector.broadcast %add3A_254 : i32 to vector<16xi32>
      %add3A_256 = arith.addi %shift_right_logical3A_237, %add3A_255 : vector<16xi32>
      %add3A_257 = arith.constant 48 : i32
      %add3A_258 = arith.addi %add3A_257, %scan3A_125 : i32
      %swap3A_259 = arith.index_cast %add3A_258 : i32 to index
      %swap3A_260 = arith.constant 16 : index
      %swap3A_261 = tpu.vector_load %arg11[%swap3A_259, %swap3A_260] {strides = array<i32>} : memref<64x128xi32, #tpu.memory_space<vmem>>, vector<16xi32>,
      tpu.vector_store %arg11[%swap3A_259, %swap3A_260], %add3A_256 {strides = array<i32>} : memref<64x128xi32, #tpu.memory_space<vmem>>, vector<16xi32>,
      %mul3A_262 = arith.constant 128 : i32
      %mul3A_263 = arith.muli %scan3A_125, %mul3A_262 : i32
      %add3A_264 = arith.constant 32 : i32
      %add3A_265 = arith.addi %mul3A_263, %add3A_264 : i32
      %get3A_266 = arith.index_cast %add3A_265 : i32 to index
      %get3A_267 = tpu.vector_load %arg6[%get3A_266] {strides = array<i32>} : memref<2048xf32, #tpu.memory_space<vmem>>, vector<16xf32>,
      %get3A_268 = arith.index_cast %add3A_265 : i32 to index
      %get3A_269 = tpu.vector_load %arg7[%get3A_268] {strides = array<i32>} : memref<2048xf32, #tpu.memory_space<vmem>>, vector<16xf32>,
      %ge3A_270 = arith.constant 1.000000e+00 : f32
      %ge3A_271 = vector.broadcast %ge3A_270 : f32 to vector<16xf32>
      %ge3A_272 = arith.cmpf oge, %get3A_267, %ge3A_271 : vector<16xf32>
      %add3A_273 = arith.constant 4.096000e+03 : f32
      %add3A_274 = vector.broadcast %add3A_273 : f32 to vector<16xf32>
      %add3A_275 = arith.addf %get3A_267, %add3A_274 : vector<16xf32>
      %select_n3A_276 = arith.select %ge3A_272, %get3A_267, %add3A_275 : vector<16xi1>, vector<16xf32>
      %ge3A_277 = arith.constant 1.000000e+00 : f32
      %ge3A_278 = vector.broadcast %ge3A_277 : f32 to vector<16xf32>
      %ge3A_279 = arith.cmpf oge, %get3A_269, %ge3A_278 : vector<16xf32>
      %add3A_280 = arith.constant 4.096000e+03 : f32
      %add3A_281 = vector.broadcast %add3A_280 : f32 to vector<16xf32>
      %add3A_282 = arith.addf %get3A_269, %add3A_281 : vector<16xf32>
      %select_n3A_283 = arith.select %ge3A_279, %get3A_269, %add3A_282 : vector<16xi1>, vector<16xf32>
      %convert_element_type3A_284 = arith.fptosi %select_n3A_276 : vector<16xf32> to vector<16xi32>
      %convert_element_type3A_285 = arith.fptosi %select_n3A_283 : vector<16xf32> to vector<16xi32>
      %convert_element_type3A_286 = arith.sitofp %convert_element_type3A_284 : vector<16xi32> to vector<16xf32>
      %sub3A_287 = arith.subf %select_n3A_276, %convert_element_type3A_286 : vector<16xf32>
      %swap3A_288 = arith.index_cast %add3A_265 : i32 to index
      %swap3A_289 = tpu.vector_load %arg8[%swap3A_288] {strides = array<i32>} : memref<2048xf32, #tpu.memory_space<vmem>>, vector<16xf32>,
      tpu.vector_store %arg8[%swap3A_288], %sub3A_287 {strides = array<i32>} : memref<2048xf32, #tpu.memory_space<vmem>>, vector<16xf32>,
      %convert_element_type3A_290 = arith.sitofp %convert_element_type3A_285 : vector<16xi32> to vector<16xf32>
      %sub3A_291 = arith.subf %select_n3A_283, %convert_element_type3A_290 : vector<16xf32>
      %swap3A_292 = arith.index_cast %add3A_265 : i32 to index
      %swap3A_293 = tpu.vector_load %arg9[%swap3A_292] {strides = array<i32>} : memref<2048xf32, #tpu.memory_space<vmem>>, vector<16xf32>,
      tpu.vector_store %arg9[%swap3A_292], %sub3A_291 {strides = array<i32>} : memref<2048xf32, #tpu.memory_space<vmem>>, vector<16xf32>,
      %mul3A_294 = arith.constant 4100 : i32
      %mul3A_295 = vector.broadcast %mul3A_294 : i32 to vector<16xi32>
      %mul3A_296 = arith.muli %convert_element_type3A_284, %mul3A_295 : vector<16xi32>
      %add3A_297 = arith.addi %mul3A_296, %convert_element_type3A_285 : vector<16xi32>
      %swap3A_298 = arith.index_cast %add3A_265 : i32 to index
      %swap3A_299 = tpu.vector_load %arg10[%swap3A_298] {strides = array<i32>} : memref<2048xi32, #tpu.memory_space<vmem>>, vector<16xi32>,
      tpu.vector_store %arg10[%swap3A_298], %add3A_297 {strides = array<i32>} : memref<2048xi32, #tpu.memory_space<vmem>>, vector<16xi32>,
      %shift_right_logical3A_300 = arith.constant 1 : i32
      %shift_right_logical3A_301 = vector.broadcast %shift_right_logical3A_300 : i32 to vector<16xi32>
      %shift_right_logical3A_302 = arith.shrui %add3A_297, %shift_right_logical3A_301 : vector<16xi32>
      %add3A_303 = arith.constant 1 : i32
      %add3A_304 = vector.broadcast %add3A_303 : i32 to vector<16xi32>
      %add3A_305 = arith.addi %add3A_297, %add3A_304 : vector<16xi32>
      %shift_right_logical3A_306 = arith.constant 1 : i32
      %shift_right_logical3A_307 = vector.broadcast %shift_right_logical3A_306 : i32 to vector<16xi32>
      %shift_right_logical3A_308 = arith.shrui %add3A_305, %shift_right_logical3A_307 : vector<16xi32>
      %swap3A_309 = arith.index_cast %scan3A_125 : i32 to index
      %swap3A_310 = arith.constant 32 : index
      %swap3A_311 = tpu.vector_load %arg11[%swap3A_309, %swap3A_310] {strides = array<i32>} : memref<64x128xi32, #tpu.memory_space<vmem>>, vector<16xi32>,
      tpu.vector_store %arg11[%swap3A_309, %swap3A_310], %shift_right_logical3A_302 {strides = array<i32>} : memref<64x128xi32, #tpu.memory_space<vmem>>, vector<16xi32>,
      %add3A_312 = arith.constant 16 : i32
      %add3A_313 = arith.addi %add3A_312, %scan3A_125 : i32
      %swap3A_314 = arith.index_cast %add3A_313 : i32 to index
      %swap3A_315 = arith.constant 32 : index
      %swap3A_316 = tpu.vector_load %arg11[%swap3A_314, %swap3A_315] {strides = array<i32>} : memref<64x128xi32, #tpu.memory_space<vmem>>, vector<16xi32>,
      tpu.vector_store %arg11[%swap3A_314, %swap3A_315], %shift_right_logical3A_308 {strides = array<i32>} : memref<64x128xi32, #tpu.memory_space<vmem>>, vector<16xi32>,
      %add3A_317 = arith.constant 2050 : i32
      %add3A_318 = vector.broadcast %add3A_317 : i32 to vector<16xi32>
      %add3A_319 = arith.addi %shift_right_logical3A_302, %add3A_318 : vector<16xi32>
      %add3A_320 = arith.constant 32 : i32
      %add3A_321 = arith.addi %add3A_320, %scan3A_125 : i32
      %swap3A_322 = arith.index_cast %add3A_321 : i32 to index
      %swap3A_323 = arith.constant 32 : index
      %swap3A_324 = tpu.vector_load %arg11[%swap3A_322, %swap3A_323] {strides = array<i32>} : memref<64x128xi32, #tpu.memory_space<vmem>>, vector<16xi32>,
      tpu.vector_store %arg11[%swap3A_322, %swap3A_323], %add3A_319 {strides = array<i32>} : memref<64x128xi32, #tpu.memory_space<vmem>>, vector<16xi32>,
      %add3A_325 = arith.constant 2050 : i32
      %add3A_326 = vector.broadcast %add3A_325 : i32 to vector<16xi32>
      %add3A_327 = arith.addi %shift_right_logical3A_308, %add3A_326 : vector<16xi32>
      %add3A_328 = arith.constant 48 : i32
      %add3A_329 = arith.addi %add3A_328, %scan3A_125 : i32
      %swap3A_330 = arith.index_cast %add3A_329 : i32 to index
      %swap3A_331 = arith.constant 32 : index
      %swap3A_332 = tpu.vector_load %arg11[%swap3A_330, %swap3A_331] {strides = array<i32>} : memref<64x128xi32, #tpu.memory_space<vmem>>, vector<16xi32>,
      tpu.vector_store %arg11[%swap3A_330, %swap3A_331], %add3A_327 {strides = array<i32>} : memref<64x128xi32, #tpu.memory_space<vmem>>, vector<16xi32>,
      %mul3A_333 = arith.constant 128 : i32
      %mul3A_334 = arith.muli %scan3A_125, %mul3A_333 : i32
      %add3A_335 = arith.constant 48 : i32
      %add3A_336 = arith.addi %mul3A_334, %add3A_335 : i32
      %get3A_337 = arith.index_cast %add3A_336 : i32 to index
      %get3A_338 = tpu.vector_load %arg6[%get3A_337] {strides = array<i32>} : memref<2048xf32, #tpu.memory_space<vmem>>, vector<16xf32>,
      %get3A_339 = arith.index_cast %add3A_336 : i32 to index
      %get3A_340 = tpu.vector_load %arg7[%get3A_339] {strides = array<i32>} : memref<2048xf32, #tpu.memory_space<vmem>>, vector<16xf32>,
      %ge3A_341 = arith.constant 1.000000e+00 : f32
      %ge3A_342 = vector.broadcast %ge3A_341 : f32 to vector<16xf32>
      %ge3A_343 = arith.cmpf oge, %get3A_338, %ge3A_342 : vector<16xf32>
      %add3A_344 = arith.constant 4.096000e+03 : f32
      %add3A_345 = vector.broadcast %add3A_344 : f32 to vector<16xf32>
      %add3A_346 = arith.addf %get3A_338, %add3A_345 : vector<16xf32>
      %select_n3A_347 = arith.select %ge3A_343, %get3A_338, %add3A_346 : vector<16xi1>, vector<16xf32>
      %ge3A_348 = arith.constant 1.000000e+00 : f32
      %ge3A_349 = vector.broadcast %ge3A_348 : f32 to vector<16xf32>
      %ge3A_350 = arith.cmpf oge, %get3A_340, %ge3A_349 : vector<16xf32>
      %add3A_351 = arith.constant 4.096000e+03 : f32
      %add3A_352 = vector.broadcast %add3A_351 : f32 to vector<16xf32>
      %add3A_353 = arith.addf %get3A_340, %add3A_352 : vector<16xf32>
      %select_n3A_354 = arith.select %ge3A_350, %get3A_340, %add3A_353 : vector<16xi1>, vector<16xf32>
      %convert_element_type3A_355 = arith.fptosi %select_n3A_347 : vector<16xf32> to vector<16xi32>
      %convert_element_type3A_356 = arith.fptosi %select_n3A_354 : vector<16xf32> to vector<16xi32>
      %convert_element_type3A_357 = arith.sitofp %convert_element_type3A_355 : vector<16xi32> to vector<16xf32>
      %sub3A_358 = arith.subf %select_n3A_347, %convert_element_type3A_357 : vector<16xf32>
      %swap3A_359 = arith.index_cast %add3A_336 : i32 to index
      %swap3A_360 = tpu.vector_load %arg8[%swap3A_359] {strides = array<i32>} : memref<2048xf32, #tpu.memory_space<vmem>>, vector<16xf32>,
      tpu.vector_store %arg8[%swap3A_359], %sub3A_358 {strides = array<i32>} : memref<2048xf32, #tpu.memory_space<vmem>>, vector<16xf32>,
      %convert_element_type3A_361 = arith.sitofp %convert_element_type3A_356 : vector<16xi32> to vector<16xf32>
      %sub3A_362 = arith.subf %select_n3A_354, %convert_element_type3A_361 : vector<16xf32>
      %swap3A_363 = arith.index_cast %add3A_336 : i32 to index
      %swap3A_364 = tpu.vector_load %arg9[%swap3A_363] {strides = array<i32>} : memref<2048xf32, #tpu.memory_space<vmem>>, vector<16xf32>,
      tpu.vector_store %arg9[%swap3A_363], %sub3A_362 {strides = array<i32>} : memref<2048xf32, #tpu.memory_space<vmem>>, vector<16xf32>,
      %mul3A_365 = arith.constant 4100 : i32
      %mul3A_366 = vector.broadcast %mul3A_365 : i32 to vector<16xi32>
      %mul3A_367 = arith.muli %convert_element_type3A_355, %mul3A_366 : vector<16xi32>
      %add3A_368 = arith.addi %mul3A_367, %convert_element_type3A_356 : vector<16xi32>
      %swap3A_369 = arith.index_cast %add3A_336 : i32 to index
      %swap3A_370 = tpu.vector_load %arg10[%swap3A_369] {strides = array<i32>} : memref<2048xi32, #tpu.memory_space<vmem>>, vector<16xi32>,
      tpu.vector_store %arg10[%swap3A_369], %add3A_368 {strides = array<i32>} : memref<2048xi32, #tpu.memory_space<vmem>>, vector<16xi32>,
      %shift_right_logical3A_371 = arith.constant 1 : i32
      %shift_right_logical3A_372 = vector.broadcast %shift_right_logical3A_371 : i32 to vector<16xi32>
      %shift_right_logical3A_373 = arith.shrui %add3A_368, %shift_right_logical3A_372 : vector<16xi32>
      %add3A_374 = arith.constant 1 : i32
      %add3A_375 = vector.broadcast %add3A_374 : i32 to vector<16xi32>
      %add3A_376 = arith.addi %add3A_368, %add3A_375 : vector<16xi32>
      %shift_right_logical3A_377 = arith.constant 1 : i32
      %shift_right_logical3A_378 = vector.broadcast %shift_right_logical3A_377 : i32 to vector<16xi32>
      %shift_right_logical3A_379 = arith.shrui %add3A_376, %shift_right_logical3A_378 : vector<16xi32>
      %swap3A_380 = arith.index_cast %scan3A_125 : i32 to index
      %swap3A_381 = arith.constant 48 : index
      %swap3A_382 = tpu.vector_load %arg11[%swap3A_380, %swap3A_381] {strides = array<i32>} : memref<64x128xi32, #tpu.memory_space<vmem>>, vector<16xi32>,
      tpu.vector_store %arg11[%swap3A_380, %swap3A_381], %shift_right_logical3A_373 {strides = array<i32>} : memref<64x128xi32, #tpu.memory_space<vmem>>, vector<16xi32>,
      %add3A_383 = arith.constant 16 : i32
      %add3A_384 = arith.addi %add3A_383, %scan3A_125 : i32
      %swap3A_385 = arith.index_cast %add3A_384 : i32 to index
      %swap3A_386 = arith.constant 48 : index
      %swap3A_387 = tpu.vector_load %arg11[%swap3A_385, %swap3A_386] {strides = array<i32>} : memref<64x128xi32, #tpu.memory_space<vmem>>, vector<16xi32>,
      tpu.vector_store %arg11[%swap3A_385, %swap3A_386], %shift_right_logical3A_379 {strides = array<i32>} : memref<64x128xi32, #tpu.memory_space<vmem>>, vector<16xi32>,
      %add3A_388 = arith.constant 2050 : i32
      %add3A_389 = vector.broadcast %add3A_388 : i32 to vector<16xi32>
      %add3A_390 = arith.addi %shift_right_logical3A_373, %add3A_389 : vector<16xi32>
      %add3A_391 = arith.constant 32 : i32
      %add3A_392 = arith.addi %add3A_391, %scan3A_125 : i32
      %swap3A_393 = arith.index_cast %add3A_392 : i32 to index
      %swap3A_394 = arith.constant 48 : index
      %swap3A_395 = tpu.vector_load %arg11[%swap3A_393, %swap3A_394] {strides = array<i32>} : memref<64x128xi32, #tpu.memory_space<vmem>>, vector<16xi32>,
      tpu.vector_store %arg11[%swap3A_393, %swap3A_394], %add3A_390 {strides = array<i32>} : memref<64x128xi32, #tpu.memory_space<vmem>>, vector<16xi32>,
      %add3A_396 = arith.constant 2050 : i32
      %add3A_397 = vector.broadcast %add3A_396 : i32 to vector<16xi32>
      %add3A_398 = arith.addi %shift_right_logical3A_379, %add3A_397 : vector<16xi32>
      %add3A_399 = arith.constant 48 : i32
      %add3A_400 = arith.addi %add3A_399, %scan3A_125 : i32
      %swap3A_401 = arith.index_cast %add3A_400 : i32 to index
      %swap3A_402 = arith.constant 48 : index
      %swap3A_403 = tpu.vector_load %arg11[%swap3A_401, %swap3A_402] {strides = array<i32>} : memref<64x128xi32, #tpu.memory_space<vmem>>, vector<16xi32>,
      tpu.vector_store %arg11[%swap3A_401, %swap3A_402], %add3A_398 {strides = array<i32>} : memref<64x128xi32, #tpu.memory_space<vmem>>, vector<16xi32>,
      %mul3A_404 = arith.constant 128 : i32
      %mul3A_405 = arith.muli %scan3A_125, %mul3A_404 : i32
      %add3A_406 = arith.constant 64 : i32
      %add3A_407 = arith.addi %mul3A_405, %add3A_406 : i32
      %get3A_408 = arith.index_cast %add3A_407 : i32 to index
      %get3A_409 = tpu.vector_load %arg6[%get3A_408] {strides = array<i32>} : memref<2048xf32, #tpu.memory_space<vmem>>, vector<16xf32>,
      %get3A_410 = arith.index_cast %add3A_407 : i32 to index
      %get3A_411 = tpu.vector_load %arg7[%get3A_410] {strides = array<i32>} : memref<2048xf32, #tpu.memory_space<vmem>>, vector<16xf32>,
      %ge3A_412 = arith.constant 1.000000e+00 : f32
      %ge3A_413 = vector.broadcast %ge3A_412 : f32 to vector<16xf32>
      %ge3A_414 = arith.cmpf oge, %get3A_409, %ge3A_413 : vector<16xf32>
      %add3A_415 = arith.constant 4.096000e+03 : f32
      %add3A_416 = vector.broadcast %add3A_415 : f32 to vector<16xf32>
      %add3A_417 = arith.addf %get3A_409, %add3A_416 : vector<16xf32>
      %select_n3A_418 = arith.select %ge3A_414, %get3A_409, %add3A_417 : vector<16xi1>, vector<16xf32>
      %ge3A_419 = arith.constant 1.000000e+00 : f32
      %ge3A_420 = vector.broadcast %ge3A_419 : f32 to vector<16xf32>
      %ge3A_421 = arith.cmpf oge, %get3A_411, %ge3A_420 : vector<16xf32>
      %add3A_422 = arith.constant 4.096000e+03 : f32
      %add3A_423 = vector.broadcast %add3A_422 : f32 to vector<16xf32>
      %add3A_424 = arith.addf %get3A_411, %add3A_423 : vector<16xf32>
      %select_n3A_425 = arith.select %ge3A_421, %get3A_411, %add3A_424 : vector<16xi1>, vector<16xf32>
      %convert_element_type3A_426 = arith.fptosi %select_n3A_418 : vector<16xf32> to vector<16xi32>
      %convert_element_type3A_427 = arith.fptosi %select_n3A_425 : vector<16xf32> to vector<16xi32>
      %convert_element_type3A_428 = arith.sitofp %convert_element_type3A_426 : vector<16xi32> to vector<16xf32>
      %sub3A_429 = arith.subf %select_n3A_418, %convert_element_type3A_428 : vector<16xf32>
      %swap3A_430 = arith.index_cast %add3A_407 : i32 to index
      %swap3A_431 = tpu.vector_load %arg8[%swap3A_430] {strides = array<i32>} : memref<2048xf32, #tpu.memory_space<vmem>>, vector<16xf32>,
      tpu.vector_store %arg8[%swap3A_430], %sub3A_429 {strides = array<i32>} : memref<2048xf32, #tpu.memory_space<vmem>>, vector<16xf32>,
      %convert_element_type3A_432 = arith.sitofp %convert_element_type3A_427 : vector<16xi32> to vector<16xf32>
      %sub3A_433 = arith.subf %select_n3A_425, %convert_element_type3A_432 : vector<16xf32>
      %swap3A_434 = arith.index_cast %add3A_407 : i32 to index
      %swap3A_435 = tpu.vector_load %arg9[%swap3A_434] {strides = array<i32>} : memref<2048xf32, #tpu.memory_space<vmem>>, vector<16xf32>,
      tpu.vector_store %arg9[%swap3A_434], %sub3A_433 {strides = array<i32>} : memref<2048xf32, #tpu.memory_space<vmem>>, vector<16xf32>,
      %mul3A_436 = arith.constant 4100 : i32
      %mul3A_437 = vector.broadcast %mul3A_436 : i32 to vector<16xi32>
      %mul3A_438 = arith.muli %convert_element_type3A_426, %mul3A_437 : vector<16xi32>
      %add3A_439 = arith.addi %mul3A_438, %convert_element_type3A_427 : vector<16xi32>
      %swap3A_440 = arith.index_cast %add3A_407 : i32 to index
      %swap3A_441 = tpu.vector_load %arg10[%swap3A_440] {strides = array<i32>} : memref<2048xi32, #tpu.memory_space<vmem>>, vector<16xi32>,
      tpu.vector_store %arg10[%swap3A_440], %add3A_439 {strides = array<i32>} : memref<2048xi32, #tpu.memory_space<vmem>>, vector<16xi32>,
      %shift_right_logical3A_442 = arith.constant 1 : i32
      %shift_right_logical3A_443 = vector.broadcast %shift_right_logical3A_442 : i32 to vector<16xi32>
      %shift_right_logical3A_444 = arith.shrui %add3A_439, %shift_right_logical3A_443 : vector<16xi32>
      %add3A_445 = arith.constant 1 : i32
      %add3A_446 = vector.broadcast %add3A_445 : i32 to vector<16xi32>
      %add3A_447 = arith.addi %add3A_439, %add3A_446 : vector<16xi32>
      %shift_right_logical3A_448 = arith.constant 1 : i32
      %shift_right_logical3A_449 = vector.broadcast %shift_right_logical3A_448 : i32 to vector<16xi32>
      %shift_right_logical3A_450 = arith.shrui %add3A_447, %shift_right_logical3A_449 : vector<16xi32>
      %swap3A_451 = arith.index_cast %scan3A_125 : i32 to index
      %swap3A_452 = arith.constant 64 : index
      %swap3A_453 = tpu.vector_load %arg11[%swap3A_451, %swap3A_452] {strides = array<i32>} : memref<64x128xi32, #tpu.memory_space<vmem>>, vector<16xi32>,
      tpu.vector_store %arg11[%swap3A_451, %swap3A_452], %shift_right_logical3A_444 {strides = array<i32>} : memref<64x128xi32, #tpu.memory_space<vmem>>, vector<16xi32>,
      %add3A_454 = arith.constant 16 : i32
      %add3A_455 = arith.addi %add3A_454, %scan3A_125 : i32
      %swap3A_456 = arith.index_cast %add3A_455 : i32 to index
      %swap3A_457 = arith.constant 64 : index
      %swap3A_458 = tpu.vector_load %arg11[%swap3A_456, %swap3A_457] {strides = array<i32>} : memref<64x128xi32, #tpu.memory_space<vmem>>, vector<16xi32>,
      tpu.vector_store %arg11[%swap3A_456, %swap3A_457], %shift_right_logical3A_450 {strides = array<i32>} : memref<64x128xi32, #tpu.memory_space<vmem>>, vector<16xi32>,
      %add3A_459 = arith.constant 2050 : i32
      %add3A_460 = vector.broadcast %add3A_459 : i32 to vector<16xi32>
      %add3A_461 = arith.addi %shift_right_logical3A_444, %add3A_460 : vector<16xi32>
      %add3A_462 = arith.constant 32 : i32
      %add3A_463 = arith.addi %add3A_462, %scan3A_125 : i32
      %swap3A_464 = arith.index_cast %add3A_463 : i32 to index
      %swap3A_465 = arith.constant 64 : index
      %swap3A_466 = tpu.vector_load %arg11[%swap3A_464, %swap3A_465] {strides = array<i32>} : memref<64x128xi32, #tpu.memory_space<vmem>>, vector<16xi32>,
      tpu.vector_store %arg11[%swap3A_464, %swap3A_465], %add3A_461 {strides = array<i32>} : memref<64x128xi32, #tpu.memory_space<vmem>>, vector<16xi32>,
      %add3A_467 = arith.constant 2050 : i32
      %add3A_468 = vector.broadcast %add3A_467 : i32 to vector<16xi32>
      %add3A_469 = arith.addi %shift_right_logical3A_450, %add3A_468 : vector<16xi32>
      %add3A_470 = arith.constant 48 : i32
      %add3A_471 = arith.addi %add3A_470, %scan3A_125 : i32
      %swap3A_472 = arith.index_cast %add3A_471 : i32 to index
      %swap3A_473 = arith.constant 64 : index
      %swap3A_474 = tpu.vector_load %arg11[%swap3A_472, %swap3A_473] {strides = array<i32>} : memref<64x128xi32, #tpu.memory_space<vmem>>, vector<16xi32>,
      tpu.vector_store %arg11[%swap3A_472, %swap3A_473], %add3A_469 {strides = array<i32>} : memref<64x128xi32, #tpu.memory_space<vmem>>, vector<16xi32>,
      %mul3A_475 = arith.constant 128 : i32
      %mul3A_476 = arith.muli %scan3A_125, %mul3A_475 : i32
      %add3A_477 = arith.constant 80 : i32
      %add3A_478 = arith.addi %mul3A_476, %add3A_477 : i32
      %get3A_479 = arith.index_cast %add3A_478 : i32 to index
      %get3A_480 = tpu.vector_load %arg6[%get3A_479] {strides = array<i32>} : memref<2048xf32, #tpu.memory_space<vmem>>, vector<16xf32>,
      %get3A_481 = arith.index_cast %add3A_478 : i32 to index
      %get3A_482 = tpu.vector_load %arg7[%get3A_481] {strides = array<i32>} : memref<2048xf32, #tpu.memory_space<vmem>>, vector<16xf32>,
      %ge3A_483 = arith.constant 1.000000e+00 : f32
      %ge3A_484 = vector.broadcast %ge3A_483 : f32 to vector<16xf32>
      %ge3A_485 = arith.cmpf oge, %get3A_480, %ge3A_484 : vector<16xf32>
      %add3A_486 = arith.constant 4.096000e+03 : f32
      %add3A_487 = vector.broadcast %add3A_486 : f32 to vector<16xf32>
      %add3A_488 = arith.addf %get3A_480, %add3A_487 : vector<16xf32>
      %select_n3A_489 = arith.select %ge3A_485, %get3A_480, %add3A_488 : vector<16xi1>, vector<16xf32>
      %ge3A_490 = arith.constant 1.000000e+00 : f32
      %ge3A_491 = vector.broadcast %ge3A_490 : f32 to vector<16xf32>
      %ge3A_492 = arith.cmpf oge, %get3A_482, %ge3A_491 : vector<16xf32>
      %add3A_493 = arith.constant 4.096000e+03 : f32
      %add3A_494 = vector.broadcast %add3A_493 : f32 to vector<16xf32>
      %add3A_495 = arith.addf %get3A_482, %add3A_494 : vector<16xf32>
      %select_n3A_496 = arith.select %ge3A_492, %get3A_482, %add3A_495 : vector<16xi1>, vector<16xf32>
      %convert_element_type3A_497 = arith.fptosi %select_n3A_489 : vector<16xf32> to vector<16xi32>
      %convert_element_type3A_498 = arith.fptosi %select_n3A_496 : vector<16xf32> to vector<16xi32>
      %convert_element_type3A_499 = arith.sitofp %convert_element_type3A_497 : vector<16xi32> to vector<16xf32>
      %sub3A_500 = arith.subf %select_n3A_489, %convert_element_type3A_499 : vector<16xf32>
      %swap3A_501 = arith.index_cast %add3A_478 : i32 to index
      %swap3A_502 = tpu.vector_load %arg8[%swap3A_501] {strides = array<i32>} : memref<2048xf32, #tpu.memory_space<vmem>>, vector<16xf32>,
      tpu.vector_store %arg8[%swap3A_501], %sub3A_500 {strides = array<i32>} : memref<2048xf32, #tpu.memory_space<vmem>>, vector<16xf32>,
      %convert_element_type3A_503 = arith.sitofp %convert_element_type3A_498 : vector<16xi32> to vector<16xf32>
      %sub3A_504 = arith.subf %select_n3A_496, %convert_element_type3A_503 : vector<16xf32>
      %swap3A_505 = arith.index_cast %add3A_478 : i32 to index
      %swap3A_506 = tpu.vector_load %arg9[%swap3A_505] {strides = array<i32>} : memref<2048xf32, #tpu.memory_space<vmem>>, vector<16xf32>,
      tpu.vector_store %arg9[%swap3A_505], %sub3A_504 {strides = array<i32>} : memref<2048xf32, #tpu.memory_space<vmem>>, vector<16xf32>,
      %mul3A_507 = arith.constant 4100 : i32
      %mul3A_508 = vector.broadcast %mul3A_507 : i32 to vector<16xi32>
      %mul3A_509 = arith.muli %convert_element_type3A_497, %mul3A_508 : vector<16xi32>
      %add3A_510 = arith.addi %mul3A_509, %convert_element_type3A_498 : vector<16xi32>
      %swap3A_511 = arith.index_cast %add3A_478 : i32 to index
      %swap3A_512 = tpu.vector_load %arg10[%swap3A_511] {strides = array<i32>} : memref<2048xi32, #tpu.memory_space<vmem>>, vector<16xi32>,
      tpu.vector_store %arg10[%swap3A_511], %add3A_510 {strides = array<i32>} : memref<2048xi32, #tpu.memory_space<vmem>>, vector<16xi32>,
      %shift_right_logical3A_513 = arith.constant 1 : i32
      %shift_right_logical3A_514 = vector.broadcast %shift_right_logical3A_513 : i32 to vector<16xi32>
      %shift_right_logical3A_515 = arith.shrui %add3A_510, %shift_right_logical3A_514 : vector<16xi32>
      %add3A_516 = arith.constant 1 : i32
      %add3A_517 = vector.broadcast %add3A_516 : i32 to vector<16xi32>
      %add3A_518 = arith.addi %add3A_510, %add3A_517 : vector<16xi32>
      %shift_right_logical3A_519 = arith.constant 1 : i32
      %shift_right_logical3A_520 = vector.broadcast %shift_right_logical3A_519 : i32 to vector<16xi32>
      %shift_right_logical3A_521 = arith.shrui %add3A_518, %shift_right_logical3A_520 : vector<16xi32>
      %swap3A_522 = arith.index_cast %scan3A_125 : i32 to index
      %swap3A_523 = arith.constant 80 : index
      %swap3A_524 = tpu.vector_load %arg11[%swap3A_522, %swap3A_523] {strides = array<i32>} : memref<64x128xi32, #tpu.memory_space<vmem>>, vector<16xi32>,
      tpu.vector_store %arg11[%swap3A_522, %swap3A_523], %shift_right_logical3A_515 {strides = array<i32>} : memref<64x128xi32, #tpu.memory_space<vmem>>, vector<16xi32>,
      %add3A_525 = arith.constant 16 : i32
      %add3A_526 = arith.addi %add3A_525, %scan3A_125 : i32
      %swap3A_527 = arith.index_cast %add3A_526 : i32 to index
      %swap3A_528 = arith.constant 80 : index
      %swap3A_529 = tpu.vector_load %arg11[%swap3A_527, %swap3A_528] {strides = array<i32>} : memref<64x128xi32, #tpu.memory_space<vmem>>, vector<16xi32>,
      tpu.vector_store %arg11[%swap3A_527, %swap3A_528], %shift_right_logical3A_521 {strides = array<i32>} : memref<64x128xi32, #tpu.memory_space<vmem>>, vector<16xi32>,
      %add3A_530 = arith.constant 2050 : i32
      %add3A_531 = vector.broadcast %add3A_530 : i32 to vector<16xi32>
      %add3A_532 = arith.addi %shift_right_logical3A_515, %add3A_531 : vector<16xi32>
      %add3A_533 = arith.constant 32 : i32
      %add3A_534 = arith.addi %add3A_533, %scan3A_125 : i32
      %swap3A_535 = arith.index_cast %add3A_534 : i32 to index
      %swap3A_536 = arith.constant 80 : index
      %swap3A_537 = tpu.vector_load %arg11[%swap3A_535, %swap3A_536] {strides = array<i32>} : memref<64x128xi32, #tpu.memory_space<vmem>>, vector<16xi32>,
      tpu.vector_store %arg11[%swap3A_535, %swap3A_536], %add3A_532 {strides = array<i32>} : memref<64x128xi32, #tpu.memory_space<vmem>>, vector<16xi32>,
      %add3A_538 = arith.constant 2050 : i32
      %add3A_539 = vector.broadcast %add3A_538 : i32 to vector<16xi32>
      %add3A_540 = arith.addi %shift_right_logical3A_521, %add3A_539 : vector<16xi32>
      %add3A_541 = arith.constant 48 : i32
      %add3A_542 = arith.addi %add3A_541, %scan3A_125 : i32
      %swap3A_543 = arith.index_cast %add3A_542 : i32 to index
      %swap3A_544 = arith.constant 80 : index
      %swap3A_545 = tpu.vector_load %arg11[%swap3A_543, %swap3A_544] {strides = array<i32>} : memref<64x128xi32, #tpu.memory_space<vmem>>, vector<16xi32>,
      tpu.vector_store %arg11[%swap3A_543, %swap3A_544], %add3A_540 {strides = array<i32>} : memref<64x128xi32, #tpu.memory_space<vmem>>, vector<16xi32>,
      %mul3A_546 = arith.constant 128 : i32
      %mul3A_547 = arith.muli %scan3A_125, %mul3A_546 : i32
      %add3A_548 = arith.constant 96 : i32
      %add3A_549 = arith.addi %mul3A_547, %add3A_548 : i32
      %get3A_550 = arith.index_cast %add3A_549 : i32 to index
      %get3A_551 = tpu.vector_load %arg6[%get3A_550] {strides = array<i32>} : memref<2048xf32, #tpu.memory_space<vmem>>, vector<16xf32>,
      %get3A_552 = arith.index_cast %add3A_549 : i32 to index
      %get3A_553 = tpu.vector_load %arg7[%get3A_552] {strides = array<i32>} : memref<2048xf32, #tpu.memory_space<vmem>>, vector<16xf32>,
      %ge3A_554 = arith.constant 1.000000e+00 : f32
      %ge3A_555 = vector.broadcast %ge3A_554 : f32 to vector<16xf32>
      %ge3A_556 = arith.cmpf oge, %get3A_551, %ge3A_555 : vector<16xf32>
      %add3A_557 = arith.constant 4.096000e+03 : f32
      %add3A_558 = vector.broadcast %add3A_557 : f32 to vector<16xf32>
      %add3A_559 = arith.addf %get3A_551, %add3A_558 : vector<16xf32>
      %select_n3A_560 = arith.select %ge3A_556, %get3A_551, %add3A_559 : vector<16xi1>, vector<16xf32>
      %ge3A_561 = arith.constant 1.000000e+00 : f32
      %ge3A_562 = vector.broadcast %ge3A_561 : f32 to vector<16xf32>
      %ge3A_563 = arith.cmpf oge, %get3A_553, %ge3A_562 : vector<16xf32>
      %add3A_564 = arith.constant 4.096000e+03 : f32
      %add3A_565 = vector.broadcast %add3A_564 : f32 to vector<16xf32>
      %add3A_566 = arith.addf %get3A_553, %add3A_565 : vector<16xf32>
      %select_n3A_567 = arith.select %ge3A_563, %get3A_553, %add3A_566 : vector<16xi1>, vector<16xf32>
      %convert_element_type3A_568 = arith.fptosi %select_n3A_560 : vector<16xf32> to vector<16xi32>
      %convert_element_type3A_569 = arith.fptosi %select_n3A_567 : vector<16xf32> to vector<16xi32>
      %convert_element_type3A_570 = arith.sitofp %convert_element_type3A_568 : vector<16xi32> to vector<16xf32>
      %sub3A_571 = arith.subf %select_n3A_560, %convert_element_type3A_570 : vector<16xf32>
      %swap3A_572 = arith.index_cast %add3A_549 : i32 to index
      %swap3A_573 = tpu.vector_load %arg8[%swap3A_572] {strides = array<i32>} : memref<2048xf32, #tpu.memory_space<vmem>>, vector<16xf32>,
      tpu.vector_store %arg8[%swap3A_572], %sub3A_571 {strides = array<i32>} : memref<2048xf32, #tpu.memory_space<vmem>>, vector<16xf32>,
      %convert_element_type3A_574 = arith.sitofp %convert_element_type3A_569 : vector<16xi32> to vector<16xf32>
      %sub3A_575 = arith.subf %select_n3A_567, %convert_element_type3A_574 : vector<16xf32>
      %swap3A_576 = arith.index_cast %add3A_549 : i32 to index
      %swap3A_577 = tpu.vector_load %arg9[%swap3A_576] {strides = array<i32>} : memref<2048xf32, #tpu.memory_space<vmem>>, vector<16xf32>,
      tpu.vector_store %arg9[%swap3A_576], %sub3A_575 {strides = array<i32>} : memref<2048xf32, #tpu.memory_space<vmem>>, vector<16xf32>,
      %mul3A_578 = arith.constant 4100 : i32
      %mul3A_579 = vector.broadcast %mul3A_578 : i32 to vector<16xi32>
      %mul3A_580 = arith.muli %convert_element_type3A_568, %mul3A_579 : vector<16xi32>
      %add3A_581 = arith.addi %mul3A_580, %convert_element_type3A_569 : vector<16xi32>
      %swap3A_582 = arith.index_cast %add3A_549 : i32 to index
      %swap3A_583 = tpu.vector_load %arg10[%swap3A_582] {strides = array<i32>} : memref<2048xi32, #tpu.memory_space<vmem>>, vector<16xi32>,
      tpu.vector_store %arg10[%swap3A_582], %add3A_581 {strides = array<i32>} : memref<2048xi32, #tpu.memory_space<vmem>>, vector<16xi32>,
      %shift_right_logical3A_584 = arith.constant 1 : i32
      %shift_right_logical3A_585 = vector.broadcast %shift_right_logical3A_584 : i32 to vector<16xi32>
      %shift_right_logical3A_586 = arith.shrui %add3A_581, %shift_right_logical3A_585 : vector<16xi32>
      %add3A_587 = arith.constant 1 : i32
      %add3A_588 = vector.broadcast %add3A_587 : i32 to vector<16xi32>
      %add3A_589 = arith.addi %add3A_581, %add3A_588 : vector<16xi32>
      %shift_right_logical3A_590 = arith.constant 1 : i32
      %shift_right_logical3A_591 = vector.broadcast %shift_right_logical3A_590 : i32 to vector<16xi32>
      %shift_right_logical3A_592 = arith.shrui %add3A_589, %shift_right_logical3A_591 : vector<16xi32>
      %swap3A_593 = arith.index_cast %scan3A_125 : i32 to index
      %swap3A_594 = arith.constant 96 : index
      %swap3A_595 = tpu.vector_load %arg11[%swap3A_593, %swap3A_594] {strides = array<i32>} : memref<64x128xi32, #tpu.memory_space<vmem>>, vector<16xi32>,
      tpu.vector_store %arg11[%swap3A_593, %swap3A_594], %shift_right_logical3A_586 {strides = array<i32>} : memref<64x128xi32, #tpu.memory_space<vmem>>, vector<16xi32>,
      %add3A_596 = arith.constant 16 : i32
      %add3A_597 = arith.addi %add3A_596, %scan3A_125 : i32
      %swap3A_598 = arith.index_cast %add3A_597 : i32 to index
      %swap3A_599 = arith.constant 96 : index
      %swap3A_600 = tpu.vector_load %arg11[%swap3A_598, %swap3A_599] {strides = array<i32>} : memref<64x128xi32, #tpu.memory_space<vmem>>, vector<16xi32>,
      tpu.vector_store %arg11[%swap3A_598, %swap3A_599], %shift_right_logical3A_592 {strides = array<i32>} : memref<64x128xi32, #tpu.memory_space<vmem>>, vector<16xi32>,
      %add3A_601 = arith.constant 2050 : i32
      %add3A_602 = vector.broadcast %add3A_601 : i32 to vector<16xi32>
      %add3A_603 = arith.addi %shift_right_logical3A_586, %add3A_602 : vector<16xi32>
      %add3A_604 = arith.constant 32 : i32
      %add3A_605 = arith.addi %add3A_604, %scan3A_125 : i32
      %swap3A_606 = arith.index_cast %add3A_605 : i32 to index
      %swap3A_607 = arith.constant 96 : index
      %swap3A_608 = tpu.vector_load %arg11[%swap3A_606, %swap3A_607] {strides = array<i32>} : memref<64x128xi32, #tpu.memory_space<vmem>>, vector<16xi32>,
      tpu.vector_store %arg11[%swap3A_606, %swap3A_607], %add3A_603 {strides = array<i32>} : memref<64x128xi32, #tpu.memory_space<vmem>>, vector<16xi32>,
      %add3A_609 = arith.constant 2050 : i32
      %add3A_610 = vector.broadcast %add3A_609 : i32 to vector<16xi32>
      %add3A_611 = arith.addi %shift_right_logical3A_592, %add3A_610 : vector<16xi32>
      %add3A_612 = arith.constant 48 : i32
      %add3A_613 = arith.addi %add3A_612, %scan3A_125 : i32
      %swap3A_614 = arith.index_cast %add3A_613 : i32 to index
      %swap3A_615 = arith.constant 96 : index
      %swap3A_616 = tpu.vector_load %arg11[%swap3A_614, %swap3A_615] {strides = array<i32>} : memref<64x128xi32, #tpu.memory_space<vmem>>, vector<16xi32>,
      tpu.vector_store %arg11[%swap3A_614, %swap3A_615], %add3A_611 {strides = array<i32>} : memref<64x128xi32, #tpu.memory_space<vmem>>, vector<16xi32>,
      %mul3A_617 = arith.constant 128 : i32
      %mul3A_618 = arith.muli %scan3A_125, %mul3A_617 : i32
      %add3A_619 = arith.constant 112 : i32
      %add3A_620 = arith.addi %mul3A_618, %add3A_619 : i32
      %get3A_621 = arith.index_cast %add3A_620 : i32 to index
      %get3A_622 = tpu.vector_load %arg6[%get3A_621] {strides = array<i32>} : memref<2048xf32, #tpu.memory_space<vmem>>, vector<16xf32>,
      %get3A_623 = arith.index_cast %add3A_620 : i32 to index
      %get3A_624 = tpu.vector_load %arg7[%get3A_623] {strides = array<i32>} : memref<2048xf32, #tpu.memory_space<vmem>>, vector<16xf32>,
      %ge3A_625 = arith.constant 1.000000e+00 : f32
      %ge3A_626 = vector.broadcast %ge3A_625 : f32 to vector<16xf32>
      %ge3A_627 = arith.cmpf oge, %get3A_622, %ge3A_626 : vector<16xf32>
      %add3A_628 = arith.constant 4.096000e+03 : f32
      %add3A_629 = vector.broadcast %add3A_628 : f32 to vector<16xf32>
      %add3A_630 = arith.addf %get3A_622, %add3A_629 : vector<16xf32>
      %select_n3A_631 = arith.select %ge3A_627, %get3A_622, %add3A_630 : vector<16xi1>, vector<16xf32>
      %ge3A_632 = arith.constant 1.000000e+00 : f32
      %ge3A_633 = vector.broadcast %ge3A_632 : f32 to vector<16xf32>
      %ge3A_634 = arith.cmpf oge, %get3A_624, %ge3A_633 : vector<16xf32>
      %add3A_635 = arith.constant 4.096000e+03 : f32
      %add3A_636 = vector.broadcast %add3A_635 : f32 to vector<16xf32>
      %add3A_637 = arith.addf %get3A_624, %add3A_636 : vector<16xf32>
      %select_n3A_638 = arith.select %ge3A_634, %get3A_624, %add3A_637 : vector<16xi1>, vector<16xf32>
      %convert_element_type3A_639 = arith.fptosi %select_n3A_631 : vector<16xf32> to vector<16xi32>
      %convert_element_type3A_640 = arith.fptosi %select_n3A_638 : vector<16xf32> to vector<16xi32>
      %convert_element_type3A_641 = arith.sitofp %convert_element_type3A_639 : vector<16xi32> to vector<16xf32>
      %sub3A_642 = arith.subf %select_n3A_631, %convert_element_type3A_641 : vector<16xf32>
      %swap3A_643 = arith.index_cast %add3A_620 : i32 to index
      %swap3A_644 = tpu.vector_load %arg8[%swap3A_643] {strides = array<i32>} : memref<2048xf32, #tpu.memory_space<vmem>>, vector<16xf32>,
      tpu.vector_store %arg8[%swap3A_643], %sub3A_642 {strides = array<i32>} : memref<2048xf32, #tpu.memory_space<vmem>>, vector<16xf32>,
      %convert_element_type3A_645 = arith.sitofp %convert_element_type3A_640 : vector<16xi32> to vector<16xf32>
      %sub3A_646 = arith.subf %select_n3A_638, %convert_element_type3A_645 : vector<16xf32>
      %swap3A_647 = arith.index_cast %add3A_620 : i32 to index
      %swap3A_648 = tpu.vector_load %arg9[%swap3A_647] {strides = array<i32>} : memref<2048xf32, #tpu.memory_space<vmem>>, vector<16xf32>,
      tpu.vector_store %arg9[%swap3A_647], %sub3A_646 {strides = array<i32>} : memref<2048xf32, #tpu.memory_space<vmem>>, vector<16xf32>,
      %mul3A_649 = arith.constant 4100 : i32
      %mul3A_650 = vector.broadcast %mul3A_649 : i32 to vector<16xi32>
      %mul3A_651 = arith.muli %convert_element_type3A_639, %mul3A_650 : vector<16xi32>
      %add3A_652 = arith.addi %mul3A_651, %convert_element_type3A_640 : vector<16xi32>
      %swap3A_653 = arith.index_cast %add3A_620 : i32 to index
      %swap3A_654 = tpu.vector_load %arg10[%swap3A_653] {strides = array<i32>} : memref<2048xi32, #tpu.memory_space<vmem>>, vector<16xi32>,
      tpu.vector_store %arg10[%swap3A_653], %add3A_652 {strides = array<i32>} : memref<2048xi32, #tpu.memory_space<vmem>>, vector<16xi32>,
      %shift_right_logical3A_655 = arith.constant 1 : i32
      %shift_right_logical3A_656 = vector.broadcast %shift_right_logical3A_655 : i32 to vector<16xi32>
      %shift_right_logical3A_657 = arith.shrui %add3A_652, %shift_right_logical3A_656 : vector<16xi32>
      %add3A_658 = arith.constant 1 : i32
      %add3A_659 = vector.broadcast %add3A_658 : i32 to vector<16xi32>
      %add3A_660 = arith.addi %add3A_652, %add3A_659 : vector<16xi32>
      %shift_right_logical3A_661 = arith.constant 1 : i32
      %shift_right_logical3A_662 = vector.broadcast %shift_right_logical3A_661 : i32 to vector<16xi32>
      %shift_right_logical3A_663 = arith.shrui %add3A_660, %shift_right_logical3A_662 : vector<16xi32>
      %swap3A_664 = arith.index_cast %scan3A_125 : i32 to index
      %swap3A_665 = arith.constant 112 : index
      %swap3A_666 = tpu.vector_load %arg11[%swap3A_664, %swap3A_665] {strides = array<i32>} : memref<64x128xi32, #tpu.memory_space<vmem>>, vector<16xi32>,
      tpu.vector_store %arg11[%swap3A_664, %swap3A_665], %shift_right_logical3A_657 {strides = array<i32>} : memref<64x128xi32, #tpu.memory_space<vmem>>, vector<16xi32>,
      %add3A_667 = arith.constant 16 : i32
      %add3A_668 = arith.addi %add3A_667, %scan3A_125 : i32
      %swap3A_669 = arith.index_cast %add3A_668 : i32 to index
      %swap3A_670 = arith.constant 112 : index
      %swap3A_671 = tpu.vector_load %arg11[%swap3A_669, %swap3A_670] {strides = array<i32>} : memref<64x128xi32, #tpu.memory_space<vmem>>, vector<16xi32>,
      tpu.vector_store %arg11[%swap3A_669, %swap3A_670], %shift_right_logical3A_663 {strides = array<i32>} : memref<64x128xi32, #tpu.memory_space<vmem>>, vector<16xi32>,
      %add3A_672 = arith.constant 2050 : i32
      %add3A_673 = vector.broadcast %add3A_672 : i32 to vector<16xi32>
      %add3A_674 = arith.addi %shift_right_logical3A_657, %add3A_673 : vector<16xi32>
      %add3A_675 = arith.constant 32 : i32
      %add3A_676 = arith.addi %add3A_675, %scan3A_125 : i32
      %swap3A_677 = arith.index_cast %add3A_676 : i32 to index
      %swap3A_678 = arith.constant 112 : index
      %swap3A_679 = tpu.vector_load %arg11[%swap3A_677, %swap3A_678] {strides = array<i32>} : memref<64x128xi32, #tpu.memory_space<vmem>>, vector<16xi32>,
      tpu.vector_store %arg11[%swap3A_677, %swap3A_678], %add3A_674 {strides = array<i32>} : memref<64x128xi32, #tpu.memory_space<vmem>>, vector<16xi32>,
      %add3A_680 = arith.constant 2050 : i32
      %add3A_681 = vector.broadcast %add3A_680 : i32 to vector<16xi32>
      %add3A_682 = arith.addi %shift_right_logical3A_663, %add3A_681 : vector<16xi32>
      %add3A_683 = arith.constant 48 : i32
      %add3A_684 = arith.addi %add3A_683, %scan3A_125 : i32
      %swap3A_685 = arith.index_cast %add3A_684 : i32 to index
      %swap3A_686 = arith.constant 112 : index
      %swap3A_687 = tpu.vector_load %arg11[%swap3A_685, %swap3A_686] {strides = array<i32>} : memref<64x128xi32, #tpu.memory_space<vmem>>, vector<16xi32>,
      tpu.vector_store %arg11[%swap3A_685, %swap3A_686], %add3A_682 {strides = array<i32>} : memref<64x128xi32, #tpu.memory_space<vmem>>, vector<16xi32>,
      %add3A_688 = arith.constant 0 : i32
      %add3A_689 = arith.addi %add3A_688, %scan3A_125 : i32
      %mul3A_690 = arith.constant 128 : i32
      %mul3A_691 = arith.muli %add3A_689, %mul3A_690 : i32
      %dma_start3A = arith.constant 0 : i32
      %dma_start3A_692 = tpu.memref_slice %arg12[%mul3A_691, %dma_start3A] : memref<8192x8xf32, #tpu.memory_space<vmem>> -> memref<128x8xf32, #tpu.memory_space<vmem>>
      %dma_start3A_693 = arith.constant 0 : i32
      %dma_start3A_694 = tpu.memref_slice %arg11[%add3A_689, %dma_start3A_693] : memref<64x128xi32, #tpu.memory_space<vmem>> -> memref<1x128xi32, #tpu.memory_space<vmem>>
      %dma_start3A_695 = tpu.memref_squeeze %dma_start3A_694 : memref<1x128xi32, #tpu.memory_space<vmem>> -> memref<128xi32, #tpu.memory_space<vmem>>
      %dma_start3A_696 = arith.constant 0 : i32
      %dma_start3A_697 = arith.constant 0 : i32
      %dma_start3A_698 = tpu.memref_slice %arg4[%dma_start3A_696, %dma_start3A_697] : memref<8405000x8xf32, #tpu.memory_space<hbm>> -> memref<8405000x8xf32, #tpu.memory_space<hbm>>
      tpu.enqueue_indirect_dma source(%dma_start3A_698 : memref<8405000x8xf32, #tpu.memory_space<hbm>>) target(%dma_start3A_692 : memref<128x8xf32, #tpu.memory_space<vmem>>) offsets(%dma_start3A_695 : memref<128xi32, #tpu.memory_space<vmem>>) semaphore(%arg14 : memref<!tpu.dma_semaphore, #tpu.memory_space<semaphore_mem>>)
      %add3A_699 = arith.constant 16 : i32
      %add3A_700 = arith.addi %add3A_699, %scan3A_125 : i32
      %mul3A_701 = arith.constant 128 : i32
      %mul3A_702 = arith.muli %add3A_700, %mul3A_701 : i32
      %dma_start3A_703 = arith.constant 0 : i32
      %dma_start3A_704 = tpu.memref_slice %arg12[%mul3A_702, %dma_start3A_703] : memref<8192x8xf32, #tpu.memory_space<vmem>> -> memref<128x8xf32, #tpu.memory_space<vmem>>
      %dma_start3A_705 = arith.constant 0 : i32
      %dma_start3A_706 = tpu.memref_slice %arg11[%add3A_700, %dma_start3A_705] : memref<64x128xi32, #tpu.memory_space<vmem>> -> memref<1x128xi32, #tpu.memory_space<vmem>>
      %dma_start3A_707 = tpu.memref_squeeze %dma_start3A_706 : memref<1x128xi32, #tpu.memory_space<vmem>> -> memref<128xi32, #tpu.memory_space<vmem>>
      %dma_start3A_708 = arith.constant 0 : i32
      %dma_start3A_709 = arith.constant 0 : i32
      %dma_start3A_710 = tpu.memref_slice %arg4[%dma_start3A_708, %dma_start3A_709] : memref<8405000x8xf32, #tpu.memory_space<hbm>> -> memref<8405000x8xf32, #tpu.memory_space<hbm>>
      tpu.enqueue_indirect_dma source(%dma_start3A_710 : memref<8405000x8xf32, #tpu.memory_space<hbm>>) target(%dma_start3A_704 : memref<128x8xf32, #tpu.memory_space<vmem>>) offsets(%dma_start3A_707 : memref<128xi32, #tpu.memory_space<vmem>>) semaphore(%arg14 : memref<!tpu.dma_semaphore, #tpu.memory_space<semaphore_mem>>)
      %add3A_711 = arith.constant 32 : i32
      %add3A_712 = arith.addi %add3A_711, %scan3A_125 : i32
      %mul3A_713 = arith.constant 128 : i32
      %mul3A_714 = arith.muli %add3A_712, %mul3A_713 : i32
      %dma_start3A_715 = arith.constant 0 : i32
      %dma_start3A_716 = tpu.memref_slice %arg12[%mul3A_714, %dma_start3A_715] : memref<8192x8xf32, #tpu.memory_space<vmem>> -> memref<128x8xf32, #tpu.memory_space<vmem>>
      %dma_start3A_717 = arith.constant 0 : i32
      %dma_start3A_718 = tpu.memref_slice %arg11[%add3A_712, %dma_start3A_717] : memref<64x128xi32, #tpu.memory_space<vmem>> -> memref<1x128xi32, #tpu.memory_space<vmem>>
      %dma_start3A_719 = tpu.memref_squeeze %dma_start3A_718 : memref<1x128xi32, #tpu.memory_space<vmem>> -> memref<128xi32, #tpu.memory_space<vmem>>
      %dma_start3A_720 = arith.constant 0 : i32
      %dma_start3A_721 = arith.constant 0 : i32
      %dma_start3A_722 = tpu.memref_slice %arg4[%dma_start3A_720, %dma_start3A_721] : memref<8405000x8xf32, #tpu.memory_space<hbm>> -> memref<8405000x8xf32, #tpu.memory_space<hbm>>
      tpu.enqueue_indirect_dma source(%dma_start3A_722 : memref<8405000x8xf32, #tpu.memory_space<hbm>>) target(%dma_start3A_716 : memref<128x8xf32, #tpu.memory_space<vmem>>) offsets(%dma_start3A_719 : memref<128xi32, #tpu.memory_space<vmem>>) semaphore(%arg14 : memref<!tpu.dma_semaphore, #tpu.memory_space<semaphore_mem>>)
      %add3A_723 = arith.constant 48 : i32
      %add3A_724 = arith.addi %add3A_723, %scan3A_125 : i32
      %mul3A_725 = arith.constant 128 : i32
      %mul3A_726 = arith.muli %add3A_724, %mul3A_725 : i32
      %dma_start3A_727 = arith.constant 0 : i32
      %dma_start3A_728 = tpu.memref_slice %arg12[%mul3A_726, %dma_start3A_727] : memref<8192x8xf32, #tpu.memory_space<vmem>> -> memref<128x8xf32, #tpu.memory_space<vmem>>
      %dma_start3A_729 = arith.constant 0 : i32
      %dma_start3A_730 = tpu.memref_slice %arg11[%add3A_724, %dma_start3A_729] : memref<64x128xi32, #tpu.memory_space<vmem>> -> memref<1x128xi32, #tpu.memory_space<vmem>>
      %dma_start3A_731 = tpu.memref_squeeze %dma_start3A_730 : memref<1x128xi32, #tpu.memory_space<vmem>> -> memref<128xi32, #tpu.memory_space<vmem>>
      %dma_start3A_732 = arith.constant 0 : i32
      %dma_start3A_733 = arith.constant 0 : i32
      %dma_start3A_734 = tpu.memref_slice %arg4[%dma_start3A_732, %dma_start3A_733] : memref<8405000x8xf32, #tpu.memory_space<hbm>> -> memref<8405000x8xf32, #tpu.memory_space<hbm>>
      tpu.enqueue_indirect_dma source(%dma_start3A_734 : memref<8405000x8xf32, #tpu.memory_space<hbm>>) target(%dma_start3A_728 : memref<128x8xf32, #tpu.memory_space<vmem>>) offsets(%dma_start3A_731 : memref<128xi32, #tpu.memory_space<vmem>>) semaphore(%arg14 : memref<!tpu.dma_semaphore, #tpu.memory_space<semaphore_mem>>)
      %scan3A_735 = arith.constant 0 : i32
      scf.yield %scan3A_735 : i32
    }
    %scan3A_102 = arith.constant 16 : i32
    %scan3A_103 = arith.constant 0 : i32
    %scan3A_104 = arith.constant 0 : i32
    %scan3A_105 = arith.constant 64 : i32
    %scan3A_106 = arith.addi %scan3A_104, %scan3A_105 : i32
    %scan3A_107 = arith.constant 1 : i32
    %scan3A_108 = scf.for %scan3A_125 = %scan3A_104 to %scan3A_106 step %scan3A_107 iter_args(%scan3A_126 = %scan3A_103) -> (i32)  : i32 {
      %mul3A_127 = arith.constant 128 : i32
      %mul3A_128 = arith.muli %scan3A_125, %mul3A_127 : i32
      %dma_wait3A = arith.constant 0 : i32
      %dma_wait3A_129 = tpu.memref_slice %arg12[%mul3A_128, %dma_wait3A] : memref<8192x8xf32, #tpu.memory_space<vmem>> -> memref<128x8xf32, #tpu.memory_space<vmem>>
      %dma_wait3A_130 = arith.constant 0 : i32
      %dma_wait3A_131 = tpu.memref_slice %arg11[%scan3A_125, %dma_wait3A_130] : memref<64x128xi32, #tpu.memory_space<vmem>> -> memref<1x128xi32, #tpu.memory_space<vmem>>
      %dma_wait3A_132 = tpu.memref_squeeze %dma_wait3A_131 : memref<1x128xi32, #tpu.memory_space<vmem>> -> memref<128xi32, #tpu.memory_space<vmem>>
      %dma_wait3A_133 = arith.constant 0 : i32
      %dma_wait3A_134 = arith.constant 0 : i32
      %dma_wait3A_135 = tpu.memref_slice %arg4[%dma_wait3A_133, %dma_wait3A_134] : memref<8405000x8xf32, #tpu.memory_space<hbm>> -> memref<8405000x8xf32, #tpu.memory_space<hbm>>
      tpu.wait_indirect_dma semaphore(%arg14 : memref<!tpu.dma_semaphore, #tpu.memory_space<semaphore_mem>>) src(%dma_wait3A_135 : memref<8405000x8xf32, #tpu.memory_space<hbm>>) dst(%dma_wait3A_129 : memref<128x8xf32, #tpu.memory_space<vmem>>)
      %scan3A_136 = arith.constant 0 : i32
      scf.yield %scan3A_136 : i32
    }
    %scan3A_109 = arith.constant 64 : i32
    %scan3A_110 = arith.constant 0 : i32
    %scan3A_111 = arith.constant 0 : i32
    %scan3A_112 = arith.constant 128 : i32
    %scan3A_113 = arith.addi %scan3A_111, %scan3A_112 : i32
    %scan3A_114 = arith.constant 1 : i32
    %scan3A_115 = scf.for %scan3A_125 = %scan3A_111 to %scan3A_113 step %scan3A_114 iter_args(%scan3A_126 = %scan3A_110) -> (i32)  : i32 {
      %mul3A_127 = arith.constant 16 : i32
      %mul3A_128 = arith.muli %scan3A_125, %mul3A_127 : i32
      %add3A_129 = vector.broadcast %mul3A_128 : i32 to vector<16xi32>
      %add3A_130 = arith.addi %add3A_129, %iota3A : vector<16xi32>
      %get3A = arith.index_cast %mul3A_128 : i32 to index
      %get3A_131 = tpu.vector_load %arg8[%get3A] {strides = array<i32>} : memref<2048xf32, #tpu.memory_space<vmem>>, vector<16xf32>,
      %get3A_132 = arith.index_cast %mul3A_128 : i32 to index
      %get3A_133 = tpu.vector_load %arg9[%get3A_132] {strides = array<i32>} : memref<2048xf32, #tpu.memory_space<vmem>>, vector<16xf32>,
      %get3A_134 = arith.index_cast %mul3A_128 : i32 to index
      %get3A_135 = tpu.vector_load %arg10[%get3A_134] {strides = array<i32>} : memref<2048xi32, #tpu.memory_space<vmem>>, vector<16xi32>,
      %and3A = arith.constant 1 : i32
      %and3A_136 = vector.broadcast %and3A : i32 to vector<16xi32>
      %and3A_137 = arith.andi %get3A_135, %and3A_136 : vector<16xi32>
      %shift_left3A = arith.constant 2 : i32
      %shift_left3A_138 = vector.broadcast %shift_left3A : i32 to vector<16xi32>
      %shift_left3A_139 = arith.shli %and3A_137, %shift_left3A_138 : vector<16xi32>
      %sub3A = arith.constant 4 : i32
      %sub3A_140 = vector.broadcast %sub3A : i32 to vector<16xi32>
      %sub3A_141 = arith.subi %sub3A_140, %shift_left3A_139 : vector<16xi32>
      %add3A_142 = arith.constant 2048 : i32
      %add3A_143 = vector.broadcast %add3A_142 : i32 to vector<16xi32>
      %add3A_144 = arith.addi %add3A_130, %add3A_143 : vector<16xi32>
      %add3A_145 = arith.constant 4096 : i32
      %add3A_146 = vector.broadcast %add3A_145 : i32 to vector<16xi32>
      %add3A_147 = arith.addi %add3A_130, %add3A_146 : vector<16xi32>
      %add3A_148 = arith.constant 6144 : i32
      %add3A_149 = vector.broadcast %add3A_148 : i32 to vector<16xi32>
      %add3A_150 = arith.addi %add3A_130, %add3A_149 : vector<16xi32>
      %add3A_151 = arith.constant 0 : i32
      %add3A_152 = vector.broadcast %add3A_151 : i32 to vector<16xi32>
      %add3A_153 = arith.addi %shift_left3A_139, %add3A_152 : vector<16xi32>
      %add3A_154 = arith.constant 0 : i32
      %add3A_155 = vector.broadcast %add3A_154 : i32 to vector<16xi32>
      %add3A_156 = arith.addi %sub3A_141, %add3A_155 : vector<16xi32>
      %gather3A = tpu.vector_load_idx %arg12[%add3A_130, %add3A_153] : memref<8192x8xf32, #tpu.memory_space<vmem>>[vector<16xi32>, vector<16xi32>], vector<16xf32>,
      %gather3A_157 = tpu.vector_load_idx %arg12[%add3A_144, %add3A_156] : memref<8192x8xf32, #tpu.memory_space<vmem>>[vector<16xi32>, vector<16xi32>], vector<16xf32>,
      %gather3A_158 = tpu.vector_load_idx %arg12[%add3A_147, %add3A_153] : memref<8192x8xf32, #tpu.memory_space<vmem>>[vector<16xi32>, vector<16xi32>], vector<16xf32>,
      %gather3A_159 = tpu.vector_load_idx %arg12[%add3A_150, %add3A_156] : memref<8192x8xf32, #tpu.memory_space<vmem>>[vector<16xi32>, vector<16xi32>], vector<16xf32>,
      %sub3A_160 = arith.subf %gather3A_157, %gather3A_159 : vector<16xf32>
      %mul3A_161 = arith.mulf %get3A_131, %sub3A_160 : vector<16xf32>
      %add3A_162 = arith.addf %gather3A_159, %mul3A_161 : vector<16xf32>
      %sub3A_163 = arith.subf %gather3A, %gather3A_158 : vector<16xf32>
      %mul3A_164 = arith.mulf %get3A_131, %sub3A_163 : vector<16xf32>
      %add3A_165 = arith.addf %gather3A_158, %mul3A_164 : vector<16xf32>
      %sub3A_166 = arith.subf %add3A_165, %add3A_162 : vector<16xf32>
      %mul3A_167 = arith.mulf %get3A_133, %sub3A_166 : vector<16xf32>
      %add3A_168 = arith.addf %add3A_162, %mul3A_167 : vector<16xf32>
      %swap3A = arith.constant 0 : i32
      %swap3A_169 = arith.index_cast %swap3A : i32 to index
      %swap3A_170 = arith.index_cast %mul3A_128 : i32 to index
      %swap3A_171 = tpu.vector_load %arg13[%swap3A_169, %swap3A_170] {strides = array<i32>} : memref<4x2048xf32, #tpu.memory_space<vmem>>, vector<16xf32>,
      tpu.vector_store %arg13[%swap3A_169, %swap3A_170], %add3A_168 {strides = array<i32>} : memref<4x2048xf32, #tpu.memory_space<vmem>>, vector<16xf32>,
      %add3A_172 = arith.constant 1 : i32
      %add3A_173 = vector.broadcast %add3A_172 : i32 to vector<16xi32>
      %add3A_174 = arith.addi %shift_left3A_139, %add3A_173 : vector<16xi32>
      %add3A_175 = arith.constant 1 : i32
      %add3A_176 = vector.broadcast %add3A_175 : i32 to vector<16xi32>
      %add3A_177 = arith.addi %sub3A_141, %add3A_176 : vector<16xi32>
      %gather3A_178 = tpu.vector_load_idx %arg12[%add3A_130, %add3A_174] : memref<8192x8xf32, #tpu.memory_space<vmem>>[vector<16xi32>, vector<16xi32>], vector<16xf32>,
      %gather3A_179 = tpu.vector_load_idx %arg12[%add3A_144, %add3A_177] : memref<8192x8xf32, #tpu.memory_space<vmem>>[vector<16xi32>, vector<16xi32>], vector<16xf32>,
      %gather3A_180 = tpu.vector_load_idx %arg12[%add3A_147, %add3A_174] : memref<8192x8xf32, #tpu.memory_space<vmem>>[vector<16xi32>, vector<16xi32>], vector<16xf32>,
      %gather3A_181 = tpu.vector_load_idx %arg12[%add3A_150, %add3A_177] : memref<8192x8xf32, #tpu.memory_space<vmem>>[vector<16xi32>, vector<16xi32>], vector<16xf32>,
      %sub3A_182 = arith.subf %gather3A_179, %gather3A_181 : vector<16xf32>
      %mul3A_183 = arith.mulf %get3A_131, %sub3A_182 : vector<16xf32>
      %add3A_184 = arith.addf %gather3A_181, %mul3A_183 : vector<16xf32>
      %sub3A_185 = arith.subf %gather3A_178, %gather3A_180 : vector<16xf32>
      %mul3A_186 = arith.mulf %get3A_131, %sub3A_185 : vector<16xf32>
      %add3A_187 = arith.addf %gather3A_180, %mul3A_186 : vector<16xf32>
      %sub3A_188 = arith.subf %add3A_187, %add3A_184 : vector<16xf32>
      %mul3A_189 = arith.mulf %get3A_133, %sub3A_188 : vector<16xf32>
      %add3A_190 = arith.addf %add3A_184, %mul3A_189 : vector<16xf32>
      %swap3A_191 = arith.constant 1 : i32
      %swap3A_192 = arith.index_cast %swap3A_191 : i32 to index
      %swap3A_193 = arith.index_cast %mul3A_128 : i32 to index
      %swap3A_194 = tpu.vector_load %arg13[%swap3A_192, %swap3A_193] {strides = array<i32>} : memref<4x2048xf32, #tpu.memory_space<vmem>>, vector<16xf32>,
      tpu.vector_store %arg13[%swap3A_192, %swap3A_193], %add3A_190 {strides = array<i32>} : memref<4x2048xf32, #tpu.memory_space<vmem>>, vector<16xf32>,
      %add3A_195 = arith.constant 2 : i32
      %add3A_196 = vector.broadcast %add3A_195 : i32 to vector<16xi32>
      %add3A_197 = arith.addi %shift_left3A_139, %add3A_196 : vector<16xi32>
      %add3A_198 = arith.constant 2 : i32
      %add3A_199 = vector.broadcast %add3A_198 : i32 to vector<16xi32>
      %add3A_200 = arith.addi %sub3A_141, %add3A_199 : vector<16xi32>
      %gather3A_201 = tpu.vector_load_idx %arg12[%add3A_130, %add3A_197] : memref<8192x8xf32, #tpu.memory_space<vmem>>[vector<16xi32>, vector<16xi32>], vector<16xf32>,
      %gather3A_202 = tpu.vector_load_idx %arg12[%add3A_144, %add3A_200] : memref<8192x8xf32, #tpu.memory_space<vmem>>[vector<16xi32>, vector<16xi32>], vector<16xf32>,
      %gather3A_203 = tpu.vector_load_idx %arg12[%add3A_147, %add3A_197] : memref<8192x8xf32, #tpu.memory_space<vmem>>[vector<16xi32>, vector<16xi32>], vector<16xf32>,
      %gather3A_204 = tpu.vector_load_idx %arg12[%add3A_150, %add3A_200] : memref<8192x8xf32, #tpu.memory_space<vmem>>[vector<16xi32>, vector<16xi32>], vector<16xf32>,
      %sub3A_205 = arith.subf %gather3A_202, %gather3A_204 : vector<16xf32>
      %mul3A_206 = arith.mulf %get3A_131, %sub3A_205 : vector<16xf32>
      %add3A_207 = arith.addf %gather3A_204, %mul3A_206 : vector<16xf32>
      %sub3A_208 = arith.subf %gather3A_201, %gather3A_203 : vector<16xf32>
      %mul3A_209 = arith.mulf %get3A_131, %sub3A_208 : vector<16xf32>
      %add3A_210 = arith.addf %gather3A_203, %mul3A_209 : vector<16xf32>
      %sub3A_211 = arith.subf %add3A_210, %add3A_207 : vector<16xf32>
      %mul3A_212 = arith.mulf %get3A_133, %sub3A_211 : vector<16xf32>
      %add3A_213 = arith.addf %add3A_207, %mul3A_212 : vector<16xf32>
      %swap3A_214 = arith.constant 2 : i32
      %swap3A_215 = arith.index_cast %swap3A_214 : i32 to index
      %swap3A_216 = arith.index_cast %mul3A_128 : i32 to index
      %swap3A_217 = tpu.vector_load %arg13[%swap3A_215, %swap3A_216] {strides = array<i32>} : memref<4x2048xf32, #tpu.memory_space<vmem>>, vector<16xf32>,
      tpu.vector_store %arg13[%swap3A_215, %swap3A_216], %add3A_213 {strides = array<i32>} : memref<4x2048xf32, #tpu.memory_space<vmem>>, vector<16xf32>,
      %add3A_218 = arith.constant 3 : i32
      %add3A_219 = vector.broadcast %add3A_218 : i32 to vector<16xi32>
      %add3A_220 = arith.addi %shift_left3A_139, %add3A_219 : vector<16xi32>
      %add3A_221 = arith.constant 3 : i32
      %add3A_222 = vector.broadcast %add3A_221 : i32 to vector<16xi32>
      %add3A_223 = arith.addi %sub3A_141, %add3A_222 : vector<16xi32>
      %gather3A_224 = tpu.vector_load_idx %arg12[%add3A_130, %add3A_220] : memref<8192x8xf32, #tpu.memory_space<vmem>>[vector<16xi32>, vector<16xi32>], vector<16xf32>,
      %gather3A_225 = tpu.vector_load_idx %arg12[%add3A_144, %add3A_223] : memref<8192x8xf32, #tpu.memory_space<vmem>>[vector<16xi32>, vector<16xi32>], vector<16xf32>,
      %gather3A_226 = tpu.vector_load_idx %arg12[%add3A_147, %add3A_220] : memref<8192x8xf32, #tpu.memory_space<vmem>>[vector<16xi32>, vector<16xi32>], vector<16xf32>,
      %gather3A_227 = tpu.vector_load_idx %arg12[%add3A_150, %add3A_223] : memref<8192x8xf32, #tpu.memory_space<vmem>>[vector<16xi32>, vector<16xi32>], vector<16xf32>,
      %sub3A_228 = arith.subf %gather3A_225, %gather3A_227 : vector<16xf32>
      %mul3A_229 = arith.mulf %get3A_131, %sub3A_228 : vector<16xf32>
      %add3A_230 = arith.addf %gather3A_227, %mul3A_229 : vector<16xf32>
      %sub3A_231 = arith.subf %gather3A_224, %gather3A_226 : vector<16xf32>
      %mul3A_232 = arith.mulf %get3A_131, %sub3A_231 : vector<16xf32>
      %add3A_233 = arith.addf %gather3A_226, %mul3A_232 : vector<16xf32>
      %sub3A_234 = arith.subf %add3A_233, %add3A_230 : vector<16xf32>
      %mul3A_235 = arith.mulf %get3A_133, %sub3A_234 : vector<16xf32>
      %add3A_236 = arith.addf %add3A_230, %mul3A_235 : vector<16xf32>
      %swap3A_237 = arith.constant 3 : i32
      %swap3A_238 = arith.index_cast %swap3A_237 : i32 to index
      %swap3A_239 = arith.index_cast %mul3A_128 : i32 to index
      %swap3A_240 = tpu.vector_load %arg13[%swap3A_238, %swap3A_239] {strides = array<i32>} : memref<4x2048xf32, #tpu.memory_space<vmem>>, vector<16xf32>,
      tpu.vector_store %arg13[%swap3A_238, %swap3A_239], %add3A_236 {strides = array<i32>} : memref<4x2048xf32, #tpu.memory_space<vmem>>, vector<16xf32>,
      %scan3A_241 = arith.constant 0 : i32
      scf.yield %scan3A_241 : i32
    }
    %scan3A_116 = arith.constant 128 : i32
    %run_scoped3A_117 = arith.constant 0 : i32
    %run_scoped3A_118 = arith.constant 0 : i32
    "tpu.region"() ({
      %run_scoped3A_125 = tpu.sem_alloc : memref<!tpu.dma_semaphore, #tpu.memory_space<semaphore_mem>>
      %dma_start3A = arith.constant 0 : i32
      %dma_start3A_126 = tpu.memref_slice %arg13[%run_scoped3A_117, %dma_start3A] : memref<4x2048xf32, #tpu.memory_space<vmem>> -> memref<1x2048xf32, #tpu.memory_space<vmem>>
      %dma_start3A_127 = tpu.memref_squeeze %dma_start3A_126 : memref<1x2048xf32, #tpu.memory_space<vmem>> -> memref<2048xf32, #tpu.memory_space<vmem>>
      %dma_start3A_128 = tpu.memref_slice %arg5[%run_scoped3A_118, %add3A_95] : memref<4x262144xf32, #tpu.memory_space<hbm>> -> memref<1x2048xf32, #tpu.memory_space<hbm>>
      %dma_start3A_129 = tpu.memref_squeeze %dma_start3A_128 : memref<1x2048xf32, #tpu.memory_space<hbm>> -> memref<2048xf32, #tpu.memory_space<hbm>>
      %dma_start3A_130 = tpu.memref_slice %arg5[%run_scoped3A_118, %add3A_95] : memref<4x262144xf32, #tpu.memory_space<hbm>> -> memref<1x2048xf32, #tpu.memory_space<hbm>>
      %dma_start3A_131 = tpu.memref_squeeze %dma_start3A_130 : memref<1x2048xf32, #tpu.memory_space<hbm>> -> memref<2048xf32, #tpu.memory_space<hbm>>
      %dma_start3A_132 = arith.constant 0 : i32
      %dma_start3A_133 = tpu.memref_slice %arg13[%run_scoped3A_117, %dma_start3A_132] : memref<4x2048xf32, #tpu.memory_space<vmem>> -> memref<1x2048xf32, #tpu.memory_space<vmem>>
      %dma_start3A_134 = tpu.memref_squeeze %dma_start3A_133 : memref<1x2048xf32, #tpu.memory_space<vmem>> -> memref<2048xf32, #tpu.memory_space<vmem>>
      tpu.enqueue_dma source(%dma_start3A_134 : memref<2048xf32, #tpu.memory_space<vmem>>) target(%dma_start3A_131 : memref<2048xf32, #tpu.memory_space<hbm>>) target_semaphore(%run_scoped3A_125 : memref<!tpu.dma_semaphore, #tpu.memory_space<semaphore_mem>>)
      %dma_wait3A = arith.constant 0 : i32
      %dma_wait3A_135 = tpu.memref_slice %arg13[%run_scoped3A_117, %dma_wait3A] : memref<4x2048xf32, #tpu.memory_space<vmem>> -> memref<1x2048xf32, #tpu.memory_space<vmem>>
      %dma_wait3A_136 = tpu.memref_squeeze %dma_wait3A_135 : memref<1x2048xf32, #tpu.memory_space<vmem>> -> memref<2048xf32, #tpu.memory_space<vmem>>
      %dma_wait3A_137 = tpu.memref_slice %arg5[%run_scoped3A_118, %add3A_95] : memref<4x262144xf32, #tpu.memory_space<hbm>> -> memref<1x2048xf32, #tpu.memory_space<hbm>>
      %dma_wait3A_138 = tpu.memref_squeeze %dma_wait3A_137 : memref<1x2048xf32, #tpu.memory_space<hbm>> -> memref<2048xf32, #tpu.memory_space<hbm>>
      %dma_wait3A_139 = tpu.memref_slice %arg5[%run_scoped3A_118, %add3A_95] : memref<4x262144xf32, #tpu.memory_space<hbm>> -> memref<1x2048xf32, #tpu.memory_space<hbm>>
      %dma_wait3A_140 = tpu.memref_squeeze %dma_wait3A_139 : memref<1x2048xf32, #tpu.memory_space<hbm>> -> memref<2048xf32, #tpu.memory_space<hbm>>
      %dma_wait3A_141 = arith.constant 0 : i32
      %dma_wait3A_142 = tpu.memref_slice %arg13[%run_scoped3A_117, %dma_wait3A_141] : memref<4x2048xf32, #tpu.memory_space<vmem>> -> memref<1x2048xf32, #tpu.memory_space<vmem>>
      %dma_wait3A_143 = tpu.memref_squeeze %dma_wait3A_142 : memref<1x2048xf32, #tpu.memory_space<vmem>> -> memref<2048xf32, #tpu.memory_space<vmem>>
      tpu.wait_dma2 semaphore(%run_scoped3A_125 : memref<!tpu.dma_semaphore, #tpu.memory_space<semaphore_mem>>) src(%dma_wait3A_143 : memref<2048xf32, #tpu.memory_space<vmem>>) dst(%dma_wait3A_140 : memref<2048xf32, #tpu.memory_space<hbm>>)
      tpu.yield
    }) : () -> ()
    %run_scoped3A_119 = arith.constant 1 : i32
    %run_scoped3A_120 = arith.constant 1 : i32
    "tpu.region"() ({
      %run_scoped3A_125 = tpu.sem_alloc : memref<!tpu.dma_semaphore, #tpu.memory_space<semaphore_mem>>
      %dma_start3A = arith.constant 0 : i32
      %dma_start3A_126 = tpu.memref_slice %arg13[%run_scoped3A_119, %dma_start3A] : memref<4x2048xf32, #tpu.memory_space<vmem>> -> memref<1x2048xf32, #tpu.memory_space<vmem>>
      %dma_start3A_127 = tpu.memref_squeeze %dma_start3A_126 : memref<1x2048xf32, #tpu.memory_space<vmem>> -> memref<2048xf32, #tpu.memory_space<vmem>>
      %dma_start3A_128 = tpu.memref_slice %arg5[%run_scoped3A_120, %add3A_95] : memref<4x262144xf32, #tpu.memory_space<hbm>> -> memref<1x2048xf32, #tpu.memory_space<hbm>>
      %dma_start3A_129 = tpu.memref_squeeze %dma_start3A_128 : memref<1x2048xf32, #tpu.memory_space<hbm>> -> memref<2048xf32, #tpu.memory_space<hbm>>
      %dma_start3A_130 = tpu.memref_slice %arg5[%run_scoped3A_120, %add3A_95] : memref<4x262144xf32, #tpu.memory_space<hbm>> -> memref<1x2048xf32, #tpu.memory_space<hbm>>
      %dma_start3A_131 = tpu.memref_squeeze %dma_start3A_130 : memref<1x2048xf32, #tpu.memory_space<hbm>> -> memref<2048xf32, #tpu.memory_space<hbm>>
      %dma_start3A_132 = arith.constant 0 : i32
      %dma_start3A_133 = tpu.memref_slice %arg13[%run_scoped3A_119, %dma_start3A_132] : memref<4x2048xf32, #tpu.memory_space<vmem>> -> memref<1x2048xf32, #tpu.memory_space<vmem>>
      %dma_start3A_134 = tpu.memref_squeeze %dma_start3A_133 : memref<1x2048xf32, #tpu.memory_space<vmem>> -> memref<2048xf32, #tpu.memory_space<vmem>>
      tpu.enqueue_dma source(%dma_start3A_134 : memref<2048xf32, #tpu.memory_space<vmem>>) target(%dma_start3A_131 : memref<2048xf32, #tpu.memory_space<hbm>>) target_semaphore(%run_scoped3A_125 : memref<!tpu.dma_semaphore, #tpu.memory_space<semaphore_mem>>)
      %dma_wait3A = arith.constant 0 : i32
      %dma_wait3A_135 = tpu.memref_slice %arg13[%run_scoped3A_119, %dma_wait3A] : memref<4x2048xf32, #tpu.memory_space<vmem>> -> memref<1x2048xf32, #tpu.memory_space<vmem>>
      %dma_wait3A_136 = tpu.memref_squeeze %dma_wait3A_135 : memref<1x2048xf32, #tpu.memory_space<vmem>> -> memref<2048xf32, #tpu.memory_space<vmem>>
      %dma_wait3A_137 = tpu.memref_slice %arg5[%run_scoped3A_120, %add3A_95] : memref<4x262144xf32, #tpu.memory_space<hbm>> -> memref<1x2048xf32, #tpu.memory_space<hbm>>
      %dma_wait3A_138 = tpu.memref_squeeze %dma_wait3A_137 : memref<1x2048xf32, #tpu.memory_space<hbm>> -> memref<2048xf32, #tpu.memory_space<hbm>>
      %dma_wait3A_139 = tpu.memref_slice %arg5[%run_scoped3A_120, %add3A_95] : memref<4x262144xf32, #tpu.memory_space<hbm>> -> memref<1x2048xf32, #tpu.memory_space<hbm>>
      %dma_wait3A_140 = tpu.memref_squeeze %dma_wait3A_139 : memref<1x2048xf32, #tpu.memory_space<hbm>> -> memref<2048xf32, #tpu.memory_space<hbm>>
      %dma_wait3A_141 = arith.constant 0 : i32
      %dma_wait3A_142 = tpu.memref_slice %arg13[%run_scoped3A_119, %dma_wait3A_141] : memref<4x2048xf32, #tpu.memory_space<vmem>> -> memref<1x2048xf32, #tpu.memory_space<vmem>>
      %dma_wait3A_143 = tpu.memref_squeeze %dma_wait3A_142 : memref<1x2048xf32, #tpu.memory_space<vmem>> -> memref<2048xf32, #tpu.memory_space<vmem>>
      tpu.wait_dma2 semaphore(%run_scoped3A_125 : memref<!tpu.dma_semaphore, #tpu.memory_space<semaphore_mem>>) src(%dma_wait3A_143 : memref<2048xf32, #tpu.memory_space<vmem>>) dst(%dma_wait3A_140 : memref<2048xf32, #tpu.memory_space<hbm>>)
      tpu.yield
    }) : () -> ()
    %run_scoped3A_121 = arith.constant 2 : i32
    %run_scoped3A_122 = arith.constant 2 : i32
    "tpu.region"() ({
      %run_scoped3A_125 = tpu.sem_alloc : memref<!tpu.dma_semaphore, #tpu.memory_space<semaphore_mem>>
      %dma_start3A = arith.constant 0 : i32
      %dma_start3A_126 = tpu.memref_slice %arg13[%run_scoped3A_121, %dma_start3A] : memref<4x2048xf32, #tpu.memory_space<vmem>> -> memref<1x2048xf32, #tpu.memory_space<vmem>>
      %dma_start3A_127 = tpu.memref_squeeze %dma_start3A_126 : memref<1x2048xf32, #tpu.memory_space<vmem>> -> memref<2048xf32, #tpu.memory_space<vmem>>
      %dma_start3A_128 = tpu.memref_slice %arg5[%run_scoped3A_122, %add3A_95] : memref<4x262144xf32, #tpu.memory_space<hbm>> -> memref<1x2048xf32, #tpu.memory_space<hbm>>
      %dma_start3A_129 = tpu.memref_squeeze %dma_start3A_128 : memref<1x2048xf32, #tpu.memory_space<hbm>> -> memref<2048xf32, #tpu.memory_space<hbm>>
      %dma_start3A_130 = tpu.memref_slice %arg5[%run_scoped3A_122, %add3A_95] : memref<4x262144xf32, #tpu.memory_space<hbm>> -> memref<1x2048xf32, #tpu.memory_space<hbm>>
      %dma_start3A_131 = tpu.memref_squeeze %dma_start3A_130 : memref<1x2048xf32, #tpu.memory_space<hbm>> -> memref<2048xf32, #tpu.memory_space<hbm>>
      %dma_start3A_132 = arith.constant 0 : i32
      %dma_start3A_133 = tpu.memref_slice %arg13[%run_scoped3A_121, %dma_start3A_132] : memref<4x2048xf32, #tpu.memory_space<vmem>> -> memref<1x2048xf32, #tpu.memory_space<vmem>>
      %dma_start3A_134 = tpu.memref_squeeze %dma_start3A_133 : memref<1x2048xf32, #tpu.memory_space<vmem>> -> memref<2048xf32, #tpu.memory_space<vmem>>
      tpu.enqueue_dma source(%dma_start3A_134 : memref<2048xf32, #tpu.memory_space<vmem>>) target(%dma_start3A_131 : memref<2048xf32, #tpu.memory_space<hbm>>) target_semaphore(%run_scoped3A_125 : memref<!tpu.dma_semaphore, #tpu.memory_space<semaphore_mem>>)
      %dma_wait3A = arith.constant 0 : i32
      %dma_wait3A_135 = tpu.memref_slice %arg13[%run_scoped3A_121, %dma_wait3A] : memref<4x2048xf32, #tpu.memory_space<vmem>> -> memref<1x2048xf32, #tpu.memory_space<vmem>>
      %dma_wait3A_136 = tpu.memref_squeeze %dma_wait3A_135 : memref<1x2048xf32, #tpu.memory_space<vmem>> -> memref<2048xf32, #tpu.memory_space<vmem>>
      %dma_wait3A_137 = tpu.memref_slice %arg5[%run_scoped3A_122, %add3A_95] : memref<4x262144xf32, #tpu.memory_space<hbm>> -> memref<1x2048xf32, #tpu.memory_space<hbm>>
      %dma_wait3A_138 = tpu.memref_squeeze %dma_wait3A_137 : memref<1x2048xf32, #tpu.memory_space<hbm>> -> memref<2048xf32, #tpu.memory_space<hbm>>
      %dma_wait3A_139 = tpu.memref_slice %arg5[%run_scoped3A_122, %add3A_95] : memref<4x262144xf32, #tpu.memory_space<hbm>> -> memref<1x2048xf32, #tpu.memory_space<hbm>>
      %dma_wait3A_140 = tpu.memref_squeeze %dma_wait3A_139 : memref<1x2048xf32, #tpu.memory_space<hbm>> -> memref<2048xf32, #tpu.memory_space<hbm>>
      %dma_wait3A_141 = arith.constant 0 : i32
      %dma_wait3A_142 = tpu.memref_slice %arg13[%run_scoped3A_121, %dma_wait3A_141] : memref<4x2048xf32, #tpu.memory_space<vmem>> -> memref<1x2048xf32, #tpu.memory_space<vmem>>
      %dma_wait3A_143 = tpu.memref_squeeze %dma_wait3A_142 : memref<1x2048xf32, #tpu.memory_space<vmem>> -> memref<2048xf32, #tpu.memory_space<vmem>>
      tpu.wait_dma2 semaphore(%run_scoped3A_125 : memref<!tpu.dma_semaphore, #tpu.memory_space<semaphore_mem>>) src(%dma_wait3A_143 : memref<2048xf32, #tpu.memory_space<vmem>>) dst(%dma_wait3A_140 : memref<2048xf32, #tpu.memory_space<hbm>>)
      tpu.yield
    }) : () -> ()
    %run_scoped3A_123 = arith.constant 3 : i32
    %run_scoped3A_124 = arith.constant 3 : i32
    "tpu.region"() ({
      %run_scoped3A_125 = tpu.sem_alloc : memref<!tpu.dma_semaphore, #tpu.memory_space<semaphore_mem>>
      %dma_start3A = arith.constant 0 : i32
      %dma_start3A_126 = tpu.memref_slice %arg13[%run_scoped3A_123, %dma_start3A] : memref<4x2048xf32, #tpu.memory_space<vmem>> -> memref<1x2048xf32, #tpu.memory_space<vmem>>
      %dma_start3A_127 = tpu.memref_squeeze %dma_start3A_126 : memref<1x2048xf32, #tpu.memory_space<vmem>> -> memref<2048xf32, #tpu.memory_space<vmem>>
      %dma_start3A_128 = tpu.memref_slice %arg5[%run_scoped3A_124, %add3A_95] : memref<4x262144xf32, #tpu.memory_space<hbm>> -> memref<1x2048xf32, #tpu.memory_space<hbm>>
      %dma_start3A_129 = tpu.memref_squeeze %dma_start3A_128 : memref<1x2048xf32, #tpu.memory_space<hbm>> -> memref<2048xf32, #tpu.memory_space<hbm>>
      %dma_start3A_130 = tpu.memref_slice %arg5[%run_scoped3A_124, %add3A_95] : memref<4x262144xf32, #tpu.memory_space<hbm>> -> memref<1x2048xf32, #tpu.memory_space<hbm>>
      %dma_start3A_131 = tpu.memref_squeeze %dma_start3A_130 : memref<1x2048xf32, #tpu.memory_space<hbm>> -> memref<2048xf32, #tpu.memory_space<hbm>>
      %dma_start3A_132 = arith.constant 0 : i32
      %dma_start3A_133 = tpu.memref_slice %arg13[%run_scoped3A_123, %dma_start3A_132] : memref<4x2048xf32, #tpu.memory_space<vmem>> -> memref<1x2048xf32, #tpu.memory_space<vmem>>
      %dma_start3A_134 = tpu.memref_squeeze %dma_start3A_133 : memref<1x2048xf32, #tpu.memory_space<vmem>> -> memref<2048xf32, #tpu.memory_space<vmem>>
      tpu.enqueue_dma source(%dma_start3A_134 : memref<2048xf32, #tpu.memory_space<vmem>>) target(%dma_start3A_131 : memref<2048xf32, #tpu.memory_space<hbm>>) target_semaphore(%run_scoped3A_125 : memref<!tpu.dma_semaphore, #tpu.memory_space<semaphore_mem>>)
      %dma_wait3A = arith.constant 0 : i32
      %dma_wait3A_135 = tpu.memref_slice %arg13[%run_scoped3A_123, %dma_wait3A] : memref<4x2048xf32, #tpu.memory_space<vmem>> -> memref<1x2048xf32, #tpu.memory_space<vmem>>
      %dma_wait3A_136 = tpu.memref_squeeze %dma_wait3A_135 : memref<1x2048xf32, #tpu.memory_space<vmem>> -> memref<2048xf32, #tpu.memory_space<vmem>>
      %dma_wait3A_137 = tpu.memref_slice %arg5[%run_scoped3A_124, %add3A_95] : memref<4x262144xf32, #tpu.memory_space<hbm>> -> memref<1x2048xf32, #tpu.memory_space<hbm>>
      %dma_wait3A_138 = tpu.memref_squeeze %dma_wait3A_137 : memref<1x2048xf32, #tpu.memory_space<hbm>> -> memref<2048xf32, #tpu.memory_space<hbm>>
      %dma_wait3A_139 = tpu.memref_slice %arg5[%run_scoped3A_124, %add3A_95] : memref<4x262144xf32, #tpu.memory_space<hbm>> -> memref<1x2048xf32, #tpu.memory_space<hbm>>
      %dma_wait3A_140 = tpu.memref_squeeze %dma_wait3A_139 : memref<1x2048xf32, #tpu.memory_space<hbm>> -> memref<2048xf32, #tpu.memory_space<hbm>>
      %dma_wait3A_141 = arith.constant 0 : i32
      %dma_wait3A_142 = tpu.memref_slice %arg13[%run_scoped3A_123, %dma_wait3A_141] : memref<4x2048xf32, #tpu.memory_space<vmem>> -> memref<1x2048xf32, #tpu.memory_space<vmem>>
      %dma_wait3A_143 = tpu.memref_squeeze %dma_wait3A_142 : memref<1x2048xf32, #tpu.memory_space<vmem>> -> memref<2048xf32, #tpu.memory_space<vmem>>
      tpu.wait_dma2 semaphore(%run_scoped3A_125 : memref<!tpu.dma_semaphore, #tpu.memory_space<semaphore_mem>>) src(%dma_wait3A_143 : memref<2048xf32, #tpu.memory_space<vmem>>) dst(%dma_wait3A_140 : memref<2048xf32, #tpu.memory_space<hbm>>)
      tpu.yield
    }) : () -> ()
    return
  }
}

</mosaic_0001>

<sc_bundles>
// kernel: kernel.3.cloned.1.call-start
scs
__scs_entry_jumppad:
0x0: {  	(pc) =	sbr.rel $0x88, $3  }
0x1: {  	(tag) =	ssettag $0x0;
	lr =	simm.s32 $0x1  }
0x2: {  	[smem:$0x3F9F] =	sst lr;
	_ =	strace $0xD0000000  }
0x3: {  	_ = 	snop  }
0x4: {  	_ = 	snop  }
0x5: {  	_ = 	snop  }
0x6: {  	_ = 	snop  }
0x7: {  	_ = 	snop  }
__scs_overlays_trampoline_lowered:
0x8: {  	[smem:$0x3FAE] =	sst s0  }
0x9: {  	[smem:$0x3FAF] =	sst s1  }
0xa: {  	[smem:$0x3FB0] =	sst s2  }
0xb: {  	[smem:$0x3FB1] =	sst s3  }
0xc: {  	[smem:$0x3FB2] =	sst s4  }
0xd: {  	[smem:$0x3FB3] =	sst s5  }
0xe: {  	[smem:$0x3FB4] =	sst s6  }
0xf: {  	[smem:$0x3FB5] =	sst s7  }
0x10: {  	[smem:$0x3FB6] =	sst s8  }
0x11: {  	[smem:$0x3FB7] =	sst s9;
	s0 =	simm.s32 @!p0 $0x0  }
0x12: {  	s1 =	sld [smem:$0x3F9D];
	s0 =	simm.s32 @p0 $0x1  }
0x13: {  	[smem:$0x3FB8] =	sst s0;
	s0 =	simm.s32 @!p1 $0x0  }
0x14: {  	s2 =	sld [smem:$0x3F9C];
	s0 =	simm.s32 @p1 $0x1  }
0x15: {  	[smem:$0x3FB9] =	sst s0;
	s0 =	simm.s32 @!p2 $0x0  }
0x16: {  	s3 =	sld [smem:$0x3FDB];
	s0 =	simm.s32 @p2 $0x1  }
0x17: {  	s4 =	simm.s32 $0x1BF5;
	[smem:$0x3FBB] =	sst s0  }
0x18: {  	s0 =	sld [smem:$0x3F9E];
	_ =	swait.ge [sflag:s4], $0x0  }
0x19: {  	s7 =	sld [smem:$0x3F9F]  }
0x1a: {  	s8 =	sadd.s32 $0xFFFFE003, lr  }
0x1b: {  	s9 =	sadd.s32 $0xFFFFFEF7, lr;
	s5 =	simm.s32 $0xFFFFFFFF;
	p2 =	slt.u32 s8, $0xFFFFF086  }
0x1c: {  	p1 =	slt.u32 s9, $0xF7A;
	s5 =	simm.s32 @!p2 $0x0  }
0x1d: {  	s5 =	simm.s32 @p1 $0x1;
	p0 =	seq.s32 s7, s2  }
0x1e: {  	s7 =	smul.u32 @!p0 $0xF7A, s2;
	p2 =	seq.s32 @!p0 s5, $0x0  }
0x1f: {  	s9 =	smul.u32 $0xF7A, s1;
	s8 =	simm.s32 @!p0 $0x1BF5;
	p2 =	por !p2, p0  }
0x20: {  	[sflag:s8] =	ssyncset.s32 @!p0 $0xFFFFF086;
	s6 =	sadd.s32 @!p0 s3, s7;
	s7 =	simm.s32 @!p0 $0x108  }
0x21: {  	s3 =	sadd.s32 s3, s9;
	s6 =	sadd.s32 @!p0 $0x88, s6;
	s7 =	simm.s32 @p2 $0x1082  }
0x22: {  	[simem:s7], [sflag:s8] =	dma.local @!p0 [hbm:s6], $0xF7A  }
0x23: {  	s9 =	sor.u32 $0xD0000000, s2;
	s6 =	simm.s32 $0x108;
	_ =	swait.ge @!p0 [sflag:s8], $0x0  }
0x24: {  	s3 =	sadd.s32 $0x88, s3;
	s6 =	simm.s32 @!p1 $0x1082;
	[sflag:s4] =	ssyncset.s32 $0xFFFFF086  }
0x25: {  	[simem:s6], [sflag:s4] =	dma.local [hbm:s3], $0xF7A  }
0x26: {  	[smem:$0x3F9F] =	sst s1;
	(tag) =	ssettag s2;
	_ =	strace s9  }
0x27: {  	s1 =	sld [smem:$0x3FAF]  }
0x28: {  	s2 =	sld [smem:$0x3FB0]  }
0x29: {  	s4 =	sld [smem:$0x3FB2]  }
0x2a: {  	p0 =	seq.s32 s5, $0x0;
	s5 =	sld [smem:$0x3FB3]  }
0x2b: {  	s6 =	sld [smem:$0x3FB4]  }
0x2c: {  	s7 =	sld [smem:$0x3FB5]  }
0x2d: {  	s3 =	simm.s32 $0x108;
	s8 =	sld [smem:$0x3FB6]  }
0x2e: {  	s3 =	simm.s32 @!p0 $0x1082;
	s9 =	sld [smem:$0x3FB7]  }
0x2f: {  	lr =	sadd.s32 s0, s3;
	s0 =	sld [smem:$0x3FAE]  }
0x30: {  	s3 =	sld [smem:$0x3FB1]  }
0x31: {  	[smem:$0x3FBA] =	sst s10  }
0x32: {  	s10 =	sld [smem:$0x3FB8];
	_ =	sdelay $0x3  }
0x33: {  	p0 =	seq.s32 s10, $0x1;
	s10 =	sld [smem:$0x3FBA];
	_ =	sdelay $0x3  }
0x34: {  	[smem:$0x3FBA] =	sst s10  }
0x35: {  	s10 =	sld [smem:$0x3FB9];
	_ =	sdelay $0x3  }
0x36: {  	p1 =	seq.s32 s10, $0x1;
	s10 =	sld [smem:$0x3FBA];
	_ =	sdelay $0x3  }
0x37: {  	[smem:$0x3FBA] =	sst s10  }
0x38: {  	s10 =	sld [smem:$0x3FBB]  }
0x39: {  	_ = 	snop;
	(pc) =	sbr.ind lr, $3  }
0x3a: {  	_ = 	snop  }
0x3b: {  	_ = 	snop  }
0x3c: {  	p2 =	seq.s32 s10, $0x1;
	s10 =	sld [smem:$0x3FBA]  }
0x3d: {  	_ =	shalt  }
0x3e: {  	_ =	shalt  }
0x3f: {  	_ =	shalt  }
0x40: {  	_ =	shalt  }
0x41: {  	_ =	shalt  }
0x42: {  	_ =	shalt  }
0x43: {  	_ =	shalt  }
0x44: {  	_ =	shalt  }
0x45: {  	_ =	shalt  }
0x46: {  	_ =	shalt  }
0x47: {  	_ =	shalt  }
0x48: {  	_ =	shalt  }
0x49: {  	_ =	shalt  }
0x4a: {  	_ =	shalt  }
0x4b: {  	_ =	shalt  }
0x4c: {  	_ =	shalt  }
0x4d: {  	_ =	shalt  }
0x4e: {  	_ =	shalt  }
0x4f: {  	_ =	shalt  }
0x50: {  	_ =	shalt  }
0x51: {  	_ =	shalt  }
0x52: {  	_ =	shalt  }
0x53: {  	_ =	shalt  }
0x54: {  	_ =	shalt  }
0x55: {  	_ =	shalt  }
0x56: {  	_ =	shalt  }
0x57: {  	_ =	shalt  }
0x58: {  	_ =	shalt  }
0x59: {  	_ =	shalt  }
0x5a: {  	_ =	shalt  }
0x5b: {  	_ =	shalt  }
0x5c: {  	_ =	shalt  }
0x5d: {  	_ =	shalt  }
0x5e: {  	_ =	shalt  }
0x5f: {  	_ =	shalt  }
0x60: {  	_ =	shalt  }
0x61: {  	_ =	shalt  }
0x62: {  	_ =	shalt  }
0x63: {  	_ =	shalt  }
0x64: {  	_ =	shalt  }
0x65: {  	_ =	shalt  }
0x66: {  	_ =	shalt  }
0x67: {  	_ =	shalt  }
0x68: {  	_ =	shalt  }
0x69: {  	_ =	shalt  }
0x6a: {  	_ =	shalt  }
0x6b: {  	_ =	shalt  }
0x6c: {  	_ =	shalt  }
0x6d: {  	_ =	shalt  }
0x6e: {  	_ =	shalt  }
0x6f: {  	_ =	shalt  }
0x70: {  	_ =	shalt  }
0x71: {  	_ =	shalt  }
0x72: {  	_ =	shalt  }
0x73: {  	_ =	shalt  }
0x74: {  	_ =	shalt  }
0x75: {  	_ =	shalt  }
0x76: {  	_ =	shalt  }
0x77: {  	_ =	shalt  }
0x78: {  	_ =	shalt  }
0x79: {  	_ =	shalt  }
0x7a: {  	_ =	shalt  }
0x7b: {  	_ =	shalt  }
0x7c: {  	_ =	shalt  }
0x7d: {  	_ =	shalt  }
0x7e: {  	_ =	shalt  }
0x7f: {  	_ =	shalt  }
0x80: {  	_ =	shalt  }
0x81: {  	_ =	shalt  }
0x82: {  	_ =	shalt  }
0x83: {  	_ =	shalt  }
0x84: {  	_ =	shalt  }
0x85: {  	_ =	shalt  }
0x86: {  	_ =	shalt  }
0x87: {  	_ =	shalt  }
.Lfunc_end0:
.L_simem_size_0:
called_computation_lowered:
.L_overlay_start_0:
0x88: {  	s2 =	sld [smem:$0x3FD9]  }
0x89: {  	s3 =	sld [smem:$0x3FFE];
	_ =	sdelay $0x1  }
0x8a: {  	s1 =	srdreg.scid  }
0x8b: {  	s0 =	sand.u32 $0x1, s1  }
0x8c: {  	s17 =	sshll.u32 s0, $0xA;
	s2 =	sadd.s32 s3, s2  }
0x8d: {  	s2 =	sadd.s32 s2, s17  }
0x8e: {  	[smem:$0x3FC6] =	sst s2  }
0x8f: {  	_ = 	snop  }
0x90: {  	s2 =	sld [smem:$0x3FD0];
	(tm) =	ssettm $0x1  }
0x91: {  	s18 =	sld [smem:$0x3FFB];
	_ =	sdelay $0x3  }
0x92: {  	_ =	strace s18  }
0x93: {  	s3 =	sld [smem:$0x3FFC];
	_ =	sdelay $0x3  }
0x94: {  	_ =	strace s3  }
0x95: {  	s3 =	sld [smem:$0x3FFD];
	_ =	sdelay $0x3  }
0x96: {  	_ =	strace s3  }
0x97: {  	_ =	strace $0x8FFFFFFF  }
0x98: {  	s19 =	sld [smem:$0x3FDB];
	_ =	sdelay $0x1  }
0x99: {  	s4 =	simm.s32 $_scs_section_size  }
0x9a: {  	s5 =	simm.s32 $_size__tile_overlayer_lowered;
	s6 =	simm.s32 $_tile_overlayer_lowered  }
0x9b: {  	s22 =	simm.s32 $0x1BFF;
	s21 =	sshll.u32 s6, $0x1;
	s3 =	sadd.s32 s4, s19  }
0x9c: {  	s7 =	simm.s32 $0x0;
	s20 =	sshll.u32 s5, $0x1;
	s5 =	sadd.s32 s21, s3  }
0x9d: {  	[timem:s7], [sflag:s22] =	dma.local [hbm:s5], s20  }
0x9e: {  	_ =	swait.ge [sflag:s22], s20  }
0x9f: {  	s4 =	ssub.s32 $0x0, s20;
	[sflag:s22] =	ssyncset.done $0x0  }
0xa0: {  	[sflag:s22] =	ssyncadd.s32 s4;
	_ =	sdelay $0x1  }
0xa1: {  	s23 =	simm.s32 $0x1B8B  }
0xa2: {  	_ =	swait.ge [sflag:s23], $0x1  }
0xa3: {  	[sflag:s23] =	ssyncset.done $0x0  }
0xa4: {  	s25 =	simm.s32 $0x1B8E;
	s24 =	sld [smem:$0x3FFE];
	[sflag:s23] =	ssyncadd.s32 $0xFFFFFFFF  }
0xa5: {  	s26 =	simm.s32 $execute0_lowered;
	[smem:$0x3FD2] =	sst s25  }
0xa6: {  	s5 =	sshll.u32 s26, $0x1;
	_ =	strace $0x80000046;
	[dreg:$0x1] =	wrdreg $0xFFFFFFFF  }
0xa7: {  	s28 =	simm.s32 $_size_execute0_lowered;
	s3 =	sadd.s32 s3, s5;
	[dreg:$0x0] =	wrdreg $0x0  }
0xa8: {  	s5 =	sshll.u32 s28, $0x1;
	[dreg:$0x2] =	wrdreg s3  }
0xa9: {  	[dreg:$0x3] =	wrdreg s5  }
0xaa: {  	[dreg:$0x4] =	wrdreg $0xC0  }
0xab: {  	_ =	task [dreg:s7], $0x5FFFF  }
0xac: {  	[dreg:$0x1] =	wrdreg $0xFFFFFFFF  }
0xad: {  	[dreg:$0x0] =	wrdreg $0x60  }
0xae: {  	[dreg:$0x2] =	wrdreg s24  }
0xaf: {  	[dreg:$0x3] =	wrdreg s2  }
0xb0: {  	[dreg:$0x4] =	wrdreg $0x9  }
0xb1: {  	_ =	task.clear_ibuf [dreg:s7], $0x5FFFF;
	_ =	strace $0x90000046  }
0xb2: {  	s29 =	simm.s32 $0x9;
	_ =	strace $0x80000048  }
0xb3: {  	_ =	swait.ge [sflag:s29], $0x1  }
0xb4: {  	[sflag:s29] =	ssyncadd.s32 $0xFFFFFFFF  }
0xb5: {  	_ =	strace $0x90000048  }
0xb6: {  	_ =	sfence  }
0xb7: {  	s30 =	sld [smem:$0x0];
	_ =	sdelay $0x2  }
0xb8: {  	s31 =	sshll.u32 s1, $0xD;
	s1 =	sshrl.u32 s1, $0x2  }
0xb9: {  	s3 =	sand.u32 $0x4000, s31;
	s1 =	sadd.s32 s1, s30  }
0xba: {  	s0 =	sor.u32 s3, s0;
	s1 =	sshll.u32 s1, $0x11  }
0xbb: {  	s0 =	sor.u32 s1, s0  }
0xbc: {  	s0 =	sadd.s32 $0x8F2B, s0  }
0xbd: {  	[sflag:s0] =	ssyncadd.remote.s32 $0x1  }
0xbe: {  	_ =	sfence.sel $0xFFFF  }
0xbf: {  	[dreg:$0x0] =	wrdreg $0xFFFFFFFF;
	(pc) =	sbr.abs _section_cstart, $3  }
0xc0: {  	[dreg:$0x1] =	wrdreg $0xFFFFFFFF  }
0xc1: {  	_ =	task.clear_ibuf [dreg:s7], $0x2FFFF;
	_ =	strace $0x9FFFFFFF  }
0xc2: {  	(tm) =	ssettm $0x7FFFFFFF  }
0xc3: {  	_ =	shalt  }
tec
execute0_lowered:
.L_overlay_start_1:
0x0: {  	(tag) =	ssettag $0x1  }
0x1: {  	s0 =	rddreg [dreg:$0x0]  }
0x2: {  	s2 =	rddreg [dreg:$0x1];
	s1 =	simm.s32 $0x0;
	s5 =	srdreg.scid  }
0x3: {  	s7 =	stileid.u32;
	[smem:$0x7FF] =	sst s1;
	s5 =	sand.u32 $0x1, s5  }
0x4: {  	s7 =	sshll.u32 s7, $0xB;
	s6 =	ssub.s32 $0x2, s5;
	s5 =	sshll.u32 s5, $0xA  }
0x5: {  	s4 =	sadd.s32 $0x600, s0;
	s3 =	sadd.s32 $0x100C8800, s0;
	s7 =	sor.u32 s5, s7  }
0x6: {  	s0 =	sadd.s32 $0x8600, s0;
	_ =	strace $0x80000047;
	s5 =	sadd.s32 s4, s7  }
0x7: {  	s14 =	sadd.s32 s2, s7;
	s16 =	sor.u32 $0x100, s7;
	[dreg:$0x3] =	wrdreg s5  }
0x8: {  	s8 =	sshrl.u32 s6, $0x1;
	[dreg:$0x4] =	wrdreg s14;
	s18 =	sadd.s32 s4, s16  }
0x9: {  	s6 =	ssub.s32 s6, s8;
	s19 =	sadd.s32 s2, s16;
	[dreg:$0x8] =	wrdreg s18  }
0xa: {  	s23 =	sor.u32 $0x200, s7;
	s8 =	sadd.s32 s0, s16;
	[dreg:$0x9] =	wrdreg s19  }
0xb: {  	s30 =	simm.s32 $0x2;
	s24 =	sadd.s32 s4, s23;
	[dreg:$0xa] =	wrdreg s8  }
0xc: {  	s5 =	sadd.s32 s0, s7;
	s25 =	sadd.s32 s2, s23;
	[dreg:$0xe] =	wrdreg s24  }
0xd: {  	s31 =	simm.s32 $0x800;
	s15 =	sadd.s32 $0x8000, s5;
	[dreg:$0xf] =	wrdreg s25  }
0xe: {  	s10 =	simm.s32 $0x0;
	s9 =	sadd.s32 $0x10000, s5;
	[dreg:$0x5] =	wrdreg s15  }
0xf: {  	s7 =	sor.u32 $0x300, s7;
	s17 =	sadd.s32 $0x18000, s5;
	[dreg:$0x6] =	wrdreg s9  }
0x10: {  	s20 =	sadd.s32 $0x8100, s5;
	s21 =	sadd.s32 $0x10100, s5;
	[dreg:$0x7] =	wrdreg s17  }
0x11: {  	s22 =	sadd.s32 $0x18100, s5;
	s8 =	sadd.s32 s0, s23;
	[dreg:$0xb] =	wrdreg s20  }
0x12: {  	s26 =	sadd.s32 $0x8200, s5;
	s23 =	sadd.s32 s0, s7;
	[dreg:$0xc] =	wrdreg s21  }
0x13: {  	s24 =	sadd.s32 $0x18200, s5;
	s25 =	smax.u32 s6, $0x1;
	[dreg:$0xd] =	wrdreg s22  }
0x14: {  	s28 =	sadd.s32 $0x10300, s5;
	s29 =	sadd.s32 $0x18300, s5;
	[dreg:$0x10] =	wrdreg s8  }
0x15: {  	s0 =	simm.s32 $0x80;
	s6 =	simm.s32 $0x14800;
	[dreg:$0x11] =	wrdreg s26  }
0x16: {  	s20 =	sadd.s32 $0x10200, s5;
	s21 =	sadd.s32 s4, s7;
	s22 =	sadd.s32 s2, s7  }
0x17: {  	v0 =	vlaneseq.u32;
	s26 =	sadd.s32 $0x8300, s5;
	s2 =	simm.s32 $0x1;
	s4 =	simm.s32 $0x4800  }
0x18: {  	v0 =	vmul.u32 $0x8, v0;
	s7 =	simm.s32 $0x15000;
	s8 =	simm.s32 $0x15800;
	s9 =	simm.s32 $0x16000  }
.LBB2_1:
0x19: {  	s11 =	rddreg [dreg:$0x3]  }
0x1a: {  	[tilespmem:s1], [sflag:$0x2] =	stream.linear.gather [hbm4b:s11+s1], $0x800, $0x38;
	[tilespmem:$0x16800] =	vst v63  }
0x1b: {  	_ =	swait.ge [sflag:s30], $0x800  }
0x1c: {  	[sflag:s30] =	ssyncset.done $0x0  }
0x1d: {  	s19 =	rddreg [dreg:$0x4];
	[sflag:s30] =	ssyncadd.s32 $0xFFFFF800  }
0x1e: {  	[tilespmem:s31], [sflag:$0x2] =	stream.linear.gather [hbm4b:s19+s1], $0x800, $0x38;
	[tilespmem:$0x16800] =	vst v63  }
0x1f: {  	_ =	swait.ge [sflag:s30], $0x800  }
0x20: {  	[sflag:s30] =	ssyncset.done $0x0  }
0x21: {  	s11 =	simm.s32 $0x0;
	[sflag:s30] =	ssyncadd.s32 $0xFFFFF800  }
0x22: {  	v1 =	vld [tilespmem:s11+$0x850]  }
0x23: {  	v3 =	vld [tilespmem:s11+$0x70]  }
0x24: {  	v2 =	vld [tilespmem:s11+$0x50]  }
0x25: {  	v4 =	vld [tilespmem:s11+$0x60]  }
0x26: {  	v5 =	vld [tilespmem:s11+$0x0]  }
0x27: {  	v8 =	vld [tilespmem:s11+$0x800];
	_ =	sdelay $0x1  }
0x28: {  	v6 =	vadd.f32 $4.096000000e+03, v1;
	vm0 =	vge.f32 v1, $1.000000000e+00;
	v9 =	vadd.f32 $4.096000000e+03, v3  }
0x29: {  	v7 =	vadd.f32 $4.096000000e+03, v2;
	vm12 =	vge.f32 v3, $1.000000000e+00;
	vm1 =	vge.f32 v2, $1.000000000e+00  }
0x2a: {  	v10 =	vadd.f32 $4.096000000e+03, v4;
	v11 =	vadd.f32 $4.096000000e+03, v5;
	vm13 =	vge.f32 v4, $1.000000000e+00  }
0x2b: {  	vm2 =	vge.f32 v5, $1.000000000e+00;
	vm14 =	vge.f32 v8, $1.000000000e+00;
	v1 =	vsel vm0, v1, v6  }
0x2c: {  	v6 =	vld [tilespmem:s11+$0x860];
	v10 =	vsel vm13, v4, v10;
	v4 =	vsel vm2, v5, v11;
	v5 =	vadd.f32 $4.096000000e+03, v8  }
0x2d: {  	v12 =	vsel vm1, v2, v7;
	v2 =	vtrunc.f32 v10;
	v7 =	vtrunc.f32 v4  }
0x2e: {  	v11 =	vcvt.f32.s32 v2;
	v7 =	vcvt.f32.s32 v7;
	v5 =	vsel vm14, v8, v5  }
0x2f: {  	v3 =	vsel vm12, v3, v9;
	v13 =	vtrunc.f32 v1;
	v14 =	vtrunc.f32 v5  }
0x30: {  	v8 =	vcvt.s32.f32 v11;
	v15 =	vmul.u32 $0x1004, v7;
	v14 =	vcvt.f32.s32 v14  }
0x31: {  	v16 =	vtrunc.f32 v12;
	v2 =	vadd.f32 $4.096000000e+03, v6;
	vm15 =	vge.f32 v6, $1.000000000e+00  }
0x32: {  	v8 =	vsub.f32 v10, v8;
	v10 =	vadd.s32 v14, v15;
	v9 =	vcvt.s32.f32 v14  }
0x33: {  	v2 =	vsel vm15, v6, v2;
	v6 =	vcvt.f32.s32 v13;
	v13 =	vcvt.f32.s32 v16  }
0x34: {  	v11 =	vmul.u32 $0x1004, v11;
	[tilespmem:s11+$0x2000] =	vst v10;
	v14 =	vshrl.u32 v10, $0x1;
	v10 =	vadd.s32 $0x1, v10  }
0x35: {  	v16 =	vtrunc.f32 v2;
	v5 =	vsub.f32 v5, v9;
	v15 =	vcvt.s32.f32 v13  }
0x36: {  	[tilespmem:s11+$0x1060] =	vst v8;
	v9 =	vadd.s32 $0x802, v14;
	v16 =	vcvt.f32.s32 v16;
	v13 =	vmul.u32 $0x1004, v13  }
0x37: {  	v8 =	vld [tilespmem:s11+$0x870];
	v10 =	vshrl.u32 v10, $0x1;
	[tilespmem:s11+$0x3800] =	vst v9;
	v15 =	vsub.f32 v12, v15;
	v12 =	vtrunc.f32 v3  }
0x38: {  	[tilespmem:s11+$0x1800] =	vst v5;
	v9 =	vadd.s32 v6, v13;
	v5 =	vcvt.s32.f32 v16;
	v17 =	vadd.s32 v16, v11  }
0x39: {  	s13 =	simm.s32 $0x200;
	s14 =	simm.s32 $0x4800;
	s12 =	simm.s32 $0x4800;
	[tilespmem:s11+$0x3000] =	vst v10;
	v13 =	vshrl.u32 v9, $0x1;
	v16 =	vadd.s32 $0x1, v9;
	v11 =	vadd.s32 $0x1, v17  }
.LBB2_2:
0x3a: {  	p0 =	sne.s32 s13, $0x1E00  }
0x3b: {  	v7 =	vcvt.s32.f32 v7;
	[tilespmem:s11+$0x2800] =	vst v14;
	v14 =	vshrl.u32 v16, $0x1;
	v16 =	vshrl.u32 v17, $0x1;
	s14 =	sadd.s32 $0x400, s14;
	s15 =	smov.u32 s13;
	s13 =	sadd.s32 $0x200, s13  }
0x3c: {  	v18 =	vadd.s32 $0x802, v13;
	v19 =	vadd.s32 $0x802, v14;
	[tilespmem:s11+$0x2060] =	vst v17;
	vm0 =	vge.f32 v8, $1.000000000e+00  }
0x3d: {  	v6 =	vcvt.s32.f32 v6;
	v4 =	vsub.f32 v4, v7;
	v7 =	vld [tilespmem:s11+$0x30];
	[tilespmem:s11+$0x1050] =	vst v15;
	v15 =	vadd.f32 $4.096000000e+03, v8  }
0x3e: {  	v10 =	vadd.s32 $0x802, v10;
	v12 =	vcvt.f32.s32 v12;
	v17 =	vld [tilespmem:s11+$0x20];
	[tilespmem:s11+$0x2850] =	vst v13;
	v13 =	vadd.s32 $0x802, v16  }
0x3f: {  	v2 =	vsub.f32 v2, v5;
	v5 =	vshrl.u32 v11, $0x1;
	v1 =	vsub.f32 v1, v6;
	v20 =	vld [tilespmem:s11+$0x10];
	[tilespmem:s11+$0x2860] =	vst v16  }
0x40: {  	v6 =	vcvt.s32.f32 v12;
	v11 =	vmul.u32 $0x1004, v12;
	[tilespmem:s11+$0x1000] =	vst v4;
	v4 =	vadd.s32 $0x802, v5  }
0x41: {  	v8 =	vsel vm0, v8, v15;
	v12 =	vld [tilespmem:s11+$0x820];
	[tilespmem:s11+$0x3860] =	vst v13  }
0x42: {  	v3 =	vsub.f32 v3, v6;
	v13 =	vadd.f32 $4.096000000e+03, v7;
	[tilespmem:s11+$0x1850] =	vst v1;
	v1 =	vtrunc.f32 v8  }
0x43: {  	vm0 =	vge.f32 v7, $1.000000000e+00;
	v6 =	vadd.f32 $4.096000000e+03, v17;
	[tilespmem:s11+$0x2050] =	vst v9;
	v1 =	vcvt.f32.s32 v1  }
0x44: {  	vm2 =	vge.f32 v17, $1.000000000e+00;
	[tilespmem:s11+$0x4000] =	vst v10;
	v9 =	vld [tilespmem:s11+$0x810];
	vm1 =	vge.f32 v20, $1.000000000e+00;
	v10 =	vadd.f32 $4.096000000e+03, v20  }
0x45: {  	v6 =	vsel vm2, v17, v6;
	[tilespmem:s11+$0x3050] =	vst v14;
	v14 =	vcvt.s32.f32 v1;
	v1 =	vadd.s32 v1, v11  }
0x46: {  	vm2 =	vge.f32 v12, $1.000000000e+00;
	[tilespmem:s11+$0x2070] =	vst v1;
	v11 =	vshrl.u32 v1, $0x1;
	v1 =	vadd.s32 $0x1, v1  }
0x47: {  	v15 =	vadd.f32 $4.096000000e+03, v12;
	v16 =	vld [tilespmem:s11+$0x830];
	[tilespmem:s11+$0x1070] =	vst v3;
	v3 =	vsub.f32 v8, v14;
	v1 =	vshrl.u32 v1, $0x1  }
0x48: {  	v8 =	vsel vm1, v20, v10;
	v10 =	vtrunc.f32 v6;
	[tilespmem:s11+$0x3060] =	vst v5;
	v5 =	vadd.s32 $0x802, v1  }
0x49: {  	v7 =	vsel vm0, v7, v13;
	v12 =	vsel vm2, v12, v15;
	v14 =	vadd.f32 $4.096000000e+03, v9;
	[tilespmem:s11+$0x2870] =	vst v11  }
0x4a: {  	v13 =	vtrunc.f32 v7;
	v10 =	vcvt.f32.s32 v10;
	vm0 =	vge.f32 v9, $1.000000000e+00;
	[tilespmem:s11+$0x1870] =	vst v3  }
0x4b: {  	v15 =	vtrunc.f32 v12;
	v11 =	vadd.s32 $0x802, v11;
	v3 =	vtrunc.f32 v8;
	[tilespmem:s11+$0x3850] =	vst v18  }
0x4c: {  	v13 =	vcvt.f32.s32 v13;
	v15 =	vcvt.f32.s32 v15;
	vm1 =	vge.f32 v16, $1.000000000e+00;
	[tilespmem:s11+$0x3870] =	vst v11  }
0x4d: {  	v9 =	vsel vm0, v9, v14;
	v3 =	vcvt.f32.s32 v3;
	v11 =	vcvt.s32.f32 v10;
	[tilespmem:s11+$0x3070] =	vst v1  }
0x4e: {  	v14 =	vcvt.s32.f32 v15;
	v17 =	vadd.f32 $4.096000000e+03, v16;
	v1 =	vtrunc.f32 v9;
	[tilespmem:s11+$0x4070] =	vst v5  }
0x4f: {  	v10 =	vmul.u32 $0x1004, v10;
	v1 =	vcvt.f32.s32 v1;
	v5 =	vmul.u32 $0x1004, v3;
	[tilespmem:s11+$0x4050] =	vst v19  }
0x50: {  	v12 =	vsub.f32 v12, v14;
	v14 =	vsel vm1, v16, v17;
	v16 =	vmul.u32 $0x1004, v13;
	[tilespmem:s11+$0x4060] =	vst v4  }
0x51: {  	v13 =	vcvt.s32.f32 v13;
	v4 =	vadd.s32 v1, v5;
	v5 =	vtrunc.f32 v14;
	[tilespmem:s11+$0x1860] =	vst v2  }
0x52: {  	v10 =	vadd.s32 v15, v10;
	v2 =	vadd.s32 $0x1, v4;
	v5 =	vcvt.f32.s32 v5;
	[tilespmem:s11+$0x2010] =	vst v4  }
0x53: {  	v15 =	vshrl.u32 v10, $0x1;
	v7 =	vsub.f32 v7, v13;
	[tilespmem:s11+$0x2020] =	vst v10;
	v10 =	vadd.s32 $0x1, v10  }
0x54: {  	v2 =	vshrl.u32 v2, $0x1;
	[tilespmem:s11+$0x1820] =	vst v12;
	v12 =	vcvt.s32.f32 v5;
	v5 =	vadd.s32 v5, v16;
	v13 =	vld [tilespmem:s11+$0x40]  }
0x55: {  	v3 =	vcvt.s32.f32 v3;
	[tilespmem:s11+$0x3010] =	vst v2;
	v2 =	vadd.s32 $0x802, v2;
	v16 =	vadd.s32 $0x1, v5  }
0x56: {  	v4 =	vshrl.u32 v4, $0x1;
	[tilespmem:s11+$0x4010] =	vst v2;
	v2 =	vsub.f32 v6, v11;
	v6 =	vsub.f32 v14, v12;
	v11 =	vld [tilespmem:s11+$0x840]  }
0x57: {  	v3 =	vsub.f32 v8, v3;
	v1 =	vcvt.s32.f32 v1;
	[tilespmem:s11+$0x2810] =	vst v4;
	v4 =	vadd.s32 $0x802, v4  }
0x58: {  	v8 =	vshrl.u32 v10, $0x1;
	v10 =	vshrl.u32 v5, $0x1;
	v12 =	vshrl.u32 v16, $0x1;
	[tilespmem:s11+$0x2820] =	vst v15  }
0x59: {  	v1 =	vsub.f32 v9, v1;
	[tilespmem:s11+$0x1830] =	vst v6;
	v6 =	vadd.s32 $0x802, v12;
	v9 =	vadd.f32 $4.096000000e+03, v13  }
0x5a: {  	v14 =	vadd.s32 $0x802, v15;
	vm0 =	vge.f32 v13, $1.000000000e+00;
	[tilespmem:s11+$0x3020] =	vst v8;
	v8 =	vadd.s32 $0x802, v8  }
0x5b: {  	[tilespmem:s11+$0x1010] =	vst v3;
	v3 =	vadd.s32 $0x802, v10;
	v9 =	vsel vm0, v13, v9;
	v13 =	vadd.f32 $4.096000000e+03, v11  }
0x5c: {  	vm0 =	vge.f32 v11, $1.000000000e+00;
	[tilespmem:s11+$0x2030] =	vst v5;
	v5 =	vtrunc.f32 v9  }
0x5d: {  	[tilespmem:s11+$0x3810] =	vst v4;
	v4 =	vsel vm0, v11, v13;
	v5 =	vcvt.f32.s32 v5  }
0x5e: {  	[tilespmem:s11+$0x4020] =	vst v8;
	v8 =	vtrunc.f32 v4  }
0x5f: {  	[tilespmem:s11+$0x1020] =	vst v2;
	v2 =	vcvt.f32.s32 v8;
	v8 =	vcvt.s32.f32 v5;
	v5 =	vmul.u32 $0x1004, v5  }
0x60: {  	[tilespmem:s11+$0x1810] =	vst v1  }
0x61: {  	[tilespmem:s11+$0x2830] =	vst v10;
	v1 =	vsub.f32 v9, v8;
	v8 =	vcvt.s32.f32 v2;
	v2 =	vadd.s32 v2, v5  }
0x62: {  	[tilespmem:s11+$0x2040] =	vst v2;
	v5 =	vshrl.u32 v2, $0x1;
	v2 =	vadd.s32 $0x1, v2  }
0x63: {  	[tilespmem:s11+$0x1030] =	vst v7;
	v4 =	vsub.f32 v4, v8;
	v2 =	vshrl.u32 v2, $0x1;
	v7 =	vadd.s32 $0x802, v5  }
0x64: {  	[tilespmem:s11+$0x2840] =	vst v5;
	v5 =	vadd.s32 $0x802, v2  }
0x65: {  	[tilespmem:s11+$0x1840] =	vst v4  }
0x66: {  	[tilespmem:s11+$0x3820] =	vst v14  }
0x67: {  	[tilespmem:s11+$0x3030] =	vst v12  }
0x68: {  	[tilespmem:s11+$0x1040] =	vst v1  }
0x69: {  	[tilespmem:s11+$0x3830] =	vst v3  }
0x6a: {  	[tilespmem:s11+$0x4030] =	vst v6  }
0x6b: {  	[tilespmem:s11+$0x3840] =	vst v7  }
0x6c: {  	s16 =	sadd.s32 $0x2800, s11;
	[tilespmem:s11+$0x3040] =	vst v2  }
0x6d: {  	s17 =	sadd.s32 $0x3000, s11;
	s18 =	sadd.s32 $0x4000, s12;
	[tilespmem:s11+$0x4040] =	vst v5  }
0x6e: {  	[tilespmem:s12], [sflag:$0x1] =	stream.indirect.gather [hbm4b:s3+s0], $0x8, s16, s0, $0xb8;
	[tilespmem:$0x16800] =	vst v63  }
0x6f: {  	s19 =	sadd.s32 $0x8000, s12;
	s16 =	sadd.s32 $0x3800, s11  }
0x70: {  	[tilespmem:s18], [sflag:$0x1] =	stream.indirect.gather [hbm4b:s3+s0], $0x8, s17, s0, $0xb8;
	[tilespmem:$0x16800] =	vst v63  }
0x71: {  	s17 =	sadd.s32 $0x4000, s11;
	s18 =	sadd.s32 $0xC000, s12;
	s12 =	smov.u32 s14  }
0x72: {  	[tilespmem:s19], [sflag:$0x1] =	stream.indirect.gather [hbm4b:s3+s0], $0x8, s16, s0, $0xb8;
	[tilespmem:$0x16800] =	vst v63  }
0x73: {  	s11 =	sshra.s32 s15, $0x2  }
0x74: {  	[tilespmem:s18], [sflag:$0x1] =	stream.indirect.gather [hbm4b:s3+s0], $0x8, s17, s0, $0xb8;
	[tilespmem:$0x16800] =	vst v63  }
0x75: {  	v1 =	vld [tilespmem:s11+$0x850]  }
0x76: {  	v3 =	vld [tilespmem:s11+$0x70]  }
0x77: {  	v2 =	vld [tilespmem:s11+$0x50]  }
0x78: {  	v4 =	vld [tilespmem:s11+$0x60]  }
0x79: {  	v5 =	vld [tilespmem:s11+$0x0]  }
0x7a: {  	v6 =	vadd.f32 $4.096000000e+03, v1;
	v8 =	vld [tilespmem:s11+$0x860]  }
0x7b: {  	vm0 =	vge.f32 v1, $1.000000000e+00;
	v9 =	vld [tilespmem:s11+$0x800];
	v10 =	vadd.f32 $4.096000000e+03, v3  }
0x7c: {  	v7 =	vadd.f32 $4.096000000e+03, v2;
	v1 =	vsel vm0, v1, v6;
	vm0 =	vge.f32 v3, $1.000000000e+00  }
0x7d: {  	vm1 =	vge.f32 v2, $1.000000000e+00;
	v6 =	vtrunc.f32 v1;
	v11 =	vadd.f32 $4.096000000e+03, v4  }
0x7e: {  	v12 =	vadd.f32 $4.096000000e+03, v5;
	v13 =	vsel vm1, v2, v7;
	vm1 =	vge.f32 v4, $1.000000000e+00  }
0x7f: {  	vm2 =	vge.f32 v5, $1.000000000e+00;
	v11 =	vsel vm1, v4, v11;
	v2 =	vadd.f32 $4.096000000e+03, v8  }
0x80: {  	v4 =	vsel vm2, v5, v12;
	vm1 =	vge.f32 v9, $1.000000000e+00;
	v5 =	vtrunc.f32 v11  }
0x81: {  	v12 =	vadd.f32 $4.096000000e+03, v9;
	v7 =	vtrunc.f32 v4;
	v5 =	vcvt.f32.s32 v5  }
0x82: {  	v6 =	vcvt.f32.s32 v6;
	vm2 =	vge.f32 v8, $1.000000000e+00;
	v7 =	vcvt.f32.s32 v7  }
0x83: {  	v9 =	vsel vm1, v9, v12;
	v12 =	vcvt.s32.f32 v5;
	v16 =	vmul.u32 $0x1004, v5  }
0x84: {  	v2 =	vsel vm2, v8, v2;
	v5 =	vtrunc.f32 v9;
	v14 =	vmul.u32 $0x1004, v7  }
0x85: {  	v3 =	vsel vm0, v3, v10;
	v8 =	vtrunc.f32 v13;
	v5 =	vcvt.f32.s32 v5  }
0x86: {  	v8 =	vcvt.f32.s32 v8;
	v10 =	vtrunc.f32 v2;
	v11 =	vsub.f32 v11, v12  }
0x87: {  	v17 =	vcvt.f32.s32 v10;
	v12 =	vcvt.s32.f32 v5;
	v5 =	vadd.s32 v5, v14  }
.Ltmp0:
0x88: {  	v15 =	vcvt.s32.f32 v8;
	v14 =	vshrl.u32 v5, $0x1;
	[tilespmem:s11+$0x2000] =	vst v5;
	v5 =	vadd.s32 $0x1, v5;
	(pc) =	sbr.rel @p0 .LBB2_2-.Ltmp0, $4  }
0x89: {  	v18 =	vmul.u32 $0x1004, v8;
	v9 =	vsub.f32 v9, v12;
	v12 =	vadd.s32 $0x802, v14;
	[tilespmem:s11+$0x1060] =	vst v11;
	v8 =	vld [tilespmem:s11+$0x870]  }
0x8a: {  	v15 =	vsub.f32 v13, v15;
	v10 =	vshrl.u32 v5, $0x1;
	[tilespmem:s11+$0x3800] =	vst v12;
	v12 =	vtrunc.f32 v3  }
0x8b: {  	v5 =	vcvt.s32.f32 v17;
	v17 =	vadd.s32 v17, v16;
	[tilespmem:s11+$0x1800] =	vst v9;
	v9 =	vadd.s32 v6, v18  }
0x8c: {  	v11 =	vadd.s32 $0x1, v17;
	[tilespmem:s11+$0x3000] =	vst v10;
	v13 =	vshrl.u32 v9, $0x1;
	v16 =	vadd.s32 $0x1, v9  }
0x8d: {  	[tilespmem:s11+$0x2800] =	vst v14  }
0x8e: {  	[tilespmem:s11+$0x2060] =	vst v17  }
0x8f: {  	[tilespmem:s11+$0x1050] =	vst v15  }
0x90: {  	[tilespmem:s11+$0x2850] =	vst v13  }
0x91: {  	v63 =	vshrl.u32 v17, $0x1;
	[tilespmem:s11+$0x2050] =	vst v9  }
0x92: {  	v7 =	vcvt.s32.f32 v7;
	v11 =	vshrl.u32 v11, $0x1;
	[tilespmem:s11+$0x2860] =	vst v63  }
0x93: {  	v62 =	vld [tilespmem:s11+$0x20];
	v6 =	vcvt.s32.f32 v6;
	v12 =	vcvt.f32.s32 v12;
	v26 =	vadd.s32 $0x802, v13;
	[tilespmem:s11+$0x3060] =	vst v11  }
0x94: {  	v20 =	vld [tilespmem:s11+$0x10];
	v2 =	vsub.f32 v2, v5;
	v17 =	vadd.s32 $0x802, v63;
	[tilespmem:s11+$0x3850] =	vst v26;
	v4 =	vsub.f32 v4, v7  }
0x95: {  	v22 =	vld [tilespmem:s11+$0x820];
	v21 =	vadd.f32 $4.096000000e+03, v8;
	v1 =	vsub.f32 v1, v6;
	[tilespmem:s11+$0x3860] =	vst v17  }
0x96: {  	v25 =	vld [tilespmem:s11+$0x810];
	vm0 =	vge.f32 v8, $1.000000000e+00;
	v37 =	vadd.s32 $0x802, v11;
	v24 =	vcvt.s32.f32 v12;
	[tilespmem:s11+$0x1000] =	vst v4  }
0x97: {  	v23 =	vmul.u32 $0x1004, v12;
	v4 =	vsel vm0, v8, v21;
	[tilespmem:s11+$0x1850] =	vst v1;
	v1 =	vadd.s32 $0x802, v10  }
0x98: {  	v3 =	vsub.f32 v3, v24;
	v8 =	vtrunc.f32 v4;
	[tilespmem:s11+$0x4000] =	vst v1;
	v1 =	vshrl.u32 v16, $0x1  }
0x99: {  	[tilespmem:s11+$0x4060] =	vst v37;
	v27 =	vadd.f32 $4.096000000e+03, v62;
	vm9 =	vge.f32 v62, $1.000000000e+00;
	vm1 =	vge.f32 v20, $1.000000000e+00  }
0x9a: {  	[tilespmem:s11+$0x1860] =	vst v2;
	v29 =	vadd.f32 $4.096000000e+03, v20;
	vm10 =	vge.f32 v22, $1.000000000e+00;
	v30 =	vadd.f32 $4.096000000e+03, v22  }
0x9b: {  	v32 =	vadd.f32 $4.096000000e+03, v25;
	v8 =	vcvt.f32.s32 v8;
	[tilespmem:s11+$0x3050] =	vst v1;
	v1 =	vadd.s32 $0x802, v1  }
0x9c: {  	[tilespmem:s11+$0x1070] =	vst v3;
	v10 =	vsel vm9, v62, v27;
	v7 =	vsel vm1, v20, v29;
	v6 =	vsel vm10, v22, v30  }
0x9d: {  	[tilespmem:s11+$0x4050] =	vst v1;
	v9 =	vadd.s32 v8, v23;
	v8 =	vcvt.s32.f32 v8;
	v15 =	vtrunc.f32 v10  }
0x9e: {  	v34 =	vtrunc.f32 v7;
	[tilespmem:s11+$0x2070] =	vst v9;
	v3 =	vshrl.u32 v9, $0x1;
	v9 =	vadd.s32 $0x1, v9  }
0x9f: {  	v33 =	vcvt.f32.s32 v15;
	v35 =	vcvt.f32.s32 v34;
	[tilespmem:s11+$0x2870] =	vst v3;
	v3 =	vadd.s32 $0x802, v3  }
0xa0: {  	v4 =	vsub.f32 v4, v8;
	v9 =	vshrl.u32 v9, $0x1;
	[tilespmem:s11+$0x3870] =	vst v3;
	v3 =	vtrunc.f32 v6  }
0xa1: {  	v28 =	vld [tilespmem:s11+$0x830];
	[tilespmem:s11+$0x3070] =	vst v9;
	v39 =	vmul.u32 $0x1004, v33;
	v12 =	vcvt.s32.f32 v35;
	v3 =	vcvt.f32.s32 v3  }
0xa2: {  	vm11 =	vge.f32 v25, $1.000000000e+00;
	v31 =	vadd.s32 $0x802, v9;
	v8 =	vcvt.s32.f32 v33;
	[tilespmem:s11+$0x1870] =	vst v4  }
0xa3: {  	v61 =	vld [tilespmem:s11+$0x30];
	v4 =	vsel vm11, v25, v32;
	[tilespmem:s11+$0x4070] =	vst v31;
	v7 =	vsub.f32 v7, v12;
	v2 =	vadd.s32 v3, v39  }
0xa4: {  	v36 =	vtrunc.f32 v4;
	v8 =	vsub.f32 v10, v8;
	[tilespmem:s11+$0x2020] =	vst v2  }
0xa5: {  	v47 =	vld [tilespmem:s11+$0x840];
	v38 =	vmul.u32 $0x1004, v35;
	v5 =	vcvt.f32.s32 v36;
	[tilespmem:s11+$0x1010] =	vst v7  }
0xa6: {  	v40 =	vadd.f32 $4.096000000e+03, v28;
	vm12 =	vge.f32 v28, $1.000000000e+00;
	v48 =	vshrl.u32 v2, $0x1;
	[tilespmem:s11+$0x1020] =	vst v8  }
0xa7: {  	v1 =	vcvt.s32.f32 v3;
	v2 =	vadd.s32 $0x1, v2;
	v11 =	vadd.s32 v5, v38;
	[tilespmem:s11+$0x2820] =	vst v48  }
0xa8: {  	v41 =	vadd.f32 $4.096000000e+03, v61;
	vm13 =	vge.f32 v61, $1.000000000e+00;
	v2 =	vshrl.u32 v2, $0x1;
	[tilespmem:s11+$0x2010] =	vst v11  }
0xa9: {  	v3 =	vsel vm12, v28, v40;
	v1 =	vsub.f32 v6, v1;
	v62 =	vadd.s32 $0x802, v48;
	[tilespmem:s11+$0x3020] =	vst v2  }
0xaa: {  	v50 =	vadd.f32 $4.096000000e+03, v47;
	vm15 =	vge.f32 v47, $1.000000000e+00;
	v9 =	vtrunc.f32 v3;
	[tilespmem:s11+$0x3820] =	vst v62  }
0xab: {  	v42 =	vadd.s32 $0x1, v11;
	v11 =	vshrl.u32 v11, $0x1;
	[tilespmem:s11+$0x1820] =	vst v1;
	v1 =	vcvt.f32.s32 v9  }
0xac: {  	v44 =	vld [tilespmem:s11+$0x40];
	v7 =	vsel vm15, v47, v50;
	v6 =	vsel vm13, v61, v41;
	v2 =	vadd.s32 $0x802, v2;
	[tilespmem:s11+$0x2810] =	vst v11  }
0xad: {  	v14 =	vtrunc.f32 v6;
	v43 =	vshrl.u32 v42, $0x1;
	[tilespmem:s11+$0x4020] =	vst v2;
	v45 =	vcvt.s32.f32 v1  }
0xae: {  	v5 =	vcvt.s32.f32 v5;
	v46 =	vcvt.f32.s32 v14;
	v51 =	vadd.s32 $0x802, v11;
	[tilespmem:s11+$0x3010] =	vst v43  }
0xaf: {  	v2 =	vtrunc.f32 v7;
	v9 =	vadd.s32 $0x802, v43;
	[tilespmem:s11+$0x3810] =	vst v51;
	v3 =	vsub.f32 v3, v45  }
0xb0: {  	v4 =	vsub.f32 v4, v5;
	v2 =	vcvt.f32.s32 v2;
	[tilespmem:s11+$0x4010] =	vst v9;
	v49 =	vmul.u32 $0x1004, v46  }
0xb1: {  	v54 =	vcvt.s32.f32 v46;
	[tilespmem:s11+$0x1830] =	vst v3;
	v3 =	vadd.f32 $4.096000000e+03, v44  }
0xb2: {  	vm14 =	vge.f32 v44, $1.000000000e+00;
	[tilespmem:s11+$0x1810] =	vst v4;
	v58 =	vcvt.s32.f32 v2;
	v1 =	vadd.s32 v1, v49  }
0xb3: {  	v57 =	vsub.f32 v6, v54;
	[tilespmem:s11+$0x2030] =	vst v1;
	v56 =	vshrl.u32 v1, $0x1;
	v3 =	vsel vm14, v44, v3  }
0xb4: {  	v60 =	vsub.f32 v7, v58;
	[tilespmem:s11+$0x2830] =	vst v56;
	v52 =	vtrunc.f32 v3  }
0xb5: {  	v1 =	vadd.s32 $0x1, v1;
	[tilespmem:s11+$0x1030] =	vst v57;
	v53 =	vcvt.f32.s32 v52  }
0xb6: {  	v1 =	vshrl.u32 v1, $0x1;
	[tilespmem:s11+$0x1840] =	vst v60  }
0xb7: {  	v63 =	vadd.s32 $0x802, v56;
	[tilespmem:s11+$0x3030] =	vst v1;
	v55 =	vmul.u32 $0x1004, v53  }
0xb8: {  	v1 =	vadd.s32 $0x802, v1;
	[tilespmem:s11+$0x3830] =	vst v63;
	v61 =	vcvt.s32.f32 v53  }
0xb9: {  	[tilespmem:s11+$0x4030] =	vst v1;
	v2 =	vadd.s32 v2, v55  }
0xba: {  	v3 =	vsub.f32 v3, v61;
	[tilespmem:s11+$0x2040] =	vst v2;
	v59 =	vshrl.u32 v2, $0x1  }
0xbb: {  	[tilespmem:s11+$0x2840] =	vst v59  }
0xbc: {  	v2 =	vadd.s32 $0x1, v2;
	[tilespmem:s11+$0x1040] =	vst v3;
	v3 =	vadd.s32 $0x802, v59  }
0xbd: {  	v1 =	vshrl.u32 v2, $0x1;
	[tilespmem:s11+$0x3840] =	vst v3  }
0xbe: {  	v2 =	vadd.s32 $0x802, v1;
	[tilespmem:s11+$0x3040] =	vst v1  }
0xbf: {  	s13 =	sadd.s32 $0x2800, s11;
	[tilespmem:s11+$0x4040] =	vst v2  }
0xc0: {  	[tilespmem:s12], [sflag:$0x1] =	stream.indirect.gather [hbm4b:s3+s0], $0x8, s13, s0, $0xb8;
	[tilespmem:$0x16800] =	vst v63  }
0xc1: {  	s15 =	sadd.s32 $0x3000, s11;
	s14 =	sadd.s32 $0x4000, s12  }
0xc2: {  	[tilespmem:s14], [sflag:$0x1] =	stream.indirect.gather [hbm4b:s3+s0], $0x8, s15, s0, $0xb8;
	[tilespmem:$0x16800] =	vst v63  }
0xc3: {  	s16 =	sadd.s32 $0x3800, s11;
	s17 =	sadd.s32 $0x8000, s12  }
0xc4: {  	[tilespmem:s17], [sflag:$0x1] =	stream.indirect.gather [hbm4b:s3+s0], $0x8, s16, s0, $0xb8;
	[tilespmem:$0x16800] =	vst v63  }
0xc5: {  	s18 =	sadd.s32 $0x4000, s11;
	s19 =	sadd.s32 $0xC000, s12;
	s11 =	simm.s32 $0x40  }
0xc6: {  	[tilespmem:s19], [sflag:$0x1] =	stream.indirect.gather [hbm4b:s3+s0], $0x8, s18, s0, $0xb8;
	[tilespmem:$0x16800] =	vst v63  }
.LBB2_4:
0xc7: {  	p0 =	sne.s32 s11, $0x1  }
.Ltmp1:
0xc8: {  	_ = 	snop;
	(pc) =	sbr.rel @p0 .LBB2_4-.Ltmp1, $4  }
0xc9: {  	_ = 	snop  }
0xca: {  	_ =	swait.ge [sflag:s2], $0x400  }
0xcb: {  	[sflag:s2] =	ssyncset.done $0x0  }
0xcc: {  	s11 =	sadd.s32 $0xFFFFFFFF, s11;
	[sflag:s2] =	ssyncadd.s32 $0xFFFFFC00  }
0xcd: {  	s11 =	simm.s32 $0x2000  }
0xce: {  	v2 =	vld [tilespmem:s11+$0x0];
	_ =	sdelay $0x2  }
0xcf: {  	s12 =	simm.s32 $0x0  }
0xd0: {  	v1 =	vmov s12  }
0xd1: {  	v4 =	vshll.u32 v1, $0x3;
	v1 =	vor.u32 $0x4000, v0;
	v2 =	vshll.u32 v2, $0x2  }
0xd2: {  	v6 =	vor.u32 v0, v4;
	v7 =	vor.u32 v1, v4;
	v8 =	vand.u32 $0x4, v2  }
0xd3: {  	v2 =	vor.u32 $0x8000, v0;
	v5 =	vxor.u32 $0x4, v8;
	v9 =	vor.u32 v6, v8  }
0xd4: {  	v3 =	vor.u32 $0xC000, v0;
	v10 =	vor.u32 v2, v4;
	v11 =	vor.u32 v7, v5  }
0xd5: {  	v12 =	vor.u32 v3, v4;
	v4 =	vor.u32 v10, v8  }
0xd6: {  	v5 =	vor.u32 v12, v5;
	_ =	sdelay $0x1  }
0xd7: {  	v9 =	vld.idx.msk [tilespmem:v9+s4+$0x0], $0xffff  }
0xd8: {  	v11 =	vld.idx.msk [tilespmem:v11+s4+$0x0], $0xffff  }
0xd9: {  	v13 =	vld.idx.msk [tilespmem:v4+s4+$0x0], $0xffff  }
0xda: {  	v14 =	vld.idx.msk [tilespmem:v5+s4+$0x0], $0xffff  }
0xdb: {  	s12 =	simm.s32 $0x1000  }
0xdc: {  	v4 =	vld [tilespmem:s12+$0x0];
	_ =	sdelay $0x2  }
0xdd: {  	v5 =	vsub.f32 v9, v13;
	v9 =	vsub.f32 v11, v14;
	_ =	sdelay $0x1  }
0xde: {  	s13 =	simm.s32 $0x1800;
	v11 =	vmul.f32 v5, v4;
	v9 =	vmul.f32 v9, v4  }
0xdf: {  	v5 =	vld [tilespmem:s13+$0x0]  }
0xe0: {  	v11 =	vadd.f32 v11, v13;
	v9 =	vadd.f32 v9, v14;
	_ =	sdelay $0x1  }
0xe1: {  	v11 =	vsub.f32 v11, v9  }
0xe2: {  	v55 =	vor.u32 $0x1, v8  }
0xe3: {  	v56 =	vxor.u32 $0x5, v8;
	v15 =	vor.u32 v10, v55;
	v11 =	vmul.f32 v11, v5  }
0xe4: {  	v16 =	vor.u32 v12, v56  }
0xe5: {  	v13 =	vor.u32 v6, v55;
	v9 =	vadd.f32 v11, v9  }
0xe6: {  	s14 =	simm.s32 $0x15800;
	v11 =	vor.u32 v7, v56  }
0xe7: {  	[tilespmem:s14+$0xFFFFF000] =	vst v9  }
0xe8: {  	v9 =	vld.idx.msk [tilespmem:v15+s4+$0x0], $0xffff  }
0xe9: {  	v57 =	vld.idx.msk [tilespmem:v16+s4+$0x0], $0xffff  }
0xea: {  	v13 =	vld.idx.msk [tilespmem:v13+s4+$0x0], $0xffff  }
0xeb: {  	v11 =	vld.idx.msk [tilespmem:v11+s4+$0x0], $0xffff;
	_ =	sdelay $0x4  }
0xec: {  	v13 =	vsub.f32 v13, v9;
	v11 =	vsub.f32 v11, v57;
	_ =	sdelay $0x1  }
0xed: {  	v13 =	vmul.f32 v13, v4;
	v11 =	vmul.f32 v11, v4;
	_ =	sdelay $0x1  }
0xee: {  	v9 =	vadd.f32 v13, v9;
	v11 =	vadd.f32 v11, v57;
	_ =	sdelay $0x1  }
0xef: {  	v9 =	vsub.f32 v9, v11  }
0xf0: {  	v58 =	vor.u32 $0x2, v8  }
0xf1: {  	v59 =	vor.u32 v6, v58;
	v9 =	vmul.f32 v9, v5  }
0xf2: {  	v60 =	vxor.u32 $0x6, v8;
	v13 =	vor.u32 v10, v58  }
0xf3: {  	v61 =	vor.u32 v7, v60;
	v9 =	vadd.f32 v9, v11  }
0xf4: {  	v11 =	vor.u32 v12, v60  }
0xf5: {  	[tilespmem:s14+$0xFFFFF800] =	vst v9  }
0xf6: {  	v9 =	vld.idx.msk [tilespmem:v59+s4+$0x0], $0xffff  }
0xf7: {  	v13 =	vld.idx.msk [tilespmem:v13+s4+$0x0], $0xffff  }
0xf8: {  	v62 =	vld.idx.msk [tilespmem:v61+s4+$0x0], $0xffff  }
0xf9: {  	v11 =	vld.idx.msk [tilespmem:v11+s4+$0x0], $0xffff;
	_ =	sdelay $0x4  }
0xfa: {  	v9 =	vsub.f32 v9, v13;
	v14 =	vsub.f32 v62, v11;
	_ =	sdelay $0x1  }
0xfb: {  	v9 =	vmul.f32 v9, v4;
	v14 =	vmul.f32 v14, v4;
	_ =	sdelay $0x1  }
0xfc: {  	v9 =	vadd.f32 v9, v13;
	v11 =	vadd.f32 v14, v11;
	_ =	sdelay $0x1  }
0xfd: {  	v9 =	vsub.f32 v9, v11  }
0xfe: {  	v63 =	vor.u32 $0x3, v8  }
0xff: {  	v8 =	vxor.u32 $0x7, v8;
	v6 =	vor.u32 v6, v63;
	v9 =	vmul.f32 v9, v5  }
0x100: {  	v7 =	vor.u32 v7, v8  }
0x101: {  	v10 =	vor.u32 v10, v63;
	v9 =	vadd.f32 v9, v11  }
0x102: {  	v11 =	vor.u32 v12, v8  }
0x103: {  	[tilespmem:s14+$0x0] =	vst v9  }
0x104: {  	v8 =	vld.idx.msk [tilespmem:v6+s4+$0x0], $0xffff  }
0x105: {  	v9 =	vld.idx.msk [tilespmem:v7+s4+$0x0], $0xffff  }
0x106: {  	v6 =	vld.idx.msk [tilespmem:v10+s4+$0x0], $0xffff  }
0x107: {  	v7 =	vld.idx.msk [tilespmem:v11+s4+$0x0], $0xffff;
	_ =	sdelay $0x2  }
0x108: {  	s15 =	simm.s32 $0x10;
	s16 =	simm.s32 $0x15810  }
.LBB2_6:
0x109: {  	s12 =	sadd.s32 $0x10, s12;
	s13 =	sadd.s32 $0x10, s13;
	s11 =	sadd.s32 $0x10, s11  }
0x10a: {  	p0 =	sne.s32 s15, $0x7F0;
	v9 =	vsub.f32 v9, v7;
	v8 =	vsub.f32 v8, v6;
	s17 =	smov.u32 s15;
	s15 =	sadd.s32 $0x10, s15  }
0x10b: {  	_ = 	snop  }
0x10c: {  	v9 =	vmul.f32 v9, v4;
	v4 =	vmul.f32 v8, v4;
	_ =	sdelay $0x1  }
0x10d: {  	v7 =	vadd.f32 v9, v7;
	v4 =	vadd.f32 v4, v6;
	_ =	sdelay $0x1  }
0x10e: {  	v4 =	vsub.f32 v4, v7;
	_ =	sdelay $0x1  }
0x10f: {  	v4 =	vmul.f32 v4, v5;
	_ =	sdelay $0x1  }
0x110: {  	v4 =	vadd.f32 v4, v7;
	_ =	sdelay $0x1  }
0x111: {  	[tilespmem:s14+$0x800] =	vst v4;
	s14 =	smov.u32 s16  }
0x112: {  	v4 =	vld [tilespmem:s11+$0x0];
	_ =	sdelay $0x1  }
0x113: {  	v5 =	vmov s17  }
0x114: {  	v5 =	vshll.u32 v5, $0x3  }
0x115: {  	v6 =	vor.u32 v0, v5;
	v7 =	vor.u32 v1, v5  }
0x116: {  	v8 =	vor.u32 v3, v5;
	v4 =	vshll.u32 v4, $0x2  }
0x117: {  	v5 =	vor.u32 v2, v5;
	v4 =	vand.u32 $0x4, v4  }
0x118: {  	v9 =	vxor.u32 $0x4, v4;
	v10 =	vor.u32 v6, v4;
	v11 =	vor.u32 v5, v4  }
0x119: {  	v13 =	vor.u32 $0x1, v4;
	v12 =	vor.u32 v7, v9;
	v9 =	vor.u32 v8, v9  }
0x11a: {  	v14 =	vxor.u32 $0x5, v4;
	v15 =	vor.u32 v6, v13;
	v13 =	vor.u32 v5, v13  }
0x11b: {  	v17 =	vor.u32 $0x2, v4;
	v16 =	vor.u32 v7, v14;
	v14 =	vor.u32 v8, v14  }
0x11c: {  	v18 =	vxor.u32 $0x6, v4;
	v19 =	vor.u32 v6, v17;
	v17 =	vor.u32 v5, v17  }
0x11d: {  	v21 =	vor.u32 $0x3, v4;
	v20 =	vor.u32 v7, v18;
	v18 =	vor.u32 v8, v18;
	v10 =	vld.idx.msk [tilespmem:v10+s4+$0x0], $0xffff  }
0x11e: {  	v4 =	vxor.u32 $0x7, v4;
	v6 =	vor.u32 v6, v21;
	v21 =	vor.u32 v5, v21;
	v12 =	vld.idx.msk [tilespmem:v12+s4+$0x0], $0xffff  }
0x11f: {  	v7 =	vor.u32 v7, v4;
	v22 =	vor.u32 v8, v4;
	v11 =	vld.idx.msk [tilespmem:v11+s4+$0x0], $0xffff  }
0x120: {  	v8 =	vld.idx.msk [tilespmem:v9+s4+$0x0], $0xffff;
	_ =	sdelay $0x1  }
0x121: {  	v4 =	vld [tilespmem:s12+$0x0];
	_ =	sdelay $0x2  }
0x122: {  	v5 =	vsub.f32 v10, v11  }
0x123: {  	v9 =	vsub.f32 v12, v8  }
0x124: {  	v10 =	vmul.f32 v5, v4  }
0x125: {  	v9 =	vmul.f32 v9, v4  }
0x126: {  	v5 =	vld [tilespmem:s13+$0x0];
	v10 =	vadd.f32 v10, v11  }
0x127: {  	v8 =	vadd.f32 v9, v8;
	_ =	sdelay $0x1  }
0x128: {  	v9 =	vsub.f32 v10, v8;
	_ =	sdelay $0x1  }
0x129: {  	v9 =	vmul.f32 v9, v5;
	_ =	sdelay $0x1  }
0x12a: {  	v8 =	vadd.f32 v9, v8;
	_ =	sdelay $0x1  }
0x12b: {  	[tilespmem:s16+$0xFFFFF000] =	vst v8  }
0x12c: {  	v8 =	vld.idx.msk [tilespmem:v13+s4+$0x0], $0xffff  }
0x12d: {  	v9 =	vld.idx.msk [tilespmem:v14+s4+$0x0], $0xffff  }
0x12e: {  	v10 =	vld.idx.msk [tilespmem:v15+s4+$0x0], $0xffff  }
0x12f: {  	v11 =	vld.idx.msk [tilespmem:v16+s4+$0x0], $0xffff;
	_ =	sdelay $0x4  }
0x130: {  	v10 =	vsub.f32 v10, v8  }
0x131: {  	v11 =	vsub.f32 v11, v9  }
0x132: {  	v10 =	vmul.f32 v10, v4  }
0x133: {  	v11 =	vmul.f32 v11, v4  }
0x134: {  	v8 =	vadd.f32 v10, v8  }
0x135: {  	v9 =	vadd.f32 v11, v9;
	_ =	sdelay $0x1  }
0x136: {  	v8 =	vsub.f32 v8, v9;
	_ =	sdelay $0x1  }
0x137: {  	v8 =	vmul.f32 v8, v5;
	_ =	sdelay $0x1  }
0x138: {  	v8 =	vadd.f32 v8, v9;
	_ =	sdelay $0x1  }
0x139: {  	[tilespmem:s16+$0xFFFFF800] =	vst v8  }
0x13a: {  	v8 =	vld.idx.msk [tilespmem:v19+s4+$0x0], $0xffff  }
0x13b: {  	v9 =	vld.idx.msk [tilespmem:v17+s4+$0x0], $0xffff  }
0x13c: {  	v10 =	vld.idx.msk [tilespmem:v20+s4+$0x0], $0xffff  }
0x13d: {  	v11 =	vld.idx.msk [tilespmem:v18+s4+$0x0], $0xffff;
	_ =	sdelay $0x4  }
0x13e: {  	v8 =	vsub.f32 v8, v9  }
0x13f: {  	v10 =	vsub.f32 v10, v11  }
0x140: {  	v8 =	vmul.f32 v8, v4  }
0x141: {  	v10 =	vmul.f32 v10, v4  }
0x142: {  	v8 =	vadd.f32 v8, v9  }
0x143: {  	v9 =	vadd.f32 v10, v11;
	_ =	sdelay $0x1  }
0x144: {  	v8 =	vsub.f32 v8, v9;
	_ =	sdelay $0x1  }
0x145: {  	v8 =	vmul.f32 v8, v5;
	_ =	sdelay $0x1  }
0x146: {  	v8 =	vadd.f32 v8, v9;
	_ =	sdelay $0x1  }
0x147: {  	[tilespmem:s16+$0x0] =	vst v8  }
0x148: {  	v8 =	vld.idx.msk [tilespmem:v6+s4+$0x0], $0xffff  }
0x149: {  	v9 =	vld.idx.msk [tilespmem:v7+s4+$0x0], $0xffff  }
0x14a: {  	v6 =	vld.idx.msk [tilespmem:v21+s4+$0x0], $0xffff  }
.Ltmp2:
0x14b: {  	v7 =	vld.idx.msk [tilespmem:v22+s4+$0x0], $0xffff;
	(pc) =	sbr.rel @p0 .LBB2_6-.Ltmp2, $2  }
0x14c: {  	_ =	sdelay $0x2  }
0x14d: {  	s16 =	sadd.s32 $0x10, s16  }
0x14e: {  	v9 =	vsub.f32 v9, v7;
	v8 =	vsub.f32 v8, v6;
	_ =	sdelay $0x1  }
0x14f: {  	v9 =	vmul.f32 v9, v4;
	v4 =	vmul.f32 v8, v4;
	_ =	sdelay $0x1  }
0x150: {  	v7 =	vadd.f32 v9, v7;
	v4 =	vadd.f32 v4, v6;
	_ =	sdelay $0x1  }
0x151: {  	v4 =	vsub.f32 v4, v7;
	_ =	sdelay $0x1  }
0x152: {  	v4 =	vmul.f32 v4, v5;
	_ =	sdelay $0x1  }
0x153: {  	v4 =	vadd.f32 v4, v7;
	_ =	sdelay $0x1  }
0x154: {  	s11 =	simm.s32 $0x0;
	[tilespmem:s14+$0x800] =	vst v4  }
0x155: {  	[hbm4b:s5+s11] =	stream.linear.scatter [tilespmem:s6], [sflag:$0x2], $0x800, $0x38;
	[tilespmem:$0x16800] =	vst v63  }
0x156: {  	_ =	swait.ge [sflag:s30], $0x800  }
0x157: {  	[sflag:s30] =	ssyncset.done $0x0  }
0x158: {  	s12 =	rddreg [dreg:$0x5];
	[sflag:s30] =	ssyncadd.s32 $0xFFFFF800  }
0x159: {  	[hbm4b:s12+s11] =	stream.linear.scatter [tilespmem:s7], [sflag:$0x2], $0x800, $0x38;
	[tilespmem:$0x16800] =	vst v63  }
0x15a: {  	_ =	swait.ge [sflag:s30], $0x800  }
0x15b: {  	[sflag:s30] =	ssyncset.done $0x0  }
0x15c: {  	s16 =	rddreg [dreg:$0x6];
	[sflag:s30] =	ssyncadd.s32 $0xFFFFF800  }
0x15d: {  	[hbm4b:s16+s11] =	stream.linear.scatter [tilespmem:s8], [sflag:$0x2], $0x800, $0x38;
	[tilespmem:$0x16800] =	vst v63  }
0x15e: {  	_ =	swait.ge [sflag:s30], $0x800  }
0x15f: {  	[sflag:s30] =	ssyncset.done $0x0  }
0x160: {  	s17 =	rddreg [dreg:$0x7];
	[sflag:s30] =	ssyncadd.s32 $0xFFFFF800  }
0x161: {  	[hbm4b:s17+s11] =	stream.linear.scatter [tilespmem:s9], [sflag:$0x2], $0x800, $0x38;
	[tilespmem:$0x16800] =	vst v63  }
0x162: {  	_ =	swait.ge [sflag:s30], $0x800  }
0x163: {  	[sflag:s30] =	ssyncset.done $0x0  }
0x164: {  	s18 =	rddreg [dreg:$0x8];
	[sflag:s30] =	ssyncadd.s32 $0xFFFFF800  }
0x165: {  	[tilespmem:s11], [sflag:$0x2] =	stream.linear.gather [hbm4b:s18+s11], $0x800, $0x38;
	[tilespmem:$0x16800] =	vst v63  }
0x166: {  	_ =	swait.ge [sflag:s30], $0x800  }
0x167: {  	[sflag:s30] =	ssyncset.done $0x0  }
0x168: {  	s19 =	rddreg [dreg:$0x9];
	[sflag:s30] =	ssyncadd.s32 $0xFFFFF800  }
0x169: {  	[tilespmem:s31], [sflag:$0x2] =	stream.linear.gather [hbm4b:s19+s11], $0x800, $0x38;
	[tilespmem:$0x16800] =	vst v63  }
0x16a: {  	_ =	swait.ge [sflag:s30], $0x800  }
0x16b: {  	[sflag:s30] =	ssyncset.done $0x0  }
0x16c: {  	s11 =	simm.s32 $0x0;
	[sflag:s30] =	ssyncadd.s32 $0xFFFFF800  }
0x16d: {  	v4 =	vld [tilespmem:s11+$0x850]  }
0x16e: {  	v6 =	vld [tilespmem:s11+$0x70]  }
0x16f: {  	v5 =	vld [tilespmem:s11+$0x50]  }
0x170: {  	v7 =	vld [tilespmem:s11+$0x60]  }
0x171: {  	v8 =	vld [tilespmem:s11+$0x0]  }
0x172: {  	v11 =	vld [tilespmem:s11+$0x800];
	_ =	sdelay $0x1  }
0x173: {  	v9 =	vadd.f32 $4.096000000e+03, v4;
	vm0 =	vge.f32 v4, $1.000000000e+00;
	v12 =	vadd.f32 $4.096000000e+03, v6  }
0x174: {  	v10 =	vadd.f32 $4.096000000e+03, v5;
	vm12 =	vge.f32 v6, $1.000000000e+00;
	vm1 =	vge.f32 v5, $1.000000000e+00  }
0x175: {  	v13 =	vadd.f32 $4.096000000e+03, v7;
	v14 =	vadd.f32 $4.096000000e+03, v8;
	vm13 =	vge.f32 v7, $1.000000000e+00  }
0x176: {  	vm2 =	vge.f32 v8, $1.000000000e+00;
	vm14 =	vge.f32 v11, $1.000000000e+00;
	v4 =	vsel vm0, v4, v9  }
0x177: {  	v9 =	vld [tilespmem:s11+$0x860];
	v13 =	vsel vm13, v7, v13;
	v7 =	vsel vm2, v8, v14;
	v8 =	vadd.f32 $4.096000000e+03, v11  }
0x178: {  	v15 =	vsel vm1, v5, v10;
	v5 =	vtrunc.f32 v13;
	v10 =	vtrunc.f32 v7  }
0x179: {  	v14 =	vcvt.f32.s32 v5;
	v10 =	vcvt.f32.s32 v10;
	v8 =	vsel vm14, v11, v8  }
0x17a: {  	v6 =	vsel vm12, v6, v12;
	v16 =	vtrunc.f32 v4;
	v17 =	vtrunc.f32 v8  }
0x17b: {  	v11 =	vcvt.s32.f32 v14;
	v18 =	vmul.u32 $0x1004, v10;
	v17 =	vcvt.f32.s32 v17  }
0x17c: {  	v19 =	vtrunc.f32 v15;
	v5 =	vadd.f32 $4.096000000e+03, v9;
	vm15 =	vge.f32 v9, $1.000000000e+00  }
0x17d: {  	v11 =	vsub.f32 v13, v11;
	v13 =	vadd.s32 v17, v18;
	v12 =	vcvt.s32.f32 v17  }
0x17e: {  	v5 =	vsel vm15, v9, v5;
	v9 =	vcvt.f32.s32 v16;
	v16 =	vcvt.f32.s32 v19  }
0x17f: {  	v14 =	vmul.u32 $0x1004, v14;
	[tilespmem:s11+$0x2000] =	vst v13;
	v17 =	vshrl.u32 v13, $0x1;
	v13 =	vadd.s32 $0x1, v13  }
0x180: {  	v19 =	vtrunc.f32 v5;
	v8 =	vsub.f32 v8, v12;
	v18 =	vcvt.s32.f32 v16  }
0x181: {  	[tilespmem:s11+$0x1060] =	vst v11;
	v12 =	vadd.s32 $0x802, v17;
	v19 =	vcvt.f32.s32 v19;
	v16 =	vmul.u32 $0x1004, v16  }
0x182: {  	v11 =	vld [tilespmem:s11+$0x870];
	v13 =	vshrl.u32 v13, $0x1;
	[tilespmem:s11+$0x3800] =	vst v12;
	v18 =	vsub.f32 v15, v18;
	v15 =	vtrunc.f32 v6  }
0x183: {  	[tilespmem:s11+$0x1800] =	vst v8;
	v12 =	vadd.s32 v9, v16;
	v8 =	vcvt.s32.f32 v19;
	v20 =	vadd.s32 v19, v14  }
0x184: {  	s13 =	simm.s32 $0x4800;
	s14 =	simm.s32 $0x200;
	s12 =	simm.s32 $0x4800;
	[tilespmem:s11+$0x3000] =	vst v13;
	v16 =	vshrl.u32 v12, $0x1;
	v19 =	vadd.s32 $0x1, v12;
	v14 =	vadd.s32 $0x1, v20  }
.LBB2_8:
0x185: {  	p0 =	sne.s32 s14, $0x1E00  }
0x186: {  	v10 =	vcvt.s32.f32 v10;
	[tilespmem:s11+$0x2800] =	vst v17;
	v17 =	vshrl.u32 v19, $0x1;
	v19 =	vshrl.u32 v20, $0x1;
	s13 =	sadd.s32 $0x400, s13;
	s15 =	smov.u32 s14;
	s14 =	sadd.s32 $0x200, s14  }
0x187: {  	v21 =	vadd.s32 $0x802, v16;
	v22 =	vadd.s32 $0x802, v17;
	[tilespmem:s11+$0x2060] =	vst v20;
	vm0 =	vge.f32 v11, $1.000000000e+00  }
0x188: {  	v9 =	vcvt.s32.f32 v9;
	v7 =	vsub.f32 v7, v10;
	v10 =	vld [tilespmem:s11+$0x30];
	[tilespmem:s11+$0x1050] =	vst v18;
	v18 =	vadd.f32 $4.096000000e+03, v11  }
0x189: {  	v13 =	vadd.s32 $0x802, v13;
	v15 =	vcvt.f32.s32 v15;
	v20 =	vld [tilespmem:s11+$0x20];
	[tilespmem:s11+$0x2850] =	vst v16;
	v16 =	vadd.s32 $0x802, v19  }
0x18a: {  	v5 =	vsub.f32 v5, v8;
	v8 =	vshrl.u32 v14, $0x1;
	v4 =	vsub.f32 v4, v9;
	v23 =	vld [tilespmem:s11+$0x10];
	[tilespmem:s11+$0x2860] =	vst v19  }
0x18b: {  	v9 =	vcvt.s32.f32 v15;
	v14 =	vmul.u32 $0x1004, v15;
	[tilespmem:s11+$0x1000] =	vst v7;
	v7 =	vadd.s32 $0x802, v8  }
0x18c: {  	v11 =	vsel vm0, v11, v18;
	v15 =	vld [tilespmem:s11+$0x820];
	[tilespmem:s11+$0x3860] =	vst v16  }
0x18d: {  	v6 =	vsub.f32 v6, v9;
	v16 =	vadd.f32 $4.096000000e+03, v10;
	[tilespmem:s11+$0x1850] =	vst v4;
	v4 =	vtrunc.f32 v11  }
0x18e: {  	vm0 =	vge.f32 v10, $1.000000000e+00;
	v9 =	vadd.f32 $4.096000000e+03, v20;
	[tilespmem:s11+$0x2050] =	vst v12;
	v4 =	vcvt.f32.s32 v4  }
0x18f: {  	vm2 =	vge.f32 v20, $1.000000000e+00;
	[tilespmem:s11+$0x4000] =	vst v13;
	v12 =	vld [tilespmem:s11+$0x810];
	vm1 =	vge.f32 v23, $1.000000000e+00;
	v13 =	vadd.f32 $4.096000000e+03, v23  }
0x190: {  	v9 =	vsel vm2, v20, v9;
	[tilespmem:s11+$0x3050] =	vst v17;
	v17 =	vcvt.s32.f32 v4;
	v4 =	vadd.s32 v4, v14  }
0x191: {  	vm2 =	vge.f32 v15, $1.000000000e+00;
	[tilespmem:s11+$0x2070] =	vst v4;
	v14 =	vshrl.u32 v4, $0x1;
	v4 =	vadd.s32 $0x1, v4  }
0x192: {  	v18 =	vadd.f32 $4.096000000e+03, v15;
	v19 =	vld [tilespmem:s11+$0x830];
	[tilespmem:s11+$0x1070] =	vst v6;
	v6 =	vsub.f32 v11, v17;
	v4 =	vshrl.u32 v4, $0x1  }
0x193: {  	v11 =	vsel vm1, v23, v13;
	v13 =	vtrunc.f32 v9;
	[tilespmem:s11+$0x3060] =	vst v8;
	v8 =	vadd.s32 $0x802, v4  }
0x194: {  	v10 =	vsel vm0, v10, v16;
	v15 =	vsel vm2, v15, v18;
	v17 =	vadd.f32 $4.096000000e+03, v12;
	[tilespmem:s11+$0x2870] =	vst v14  }
0x195: {  	v16 =	vtrunc.f32 v10;
	v13 =	vcvt.f32.s32 v13;
	vm0 =	vge.f32 v12, $1.000000000e+00;
	[tilespmem:s11+$0x1870] =	vst v6  }
0x196: {  	v18 =	vtrunc.f32 v15;
	v14 =	vadd.s32 $0x802, v14;
	v6 =	vtrunc.f32 v11;
	[tilespmem:s11+$0x3850] =	vst v21  }
0x197: {  	v16 =	vcvt.f32.s32 v16;
	v18 =	vcvt.f32.s32 v18;
	vm1 =	vge.f32 v19, $1.000000000e+00;
	[tilespmem:s11+$0x3870] =	vst v14  }
0x198: {  	v12 =	vsel vm0, v12, v17;
	v6 =	vcvt.f32.s32 v6;
	v14 =	vcvt.s32.f32 v13;
	[tilespmem:s11+$0x3070] =	vst v4  }
0x199: {  	v17 =	vcvt.s32.f32 v18;
	v20 =	vadd.f32 $4.096000000e+03, v19;
	v4 =	vtrunc.f32 v12;
	[tilespmem:s11+$0x4070] =	vst v8  }
0x19a: {  	v13 =	vmul.u32 $0x1004, v13;
	v4 =	vcvt.f32.s32 v4;
	v8 =	vmul.u32 $0x1004, v6;
	[tilespmem:s11+$0x4050] =	vst v22  }
0x19b: {  	v15 =	vsub.f32 v15, v17;
	v17 =	vsel vm1, v19, v20;
	v19 =	vmul.u32 $0x1004, v16;
	[tilespmem:s11+$0x4060] =	vst v7  }
0x19c: {  	v16 =	vcvt.s32.f32 v16;
	v7 =	vadd.s32 v4, v8;
	v8 =	vtrunc.f32 v17;
	[tilespmem:s11+$0x1860] =	vst v5  }
0x19d: {  	v13 =	vadd.s32 v18, v13;
	v5 =	vadd.s32 $0x1, v7;
	v8 =	vcvt.f32.s32 v8;
	[tilespmem:s11+$0x2010] =	vst v7  }
0x19e: {  	v18 =	vshrl.u32 v13, $0x1;
	v10 =	vsub.f32 v10, v16;
	[tilespmem:s11+$0x2020] =	vst v13;
	v13 =	vadd.s32 $0x1, v13  }
0x19f: {  	v5 =	vshrl.u32 v5, $0x1;
	[tilespmem:s11+$0x1820] =	vst v15;
	v15 =	vcvt.s32.f32 v8;
	v8 =	vadd.s32 v8, v19;
	v16 =	vld [tilespmem:s11+$0x40]  }
0x1a0: {  	v6 =	vcvt.s32.f32 v6;
	[tilespmem:s11+$0x3010] =	vst v5;
	v5 =	vadd.s32 $0x802, v5;
	v19 =	vadd.s32 $0x1, v8  }
0x1a1: {  	v7 =	vshrl.u32 v7, $0x1;
	[tilespmem:s11+$0x4010] =	vst v5;
	v5 =	vsub.f32 v9, v14;
	v9 =	vsub.f32 v17, v15;
	v14 =	vld [tilespmem:s11+$0x840]  }
0x1a2: {  	v6 =	vsub.f32 v11, v6;
	v4 =	vcvt.s32.f32 v4;
	[tilespmem:s11+$0x2810] =	vst v7;
	v7 =	vadd.s32 $0x802, v7  }
0x1a3: {  	v11 =	vshrl.u32 v13, $0x1;
	v13 =	vshrl.u32 v8, $0x1;
	v15 =	vshrl.u32 v19, $0x1;
	[tilespmem:s11+$0x2820] =	vst v18  }
0x1a4: {  	v4 =	vsub.f32 v12, v4;
	[tilespmem:s11+$0x1830] =	vst v9;
	v9 =	vadd.s32 $0x802, v15;
	v12 =	vadd.f32 $4.096000000e+03, v16  }
0x1a5: {  	v17 =	vadd.s32 $0x802, v18;
	vm0 =	vge.f32 v16, $1.000000000e+00;
	[tilespmem:s11+$0x3020] =	vst v11;
	v11 =	vadd.s32 $0x802, v11  }
0x1a6: {  	[tilespmem:s11+$0x1010] =	vst v6;
	v6 =	vadd.s32 $0x802, v13;
	v12 =	vsel vm0, v16, v12;
	v16 =	vadd.f32 $4.096000000e+03, v14  }
0x1a7: {  	vm0 =	vge.f32 v14, $1.000000000e+00;
	[tilespmem:s11+$0x2030] =	vst v8;
	v8 =	vtrunc.f32 v12  }
0x1a8: {  	[tilespmem:s11+$0x3810] =	vst v7;
	v7 =	vsel vm0, v14, v16;
	v8 =	vcvt.f32.s32 v8  }
0x1a9: {  	[tilespmem:s11+$0x4020] =	vst v11;
	v11 =	vtrunc.f32 v7  }
0x1aa: {  	[tilespmem:s11+$0x1020] =	vst v5;
	v5 =	vcvt.f32.s32 v11;
	v11 =	vcvt.s32.f32 v8;
	v8 =	vmul.u32 $0x1004, v8  }
0x1ab: {  	[tilespmem:s11+$0x1810] =	vst v4  }
0x1ac: {  	[tilespmem:s11+$0x2830] =	vst v13;
	v4 =	vsub.f32 v12, v11;
	v11 =	vcvt.s32.f32 v5;
	v5 =	vadd.s32 v5, v8  }
0x1ad: {  	[tilespmem:s11+$0x2040] =	vst v5;
	v8 =	vshrl.u32 v5, $0x1;
	v5 =	vadd.s32 $0x1, v5  }
0x1ae: {  	[tilespmem:s11+$0x1030] =	vst v10;
	v7 =	vsub.f32 v7, v11;
	v5 =	vshrl.u32 v5, $0x1;
	v10 =	vadd.s32 $0x802, v8  }
0x1af: {  	[tilespmem:s11+$0x2840] =	vst v8;
	v8 =	vadd.s32 $0x802, v5  }
0x1b0: {  	[tilespmem:s11+$0x1840] =	vst v7  }
0x1b1: {  	[tilespmem:s11+$0x3820] =	vst v17  }
0x1b2: {  	[tilespmem:s11+$0x3030] =	vst v15  }
0x1b3: {  	[tilespmem:s11+$0x1040] =	vst v4  }
0x1b4: {  	[tilespmem:s11+$0x3830] =	vst v6  }
0x1b5: {  	[tilespmem:s11+$0x4030] =	vst v9  }
0x1b6: {  	[tilespmem:s11+$0x3840] =	vst v10  }
0x1b7: {  	s16 =	sadd.s32 $0x2800, s11;
	[tilespmem:s11+$0x3040] =	vst v5  }
0x1b8: {  	s17 =	sadd.s32 $0x3000, s11;
	s18 =	sadd.s32 $0x4000, s12;
	[tilespmem:s11+$0x4040] =	vst v8  }
0x1b9: {  	[tilespmem:s12], [sflag:$0x1] =	stream.indirect.gather [hbm4b:s3+s0], $0x8, s16, s0, $0xb8;
	[tilespmem:$0x16800] =	vst v63  }
0x1ba: {  	s19 =	sadd.s32 $0x8000, s12;
	s16 =	sadd.s32 $0x3800, s11  }
0x1bb: {  	[tilespmem:s18], [sflag:$0x1] =	stream.indirect.gather [hbm4b:s3+s0], $0x8, s17, s0, $0xb8;
	[tilespmem:$0x16800] =	vst v63  }
0x1bc: {  	s17 =	sadd.s32 $0x4000, s11;
	s18 =	sadd.s32 $0xC000, s12;
	s12 =	smov.u32 s13  }
0x1bd: {  	[tilespmem:s19], [sflag:$0x1] =	stream.indirect.gather [hbm4b:s3+s0], $0x8, s16, s0, $0xb8;
	[tilespmem:$0x16800] =	vst v63  }
0x1be: {  	s11 =	sshra.s32 s15, $0x2  }
0x1bf: {  	[tilespmem:s18], [sflag:$0x1] =	stream.indirect.gather [hbm4b:s3+s0], $0x8, s17, s0, $0xb8;
	[tilespmem:$0x16800] =	vst v63  }
0x1c0: {  	v4 =	vld [tilespmem:s11+$0x850]  }
0x1c1: {  	v6 =	vld [tilespmem:s11+$0x70]  }
0x1c2: {  	v5 =	vld [tilespmem:s11+$0x50]  }
0x1c3: {  	v7 =	vld [tilespmem:s11+$0x60]  }
0x1c4: {  	v8 =	vld [tilespmem:s11+$0x0]  }
0x1c5: {  	v9 =	vadd.f32 $4.096000000e+03, v4;
	v11 =	vld [tilespmem:s11+$0x860]  }
0x1c6: {  	vm0 =	vge.f32 v4, $1.000000000e+00;
	v12 =	vld [tilespmem:s11+$0x800];
	v13 =	vadd.f32 $4.096000000e+03, v6  }
0x1c7: {  	v10 =	vadd.f32 $4.096000000e+03, v5;
	v4 =	vsel vm0, v4, v9;
	vm0 =	vge.f32 v6, $1.000000000e+00  }
0x1c8: {  	vm1 =	vge.f32 v5, $1.000000000e+00;
	v9 =	vtrunc.f32 v4;
	v14 =	vadd.f32 $4.096000000e+03, v7  }
0x1c9: {  	v15 =	vadd.f32 $4.096000000e+03, v8;
	v16 =	vsel vm1, v5, v10;
	vm1 =	vge.f32 v7, $1.000000000e+00  }
0x1ca: {  	vm2 =	vge.f32 v8, $1.000000000e+00;
	v14 =	vsel vm1, v7, v14;
	v5 =	vadd.f32 $4.096000000e+03, v11  }
0x1cb: {  	v7 =	vsel vm2, v8, v15;
	vm1 =	vge.f32 v12, $1.000000000e+00;
	v8 =	vtrunc.f32 v14  }
0x1cc: {  	v15 =	vadd.f32 $4.096000000e+03, v12;
	v10 =	vtrunc.f32 v7;
	v8 =	vcvt.f32.s32 v8  }
0x1cd: {  	v9 =	vcvt.f32.s32 v9;
	vm2 =	vge.f32 v11, $1.000000000e+00;
	v10 =	vcvt.f32.s32 v10  }
0x1ce: {  	v12 =	vsel vm1, v12, v15;
	v15 =	vcvt.s32.f32 v8;
	v19 =	vmul.u32 $0x1004, v8  }
0x1cf: {  	v5 =	vsel vm2, v11, v5;
	v8 =	vtrunc.f32 v12;
	v17 =	vmul.u32 $0x1004, v10  }
0x1d0: {  	v6 =	vsel vm0, v6, v13;
	v11 =	vtrunc.f32 v16;
	v8 =	vcvt.f32.s32 v8  }
0x1d1: {  	v11 =	vcvt.f32.s32 v11;
	v13 =	vtrunc.f32 v5;
	v14 =	vsub.f32 v14, v15  }
0x1d2: {  	v20 =	vcvt.f32.s32 v13;
	v15 =	vcvt.s32.f32 v8;
	v8 =	vadd.s32 v8, v17  }
.Ltmp3:
0x1d3: {  	v18 =	vcvt.s32.f32 v11;
	v17 =	vshrl.u32 v8, $0x1;
	[tilespmem:s11+$0x2000] =	vst v8;
	v8 =	vadd.s32 $0x1, v8;
	(pc) =	sbr.rel @p0 .LBB2_8-.Ltmp3, $4  }
0x1d4: {  	v21 =	vmul.u32 $0x1004, v11;
	v12 =	vsub.f32 v12, v15;
	v15 =	vadd.s32 $0x802, v17;
	[tilespmem:s11+$0x1060] =	vst v14;
	v11 =	vld [tilespmem:s11+$0x870]  }
0x1d5: {  	v18 =	vsub.f32 v16, v18;
	v13 =	vshrl.u32 v8, $0x1;
	[tilespmem:s11+$0x3800] =	vst v15;
	v15 =	vtrunc.f32 v6  }
0x1d6: {  	v8 =	vcvt.s32.f32 v20;
	v20 =	vadd.s32 v20, v19;
	[tilespmem:s11+$0x1800] =	vst v12;
	v12 =	vadd.s32 v9, v21  }
0x1d7: {  	v14 =	vadd.s32 $0x1, v20;
	[tilespmem:s11+$0x3000] =	vst v13;
	v16 =	vshrl.u32 v12, $0x1;
	v19 =	vadd.s32 $0x1, v12  }
0x1d8: {  	[tilespmem:s11+$0x2800] =	vst v17  }
0x1d9: {  	[tilespmem:s11+$0x2060] =	vst v20  }
0x1da: {  	[tilespmem:s11+$0x1050] =	vst v18  }
0x1db: {  	[tilespmem:s11+$0x2850] =	vst v16  }
0x1dc: {  	v54 =	vshrl.u32 v20, $0x1;
	[tilespmem:s11+$0x2050] =	vst v12  }
0x1dd: {  	v14 =	vshrl.u32 v14, $0x1;
	[tilespmem:s11+$0x2860] =	vst v54  }
0x1de: {  	v10 =	vcvt.s32.f32 v10;
	v53 =	vld [tilespmem:s11+$0x20];
	v61 =	vadd.s32 $0x802, v16;
	[tilespmem:s11+$0x3060] =	vst v14  }
0x1df: {  	v55 =	vld [tilespmem:s11+$0x10];
	v9 =	vcvt.s32.f32 v9;
	v15 =	vcvt.f32.s32 v15;
	v20 =	vadd.s32 $0x802, v54;
	[tilespmem:s11+$0x3850] =	vst v61  }
0x1e0: {  	v57 =	vld [tilespmem:s11+$0x820];
	v56 =	vadd.f32 $4.096000000e+03, v11;
	v34 =	vadd.s32 $0x802, v14;
	v7 =	vsub.f32 v7, v10;
	[tilespmem:s11+$0x3860] =	vst v20  }
0x1e1: {  	vm0 =	vge.f32 v11, $1.000000000e+00;
	v4 =	vsub.f32 v4, v9;
	v59 =	vcvt.s32.f32 v15;
	[tilespmem:s11+$0x4060] =	vst v34  }
0x1e2: {  	v5 =	vsub.f32 v5, v8;
	v58 =	vmul.u32 $0x1004, v15;
	[tilespmem:s11+$0x1000] =	vst v7;
	v7 =	vsel vm0, v11, v56  }
0x1e3: {  	[tilespmem:s11+$0x1850] =	vst v4;
	v4 =	vadd.s32 $0x802, v13;
	v6 =	vsub.f32 v6, v59;
	v11 =	vtrunc.f32 v7  }
0x1e4: {  	[tilespmem:s11+$0x4000] =	vst v4;
	v4 =	vshrl.u32 v19, $0x1;
	v62 =	vadd.f32 $4.096000000e+03, v53;
	vm9 =	vge.f32 v53, $1.000000000e+00  }
0x1e5: {  	[tilespmem:s11+$0x1860] =	vst v5;
	vm1 =	vge.f32 v55, $1.000000000e+00;
	v24 =	vadd.f32 $4.096000000e+03, v55;
	v26 =	vadd.f32 $4.096000000e+03, v57  }
0x1e6: {  	vm10 =	vge.f32 v57, $1.000000000e+00;
	v11 =	vcvt.f32.s32 v11;
	[tilespmem:s11+$0x3050] =	vst v4;
	v4 =	vadd.s32 $0x802, v4  }
0x1e7: {  	v60 =	vld [tilespmem:s11+$0x810];
	[tilespmem:s11+$0x1070] =	vst v6;
	v13 =	vsel vm9, v53, v62;
	v10 =	vsel vm1, v55, v24;
	v9 =	vsel vm10, v57, v26  }
0x1e8: {  	[tilespmem:s11+$0x4050] =	vst v4;
	v12 =	vadd.s32 v11, v58;
	v11 =	vcvt.s32.f32 v11;
	v18 =	vtrunc.f32 v13  }
0x1e9: {  	v63 =	vld [tilespmem:s11+$0x830];
	v30 =	vtrunc.f32 v10;
	v31 =	vtrunc.f32 v9;
	[tilespmem:s11+$0x2070] =	vst v12;
	v25 =	vshrl.u32 v12, $0x1  }
0x1ea: {  	v12 =	vadd.s32 $0x1, v12;
	v29 =	vcvt.f32.s32 v18;
	[tilespmem:s11+$0x2870] =	vst v25;
	v6 =	vadd.s32 $0x802, v25  }
0x1eb: {  	v52 =	vld [tilespmem:s11+$0x30];
	v32 =	vcvt.f32.s32 v30;
	v7 =	vsub.f32 v7, v11;
	v12 =	vshrl.u32 v12, $0x1;
	[tilespmem:s11+$0x3870] =	vst v6  }
0x1ec: {  	v28 =	vadd.f32 $4.096000000e+03, v60;
	[tilespmem:s11+$0x3070] =	vst v12;
	v6 =	vcvt.f32.s32 v31;
	v36 =	vmul.u32 $0x1004, v29  }
0x1ed: {  	vm11 =	vge.f32 v60, $1.000000000e+00;
	v27 =	vadd.s32 $0x802, v12;
	v15 =	vcvt.s32.f32 v32;
	[tilespmem:s11+$0x1870] =	vst v7  }
0x1ee: {  	v45 =	vld [tilespmem:s11+$0x840];
	v37 =	vadd.f32 $4.096000000e+03, v63;
	v11 =	vcvt.s32.f32 v29;
	[tilespmem:s11+$0x4070] =	vst v27;
	v5 =	vadd.s32 v6, v36  }
0x1ef: {  	vm12 =	vge.f32 v63, $1.000000000e+00;
	v10 =	vsub.f32 v10, v15;
	[tilespmem:s11+$0x2020] =	vst v5;
	v46 =	vshrl.u32 v5, $0x1  }
0x1f0: {  	v39 =	vadd.f32 $4.096000000e+03, v52;
	v7 =	vsel vm11, v60, v28;
	v11 =	vsub.f32 v13, v11;
	[tilespmem:s11+$0x2820] =	vst v46  }
0x1f1: {  	v35 =	vmul.u32 $0x1004, v32;
	v33 =	vtrunc.f32 v7;
	v5 =	vadd.s32 $0x1, v5;
	[tilespmem:s11+$0x1010] =	vst v10  }
0x1f2: {  	v4 =	vcvt.s32.f32 v6;
	v8 =	vcvt.f32.s32 v33;
	v5 =	vshrl.u32 v5, $0x1;
	[tilespmem:s11+$0x1020] =	vst v11  }
0x1f3: {  	vm13 =	vge.f32 v52, $1.000000000e+00;
	v49 =	vadd.f32 $4.096000000e+03, v45;
	v61 =	vadd.s32 $0x802, v46;
	[tilespmem:s11+$0x3020] =	vst v5  }
0x1f4: {  	v38 =	vsel vm12, v63, v37;
	v4 =	vsub.f32 v9, v4;
	v14 =	vadd.s32 v8, v35;
	[tilespmem:s11+$0x3820] =	vst v61  }
0x1f5: {  	vm15 =	vge.f32 v45, $1.000000000e+00;
	v12 =	vtrunc.f32 v38;
	v9 =	vsel vm13, v52, v39;
	[tilespmem:s11+$0x2010] =	vst v14  }
0x1f6: {  	v42 =	vld [tilespmem:s11+$0x40];
	v10 =	vsel vm15, v45, v49;
	v17 =	vtrunc.f32 v9;
	v5 =	vadd.s32 $0x802, v5;
	[tilespmem:s11+$0x1820] =	vst v4  }
0x1f7: {  	v8 =	vcvt.s32.f32 v8;
	v40 =	vadd.s32 $0x1, v14;
	v14 =	vshrl.u32 v14, $0x1;
	[tilespmem:s11+$0x4020] =	vst v5  }
0x1f8: {  	v4 =	vcvt.f32.s32 v12;
	v44 =	vcvt.f32.s32 v17;
	v41 =	vshrl.u32 v40, $0x1;
	[tilespmem:s11+$0x2810] =	vst v14  }
0x1f9: {  	v5 =	vtrunc.f32 v10;
	v50 =	vadd.s32 $0x802, v14;
	v7 =	vsub.f32 v7, v8;
	[tilespmem:s11+$0x3010] =	vst v41  }
0x1fa: {  	v12 =	vadd.s32 $0x802, v41;
	v43 =	vcvt.s32.f32 v4;
	v47 =	vmul.u32 $0x1004, v44;
	[tilespmem:s11+$0x3810] =	vst v50  }
0x1fb: {  	v48 =	vadd.f32 $4.096000000e+03, v42;
	v5 =	vcvt.f32.s32 v5;
	[tilespmem:s11+$0x4010] =	vst v12  }
0x1fc: {  	v53 =	vcvt.s32.f32 v44;
	[tilespmem:s11+$0x1810] =	vst v7;
	v6 =	vsub.f32 v38, v43;
	v4 =	vadd.s32 v4, v47  }
0x1fd: {  	vm14 =	vge.f32 v42, $1.000000000e+00;
	v57 =	vcvt.s32.f32 v5;
	[tilespmem:s11+$0x2030] =	vst v4  }
0x1fe: {  	v56 =	vsub.f32 v9, v53;
	v55 =	vshrl.u32 v4, $0x1;
	[tilespmem:s11+$0x1830] =	vst v6;
	v6 =	vsel vm14, v42, v48  }
0x1ff: {  	v59 =	vsub.f32 v10, v57;
	[tilespmem:s11+$0x2830] =	vst v55;
	v51 =	vtrunc.f32 v6  }
0x200: {  	v4 =	vadd.s32 $0x1, v4;
	[tilespmem:s11+$0x1030] =	vst v56;
	v52 =	vcvt.f32.s32 v51  }
0x201: {  	v4 =	vshrl.u32 v4, $0x1;
	[tilespmem:s11+$0x1840] =	vst v59  }
0x202: {  	v62 =	vadd.s32 $0x802, v55;
	[tilespmem:s11+$0x3030] =	vst v4;
	v54 =	vmul.u32 $0x1004, v52  }
0x203: {  	v4 =	vadd.s32 $0x802, v4;
	[tilespmem:s11+$0x3830] =	vst v62;
	v60 =	vcvt.s32.f32 v52  }
0x204: {  	[tilespmem:s11+$0x4030] =	vst v4;
	v5 =	vadd.s32 v5, v54  }
0x205: {  	v6 =	vsub.f32 v6, v60;
	[tilespmem:s11+$0x2040] =	vst v5;
	v58 =	vshrl.u32 v5, $0x1  }
0x206: {  	[tilespmem:s11+$0x2840] =	vst v58  }
0x207: {  	v5 =	vadd.s32 $0x1, v5;
	[tilespmem:s11+$0x1040] =	vst v6;
	v63 =	vadd.s32 $0x802, v58  }
0x208: {  	v4 =	vshrl.u32 v5, $0x1;
	[tilespmem:s11+$0x3840] =	vst v63  }
0x209: {  	v5 =	vadd.s32 $0x802, v4;
	[tilespmem:s11+$0x3040] =	vst v4  }
0x20a: {  	s13 =	sadd.s32 $0x2800, s11;
	[tilespmem:s11+$0x4040] =	vst v5  }
0x20b: {  	[tilespmem:s12], [sflag:$0x1] =	stream.indirect.gather [hbm4b:s3+s0], $0x8, s13, s0, $0xb8;
	[tilespmem:$0x16800] =	vst v63  }
0x20c: {  	s15 =	sadd.s32 $0x3000, s11;
	s14 =	sadd.s32 $0x4000, s12  }
0x20d: {  	[tilespmem:s14], [sflag:$0x1] =	stream.indirect.gather [hbm4b:s3+s0], $0x8, s15, s0, $0xb8;
	[tilespmem:$0x16800] =	vst v63  }
0x20e: {  	s16 =	sadd.s32 $0x3800, s11;
	s17 =	sadd.s32 $0x8000, s12  }
0x20f: {  	[tilespmem:s17], [sflag:$0x1] =	stream.indirect.gather [hbm4b:s3+s0], $0x8, s16, s0, $0xb8;
	[tilespmem:$0x16800] =	vst v63  }
0x210: {  	s18 =	sadd.s32 $0x4000, s11;
	s19 =	sadd.s32 $0xC000, s12;
	s11 =	simm.s32 $0x40  }
0x211: {  	[tilespmem:s19], [sflag:$0x1] =	stream.indirect.gather [hbm4b:s3+s0], $0x8, s18, s0, $0xb8;
	[tilespmem:$0x16800] =	vst v63  }
.LBB2_10:
0x212: {  	p0 =	sne.s32 s11, $0x1  }
.Ltmp4:
0x213: {  	_ = 	snop;
	(pc) =	sbr.rel @p0 .LBB2_10-.Ltmp4, $4  }
0x214: {  	_ = 	snop  }
0x215: {  	_ =	swait.ge [sflag:s2], $0x400  }
0x216: {  	[sflag:s2] =	ssyncset.done $0x0  }
0x217: {  	s11 =	sadd.s32 $0xFFFFFFFF, s11;
	[sflag:s2] =	ssyncadd.s32 $0xFFFFFC00  }
0x218: {  	s11 =	simm.s32 $0x2000  }
0x219: {  	v4 =	vld [tilespmem:s11+$0x0];
	_ =	sdelay $0x2  }
0x21a: {  	s12 =	simm.s32 $0x0  }
0x21b: {  	v5 =	vmov s12  }
0x21c: {  	v5 =	vshll.u32 v5, $0x3;
	v4 =	vshll.u32 v4, $0x2  }
0x21d: {  	v7 =	vor.u32 v0, v5;
	v6 =	vand.u32 $0x4, v4  }
0x21e: {  	v8 =	vor.u32 v2, v5;
	v4 =	vor.u32 v7, v6  }
0x21f: {  	v10 =	vor.u32 v1, v5;
	v9 =	vxor.u32 $0x4, v6;
	v11 =	vor.u32 v8, v6  }
0x220: {  	v12 =	vor.u32 v3, v5;
	v5 =	vor.u32 v10, v9  }
0x221: {  	v9 =	vor.u32 v12, v9;
	_ =	sdelay $0x1  }
0x222: {  	v13 =	vld.idx.msk [tilespmem:v4+s4+$0x0], $0xffff  }
0x223: {  	v11 =	vld.idx.msk [tilespmem:v11+s4+$0x0], $0xffff  }
0x224: {  	v5 =	vld.idx.msk [tilespmem:v5+s4+$0x0], $0xffff  }
0x225: {  	v9 =	vld.idx.msk [tilespmem:v9+s4+$0x0], $0xffff  }
0x226: {  	s12 =	simm.s32 $0x1000  }
0x227: {  	v4 =	vld [tilespmem:s12+$0x0];
	_ =	sdelay $0x2  }
0x228: {  	v13 =	vsub.f32 v13, v11;
	v5 =	vsub.f32 v5, v9;
	_ =	sdelay $0x1  }
0x229: {  	s13 =	simm.s32 $0x1800;
	v13 =	vmul.f32 v13, v4;
	v14 =	vmul.f32 v5, v4  }
0x22a: {  	v5 =	vld [tilespmem:s13+$0x0]  }
0x22b: {  	v11 =	vadd.f32 v13, v11;
	v9 =	vadd.f32 v14, v9;
	_ =	sdelay $0x1  }
0x22c: {  	v11 =	vsub.f32 v11, v9  }
0x22d: {  	v55 =	vor.u32 $0x1, v6  }
0x22e: {  	v56 =	vor.u32 v7, v55;
	v11 =	vmul.f32 v11, v5  }
0x22f: {  	v15 =	vxor.u32 $0x5, v6;
	v13 =	vor.u32 v8, v55  }
0x230: {  	v16 =	vor.u32 v12, v15;
	v9 =	vadd.f32 v11, v9  }
0x231: {  	s14 =	simm.s32 $0x15800;
	v11 =	vor.u32 v10, v15  }
0x232: {  	[tilespmem:s14+$0xFFFFF000] =	vst v9  }
0x233: {  	v9 =	vld.idx.msk [tilespmem:v56+s4+$0x0], $0xffff  }
0x234: {  	v13 =	vld.idx.msk [tilespmem:v13+s4+$0x0], $0xffff  }
0x235: {  	v57 =	vld.idx.msk [tilespmem:v16+s4+$0x0], $0xffff  }
0x236: {  	v11 =	vld.idx.msk [tilespmem:v11+s4+$0x0], $0xffff;
	_ =	sdelay $0x4  }
0x237: {  	v9 =	vsub.f32 v9, v13;
	v11 =	vsub.f32 v11, v57;
	_ =	sdelay $0x1  }
0x238: {  	v9 =	vmul.f32 v9, v4;
	v11 =	vmul.f32 v11, v4;
	_ =	sdelay $0x1  }
0x239: {  	v9 =	vadd.f32 v9, v13;
	v11 =	vadd.f32 v11, v57;
	_ =	sdelay $0x1  }
0x23a: {  	v9 =	vsub.f32 v9, v11  }
0x23b: {  	v58 =	vxor.u32 $0x6, v6  }
0x23c: {  	v59 =	vor.u32 $0x2, v6;
	v60 =	vor.u32 v12, v58;
	v9 =	vmul.f32 v9, v5  }
0x23d: {  	v61 =	vor.u32 v7, v59  }
0x23e: {  	v14 =	vor.u32 v8, v59;
	v9 =	vadd.f32 v9, v11  }
0x23f: {  	v11 =	vor.u32 v10, v58  }
0x240: {  	[tilespmem:s14+$0xFFFFF800] =	vst v9  }
0x241: {  	v9 =	vld.idx.msk [tilespmem:v60+s4+$0x0], $0xffff  }
0x242: {  	v62 =	vld.idx.msk [tilespmem:v61+s4+$0x0], $0xffff  }
0x243: {  	v14 =	vld.idx.msk [tilespmem:v14+s4+$0x0], $0xffff  }
0x244: {  	v11 =	vld.idx.msk [tilespmem:v11+s4+$0x0], $0xffff;
	_ =	sdelay $0x4  }
0x245: {  	v13 =	vsub.f32 v62, v14;
	v11 =	vsub.f32 v11, v9;
	_ =	sdelay $0x1  }
0x246: {  	v13 =	vmul.f32 v13, v4;
	v11 =	vmul.f32 v11, v4;
	_ =	sdelay $0x1  }
0x247: {  	v13 =	vadd.f32 v13, v14;
	v9 =	vadd.f32 v11, v9;
	_ =	sdelay $0x1  }
0x248: {  	v11 =	vsub.f32 v13, v9;
	_ =	sdelay $0x1  }
0x249: {  	v63 =	vxor.u32 $0x7, v6;
	v11 =	vmul.f32 v11, v5  }
0x24a: {  	v12 =	vor.u32 v12, v63  }
0x24b: {  	v10 =	vor.u32 v10, v63;
	v9 =	vadd.f32 v11, v9;
	v11 =	vor.u32 $0x3, v6  }
0x24c: {  	v7 =	vor.u32 v7, v11  }
0x24d: {  	[tilespmem:s14+$0x0] =	vst v9;
	v9 =	vor.u32 v8, v11;
	_ =	sdelay $0x1  }
0x24e: {  	v6 =	vld.idx.msk [tilespmem:v12+s4+$0x0], $0xffff  }
0x24f: {  	v10 =	vld.idx.msk [tilespmem:v10+s4+$0x0], $0xffff  }
0x250: {  	v8 =	vld.idx.msk [tilespmem:v7+s4+$0x0], $0xffff  }
0x251: {  	v7 =	vld.idx.msk [tilespmem:v9+s4+$0x0], $0xffff;
	_ =	sdelay $0x3  }
0x252: {  	s15 =	simm.s32 $0x10;
	s16 =	simm.s32 $0x15810;
	v9 =	vsub.f32 v10, v6  }
.LBB2_12:
0x253: {  	v8 =	vsub.f32 v8, v7;
	s12 =	sadd.s32 $0x10, s12;
	s13 =	sadd.s32 $0x10, s13;
	s11 =	sadd.s32 $0x10, s11  }
0x254: {  	p0 =	sne.s32 s15, $0x7F0;
	s17 =	smov.u32 s15;
	s15 =	sadd.s32 $0x10, s15;
	v9 =	vmul.f32 v9, v4  }
0x255: {  	v4 =	vmul.f32 v8, v4;
	_ =	sdelay $0x1  }
0x256: {  	v6 =	vadd.f32 v9, v6;
	v4 =	vadd.f32 v4, v7;
	_ =	sdelay $0x1  }
0x257: {  	v4 =	vsub.f32 v4, v6;
	_ =	sdelay $0x1  }
0x258: {  	v4 =	vmul.f32 v4, v5;
	_ =	sdelay $0x1  }
0x259: {  	v4 =	vadd.f32 v4, v6;
	_ =	sdelay $0x1  }
0x25a: {  	[tilespmem:s14+$0x800] =	vst v4;
	s14 =	smov.u32 s16  }
0x25b: {  	v4 =	vld [tilespmem:s11+$0x0];
	_ =	sdelay $0x3  }
0x25c: {  	v5 =	vmov s17  }
0x25d: {  	v5 =	vshll.u32 v5, $0x3;
	v4 =	vshll.u32 v4, $0x2  }
0x25e: {  	v6 =	vor.u32 v0, v5;
	v7 =	vor.u32 v3, v5;
	v4 =	vand.u32 $0x4, v4  }
0x25f: {  	v10 =	vor.u32 v2, v5;
	v8 =	vxor.u32 $0x4, v4;
	v9 =	vor.u32 v6, v4  }
0x260: {  	v5 =	vor.u32 v1, v5;
	v11 =	vor.u32 v10, v4;
	v12 =	vor.u32 v7, v8  }
0x261: {  	v13 =	vor.u32 $0x1, v4;
	v14 =	vxor.u32 $0x5, v4;
	v8 =	vor.u32 v5, v8  }
0x262: {  	v15 =	vor.u32 v6, v13;
	v13 =	vor.u32 v10, v13;
	v16 =	vor.u32 v7, v14  }
0x263: {  	v17 =	vor.u32 $0x2, v4;
	v18 =	vxor.u32 $0x6, v4;
	v14 =	vor.u32 v5, v14  }
0x264: {  	v19 =	vor.u32 v6, v17;
	v17 =	vor.u32 v10, v17;
	v20 =	vor.u32 v7, v18;
	v9 =	vld.idx.msk [tilespmem:v9+s4+$0x0], $0xffff  }
0x265: {  	v21 =	vor.u32 $0x3, v4;
	v4 =	vxor.u32 $0x7, v4;
	v18 =	vor.u32 v5, v18;
	v11 =	vld.idx.msk [tilespmem:v11+s4+$0x0], $0xffff  }
0x266: {  	v6 =	vor.u32 v6, v21;
	v10 =	vor.u32 v10, v21;
	v7 =	vor.u32 v7, v4;
	v8 =	vld.idx.msk [tilespmem:v8+s4+$0x0], $0xffff  }
0x267: {  	v21 =	vor.u32 v5, v4;
	v12 =	vld.idx.msk [tilespmem:v12+s4+$0x0], $0xffff  }
0x268: {  	v4 =	vld [tilespmem:s12+$0x0];
	_ =	sdelay $0x2  }
0x269: {  	v5 =	vsub.f32 v9, v11;
	_ =	sdelay $0x1  }
0x26a: {  	v8 =	vsub.f32 v8, v12;
	v5 =	vmul.f32 v5, v4;
	_ =	sdelay $0x1  }
0x26b: {  	v8 =	vmul.f32 v8, v4;
	v9 =	vadd.f32 v5, v11  }
0x26c: {  	v5 =	vld [tilespmem:s13+$0x0]  }
0x26d: {  	v8 =	vadd.f32 v8, v12;
	_ =	sdelay $0x1  }
0x26e: {  	v9 =	vsub.f32 v9, v8;
	_ =	sdelay $0x1  }
0x26f: {  	v9 =	vmul.f32 v9, v5;
	_ =	sdelay $0x1  }
0x270: {  	v8 =	vadd.f32 v9, v8;
	_ =	sdelay $0x1  }
0x271: {  	[tilespmem:s16+$0xFFFFF000] =	vst v8  }
0x272: {  	v8 =	vld.idx.msk [tilespmem:v15+s4+$0x0], $0xffff  }
0x273: {  	v9 =	vld.idx.msk [tilespmem:v13+s4+$0x0], $0xffff  }
0x274: {  	v11 =	vld.idx.msk [tilespmem:v16+s4+$0x0], $0xffff;
	_ =	sdelay $0x1  }
0x275: {  	v12 =	vld.idx.msk [tilespmem:v14+s4+$0x0], $0xffff;
	_ =	sdelay $0x2  }
0x276: {  	v8 =	vsub.f32 v8, v9;
	_ =	sdelay $0x1  }
0x277: {  	v8 =	vmul.f32 v8, v4  }
0x278: {  	v12 =	vsub.f32 v12, v11  }
0x279: {  	v8 =	vadd.f32 v8, v9  }
0x27a: {  	v9 =	vmul.f32 v12, v4;
	_ =	sdelay $0x1  }
0x27b: {  	v9 =	vadd.f32 v9, v11;
	_ =	sdelay $0x1  }
0x27c: {  	v8 =	vsub.f32 v8, v9;
	_ =	sdelay $0x1  }
0x27d: {  	v8 =	vmul.f32 v8, v5;
	_ =	sdelay $0x1  }
0x27e: {  	v8 =	vadd.f32 v8, v9;
	_ =	sdelay $0x1  }
0x27f: {  	[tilespmem:s16+$0xFFFFF800] =	vst v8  }
0x280: {  	v8 =	vld.idx.msk [tilespmem:v20+s4+$0x0], $0xffff  }
0x281: {  	v9 =	vld.idx.msk [tilespmem:v19+s4+$0x0], $0xffff  }
0x282: {  	v11 =	vld.idx.msk [tilespmem:v17+s4+$0x0], $0xffff  }
0x283: {  	v12 =	vld.idx.msk [tilespmem:v18+s4+$0x0], $0xffff;
	_ =	sdelay $0x4  }
0x284: {  	v9 =	vsub.f32 v9, v11  }
0x285: {  	v12 =	vsub.f32 v12, v8  }
0x286: {  	v9 =	vmul.f32 v9, v4  }
0x287: {  	v12 =	vmul.f32 v12, v4  }
0x288: {  	v9 =	vadd.f32 v9, v11  }
0x289: {  	v8 =	vadd.f32 v12, v8;
	_ =	sdelay $0x1  }
0x28a: {  	v9 =	vsub.f32 v9, v8;
	_ =	sdelay $0x1  }
0x28b: {  	v9 =	vmul.f32 v9, v5;
	_ =	sdelay $0x1  }
0x28c: {  	v8 =	vadd.f32 v9, v8;
	_ =	sdelay $0x1  }
0x28d: {  	[tilespmem:s16+$0x0] =	vst v8  }
0x28e: {  	v8 =	vld.idx.msk [tilespmem:v6+s4+$0x0], $0xffff  }
0x28f: {  	v6 =	vld.idx.msk [tilespmem:v7+s4+$0x0], $0xffff  }
0x290: {  	v9 =	vld.idx.msk [tilespmem:v21+s4+$0x0], $0xffff  }
0x291: {  	v7 =	vld.idx.msk [tilespmem:v10+s4+$0x0], $0xffff  }
.Ltmp5:
0x292: {  	(pc) =	sbr.rel @p0 .LBB2_12-.Ltmp5, $2  }
0x293: {  	_ =	sdelay $0x2  }
0x294: {  	s16 =	sadd.s32 $0x10, s16;
	v9 =	vsub.f32 v9, v6  }
0x295: {  	v8 =	vsub.f32 v8, v7;
	_ =	sdelay $0x1  }
0x296: {  	v9 =	vmul.f32 v9, v4;
	v4 =	vmul.f32 v8, v4;
	_ =	sdelay $0x1  }
0x297: {  	v6 =	vadd.f32 v9, v6;
	v4 =	vadd.f32 v4, v7;
	_ =	sdelay $0x1  }
0x298: {  	v4 =	vsub.f32 v4, v6;
	_ =	sdelay $0x1  }
0x299: {  	v4 =	vmul.f32 v4, v5;
	_ =	sdelay $0x1  }
0x29a: {  	v4 =	vadd.f32 v4, v6;
	_ =	sdelay $0x1  }
0x29b: {  	s11 =	simm.s32 $0x0;
	s12 =	rddreg [dreg:$0xa];
	[tilespmem:s14+$0x800] =	vst v4  }
0x29c: {  	[hbm4b:s12+s11] =	stream.linear.scatter [tilespmem:s6], [sflag:$0x2], $0x800, $0x38;
	[tilespmem:$0x16800] =	vst v63  }
0x29d: {  	_ =	swait.ge [sflag:s30], $0x800  }
0x29e: {  	[sflag:s30] =	ssyncset.done $0x0  }
0x29f: {  	s15 =	rddreg [dreg:$0xb];
	[sflag:s30] =	ssyncadd.s32 $0xFFFFF800  }
0x2a0: {  	[hbm4b:s15+s11] =	stream.linear.scatter [tilespmem:s7], [sflag:$0x2], $0x800, $0x38;
	[tilespmem:$0x16800] =	vst v63  }
0x2a1: {  	_ =	swait.ge [sflag:s30], $0x800  }
0x2a2: {  	[sflag:s30] =	ssyncset.done $0x0  }
0x2a3: {  	s16 =	rddreg [dreg:$0xc];
	[sflag:s30] =	ssyncadd.s32 $0xFFFFF800  }
0x2a4: {  	[hbm4b:s16+s11] =	stream.linear.scatter [tilespmem:s8], [sflag:$0x2], $0x800, $0x38;
	[tilespmem:$0x16800] =	vst v63  }
0x2a5: {  	_ =	swait.ge [sflag:s30], $0x800  }
0x2a6: {  	[sflag:s30] =	ssyncset.done $0x0  }
0x2a7: {  	s17 =	rddreg [dreg:$0xd];
	[sflag:s30] =	ssyncadd.s32 $0xFFFFF800  }
0x2a8: {  	[hbm4b:s17+s11] =	stream.linear.scatter [tilespmem:s9], [sflag:$0x2], $0x800, $0x38;
	[tilespmem:$0x16800] =	vst v63  }
0x2a9: {  	_ =	swait.ge [sflag:s30], $0x800  }
0x2aa: {  	[sflag:s30] =	ssyncset.done $0x0  }
0x2ab: {  	s18 =	rddreg [dreg:$0xe];
	[sflag:s30] =	ssyncadd.s32 $0xFFFFF800  }
0x2ac: {  	[tilespmem:s11], [sflag:$0x2] =	stream.linear.gather [hbm4b:s18+s11], $0x800, $0x38;
	[tilespmem:$0x16800] =	vst v63  }
0x2ad: {  	_ =	swait.ge [sflag:s30], $0x800  }
0x2ae: {  	[sflag:s30] =	ssyncset.done $0x0  }
0x2af: {  	s19 =	rddreg [dreg:$0xf];
	[sflag:s30] =	ssyncadd.s32 $0xFFFFF800  }
0x2b0: {  	[tilespmem:s31], [sflag:$0x2] =	stream.linear.gather [hbm4b:s19+s11], $0x800, $0x38;
	[tilespmem:$0x16800] =	vst v63  }
0x2b1: {  	_ =	swait.ge [sflag:s30], $0x800  }
0x2b2: {  	[sflag:s30] =	ssyncset.done $0x0  }
0x2b3: {  	s11 =	simm.s32 $0x0;
	[sflag:s30] =	ssyncadd.s32 $0xFFFFF800  }
0x2b4: {  	v4 =	vld [tilespmem:s11+$0x850]  }
0x2b5: {  	v6 =	vld [tilespmem:s11+$0x70]  }
0x2b6: {  	v5 =	vld [tilespmem:s11+$0x50]  }
0x2b7: {  	v7 =	vld [tilespmem:s11+$0x60]  }
0x2b8: {  	v8 =	vld [tilespmem:s11+$0x0]  }
0x2b9: {  	v11 =	vld [tilespmem:s11+$0x800];
	_ =	sdelay $0x1  }
0x2ba: {  	v9 =	vadd.f32 $4.096000000e+03, v4;
	vm0 =	vge.f32 v4, $1.000000000e+00;
	v12 =	vadd.f32 $4.096000000e+03, v6  }
0x2bb: {  	v10 =	vadd.f32 $4.096000000e+03, v5;
	vm12 =	vge.f32 v6, $1.000000000e+00;
	vm1 =	vge.f32 v5, $1.000000000e+00  }
0x2bc: {  	v13 =	vadd.f32 $4.096000000e+03, v7;
	v14 =	vadd.f32 $4.096000000e+03, v8;
	vm13 =	vge.f32 v7, $1.000000000e+00  }
0x2bd: {  	vm2 =	vge.f32 v8, $1.000000000e+00;
	vm14 =	vge.f32 v11, $1.000000000e+00;
	v4 =	vsel vm0, v4, v9  }
0x2be: {  	v9 =	vld [tilespmem:s11+$0x860];
	v13 =	vsel vm13, v7, v13;
	v7 =	vsel vm2, v8, v14;
	v8 =	vadd.f32 $4.096000000e+03, v11  }
0x2bf: {  	v15 =	vsel vm1, v5, v10;
	v5 =	vtrunc.f32 v13;
	v10 =	vtrunc.f32 v7  }
0x2c0: {  	v14 =	vcvt.f32.s32 v5;
	v10 =	vcvt.f32.s32 v10;
	v8 =	vsel vm14, v11, v8  }
0x2c1: {  	v6 =	vsel vm12, v6, v12;
	v16 =	vtrunc.f32 v4;
	v17 =	vtrunc.f32 v8  }
0x2c2: {  	v11 =	vcvt.s32.f32 v14;
	v18 =	vmul.u32 $0x1004, v10;
	v17 =	vcvt.f32.s32 v17  }
0x2c3: {  	v19 =	vtrunc.f32 v15;
	v5 =	vadd.f32 $4.096000000e+03, v9;
	vm15 =	vge.f32 v9, $1.000000000e+00  }
0x2c4: {  	v11 =	vsub.f32 v13, v11;
	v13 =	vadd.s32 v17, v18;
	v12 =	vcvt.s32.f32 v17  }
0x2c5: {  	v5 =	vsel vm15, v9, v5;
	v9 =	vcvt.f32.s32 v16;
	v16 =	vcvt.f32.s32 v19  }
0x2c6: {  	v14 =	vmul.u32 $0x1004, v14;
	[tilespmem:s11+$0x2000] =	vst v13;
	v17 =	vshrl.u32 v13, $0x1;
	v13 =	vadd.s32 $0x1, v13  }
0x2c7: {  	v19 =	vtrunc.f32 v5;
	v8 =	vsub.f32 v8, v12;
	v18 =	vcvt.s32.f32 v16  }
0x2c8: {  	[tilespmem:s11+$0x1060] =	vst v11;
	v12 =	vadd.s32 $0x802, v17;
	v19 =	vcvt.f32.s32 v19;
	v16 =	vmul.u32 $0x1004, v16  }
0x2c9: {  	v11 =	vld [tilespmem:s11+$0x870];
	v13 =	vshrl.u32 v13, $0x1;
	[tilespmem:s11+$0x3800] =	vst v12;
	v18 =	vsub.f32 v15, v18;
	v15 =	vtrunc.f32 v6  }
0x2ca: {  	[tilespmem:s11+$0x1800] =	vst v8;
	v12 =	vadd.s32 v9, v16;
	v8 =	vcvt.s32.f32 v19;
	v20 =	vadd.s32 v19, v14  }
0x2cb: {  	s13 =	simm.s32 $0x4800;
	s14 =	simm.s32 $0x200;
	s12 =	simm.s32 $0x4800;
	[tilespmem:s11+$0x3000] =	vst v13;
	v16 =	vshrl.u32 v12, $0x1;
	v19 =	vadd.s32 $0x1, v12;
	v14 =	vadd.s32 $0x1, v20  }
.LBB2_14:
0x2cc: {  	p0 =	sne.s32 s14, $0x1E00  }
0x2cd: {  	v10 =	vcvt.s32.f32 v10;
	[tilespmem:s11+$0x2800] =	vst v17;
	v17 =	vshrl.u32 v19, $0x1;
	v19 =	vshrl.u32 v20, $0x1;
	s13 =	sadd.s32 $0x400, s13;
	s15 =	smov.u32 s14;
	s14 =	sadd.s32 $0x200, s14  }
0x2ce: {  	v21 =	vadd.s32 $0x802, v16;
	v22 =	vadd.s32 $0x802, v17;
	[tilespmem:s11+$0x2060] =	vst v20;
	vm0 =	vge.f32 v11, $1.000000000e+00  }
0x2cf: {  	v9 =	vcvt.s32.f32 v9;
	v7 =	vsub.f32 v7, v10;
	v10 =	vld [tilespmem:s11+$0x30];
	[tilespmem:s11+$0x1050] =	vst v18;
	v18 =	vadd.f32 $4.096000000e+03, v11  }
0x2d0: {  	v13 =	vadd.s32 $0x802, v13;
	v15 =	vcvt.f32.s32 v15;
	v20 =	vld [tilespmem:s11+$0x20];
	[tilespmem:s11+$0x2850] =	vst v16;
	v16 =	vadd.s32 $0x802, v19  }
0x2d1: {  	v5 =	vsub.f32 v5, v8;
	v8 =	vshrl.u32 v14, $0x1;
	v4 =	vsub.f32 v4, v9;
	v23 =	vld [tilespmem:s11+$0x10];
	[tilespmem:s11+$0x2860] =	vst v19  }
0x2d2: {  	v9 =	vcvt.s32.f32 v15;
	v14 =	vmul.u32 $0x1004, v15;
	[tilespmem:s11+$0x1000] =	vst v7;
	v7 =	vadd.s32 $0x802, v8  }
0x2d3: {  	v11 =	vsel vm0, v11, v18;
	v15 =	vld [tilespmem:s11+$0x820];
	[tilespmem:s11+$0x3860] =	vst v16  }
0x2d4: {  	v6 =	vsub.f32 v6, v9;
	v16 =	vadd.f32 $4.096000000e+03, v10;
	[tilespmem:s11+$0x1850] =	vst v4;
	v4 =	vtrunc.f32 v11  }
0x2d5: {  	vm0 =	vge.f32 v10, $1.000000000e+00;
	v9 =	vadd.f32 $4.096000000e+03, v20;
	[tilespmem:s11+$0x2050] =	vst v12;
	v4 =	vcvt.f32.s32 v4  }
0x2d6: {  	vm2 =	vge.f32 v20, $1.000000000e+00;
	[tilespmem:s11+$0x4000] =	vst v13;
	v12 =	vld [tilespmem:s11+$0x810];
	vm1 =	vge.f32 v23, $1.000000000e+00;
	v13 =	vadd.f32 $4.096000000e+03, v23  }
0x2d7: {  	v9 =	vsel vm2, v20, v9;
	[tilespmem:s11+$0x3050] =	vst v17;
	v17 =	vcvt.s32.f32 v4;
	v4 =	vadd.s32 v4, v14  }
0x2d8: {  	vm2 =	vge.f32 v15, $1.000000000e+00;
	[tilespmem:s11+$0x2070] =	vst v4;
	v14 =	vshrl.u32 v4, $0x1;
	v4 =	vadd.s32 $0x1, v4  }
0x2d9: {  	v18 =	vadd.f32 $4.096000000e+03, v15;
	v19 =	vld [tilespmem:s11+$0x830];
	[tilespmem:s11+$0x1070] =	vst v6;
	v6 =	vsub.f32 v11, v17;
	v4 =	vshrl.u32 v4, $0x1  }
0x2da: {  	v11 =	vsel vm1, v23, v13;
	v13 =	vtrunc.f32 v9;
	[tilespmem:s11+$0x3060] =	vst v8;
	v8 =	vadd.s32 $0x802, v4  }
0x2db: {  	v10 =	vsel vm0, v10, v16;
	v15 =	vsel vm2, v15, v18;
	v17 =	vadd.f32 $4.096000000e+03, v12;
	[tilespmem:s11+$0x2870] =	vst v14  }
0x2dc: {  	v16 =	vtrunc.f32 v10;
	v13 =	vcvt.f32.s32 v13;
	vm0 =	vge.f32 v12, $1.000000000e+00;
	[tilespmem:s11+$0x1870] =	vst v6  }
0x2dd: {  	v18 =	vtrunc.f32 v15;
	v14 =	vadd.s32 $0x802, v14;
	v6 =	vtrunc.f32 v11;
	[tilespmem:s11+$0x3850] =	vst v21  }
0x2de: {  	v16 =	vcvt.f32.s32 v16;
	v18 =	vcvt.f32.s32 v18;
	vm1 =	vge.f32 v19, $1.000000000e+00;
	[tilespmem:s11+$0x3870] =	vst v14  }
0x2df: {  	v12 =	vsel vm0, v12, v17;
	v6 =	vcvt.f32.s32 v6;
	v14 =	vcvt.s32.f32 v13;
	[tilespmem:s11+$0x3070] =	vst v4  }
0x2e0: {  	v17 =	vcvt.s32.f32 v18;
	v20 =	vadd.f32 $4.096000000e+03, v19;
	v4 =	vtrunc.f32 v12;
	[tilespmem:s11+$0x4070] =	vst v8  }
0x2e1: {  	v13 =	vmul.u32 $0x1004, v13;
	v4 =	vcvt.f32.s32 v4;
	v8 =	vmul.u32 $0x1004, v6;
	[tilespmem:s11+$0x4050] =	vst v22  }
0x2e2: {  	v15 =	vsub.f32 v15, v17;
	v17 =	vsel vm1, v19, v20;
	v19 =	vmul.u32 $0x1004, v16;
	[tilespmem:s11+$0x4060] =	vst v7  }
0x2e3: {  	v16 =	vcvt.s32.f32 v16;
	v7 =	vadd.s32 v4, v8;
	v8 =	vtrunc.f32 v17;
	[tilespmem:s11+$0x1860] =	vst v5  }
0x2e4: {  	v13 =	vadd.s32 v18, v13;
	v5 =	vadd.s32 $0x1, v7;
	v8 =	vcvt.f32.s32 v8;
	[tilespmem:s11+$0x2010] =	vst v7  }
0x2e5: {  	v18 =	vshrl.u32 v13, $0x1;
	v10 =	vsub.f32 v10, v16;
	[tilespmem:s11+$0x2020] =	vst v13;
	v13 =	vadd.s32 $0x1, v13  }
0x2e6: {  	v5 =	vshrl.u32 v5, $0x1;
	[tilespmem:s11+$0x1820] =	vst v15;
	v15 =	vcvt.s32.f32 v8;
	v8 =	vadd.s32 v8, v19;
	v16 =	vld [tilespmem:s11+$0x40]  }
0x2e7: {  	v6 =	vcvt.s32.f32 v6;
	[tilespmem:s11+$0x3010] =	vst v5;
	v5 =	vadd.s32 $0x802, v5;
	v19 =	vadd.s32 $0x1, v8  }
0x2e8: {  	v7 =	vshrl.u32 v7, $0x1;
	[tilespmem:s11+$0x4010] =	vst v5;
	v5 =	vsub.f32 v9, v14;
	v9 =	vsub.f32 v17, v15;
	v14 =	vld [tilespmem:s11+$0x840]  }
0x2e9: {  	v6 =	vsub.f32 v11, v6;
	v4 =	vcvt.s32.f32 v4;
	[tilespmem:s11+$0x2810] =	vst v7;
	v7 =	vadd.s32 $0x802, v7  }
0x2ea: {  	v11 =	vshrl.u32 v13, $0x1;
	v13 =	vshrl.u32 v8, $0x1;
	v15 =	vshrl.u32 v19, $0x1;
	[tilespmem:s11+$0x2820] =	vst v18  }
0x2eb: {  	v4 =	vsub.f32 v12, v4;
	[tilespmem:s11+$0x1830] =	vst v9;
	v9 =	vadd.s32 $0x802, v15;
	v12 =	vadd.f32 $4.096000000e+03, v16  }
0x2ec: {  	v17 =	vadd.s32 $0x802, v18;
	vm0 =	vge.f32 v16, $1.000000000e+00;
	[tilespmem:s11+$0x3020] =	vst v11;
	v11 =	vadd.s32 $0x802, v11  }
0x2ed: {  	[tilespmem:s11+$0x1010] =	vst v6;
	v6 =	vadd.s32 $0x802, v13;
	v12 =	vsel vm0, v16, v12;
	v16 =	vadd.f32 $4.096000000e+03, v14  }
0x2ee: {  	vm0 =	vge.f32 v14, $1.000000000e+00;
	[tilespmem:s11+$0x2030] =	vst v8;
	v8 =	vtrunc.f32 v12  }
0x2ef: {  	[tilespmem:s11+$0x3810] =	vst v7;
	v7 =	vsel vm0, v14, v16;
	v8 =	vcvt.f32.s32 v8  }
0x2f0: {  	[tilespmem:s11+$0x4020] =	vst v11;
	v11 =	vtrunc.f32 v7  }
0x2f1: {  	[tilespmem:s11+$0x1020] =	vst v5;
	v5 =	vcvt.f32.s32 v11;
	v11 =	vcvt.s32.f32 v8;
	v8 =	vmul.u32 $0x1004, v8  }
0x2f2: {  	[tilespmem:s11+$0x1810] =	vst v4  }
0x2f3: {  	[tilespmem:s11+$0x2830] =	vst v13;
	v4 =	vsub.f32 v12, v11;
	v11 =	vcvt.s32.f32 v5;
	v5 =	vadd.s32 v5, v8  }
0x2f4: {  	[tilespmem:s11+$0x2040] =	vst v5;
	v8 =	vshrl.u32 v5, $0x1;
	v5 =	vadd.s32 $0x1, v5  }
0x2f5: {  	[tilespmem:s11+$0x1030] =	vst v10;
	v7 =	vsub.f32 v7, v11;
	v5 =	vshrl.u32 v5, $0x1;
	v10 =	vadd.s32 $0x802, v8  }
0x2f6: {  	[tilespmem:s11+$0x2840] =	vst v8;
	v8 =	vadd.s32 $0x802, v5  }
0x2f7: {  	[tilespmem:s11+$0x1840] =	vst v7  }
0x2f8: {  	[tilespmem:s11+$0x3820] =	vst v17  }
0x2f9: {  	[tilespmem:s11+$0x3030] =	vst v15  }
0x2fa: {  	[tilespmem:s11+$0x1040] =	vst v4  }
0x2fb: {  	[tilespmem:s11+$0x3830] =	vst v6  }
0x2fc: {  	[tilespmem:s11+$0x4030] =	vst v9  }
0x2fd: {  	[tilespmem:s11+$0x3840] =	vst v10  }
0x2fe: {  	s16 =	sadd.s32 $0x2800, s11;
	[tilespmem:s11+$0x3040] =	vst v5  }
0x2ff: {  	s17 =	sadd.s32 $0x3000, s11;
	s18 =	sadd.s32 $0x4000, s12;
	[tilespmem:s11+$0x4040] =	vst v8  }
0x300: {  	[tilespmem:s12], [sflag:$0x1] =	stream.indirect.gather [hbm4b:s3+s0], $0x8, s16, s0, $0xb8;
	[tilespmem:$0x16800] =	vst v63  }
0x301: {  	s19 =	sadd.s32 $0x8000, s12;
	s16 =	sadd.s32 $0x3800, s11  }
0x302: {  	[tilespmem:s18], [sflag:$0x1] =	stream.indirect.gather [hbm4b:s3+s0], $0x8, s17, s0, $0xb8;
	[tilespmem:$0x16800] =	vst v63  }
0x303: {  	s17 =	sadd.s32 $0x4000, s11;
	s18 =	sadd.s32 $0xC000, s12;
	s12 =	smov.u32 s13  }
0x304: {  	[tilespmem:s19], [sflag:$0x1] =	stream.indirect.gather [hbm4b:s3+s0], $0x8, s16, s0, $0xb8;
	[tilespmem:$0x16800] =	vst v63  }
0x305: {  	s11 =	sshra.s32 s15, $0x2  }
0x306: {  	[tilespmem:s18], [sflag:$0x1] =	stream.indirect.gather [hbm4b:s3+s0], $0x8, s17, s0, $0xb8;
	[tilespmem:$0x16800] =	vst v63  }
0x307: {  	v4 =	vld [tilespmem:s11+$0x850]  }
0x308: {  	v6 =	vld [tilespmem:s11+$0x70]  }
0x309: {  	v5 =	vld [tilespmem:s11+$0x50]  }
0x30a: {  	v7 =	vld [tilespmem:s11+$0x60]  }
0x30b: {  	v8 =	vld [tilespmem:s11+$0x0]  }
0x30c: {  	v9 =	vadd.f32 $4.096000000e+03, v4;
	v11 =	vld [tilespmem:s11+$0x860]  }
0x30d: {  	vm0 =	vge.f32 v4, $1.000000000e+00;
	v12 =	vld [tilespmem:s11+$0x800];
	v13 =	vadd.f32 $4.096000000e+03, v6  }
0x30e: {  	v10 =	vadd.f32 $4.096000000e+03, v5;
	v4 =	vsel vm0, v4, v9;
	vm0 =	vge.f32 v6, $1.000000000e+00  }
0x30f: {  	vm1 =	vge.f32 v5, $1.000000000e+00;
	v9 =	vtrunc.f32 v4;
	v14 =	vadd.f32 $4.096000000e+03, v7  }
0x310: {  	v15 =	vadd.f32 $4.096000000e+03, v8;
	v16 =	vsel vm1, v5, v10;
	vm1 =	vge.f32 v7, $1.000000000e+00  }
0x311: {  	vm2 =	vge.f32 v8, $1.000000000e+00;
	v14 =	vsel vm1, v7, v14;
	v5 =	vadd.f32 $4.096000000e+03, v11  }
0x312: {  	v7 =	vsel vm2, v8, v15;
	vm1 =	vge.f32 v12, $1.000000000e+00;
	v8 =	vtrunc.f32 v14  }
0x313: {  	v15 =	vadd.f32 $4.096000000e+03, v12;
	v10 =	vtrunc.f32 v7;
	v8 =	vcvt.f32.s32 v8  }
0x314: {  	v9 =	vcvt.f32.s32 v9;
	vm2 =	vge.f32 v11, $1.000000000e+00;
	v10 =	vcvt.f32.s32 v10  }
0x315: {  	v12 =	vsel vm1, v12, v15;
	v15 =	vcvt.s32.f32 v8;
	v19 =	vmul.u32 $0x1004, v8  }
0x316: {  	v5 =	vsel vm2, v11, v5;
	v8 =	vtrunc.f32 v12;
	v17 =	vmul.u32 $0x1004, v10  }
0x317: {  	v6 =	vsel vm0, v6, v13;
	v11 =	vtrunc.f32 v16;
	v8 =	vcvt.f32.s32 v8  }
0x318: {  	v11 =	vcvt.f32.s32 v11;
	v13 =	vtrunc.f32 v5;
	v14 =	vsub.f32 v14, v15  }
0x319: {  	v20 =	vcvt.f32.s32 v13;
	v15 =	vcvt.s32.f32 v8;
	v8 =	vadd.s32 v8, v17  }
.Ltmp6:
0x31a: {  	v18 =	vcvt.s32.f32 v11;
	v17 =	vshrl.u32 v8, $0x1;
	[tilespmem:s11+$0x2000] =	vst v8;
	v8 =	vadd.s32 $0x1, v8;
	(pc) =	sbr.rel @p0 .LBB2_14-.Ltmp6, $4  }
0x31b: {  	v21 =	vmul.u32 $0x1004, v11;
	v12 =	vsub.f32 v12, v15;
	v15 =	vadd.s32 $0x802, v17;
	[tilespmem:s11+$0x1060] =	vst v14;
	v11 =	vld [tilespmem:s11+$0x870]  }
0x31c: {  	v18 =	vsub.f32 v16, v18;
	v13 =	vshrl.u32 v8, $0x1;
	[tilespmem:s11+$0x3800] =	vst v15;
	v15 =	vtrunc.f32 v6  }
0x31d: {  	v8 =	vcvt.s32.f32 v20;
	v20 =	vadd.s32 v20, v19;
	[tilespmem:s11+$0x1800] =	vst v12;
	v12 =	vadd.s32 v9, v21  }
0x31e: {  	v14 =	vadd.s32 $0x1, v20;
	[tilespmem:s11+$0x3000] =	vst v13;
	v16 =	vshrl.u32 v12, $0x1;
	v19 =	vadd.s32 $0x1, v12  }
0x31f: {  	[tilespmem:s11+$0x2800] =	vst v17  }
0x320: {  	[tilespmem:s11+$0x2060] =	vst v20  }
0x321: {  	[tilespmem:s11+$0x1050] =	vst v18  }
0x322: {  	[tilespmem:s11+$0x2850] =	vst v16  }
0x323: {  	v54 =	vshrl.u32 v20, $0x1;
	[tilespmem:s11+$0x2050] =	vst v12  }
0x324: {  	v14 =	vshrl.u32 v14, $0x1;
	[tilespmem:s11+$0x2860] =	vst v54  }
0x325: {  	v10 =	vcvt.s32.f32 v10;
	v53 =	vld [tilespmem:s11+$0x20];
	v61 =	vadd.s32 $0x802, v16;
	[tilespmem:s11+$0x3060] =	vst v14  }
0x326: {  	v55 =	vld [tilespmem:s11+$0x10];
	v9 =	vcvt.s32.f32 v9;
	v15 =	vcvt.f32.s32 v15;
	v20 =	vadd.s32 $0x802, v54;
	[tilespmem:s11+$0x3850] =	vst v61  }
0x327: {  	v57 =	vld [tilespmem:s11+$0x820];
	v56 =	vadd.f32 $4.096000000e+03, v11;
	v34 =	vadd.s32 $0x802, v14;
	v7 =	vsub.f32 v7, v10;
	[tilespmem:s11+$0x3860] =	vst v20  }
0x328: {  	vm0 =	vge.f32 v11, $1.000000000e+00;
	v4 =	vsub.f32 v4, v9;
	v59 =	vcvt.s32.f32 v15;
	[tilespmem:s11+$0x4060] =	vst v34  }
0x329: {  	v5 =	vsub.f32 v5, v8;
	v58 =	vmul.u32 $0x1004, v15;
	[tilespmem:s11+$0x1000] =	vst v7;
	v7 =	vsel vm0, v11, v56  }
0x32a: {  	[tilespmem:s11+$0x1850] =	vst v4;
	v4 =	vadd.s32 $0x802, v13;
	v6 =	vsub.f32 v6, v59;
	v11 =	vtrunc.f32 v7  }
0x32b: {  	[tilespmem:s11+$0x4000] =	vst v4;
	v4 =	vshrl.u32 v19, $0x1;
	v62 =	vadd.f32 $4.096000000e+03, v53;
	vm9 =	vge.f32 v53, $1.000000000e+00  }
0x32c: {  	[tilespmem:s11+$0x1860] =	vst v5;
	vm1 =	vge.f32 v55, $1.000000000e+00;
	v24 =	vadd.f32 $4.096000000e+03, v55;
	v26 =	vadd.f32 $4.096000000e+03, v57  }
0x32d: {  	vm10 =	vge.f32 v57, $1.000000000e+00;
	v11 =	vcvt.f32.s32 v11;
	[tilespmem:s11+$0x3050] =	vst v4;
	v4 =	vadd.s32 $0x802, v4  }
0x32e: {  	v60 =	vld [tilespmem:s11+$0x810];
	[tilespmem:s11+$0x1070] =	vst v6;
	v13 =	vsel vm9, v53, v62;
	v10 =	vsel vm1, v55, v24;
	v9 =	vsel vm10, v57, v26  }
0x32f: {  	[tilespmem:s11+$0x4050] =	vst v4;
	v12 =	vadd.s32 v11, v58;
	v11 =	vcvt.s32.f32 v11;
	v18 =	vtrunc.f32 v13  }
0x330: {  	v63 =	vld [tilespmem:s11+$0x830];
	v30 =	vtrunc.f32 v10;
	v31 =	vtrunc.f32 v9;
	[tilespmem:s11+$0x2070] =	vst v12;
	v25 =	vshrl.u32 v12, $0x1  }
0x331: {  	v12 =	vadd.s32 $0x1, v12;
	v29 =	vcvt.f32.s32 v18;
	[tilespmem:s11+$0x2870] =	vst v25;
	v6 =	vadd.s32 $0x802, v25  }
0x332: {  	v52 =	vld [tilespmem:s11+$0x30];
	v32 =	vcvt.f32.s32 v30;
	v7 =	vsub.f32 v7, v11;
	v12 =	vshrl.u32 v12, $0x1;
	[tilespmem:s11+$0x3870] =	vst v6  }
0x333: {  	v28 =	vadd.f32 $4.096000000e+03, v60;
	[tilespmem:s11+$0x3070] =	vst v12;
	v6 =	vcvt.f32.s32 v31;
	v36 =	vmul.u32 $0x1004, v29  }
0x334: {  	vm11 =	vge.f32 v60, $1.000000000e+00;
	v27 =	vadd.s32 $0x802, v12;
	v15 =	vcvt.s32.f32 v32;
	[tilespmem:s11+$0x1870] =	vst v7  }
0x335: {  	v45 =	vld [tilespmem:s11+$0x840];
	v37 =	vadd.f32 $4.096000000e+03, v63;
	v11 =	vcvt.s32.f32 v29;
	[tilespmem:s11+$0x4070] =	vst v27;
	v5 =	vadd.s32 v6, v36  }
0x336: {  	vm12 =	vge.f32 v63, $1.000000000e+00;
	v10 =	vsub.f32 v10, v15;
	[tilespmem:s11+$0x2020] =	vst v5;
	v46 =	vshrl.u32 v5, $0x1  }
0x337: {  	v39 =	vadd.f32 $4.096000000e+03, v52;
	v7 =	vsel vm11, v60, v28;
	v11 =	vsub.f32 v13, v11;
	[tilespmem:s11+$0x2820] =	vst v46  }
0x338: {  	v35 =	vmul.u32 $0x1004, v32;
	v33 =	vtrunc.f32 v7;
	v5 =	vadd.s32 $0x1, v5;
	[tilespmem:s11+$0x1010] =	vst v10  }
0x339: {  	v4 =	vcvt.s32.f32 v6;
	v8 =	vcvt.f32.s32 v33;
	v5 =	vshrl.u32 v5, $0x1;
	[tilespmem:s11+$0x1020] =	vst v11  }
0x33a: {  	vm13 =	vge.f32 v52, $1.000000000e+00;
	v49 =	vadd.f32 $4.096000000e+03, v45;
	v61 =	vadd.s32 $0x802, v46;
	[tilespmem:s11+$0x3020] =	vst v5  }
0x33b: {  	v38 =	vsel vm12, v63, v37;
	v4 =	vsub.f32 v9, v4;
	v14 =	vadd.s32 v8, v35;
	[tilespmem:s11+$0x3820] =	vst v61  }
0x33c: {  	vm15 =	vge.f32 v45, $1.000000000e+00;
	v12 =	vtrunc.f32 v38;
	v9 =	vsel vm13, v52, v39;
	[tilespmem:s11+$0x2010] =	vst v14  }
0x33d: {  	v42 =	vld [tilespmem:s11+$0x40];
	v10 =	vsel vm15, v45, v49;
	v17 =	vtrunc.f32 v9;
	v5 =	vadd.s32 $0x802, v5;
	[tilespmem:s11+$0x1820] =	vst v4  }
0x33e: {  	v8 =	vcvt.s32.f32 v8;
	v40 =	vadd.s32 $0x1, v14;
	v14 =	vshrl.u32 v14, $0x1;
	[tilespmem:s11+$0x4020] =	vst v5  }
0x33f: {  	v4 =	vcvt.f32.s32 v12;
	v44 =	vcvt.f32.s32 v17;
	v41 =	vshrl.u32 v40, $0x1;
	[tilespmem:s11+$0x2810] =	vst v14  }
0x340: {  	v5 =	vtrunc.f32 v10;
	v50 =	vadd.s32 $0x802, v14;
	v7 =	vsub.f32 v7, v8;
	[tilespmem:s11+$0x3010] =	vst v41  }
0x341: {  	v12 =	vadd.s32 $0x802, v41;
	v43 =	vcvt.s32.f32 v4;
	v47 =	vmul.u32 $0x1004, v44;
	[tilespmem:s11+$0x3810] =	vst v50  }
0x342: {  	v48 =	vadd.f32 $4.096000000e+03, v42;
	v5 =	vcvt.f32.s32 v5;
	[tilespmem:s11+$0x4010] =	vst v12  }
0x343: {  	v53 =	vcvt.s32.f32 v44;
	[tilespmem:s11+$0x1810] =	vst v7;
	v6 =	vsub.f32 v38, v43;
	v4 =	vadd.s32 v4, v47  }
0x344: {  	vm14 =	vge.f32 v42, $1.000000000e+00;
	v57 =	vcvt.s32.f32 v5;
	[tilespmem:s11+$0x2030] =	vst v4  }
0x345: {  	v56 =	vsub.f32 v9, v53;
	v55 =	vshrl.u32 v4, $0x1;
	[tilespmem:s11+$0x1830] =	vst v6;
	v6 =	vsel vm14, v42, v48  }
0x346: {  	v59 =	vsub.f32 v10, v57;
	[tilespmem:s11+$0x2830] =	vst v55;
	v51 =	vtrunc.f32 v6  }
0x347: {  	v4 =	vadd.s32 $0x1, v4;
	[tilespmem:s11+$0x1030] =	vst v56;
	v52 =	vcvt.f32.s32 v51  }
0x348: {  	v4 =	vshrl.u32 v4, $0x1;
	[tilespmem:s11+$0x1840] =	vst v59  }
0x349: {  	v62 =	vadd.s32 $0x802, v55;
	[tilespmem:s11+$0x3030] =	vst v4;
	v54 =	vmul.u32 $0x1004, v52  }
0x34a: {  	v4 =	vadd.s32 $0x802, v4;
	[tilespmem:s11+$0x3830] =	vst v62;
	v60 =	vcvt.s32.f32 v52  }
0x34b: {  	[tilespmem:s11+$0x4030] =	vst v4;
	v5 =	vadd.s32 v5, v54  }
0x34c: {  	v6 =	vsub.f32 v6, v60;
	[tilespmem:s11+$0x2040] =	vst v5;
	v58 =	vshrl.u32 v5, $0x1  }
0x34d: {  	[tilespmem:s11+$0x2840] =	vst v58  }
0x34e: {  	v5 =	vadd.s32 $0x1, v5;
	[tilespmem:s11+$0x1040] =	vst v6;
	v63 =	vadd.s32 $0x802, v58  }
0x34f: {  	v4 =	vshrl.u32 v5, $0x1;
	[tilespmem:s11+$0x3840] =	vst v63  }
0x350: {  	v5 =	vadd.s32 $0x802, v4;
	[tilespmem:s11+$0x3040] =	vst v4  }
0x351: {  	s13 =	sadd.s32 $0x2800, s11;
	[tilespmem:s11+$0x4040] =	vst v5  }
0x352: {  	[tilespmem:s12], [sflag:$0x1] =	stream.indirect.gather [hbm4b:s3+s0], $0x8, s13, s0, $0xb8;
	[tilespmem:$0x16800] =	vst v63  }
0x353: {  	s15 =	sadd.s32 $0x3000, s11;
	s14 =	sadd.s32 $0x4000, s12  }
0x354: {  	[tilespmem:s14], [sflag:$0x1] =	stream.indirect.gather [hbm4b:s3+s0], $0x8, s15, s0, $0xb8;
	[tilespmem:$0x16800] =	vst v63  }
0x355: {  	s16 =	sadd.s32 $0x3800, s11;
	s17 =	sadd.s32 $0x8000, s12  }
0x356: {  	[tilespmem:s17], [sflag:$0x1] =	stream.indirect.gather [hbm4b:s3+s0], $0x8, s16, s0, $0xb8;
	[tilespmem:$0x16800] =	vst v63  }
0x357: {  	s18 =	sadd.s32 $0x4000, s11;
	s19 =	sadd.s32 $0xC000, s12;
	s11 =	simm.s32 $0x40  }
0x358: {  	[tilespmem:s19], [sflag:$0x1] =	stream.indirect.gather [hbm4b:s3+s0], $0x8, s18, s0, $0xb8;
	[tilespmem:$0x16800] =	vst v63  }
.LBB2_16:
0x359: {  	p0 =	sne.s32 s11, $0x1  }
.Ltmp7:
0x35a: {  	_ = 	snop;
	(pc) =	sbr.rel @p0 .LBB2_16-.Ltmp7, $4  }
0x35b: {  	_ = 	snop  }
0x35c: {  	_ =	swait.ge [sflag:s2], $0x400  }
0x35d: {  	[sflag:s2] =	ssyncset.done $0x0  }
0x35e: {  	s11 =	sadd.s32 $0xFFFFFFFF, s11;
	[sflag:s2] =	ssyncadd.s32 $0xFFFFFC00  }
0x35f: {  	s11 =	simm.s32 $0x2000  }
0x360: {  	v4 =	vld [tilespmem:s11+$0x0];
	_ =	sdelay $0x2  }
0x361: {  	s12 =	simm.s32 $0x0  }
0x362: {  	v5 =	vmov s12  }
0x363: {  	v5 =	vshll.u32 v5, $0x3;
	v4 =	vshll.u32 v4, $0x2  }
0x364: {  	v7 =	vor.u32 v0, v5;
	v6 =	vand.u32 $0x4, v4  }
0x365: {  	v8 =	vor.u32 v2, v5;
	v4 =	vor.u32 v7, v6  }
0x366: {  	v10 =	vor.u32 v1, v5;
	v9 =	vxor.u32 $0x4, v6;
	v11 =	vor.u32 v8, v6  }
0x367: {  	v12 =	vor.u32 v3, v5;
	v5 =	vor.u32 v10, v9  }
0x368: {  	v9 =	vor.u32 v12, v9;
	_ =	sdelay $0x1  }
0x369: {  	v13 =	vld.idx.msk [tilespmem:v4+s4+$0x0], $0xffff  }
0x36a: {  	v11 =	vld.idx.msk [tilespmem:v11+s4+$0x0], $0xffff  }
0x36b: {  	v5 =	vld.idx.msk [tilespmem:v5+s4+$0x0], $0xffff  }
0x36c: {  	v9 =	vld.idx.msk [tilespmem:v9+s4+$0x0], $0xffff  }
0x36d: {  	s12 =	simm.s32 $0x1000  }
0x36e: {  	v4 =	vld [tilespmem:s12+$0x0];
	_ =	sdelay $0x2  }
0x36f: {  	v13 =	vsub.f32 v13, v11;
	v5 =	vsub.f32 v5, v9;
	_ =	sdelay $0x1  }
0x370: {  	s13 =	simm.s32 $0x1800;
	v13 =	vmul.f32 v13, v4;
	v14 =	vmul.f32 v5, v4  }
0x371: {  	v5 =	vld [tilespmem:s13+$0x0]  }
0x372: {  	v11 =	vadd.f32 v13, v11;
	v9 =	vadd.f32 v14, v9;
	_ =	sdelay $0x1  }
0x373: {  	v11 =	vsub.f32 v11, v9  }
0x374: {  	v55 =	vor.u32 $0x1, v6  }
0x375: {  	v56 =	vor.u32 v7, v55;
	v11 =	vmul.f32 v11, v5  }
0x376: {  	v15 =	vxor.u32 $0x5, v6;
	v13 =	vor.u32 v8, v55  }
0x377: {  	v16 =	vor.u32 v12, v15;
	v9 =	vadd.f32 v11, v9  }
0x378: {  	s14 =	simm.s32 $0x15800;
	v11 =	vor.u32 v10, v15  }
0x379: {  	[tilespmem:s14+$0xFFFFF000] =	vst v9  }
0x37a: {  	v9 =	vld.idx.msk [tilespmem:v56+s4+$0x0], $0xffff  }
0x37b: {  	v13 =	vld.idx.msk [tilespmem:v13+s4+$0x0], $0xffff  }
0x37c: {  	v57 =	vld.idx.msk [tilespmem:v16+s4+$0x0], $0xffff  }
0x37d: {  	v11 =	vld.idx.msk [tilespmem:v11+s4+$0x0], $0xffff;
	_ =	sdelay $0x4  }
0x37e: {  	v9 =	vsub.f32 v9, v13;
	v11 =	vsub.f32 v11, v57;
	_ =	sdelay $0x1  }
0x37f: {  	v9 =	vmul.f32 v9, v4;
	v11 =	vmul.f32 v11, v4;
	_ =	sdelay $0x1  }
0x380: {  	v9 =	vadd.f32 v9, v13;
	v11 =	vadd.f32 v11, v57;
	_ =	sdelay $0x1  }
0x381: {  	v9 =	vsub.f32 v9, v11  }
0x382: {  	v58 =	vxor.u32 $0x6, v6  }
0x383: {  	v59 =	vor.u32 $0x2, v6;
	v60 =	vor.u32 v12, v58;
	v9 =	vmul.f32 v9, v5  }
0x384: {  	v61 =	vor.u32 v7, v59  }
0x385: {  	v14 =	vor.u32 v8, v59;
	v9 =	vadd.f32 v9, v11  }
0x386: {  	v11 =	vor.u32 v10, v58  }
0x387: {  	[tilespmem:s14+$0xFFFFF800] =	vst v9  }
0x388: {  	v9 =	vld.idx.msk [tilespmem:v60+s4+$0x0], $0xffff  }
0x389: {  	v62 =	vld.idx.msk [tilespmem:v61+s4+$0x0], $0xffff  }
0x38a: {  	v14 =	vld.idx.msk [tilespmem:v14+s4+$0x0], $0xffff  }
0x38b: {  	v11 =	vld.idx.msk [tilespmem:v11+s4+$0x0], $0xffff;
	_ =	sdelay $0x4  }
0x38c: {  	v13 =	vsub.f32 v62, v14;
	v11 =	vsub.f32 v11, v9;
	_ =	sdelay $0x1  }
0x38d: {  	v13 =	vmul.f32 v13, v4;
	v11 =	vmul.f32 v11, v4;
	_ =	sdelay $0x1  }
0x38e: {  	v13 =	vadd.f32 v13, v14;
	v9 =	vadd.f32 v11, v9;
	_ =	sdelay $0x1  }
0x38f: {  	v11 =	vsub.f32 v13, v9;
	_ =	sdelay $0x1  }
0x390: {  	v63 =	vxor.u32 $0x7, v6;
	v11 =	vmul.f32 v11, v5  }
0x391: {  	v12 =	vor.u32 v12, v63  }
0x392: {  	v10 =	vor.u32 v10, v63;
	v9 =	vadd.f32 v11, v9;
	v11 =	vor.u32 $0x3, v6  }
0x393: {  	v7 =	vor.u32 v7, v11  }
0x394: {  	[tilespmem:s14+$0x0] =	vst v9;
	v9 =	vor.u32 v8, v11;
	_ =	sdelay $0x1  }
0x395: {  	v6 =	vld.idx.msk [tilespmem:v12+s4+$0x0], $0xffff  }
0x396: {  	v10 =	vld.idx.msk [tilespmem:v10+s4+$0x0], $0xffff  }
0x397: {  	v8 =	vld.idx.msk [tilespmem:v7+s4+$0x0], $0xffff  }
0x398: {  	v7 =	vld.idx.msk [tilespmem:v9+s4+$0x0], $0xffff;
	_ =	sdelay $0x3  }
0x399: {  	s15 =	simm.s32 $0x10;
	s16 =	simm.s32 $0x15810;
	v9 =	vsub.f32 v10, v6  }
.LBB2_18:
0x39a: {  	v8 =	vsub.f32 v8, v7;
	s12 =	sadd.s32 $0x10, s12;
	s13 =	sadd.s32 $0x10, s13;
	s11 =	sadd.s32 $0x10, s11  }
0x39b: {  	p0 =	sne.s32 s15, $0x7F0;
	s17 =	smov.u32 s15;
	s15 =	sadd.s32 $0x10, s15;
	v9 =	vmul.f32 v9, v4  }
0x39c: {  	v4 =	vmul.f32 v8, v4;
	_ =	sdelay $0x1  }
0x39d: {  	v6 =	vadd.f32 v9, v6;
	v4 =	vadd.f32 v4, v7;
	_ =	sdelay $0x1  }
0x39e: {  	v4 =	vsub.f32 v4, v6;
	_ =	sdelay $0x1  }
0x39f: {  	v4 =	vmul.f32 v4, v5;
	_ =	sdelay $0x1  }
0x3a0: {  	v4 =	vadd.f32 v4, v6;
	_ =	sdelay $0x1  }
0x3a1: {  	[tilespmem:s14+$0x800] =	vst v4;
	s14 =	smov.u32 s16  }
0x3a2: {  	v4 =	vld [tilespmem:s11+$0x0];
	_ =	sdelay $0x3  }
0x3a3: {  	v5 =	vmov s17  }
0x3a4: {  	v5 =	vshll.u32 v5, $0x3;
	v4 =	vshll.u32 v4, $0x2  }
0x3a5: {  	v6 =	vor.u32 v0, v5;
	v7 =	vor.u32 v3, v5;
	v4 =	vand.u32 $0x4, v4  }
0x3a6: {  	v10 =	vor.u32 v2, v5;
	v8 =	vxor.u32 $0x4, v4;
	v9 =	vor.u32 v6, v4  }
0x3a7: {  	v5 =	vor.u32 v1, v5;
	v11 =	vor.u32 v10, v4;
	v12 =	vor.u32 v7, v8  }
0x3a8: {  	v13 =	vor.u32 $0x1, v4;
	v14 =	vxor.u32 $0x5, v4;
	v8 =	vor.u32 v5, v8  }
0x3a9: {  	v15 =	vor.u32 v6, v13;
	v13 =	vor.u32 v10, v13;
	v16 =	vor.u32 v7, v14  }
0x3aa: {  	v17 =	vor.u32 $0x2, v4;
	v18 =	vxor.u32 $0x6, v4;
	v14 =	vor.u32 v5, v14  }
0x3ab: {  	v19 =	vor.u32 v6, v17;
	v17 =	vor.u32 v10, v17;
	v20 =	vor.u32 v7, v18;
	v9 =	vld.idx.msk [tilespmem:v9+s4+$0x0], $0xffff  }
0x3ac: {  	v21 =	vor.u32 $0x3, v4;
	v4 =	vxor.u32 $0x7, v4;
	v18 =	vor.u32 v5, v18;
	v11 =	vld.idx.msk [tilespmem:v11+s4+$0x0], $0xffff  }
0x3ad: {  	v6 =	vor.u32 v6, v21;
	v10 =	vor.u32 v10, v21;
	v7 =	vor.u32 v7, v4;
	v8 =	vld.idx.msk [tilespmem:v8+s4+$0x0], $0xffff  }
0x3ae: {  	v21 =	vor.u32 v5, v4;
	v12 =	vld.idx.msk [tilespmem:v12+s4+$0x0], $0xffff  }
0x3af: {  	v4 =	vld [tilespmem:s12+$0x0];
	_ =	sdelay $0x2  }
0x3b0: {  	v5 =	vsub.f32 v9, v11;
	_ =	sdelay $0x1  }
0x3b1: {  	v8 =	vsub.f32 v8, v12;
	v5 =	vmul.f32 v5, v4;
	_ =	sdelay $0x1  }
0x3b2: {  	v8 =	vmul.f32 v8, v4;
	v9 =	vadd.f32 v5, v11  }
0x3b3: {  	v5 =	vld [tilespmem:s13+$0x0]  }
0x3b4: {  	v8 =	vadd.f32 v8, v12;
	_ =	sdelay $0x1  }
0x3b5: {  	v9 =	vsub.f32 v9, v8;
	_ =	sdelay $0x1  }
0x3b6: {  	v9 =	vmul.f32 v9, v5;
	_ =	sdelay $0x1  }
0x3b7: {  	v8 =	vadd.f32 v9, v8;
	_ =	sdelay $0x1  }
0x3b8: {  	[tilespmem:s16+$0xFFFFF000] =	vst v8  }
0x3b9: {  	v8 =	vld.idx.msk [tilespmem:v15+s4+$0x0], $0xffff  }
0x3ba: {  	v9 =	vld.idx.msk [tilespmem:v13+s4+$0x0], $0xffff  }
0x3bb: {  	v11 =	vld.idx.msk [tilespmem:v16+s4+$0x0], $0xffff;
	_ =	sdelay $0x1  }
0x3bc: {  	v12 =	vld.idx.msk [tilespmem:v14+s4+$0x0], $0xffff;
	_ =	sdelay $0x2  }
0x3bd: {  	v8 =	vsub.f32 v8, v9;
	_ =	sdelay $0x1  }
0x3be: {  	v8 =	vmul.f32 v8, v4  }
0x3bf: {  	v12 =	vsub.f32 v12, v11  }
0x3c0: {  	v8 =	vadd.f32 v8, v9  }
0x3c1: {  	v9 =	vmul.f32 v12, v4;
	_ =	sdelay $0x1  }
0x3c2: {  	v9 =	vadd.f32 v9, v11;
	_ =	sdelay $0x1  }
0x3c3: {  	v8 =	vsub.f32 v8, v9;
	_ =	sdelay $0x1  }
0x3c4: {  	v8 =	vmul.f32 v8, v5;
	_ =	sdelay $0x1  }
0x3c5: {  	v8 =	vadd.f32 v8, v9;
	_ =	sdelay $0x1  }
0x3c6: {  	[tilespmem:s16+$0xFFFFF800] =	vst v8  }
0x3c7: {  	v8 =	vld.idx.msk [tilespmem:v20+s4+$0x0], $0xffff  }
0x3c8: {  	v9 =	vld.idx.msk [tilespmem:v19+s4+$0x0], $0xffff  }
0x3c9: {  	v11 =	vld.idx.msk [tilespmem:v17+s4+$0x0], $0xffff  }
0x3ca: {  	v12 =	vld.idx.msk [tilespmem:v18+s4+$0x0], $0xffff;
	_ =	sdelay $0x4  }
0x3cb: {  	v9 =	vsub.f32 v9, v11  }
0x3cc: {  	v12 =	vsub.f32 v12, v8  }
0x3cd: {  	v9 =	vmul.f32 v9, v4  }
0x3ce: {  	v12 =	vmul.f32 v12, v4  }
0x3cf: {  	v9 =	vadd.f32 v9, v11  }
0x3d0: {  	v8 =	vadd.f32 v12, v8;
	_ =	sdelay $0x1  }
0x3d1: {  	v9 =	vsub.f32 v9, v8;
	_ =	sdelay $0x1  }
0x3d2: {  	v9 =	vmul.f32 v9, v5;
	_ =	sdelay $0x1  }
0x3d3: {  	v8 =	vadd.f32 v9, v8;
	_ =	sdelay $0x1  }
0x3d4: {  	[tilespmem:s16+$0x0] =	vst v8  }
0x3d5: {  	v8 =	vld.idx.msk [tilespmem:v6+s4+$0x0], $0xffff  }
0x3d6: {  	v6 =	vld.idx.msk [tilespmem:v7+s4+$0x0], $0xffff  }
0x3d7: {  	v9 =	vld.idx.msk [tilespmem:v21+s4+$0x0], $0xffff  }
0x3d8: {  	v7 =	vld.idx.msk [tilespmem:v10+s4+$0x0], $0xffff  }
.Ltmp8:
0x3d9: {  	(pc) =	sbr.rel @p0 .LBB2_18-.Ltmp8, $2  }
0x3da: {  	_ =	sdelay $0x2  }
0x3db: {  	s16 =	sadd.s32 $0x10, s16;
	v9 =	vsub.f32 v9, v6  }
0x3dc: {  	v8 =	vsub.f32 v8, v7;
	_ =	sdelay $0x1  }
0x3dd: {  	v9 =	vmul.f32 v9, v4;
	v4 =	vmul.f32 v8, v4;
	_ =	sdelay $0x1  }
0x3de: {  	v6 =	vadd.f32 v9, v6;
	v4 =	vadd.f32 v4, v7;
	_ =	sdelay $0x1  }
0x3df: {  	v4 =	vsub.f32 v4, v6;
	_ =	sdelay $0x1  }
0x3e0: {  	v4 =	vmul.f32 v4, v5;
	_ =	sdelay $0x1  }
0x3e1: {  	v4 =	vadd.f32 v4, v6;
	_ =	sdelay $0x1  }
0x3e2: {  	s11 =	simm.s32 $0x0;
	s12 =	rddreg [dreg:$0x10];
	[tilespmem:s14+$0x800] =	vst v4  }
0x3e3: {  	[hbm4b:s12+s11] =	stream.linear.scatter [tilespmem:s6], [sflag:$0x2], $0x800, $0x38;
	[tilespmem:$0x16800] =	vst v63  }
0x3e4: {  	_ =	swait.ge [sflag:s30], $0x800  }
0x3e5: {  	[sflag:s30] =	ssyncset.done $0x0  }
0x3e6: {  	s19 =	rddreg [dreg:$0x11];
	[sflag:s30] =	ssyncadd.s32 $0xFFFFF800  }
0x3e7: {  	[hbm4b:s19+s11] =	stream.linear.scatter [tilespmem:s7], [sflag:$0x2], $0x800, $0x38;
	[tilespmem:$0x16800] =	vst v63  }
0x3e8: {  	_ =	swait.ge [sflag:s30], $0x800  }
0x3e9: {  	[sflag:s30] =	ssyncset.done $0x0  }
0x3ea: {  	[sflag:s30] =	ssyncadd.s32 $0xFFFFF800  }
0x3eb: {  	[hbm4b:s20+s11] =	stream.linear.scatter [tilespmem:s8], [sflag:$0x2], $0x800, $0x38;
	[tilespmem:$0x16800] =	vst v63  }
0x3ec: {  	_ =	swait.ge [sflag:s30], $0x800  }
0x3ed: {  	[sflag:s30] =	ssyncset.done $0x0  }
0x3ee: {  	[sflag:s30] =	ssyncadd.s32 $0xFFFFF800  }
0x3ef: {  	[hbm4b:s24+s11] =	stream.linear.scatter [tilespmem:s9], [sflag:$0x2], $0x800, $0x38;
	[tilespmem:$0x16800] =	vst v63  }
0x3f0: {  	_ =	swait.ge [sflag:s30], $0x800  }
0x3f1: {  	[sflag:s30] =	ssyncset.done $0x0  }
0x3f2: {  	[sflag:s30] =	ssyncadd.s32 $0xFFFFF800  }
0x3f3: {  	[tilespmem:s11], [sflag:$0x2] =	stream.linear.gather [hbm4b:s21+s11], $0x800, $0x38;
	[tilespmem:$0x16800] =	vst v63  }
0x3f4: {  	_ =	swait.ge [sflag:s30], $0x800  }
0x3f5: {  	[sflag:s30] =	ssyncset.done $0x0  }
0x3f6: {  	[sflag:s30] =	ssyncadd.s32 $0xFFFFF800  }
0x3f7: {  	[tilespmem:s31], [sflag:$0x2] =	stream.linear.gather [hbm4b:s22+s11], $0x800, $0x38;
	[tilespmem:$0x16800] =	vst v63  }
0x3f8: {  	_ =	swait.ge [sflag:s30], $0x800  }
0x3f9: {  	[sflag:s30] =	ssyncset.done $0x0  }
0x3fa: {  	s11 =	simm.s32 $0x0;
	[sflag:s30] =	ssyncadd.s32 $0xFFFFF800  }
0x3fb: {  	v4 =	vld [tilespmem:s11+$0x850]  }
0x3fc: {  	v6 =	vld [tilespmem:s11+$0x70]  }
0x3fd: {  	v5 =	vld [tilespmem:s11+$0x50]  }
0x3fe: {  	v7 =	vld [tilespmem:s11+$0x60]  }
0x3ff: {  	v8 =	vld [tilespmem:s11+$0x0]  }
0x400: {  	v11 =	vld [tilespmem:s11+$0x800];
	_ =	sdelay $0x1  }
0x401: {  	v9 =	vadd.f32 $4.096000000e+03, v4;
	vm0 =	vge.f32 v4, $1.000000000e+00;
	v12 =	vadd.f32 $4.096000000e+03, v6  }
0x402: {  	v10 =	vadd.f32 $4.096000000e+03, v5;
	vm12 =	vge.f32 v6, $1.000000000e+00;
	vm1 =	vge.f32 v5, $1.000000000e+00  }
0x403: {  	v13 =	vadd.f32 $4.096000000e+03, v7;
	v14 =	vadd.f32 $4.096000000e+03, v8;
	vm13 =	vge.f32 v7, $1.000000000e+00  }
0x404: {  	vm2 =	vge.f32 v8, $1.000000000e+00;
	vm14 =	vge.f32 v11, $1.000000000e+00;
	v4 =	vsel vm0, v4, v9  }
0x405: {  	v9 =	vld [tilespmem:s11+$0x860];
	v13 =	vsel vm13, v7, v13;
	v7 =	vsel vm2, v8, v14;
	v8 =	vadd.f32 $4.096000000e+03, v11  }
0x406: {  	v15 =	vsel vm1, v5, v10;
	v5 =	vtrunc.f32 v13;
	v10 =	vtrunc.f32 v7  }
0x407: {  	v14 =	vcvt.f32.s32 v5;
	v10 =	vcvt.f32.s32 v10;
	v8 =	vsel vm14, v11, v8  }
0x408: {  	v6 =	vsel vm12, v6, v12;
	v16 =	vtrunc.f32 v4;
	v17 =	vtrunc.f32 v8  }
0x409: {  	v11 =	vcvt.s32.f32 v14;
	v18 =	vmul.u32 $0x1004, v10;
	v17 =	vcvt.f32.s32 v17  }
0x40a: {  	v19 =	vtrunc.f32 v15;
	v5 =	vadd.f32 $4.096000000e+03, v9;
	vm15 =	vge.f32 v9, $1.000000000e+00  }
0x40b: {  	v11 =	vsub.f32 v13, v11;
	v13 =	vadd.s32 v17, v18;
	v12 =	vcvt.s32.f32 v17  }
0x40c: {  	v5 =	vsel vm15, v9, v5;
	v9 =	vcvt.f32.s32 v16;
	v16 =	vcvt.f32.s32 v19  }
0x40d: {  	v14 =	vmul.u32 $0x1004, v14;
	[tilespmem:s11+$0x2000] =	vst v13;
	v17 =	vshrl.u32 v13, $0x1;
	v13 =	vadd.s32 $0x1, v13  }
0x40e: {  	v19 =	vtrunc.f32 v5;
	v8 =	vsub.f32 v8, v12;
	v18 =	vcvt.s32.f32 v16  }
0x40f: {  	[tilespmem:s11+$0x1060] =	vst v11;
	v12 =	vadd.s32 $0x802, v17;
	v19 =	vcvt.f32.s32 v19;
	v16 =	vmul.u32 $0x1004, v16  }
0x410: {  	v11 =	vld [tilespmem:s11+$0x870];
	v13 =	vshrl.u32 v13, $0x1;
	[tilespmem:s11+$0x3800] =	vst v12;
	v18 =	vsub.f32 v15, v18;
	v15 =	vtrunc.f32 v6  }
0x411: {  	[tilespmem:s11+$0x1800] =	vst v8;
	v12 =	vadd.s32 v9, v16;
	v8 =	vcvt.s32.f32 v19;
	v20 =	vadd.s32 v19, v14  }
0x412: {  	s13 =	simm.s32 $0x4800;
	s14 =	simm.s32 $0x200;
	s12 =	simm.s32 $0x4800;
	[tilespmem:s11+$0x3000] =	vst v13;
	v16 =	vshrl.u32 v12, $0x1;
	v19 =	vadd.s32 $0x1, v12;
	v14 =	vadd.s32 $0x1, v20  }
.LBB2_20:
0x413: {  	p0 =	sne.s32 s14, $0x1E00  }
0x414: {  	v10 =	vcvt.s32.f32 v10;
	[tilespmem:s11+$0x2800] =	vst v17;
	v17 =	vshrl.u32 v19, $0x1;
	v19 =	vshrl.u32 v20, $0x1;
	s13 =	sadd.s32 $0x400, s13;
	s15 =	smov.u32 s14;
	s14 =	sadd.s32 $0x200, s14  }
0x415: {  	v21 =	vadd.s32 $0x802, v16;
	v22 =	vadd.s32 $0x802, v17;
	[tilespmem:s11+$0x2060] =	vst v20;
	vm0 =	vge.f32 v11, $1.000000000e+00  }
0x416: {  	v9 =	vcvt.s32.f32 v9;
	v7 =	vsub.f32 v7, v10;
	v10 =	vld [tilespmem:s11+$0x30];
	[tilespmem:s11+$0x1050] =	vst v18;
	v18 =	vadd.f32 $4.096000000e+03, v11  }
0x417: {  	v13 =	vadd.s32 $0x802, v13;
	v15 =	vcvt.f32.s32 v15;
	v20 =	vld [tilespmem:s11+$0x20];
	[tilespmem:s11+$0x2850] =	vst v16;
	v16 =	vadd.s32 $0x802, v19  }
0x418: {  	v5 =	vsub.f32 v5, v8;
	v8 =	vshrl.u32 v14, $0x1;
	v4 =	vsub.f32 v4, v9;
	v23 =	vld [tilespmem:s11+$0x10];
	[tilespmem:s11+$0x2860] =	vst v19  }
0x419: {  	v9 =	vcvt.s32.f32 v15;
	v14 =	vmul.u32 $0x1004, v15;
	[tilespmem:s11+$0x1000] =	vst v7;
	v7 =	vadd.s32 $0x802, v8  }
0x41a: {  	v11 =	vsel vm0, v11, v18;
	v15 =	vld [tilespmem:s11+$0x820];
	[tilespmem:s11+$0x3860] =	vst v16  }
0x41b: {  	v6 =	vsub.f32 v6, v9;
	v16 =	vadd.f32 $4.096000000e+03, v10;
	[tilespmem:s11+$0x1850] =	vst v4;
	v4 =	vtrunc.f32 v11  }
0x41c: {  	vm0 =	vge.f32 v10, $1.000000000e+00;
	v9 =	vadd.f32 $4.096000000e+03, v20;
	[tilespmem:s11+$0x2050] =	vst v12;
	v4 =	vcvt.f32.s32 v4  }
0x41d: {  	vm2 =	vge.f32 v20, $1.000000000e+00;
	[tilespmem:s11+$0x4000] =	vst v13;
	v12 =	vld [tilespmem:s11+$0x810];
	vm1 =	vge.f32 v23, $1.000000000e+00;
	v13 =	vadd.f32 $4.096000000e+03, v23  }
0x41e: {  	v9 =	vsel vm2, v20, v9;
	[tilespmem:s11+$0x3050] =	vst v17;
	v17 =	vcvt.s32.f32 v4;
	v4 =	vadd.s32 v4, v14  }
0x41f: {  	vm2 =	vge.f32 v15, $1.000000000e+00;
	[tilespmem:s11+$0x2070] =	vst v4;
	v14 =	vshrl.u32 v4, $0x1;
	v4 =	vadd.s32 $0x1, v4  }
0x420: {  	v18 =	vadd.f32 $4.096000000e+03, v15;
	v19 =	vld [tilespmem:s11+$0x830];
	[tilespmem:s11+$0x1070] =	vst v6;
	v6 =	vsub.f32 v11, v17;
	v4 =	vshrl.u32 v4, $0x1  }
0x421: {  	v11 =	vsel vm1, v23, v13;
	v13 =	vtrunc.f32 v9;
	[tilespmem:s11+$0x3060] =	vst v8;
	v8 =	vadd.s32 $0x802, v4  }
0x422: {  	v10 =	vsel vm0, v10, v16;
	v15 =	vsel vm2, v15, v18;
	v17 =	vadd.f32 $4.096000000e+03, v12;
	[tilespmem:s11+$0x2870] =	vst v14  }
0x423: {  	v16 =	vtrunc.f32 v10;
	v13 =	vcvt.f32.s32 v13;
	vm0 =	vge.f32 v12, $1.000000000e+00;
	[tilespmem:s11+$0x1870] =	vst v6  }
0x424: {  	v18 =	vtrunc.f32 v15;
	v14 =	vadd.s32 $0x802, v14;
	v6 =	vtrunc.f32 v11;
	[tilespmem:s11+$0x3850] =	vst v21  }
0x425: {  	v16 =	vcvt.f32.s32 v16;
	v18 =	vcvt.f32.s32 v18;
	vm1 =	vge.f32 v19, $1.000000000e+00;
	[tilespmem:s11+$0x3870] =	vst v14  }
0x426: {  	v12 =	vsel vm0, v12, v17;
	v6 =	vcvt.f32.s32 v6;
	v14 =	vcvt.s32.f32 v13;
	[tilespmem:s11+$0x3070] =	vst v4  }
0x427: {  	v17 =	vcvt.s32.f32 v18;
	v20 =	vadd.f32 $4.096000000e+03, v19;
	v4 =	vtrunc.f32 v12;
	[tilespmem:s11+$0x4070] =	vst v8  }
0x428: {  	v13 =	vmul.u32 $0x1004, v13;
	v4 =	vcvt.f32.s32 v4;
	v8 =	vmul.u32 $0x1004, v6;
	[tilespmem:s11+$0x4050] =	vst v22  }
0x429: {  	v15 =	vsub.f32 v15, v17;
	v17 =	vsel vm1, v19, v20;
	v19 =	vmul.u32 $0x1004, v16;
	[tilespmem:s11+$0x4060] =	vst v7  }
0x42a: {  	v16 =	vcvt.s32.f32 v16;
	v7 =	vadd.s32 v4, v8;
	v8 =	vtrunc.f32 v17;
	[tilespmem:s11+$0x1860] =	vst v5  }
0x42b: {  	v13 =	vadd.s32 v18, v13;
	v5 =	vadd.s32 $0x1, v7;
	v8 =	vcvt.f32.s32 v8;
	[tilespmem:s11+$0x2010] =	vst v7  }
0x42c: {  	v18 =	vshrl.u32 v13, $0x1;
	v10 =	vsub.f32 v10, v16;
	[tilespmem:s11+$0x2020] =	vst v13;
	v13 =	vadd.s32 $0x1, v13  }
0x42d: {  	v5 =	vshrl.u32 v5, $0x1;
	[tilespmem:s11+$0x1820] =	vst v15;
	v15 =	vcvt.s32.f32 v8;
	v8 =	vadd.s32 v8, v19;
	v16 =	vld [tilespmem:s11+$0x40]  }
0x42e: {  	v6 =	vcvt.s32.f32 v6;
	[tilespmem:s11+$0x3010] =	vst v5;
	v5 =	vadd.s32 $0x802, v5;
	v19 =	vadd.s32 $0x1, v8  }
0x42f: {  	v7 =	vshrl.u32 v7, $0x1;
	[tilespmem:s11+$0x4010] =	vst v5;
	v5 =	vsub.f32 v9, v14;
	v9 =	vsub.f32 v17, v15;
	v14 =	vld [tilespmem:s11+$0x840]  }
0x430: {  	v6 =	vsub.f32 v11, v6;
	v4 =	vcvt.s32.f32 v4;
	[tilespmem:s11+$0x2810] =	vst v7;
	v7 =	vadd.s32 $0x802, v7  }
0x431: {  	v11 =	vshrl.u32 v13, $0x1;
	v13 =	vshrl.u32 v8, $0x1;
	v15 =	vshrl.u32 v19, $0x1;
	[tilespmem:s11+$0x2820] =	vst v18  }
0x432: {  	v4 =	vsub.f32 v12, v4;
	[tilespmem:s11+$0x1830] =	vst v9;
	v9 =	vadd.s32 $0x802, v15;
	v12 =	vadd.f32 $4.096000000e+03, v16  }
0x433: {  	v17 =	vadd.s32 $0x802, v18;
	vm0 =	vge.f32 v16, $1.000000000e+00;
	[tilespmem:s11+$0x3020] =	vst v11;
	v11 =	vadd.s32 $0x802, v11  }
0x434: {  	[tilespmem:s11+$0x1010] =	vst v6;
	v6 =	vadd.s32 $0x802, v13;
	v12 =	vsel vm0, v16, v12;
	v16 =	vadd.f32 $4.096000000e+03, v14  }
0x435: {  	vm0 =	vge.f32 v14, $1.000000000e+00;
	[tilespmem:s11+$0x2030] =	vst v8;
	v8 =	vtrunc.f32 v12  }
0x436: {  	[tilespmem:s11+$0x3810] =	vst v7;
	v7 =	vsel vm0, v14, v16;
	v8 =	vcvt.f32.s32 v8  }
0x437: {  	[tilespmem:s11+$0x4020] =	vst v11;
	v11 =	vtrunc.f32 v7  }
0x438: {  	[tilespmem:s11+$0x1020] =	vst v5;
	v5 =	vcvt.f32.s32 v11;
	v11 =	vcvt.s32.f32 v8;
	v8 =	vmul.u32 $0x1004, v8  }
0x439: {  	[tilespmem:s11+$0x1810] =	vst v4  }
0x43a: {  	[tilespmem:s11+$0x2830] =	vst v13;
	v4 =	vsub.f32 v12, v11;
	v11 =	vcvt.s32.f32 v5;
	v5 =	vadd.s32 v5, v8  }
0x43b: {  	[tilespmem:s11+$0x2040] =	vst v5;
	v8 =	vshrl.u32 v5, $0x1;
	v5 =	vadd.s32 $0x1, v5  }
0x43c: {  	[tilespmem:s11+$0x1030] =	vst v10;
	v7 =	vsub.f32 v7, v11;
	v5 =	vshrl.u32 v5, $0x1;
	v10 =	vadd.s32 $0x802, v8  }
0x43d: {  	[tilespmem:s11+$0x2840] =	vst v8;
	v8 =	vadd.s32 $0x802, v5  }
0x43e: {  	[tilespmem:s11+$0x1840] =	vst v7  }
0x43f: {  	[tilespmem:s11+$0x3820] =	vst v17  }
0x440: {  	[tilespmem:s11+$0x3030] =	vst v15  }
0x441: {  	[tilespmem:s11+$0x1040] =	vst v4  }
0x442: {  	[tilespmem:s11+$0x3830] =	vst v6  }
0x443: {  	[tilespmem:s11+$0x4030] =	vst v9  }
0x444: {  	[tilespmem:s11+$0x3840] =	vst v10  }
0x445: {  	s16 =	sadd.s32 $0x2800, s11;
	[tilespmem:s11+$0x3040] =	vst v5  }
0x446: {  	s17 =	sadd.s32 $0x3000, s11;
	s18 =	sadd.s32 $0x4000, s12;
	[tilespmem:s11+$0x4040] =	vst v8  }
0x447: {  	[tilespmem:s12], [sflag:$0x1] =	stream.indirect.gather [hbm4b:s3+s0], $0x8, s16, s0, $0xb8;
	[tilespmem:$0x16800] =	vst v63  }
0x448: {  	s19 =	sadd.s32 $0x8000, s12;
	s16 =	sadd.s32 $0x3800, s11  }
0x449: {  	[tilespmem:s18], [sflag:$0x1] =	stream.indirect.gather [hbm4b:s3+s0], $0x8, s17, s0, $0xb8;
	[tilespmem:$0x16800] =	vst v63  }
0x44a: {  	s17 =	sadd.s32 $0x4000, s11;
	s18 =	sadd.s32 $0xC000, s12;
	s12 =	smov.u32 s13  }
0x44b: {  	[tilespmem:s19], [sflag:$0x1] =	stream.indirect.gather [hbm4b:s3+s0], $0x8, s16, s0, $0xb8;
	[tilespmem:$0x16800] =	vst v63  }
0x44c: {  	s11 =	sshra.s32 s15, $0x2  }
0x44d: {  	[tilespmem:s18], [sflag:$0x1] =	stream.indirect.gather [hbm4b:s3+s0], $0x8, s17, s0, $0xb8;
	[tilespmem:$0x16800] =	vst v63  }
0x44e: {  	v4 =	vld [tilespmem:s11+$0x850]  }
0x44f: {  	v6 =	vld [tilespmem:s11+$0x70]  }
0x450: {  	v5 =	vld [tilespmem:s11+$0x50]  }
0x451: {  	v7 =	vld [tilespmem:s11+$0x60]  }
0x452: {  	v8 =	vld [tilespmem:s11+$0x0]  }
0x453: {  	v9 =	vadd.f32 $4.096000000e+03, v4;
	v11 =	vld [tilespmem:s11+$0x860]  }
0x454: {  	vm0 =	vge.f32 v4, $1.000000000e+00;
	v12 =	vld [tilespmem:s11+$0x800];
	v13 =	vadd.f32 $4.096000000e+03, v6  }
0x455: {  	v10 =	vadd.f32 $4.096000000e+03, v5;
	v4 =	vsel vm0, v4, v9;
	vm0 =	vge.f32 v6, $1.000000000e+00  }
0x456: {  	vm1 =	vge.f32 v5, $1.000000000e+00;
	v9 =	vtrunc.f32 v4;
	v14 =	vadd.f32 $4.096000000e+03, v7  }
0x457: {  	v15 =	vadd.f32 $4.096000000e+03, v8;
	v16 =	vsel vm1, v5, v10;
	vm1 =	vge.f32 v7, $1.000000000e+00  }
0x458: {  	vm2 =	vge.f32 v8, $1.000000000e+00;
	v14 =	vsel vm1, v7, v14;
	v5 =	vadd.f32 $4.096000000e+03, v11  }
0x459: {  	v7 =	vsel vm2, v8, v15;
	vm1 =	vge.f32 v12, $1.000000000e+00;
	v8 =	vtrunc.f32 v14  }
0x45a: {  	v15 =	vadd.f32 $4.096000000e+03, v12;
	v10 =	vtrunc.f32 v7;
	v8 =	vcvt.f32.s32 v8  }
0x45b: {  	v9 =	vcvt.f32.s32 v9;
	vm2 =	vge.f32 v11, $1.000000000e+00;
	v10 =	vcvt.f32.s32 v10  }
0x45c: {  	v12 =	vsel vm1, v12, v15;
	v15 =	vcvt.s32.f32 v8;
	v19 =	vmul.u32 $0x1004, v8  }
0x45d: {  	v5 =	vsel vm2, v11, v5;
	v8 =	vtrunc.f32 v12;
	v17 =	vmul.u32 $0x1004, v10  }
0x45e: {  	v6 =	vsel vm0, v6, v13;
	v11 =	vtrunc.f32 v16;
	v8 =	vcvt.f32.s32 v8  }
0x45f: {  	v11 =	vcvt.f32.s32 v11;
	v13 =	vtrunc.f32 v5;
	v14 =	vsub.f32 v14, v15  }
0x460: {  	v20 =	vcvt.f32.s32 v13;
	v15 =	vcvt.s32.f32 v8;
	v8 =	vadd.s32 v8, v17  }
.Ltmp9:
0x461: {  	v18 =	vcvt.s32.f32 v11;
	v17 =	vshrl.u32 v8, $0x1;
	[tilespmem:s11+$0x2000] =	vst v8;
	v8 =	vadd.s32 $0x1, v8;
	(pc) =	sbr.rel @p0 .LBB2_20-.Ltmp9, $4  }
0x462: {  	v21 =	vmul.u32 $0x1004, v11;
	v12 =	vsub.f32 v12, v15;
	v15 =	vadd.s32 $0x802, v17;
	[tilespmem:s11+$0x1060] =	vst v14;
	v11 =	vld [tilespmem:s11+$0x870]  }
0x463: {  	v18 =	vsub.f32 v16, v18;
	v13 =	vshrl.u32 v8, $0x1;
	[tilespmem:s11+$0x3800] =	vst v15;
	v15 =	vtrunc.f32 v6  }
0x464: {  	v8 =	vcvt.s32.f32 v20;
	v20 =	vadd.s32 v20, v19;
	[tilespmem:s11+$0x1800] =	vst v12;
	v12 =	vadd.s32 v9, v21  }
0x465: {  	v14 =	vadd.s32 $0x1, v20;
	[tilespmem:s11+$0x3000] =	vst v13;
	v16 =	vshrl.u32 v12, $0x1;
	v19 =	vadd.s32 $0x1, v12  }
0x466: {  	[tilespmem:s11+$0x2800] =	vst v17  }
0x467: {  	[tilespmem:s11+$0x2060] =	vst v20  }
0x468: {  	[tilespmem:s11+$0x1050] =	vst v18  }
0x469: {  	[tilespmem:s11+$0x2850] =	vst v16  }
0x46a: {  	v54 =	vshrl.u32 v20, $0x1;
	[tilespmem:s11+$0x2050] =	vst v12  }
0x46b: {  	v14 =	vshrl.u32 v14, $0x1;
	[tilespmem:s11+$0x2860] =	vst v54  }
0x46c: {  	v10 =	vcvt.s32.f32 v10;
	v53 =	vld [tilespmem:s11+$0x20];
	v61 =	vadd.s32 $0x802, v16;
	[tilespmem:s11+$0x3060] =	vst v14  }
0x46d: {  	v55 =	vld [tilespmem:s11+$0x10];
	v9 =	vcvt.s32.f32 v9;
	v15 =	vcvt.f32.s32 v15;
	v20 =	vadd.s32 $0x802, v54;
	[tilespmem:s11+$0x3850] =	vst v61  }
0x46e: {  	v57 =	vld [tilespmem:s11+$0x820];
	v56 =	vadd.f32 $4.096000000e+03, v11;
	v34 =	vadd.s32 $0x802, v14;
	v7 =	vsub.f32 v7, v10;
	[tilespmem:s11+$0x3860] =	vst v20  }
0x46f: {  	vm0 =	vge.f32 v11, $1.000000000e+00;
	v4 =	vsub.f32 v4, v9;
	v59 =	vcvt.s32.f32 v15;
	[tilespmem:s11+$0x4060] =	vst v34  }
0x470: {  	v5 =	vsub.f32 v5, v8;
	v58 =	vmul.u32 $0x1004, v15;
	[tilespmem:s11+$0x1000] =	vst v7;
	v7 =	vsel vm0, v11, v56  }
0x471: {  	[tilespmem:s11+$0x1850] =	vst v4;
	v4 =	vadd.s32 $0x802, v13;
	v6 =	vsub.f32 v6, v59;
	v11 =	vtrunc.f32 v7  }
0x472: {  	[tilespmem:s11+$0x4000] =	vst v4;
	v4 =	vshrl.u32 v19, $0x1;
	v62 =	vadd.f32 $4.096000000e+03, v53;
	vm9 =	vge.f32 v53, $1.000000000e+00  }
0x473: {  	[tilespmem:s11+$0x1860] =	vst v5;
	vm1 =	vge.f32 v55, $1.000000000e+00;
	v24 =	vadd.f32 $4.096000000e+03, v55;
	v26 =	vadd.f32 $4.096000000e+03, v57  }
0x474: {  	vm10 =	vge.f32 v57, $1.000000000e+00;
	v11 =	vcvt.f32.s32 v11;
	[tilespmem:s11+$0x3050] =	vst v4;
	v4 =	vadd.s32 $0x802, v4  }
0x475: {  	v60 =	vld [tilespmem:s11+$0x810];
	[tilespmem:s11+$0x1070] =	vst v6;
	v13 =	vsel vm9, v53, v62;
	v10 =	vsel vm1, v55, v24;
	v9 =	vsel vm10, v57, v26  }
0x476: {  	[tilespmem:s11+$0x4050] =	vst v4;
	v12 =	vadd.s32 v11, v58;
	v11 =	vcvt.s32.f32 v11;
	v18 =	vtrunc.f32 v13  }
0x477: {  	v63 =	vld [tilespmem:s11+$0x830];
	v30 =	vtrunc.f32 v10;
	v31 =	vtrunc.f32 v9;
	[tilespmem:s11+$0x2070] =	vst v12;
	v25 =	vshrl.u32 v12, $0x1  }
0x478: {  	v12 =	vadd.s32 $0x1, v12;
	v29 =	vcvt.f32.s32 v18;
	[tilespmem:s11+$0x2870] =	vst v25;
	v6 =	vadd.s32 $0x802, v25  }
0x479: {  	v52 =	vld [tilespmem:s11+$0x30];
	v32 =	vcvt.f32.s32 v30;
	v7 =	vsub.f32 v7, v11;
	v12 =	vshrl.u32 v12, $0x1;
	[tilespmem:s11+$0x3870] =	vst v6  }
0x47a: {  	v28 =	vadd.f32 $4.096000000e+03, v60;
	[tilespmem:s11+$0x3070] =	vst v12;
	v6 =	vcvt.f32.s32 v31;
	v36 =	vmul.u32 $0x1004, v29  }
0x47b: {  	vm11 =	vge.f32 v60, $1.000000000e+00;
	v27 =	vadd.s32 $0x802, v12;
	v15 =	vcvt.s32.f32 v32;
	[tilespmem:s11+$0x1870] =	vst v7  }
0x47c: {  	v45 =	vld [tilespmem:s11+$0x840];
	v37 =	vadd.f32 $4.096000000e+03, v63;
	v11 =	vcvt.s32.f32 v29;
	[tilespmem:s11+$0x4070] =	vst v27;
	v5 =	vadd.s32 v6, v36  }
0x47d: {  	vm12 =	vge.f32 v63, $1.000000000e+00;
	v10 =	vsub.f32 v10, v15;
	[tilespmem:s11+$0x2020] =	vst v5;
	v46 =	vshrl.u32 v5, $0x1  }
0x47e: {  	v39 =	vadd.f32 $4.096000000e+03, v52;
	v7 =	vsel vm11, v60, v28;
	v11 =	vsub.f32 v13, v11;
	[tilespmem:s11+$0x2820] =	vst v46  }
0x47f: {  	v35 =	vmul.u32 $0x1004, v32;
	v33 =	vtrunc.f32 v7;
	v5 =	vadd.s32 $0x1, v5;
	[tilespmem:s11+$0x1010] =	vst v10  }
0x480: {  	v4 =	vcvt.s32.f32 v6;
	v8 =	vcvt.f32.s32 v33;
	v5 =	vshrl.u32 v5, $0x1;
	[tilespmem:s11+$0x1020] =	vst v11  }
0x481: {  	vm13 =	vge.f32 v52, $1.000000000e+00;
	v49 =	vadd.f32 $4.096000000e+03, v45;
	v61 =	vadd.s32 $0x802, v46;
	[tilespmem:s11+$0x3020] =	vst v5  }
0x482: {  	v38 =	vsel vm12, v63, v37;
	v4 =	vsub.f32 v9, v4;
	v14 =	vadd.s32 v8, v35;
	[tilespmem:s11+$0x3820] =	vst v61  }
0x483: {  	vm15 =	vge.f32 v45, $1.000000000e+00;
	v12 =	vtrunc.f32 v38;
	v9 =	vsel vm13, v52, v39;
	[tilespmem:s11+$0x2010] =	vst v14  }
0x484: {  	v42 =	vld [tilespmem:s11+$0x40];
	v10 =	vsel vm15, v45, v49;
	v17 =	vtrunc.f32 v9;
	v5 =	vadd.s32 $0x802, v5;
	[tilespmem:s11+$0x1820] =	vst v4  }
0x485: {  	v8 =	vcvt.s32.f32 v8;
	v40 =	vadd.s32 $0x1, v14;
	v14 =	vshrl.u32 v14, $0x1;
	[tilespmem:s11+$0x4020] =	vst v5  }
0x486: {  	v4 =	vcvt.f32.s32 v12;
	v44 =	vcvt.f32.s32 v17;
	v41 =	vshrl.u32 v40, $0x1;
	[tilespmem:s11+$0x2810] =	vst v14  }
0x487: {  	v5 =	vtrunc.f32 v10;
	v50 =	vadd.s32 $0x802, v14;
	v7 =	vsub.f32 v7, v8;
	[tilespmem:s11+$0x3010] =	vst v41  }
0x488: {  	v12 =	vadd.s32 $0x802, v41;
	v43 =	vcvt.s32.f32 v4;
	v47 =	vmul.u32 $0x1004, v44;
	[tilespmem:s11+$0x3810] =	vst v50  }
0x489: {  	v48 =	vadd.f32 $4.096000000e+03, v42;
	v5 =	vcvt.f32.s32 v5;
	[tilespmem:s11+$0x4010] =	vst v12  }
0x48a: {  	v53 =	vcvt.s32.f32 v44;
	[tilespmem:s11+$0x1810] =	vst v7;
	v6 =	vsub.f32 v38, v43;
	v4 =	vadd.s32 v4, v47  }
0x48b: {  	vm14 =	vge.f32 v42, $1.000000000e+00;
	v57 =	vcvt.s32.f32 v5;
	[tilespmem:s11+$0x2030] =	vst v4  }
0x48c: {  	v56 =	vsub.f32 v9, v53;
	v55 =	vshrl.u32 v4, $0x1;
	[tilespmem:s11+$0x1830] =	vst v6;
	v6 =	vsel vm14, v42, v48  }
0x48d: {  	v59 =	vsub.f32 v10, v57;
	[tilespmem:s11+$0x2830] =	vst v55;
	v51 =	vtrunc.f32 v6  }
0x48e: {  	v4 =	vadd.s32 $0x1, v4;
	[tilespmem:s11+$0x1030] =	vst v56;
	v52 =	vcvt.f32.s32 v51  }
0x48f: {  	v4 =	vshrl.u32 v4, $0x1;
	[tilespmem:s11+$0x1840] =	vst v59  }
0x490: {  	v62 =	vadd.s32 $0x802, v55;
	[tilespmem:s11+$0x3030] =	vst v4;
	v54 =	vmul.u32 $0x1004, v52  }
0x491: {  	v4 =	vadd.s32 $0x802, v4;
	[tilespmem:s11+$0x3830] =	vst v62;
	v60 =	vcvt.s32.f32 v52  }
0x492: {  	[tilespmem:s11+$0x4030] =	vst v4;
	v5 =	vadd.s32 v5, v54  }
0x493: {  	v6 =	vsub.f32 v6, v60;
	[tilespmem:s11+$0x2040] =	vst v5;
	v58 =	vshrl.u32 v5, $0x1  }
0x494: {  	[tilespmem:s11+$0x2840] =	vst v58  }
0x495: {  	v5 =	vadd.s32 $0x1, v5;
	[tilespmem:s11+$0x1040] =	vst v6;
	v63 =	vadd.s32 $0x802, v58  }
0x496: {  	v4 =	vshrl.u32 v5, $0x1;
	[tilespmem:s11+$0x3840] =	vst v63  }
0x497: {  	v5 =	vadd.s32 $0x802, v4;
	[tilespmem:s11+$0x3040] =	vst v4  }
0x498: {  	s13 =	sadd.s32 $0x2800, s11;
	[tilespmem:s11+$0x4040] =	vst v5  }
0x499: {  	[tilespmem:s12], [sflag:$0x1] =	stream.indirect.gather [hbm4b:s3+s0], $0x8, s13, s0, $0xb8;
	[tilespmem:$0x16800] =	vst v63  }
0x49a: {  	s15 =	sadd.s32 $0x3000, s11;
	s14 =	sadd.s32 $0x4000, s12  }
0x49b: {  	[tilespmem:s14], [sflag:$0x1] =	stream.indirect.gather [hbm4b:s3+s0], $0x8, s15, s0, $0xb8;
	[tilespmem:$0x16800] =	vst v63  }
0x49c: {  	s16 =	sadd.s32 $0x3800, s11;
	s17 =	sadd.s32 $0x8000, s12  }
0x49d: {  	[tilespmem:s17], [sflag:$0x1] =	stream.indirect.gather [hbm4b:s3+s0], $0x8, s16, s0, $0xb8;
	[tilespmem:$0x16800] =	vst v63  }
0x49e: {  	s18 =	sadd.s32 $0x4000, s11;
	s19 =	sadd.s32 $0xC000, s12;
	s11 =	simm.s32 $0x40  }
0x49f: {  	[tilespmem:s19], [sflag:$0x1] =	stream.indirect.gather [hbm4b:s3+s0], $0x8, s18, s0, $0xb8;
	[tilespmem:$0x16800] =	vst v63  }
.LBB2_22:
0x4a0: {  	p0 =	sne.s32 s11, $0x1  }
.Ltmp10:
0x4a1: {  	_ = 	snop;
	(pc) =	sbr.rel @p0 .LBB2_22-.Ltmp10, $4  }
0x4a2: {  	_ = 	snop  }
0x4a3: {  	_ =	swait.ge [sflag:s2], $0x400  }
0x4a4: {  	[sflag:s2] =	ssyncset.done $0x0  }
0x4a5: {  	s11 =	sadd.s32 $0xFFFFFFFF, s11;
	[sflag:s2] =	ssyncadd.s32 $0xFFFFFC00  }
0x4a6: {  	s11 =	simm.s32 $0x2000  }
0x4a7: {  	v4 =	vld [tilespmem:s11+$0x0];
	_ =	sdelay $0x2  }
0x4a8: {  	s12 =	simm.s32 $0x0  }
0x4a9: {  	v5 =	vmov s12  }
0x4aa: {  	v5 =	vshll.u32 v5, $0x3;
	v4 =	vshll.u32 v4, $0x2  }
0x4ab: {  	v7 =	vor.u32 v0, v5;
	v6 =	vand.u32 $0x4, v4  }
0x4ac: {  	v8 =	vor.u32 v2, v5;
	v4 =	vor.u32 v7, v6  }
0x4ad: {  	v10 =	vor.u32 v1, v5;
	v9 =	vxor.u32 $0x4, v6;
	v11 =	vor.u32 v8, v6  }
0x4ae: {  	v12 =	vor.u32 v3, v5;
	v5 =	vor.u32 v10, v9  }
0x4af: {  	v9 =	vor.u32 v12, v9;
	_ =	sdelay $0x1  }
0x4b0: {  	v13 =	vld.idx.msk [tilespmem:v4+s4+$0x0], $0xffff  }
0x4b1: {  	v11 =	vld.idx.msk [tilespmem:v11+s4+$0x0], $0xffff  }
0x4b2: {  	v5 =	vld.idx.msk [tilespmem:v5+s4+$0x0], $0xffff  }
0x4b3: {  	v9 =	vld.idx.msk [tilespmem:v9+s4+$0x0], $0xffff  }
0x4b4: {  	s12 =	simm.s32 $0x1000  }
0x4b5: {  	v4 =	vld [tilespmem:s12+$0x0];
	_ =	sdelay $0x2  }
0x4b6: {  	v13 =	vsub.f32 v13, v11;
	v5 =	vsub.f32 v5, v9;
	_ =	sdelay $0x1  }
0x4b7: {  	s13 =	simm.s32 $0x1800;
	v13 =	vmul.f32 v13, v4;
	v14 =	vmul.f32 v5, v4  }
0x4b8: {  	v5 =	vld [tilespmem:s13+$0x0]  }
0x4b9: {  	v11 =	vadd.f32 v13, v11;
	v9 =	vadd.f32 v14, v9;
	_ =	sdelay $0x1  }
0x4ba: {  	v11 =	vsub.f32 v11, v9  }
0x4bb: {  	v55 =	vor.u32 $0x1, v6  }
0x4bc: {  	v56 =	vor.u32 v7, v55;
	v11 =	vmul.f32 v11, v5  }
0x4bd: {  	v15 =	vxor.u32 $0x5, v6;
	v13 =	vor.u32 v8, v55  }
0x4be: {  	v16 =	vor.u32 v12, v15;
	v9 =	vadd.f32 v11, v9  }
0x4bf: {  	s14 =	simm.s32 $0x15800;
	v11 =	vor.u32 v10, v15  }
0x4c0: {  	[tilespmem:s14+$0xFFFFF000] =	vst v9  }
0x4c1: {  	v9 =	vld.idx.msk [tilespmem:v56+s4+$0x0], $0xffff  }
0x4c2: {  	v13 =	vld.idx.msk [tilespmem:v13+s4+$0x0], $0xffff  }
0x4c3: {  	v57 =	vld.idx.msk [tilespmem:v16+s4+$0x0], $0xffff  }
0x4c4: {  	v11 =	vld.idx.msk [tilespmem:v11+s4+$0x0], $0xffff;
	_ =	sdelay $0x4  }
0x4c5: {  	v9 =	vsub.f32 v9, v13;
	v11 =	vsub.f32 v11, v57;
	_ =	sdelay $0x1  }
0x4c6: {  	v9 =	vmul.f32 v9, v4;
	v11 =	vmul.f32 v11, v4;
	_ =	sdelay $0x1  }
0x4c7: {  	v9 =	vadd.f32 v9, v13;
	v11 =	vadd.f32 v11, v57;
	_ =	sdelay $0x1  }
0x4c8: {  	v9 =	vsub.f32 v9, v11  }
0x4c9: {  	v58 =	vxor.u32 $0x6, v6  }
0x4ca: {  	v59 =	vor.u32 $0x2, v6;
	v60 =	vor.u32 v12, v58;
	v9 =	vmul.f32 v9, v5  }
0x4cb: {  	v61 =	vor.u32 v7, v59  }
0x4cc: {  	v14 =	vor.u32 v8, v59;
	v9 =	vadd.f32 v9, v11  }
0x4cd: {  	v11 =	vor.u32 v10, v58  }
0x4ce: {  	[tilespmem:s14+$0xFFFFF800] =	vst v9  }
0x4cf: {  	v9 =	vld.idx.msk [tilespmem:v60+s4+$0x0], $0xffff  }
0x4d0: {  	v62 =	vld.idx.msk [tilespmem:v61+s4+$0x0], $0xffff  }
0x4d1: {  	v14 =	vld.idx.msk [tilespmem:v14+s4+$0x0], $0xffff  }
0x4d2: {  	v11 =	vld.idx.msk [tilespmem:v11+s4+$0x0], $0xffff;
	_ =	sdelay $0x4  }
0x4d3: {  	v13 =	vsub.f32 v62, v14;
	v11 =	vsub.f32 v11, v9;
	_ =	sdelay $0x1  }
0x4d4: {  	v13 =	vmul.f32 v13, v4;
	v11 =	vmul.f32 v11, v4;
	_ =	sdelay $0x1  }
0x4d5: {  	v13 =	vadd.f32 v13, v14;
	v9 =	vadd.f32 v11, v9;
	_ =	sdelay $0x1  }
0x4d6: {  	v11 =	vsub.f32 v13, v9;
	_ =	sdelay $0x1  }
0x4d7: {  	v63 =	vxor.u32 $0x7, v6;
	v11 =	vmul.f32 v11, v5  }
0x4d8: {  	v12 =	vor.u32 v12, v63  }
0x4d9: {  	v10 =	vor.u32 v10, v63;
	v9 =	vadd.f32 v11, v9;
	v11 =	vor.u32 $0x3, v6  }
0x4da: {  	v7 =	vor.u32 v7, v11  }
0x4db: {  	[tilespmem:s14+$0x0] =	vst v9;
	v9 =	vor.u32 v8, v11;
	_ =	sdelay $0x1  }
0x4dc: {  	v6 =	vld.idx.msk [tilespmem:v12+s4+$0x0], $0xffff  }
0x4dd: {  	v10 =	vld.idx.msk [tilespmem:v10+s4+$0x0], $0xffff  }
0x4de: {  	v8 =	vld.idx.msk [tilespmem:v7+s4+$0x0], $0xffff  }
0x4df: {  	v7 =	vld.idx.msk [tilespmem:v9+s4+$0x0], $0xffff;
	_ =	sdelay $0x3  }
0x4e0: {  	s15 =	simm.s32 $0x10;
	s16 =	simm.s32 $0x15810;
	v9 =	vsub.f32 v10, v6  }
.LBB2_24:
0x4e1: {  	v8 =	vsub.f32 v8, v7;
	s12 =	sadd.s32 $0x10, s12;
	s13 =	sadd.s32 $0x10, s13;
	s11 =	sadd.s32 $0x10, s11  }
0x4e2: {  	p0 =	sne.s32 s15, $0x7F0;
	s17 =	smov.u32 s15;
	s15 =	sadd.s32 $0x10, s15;
	v9 =	vmul.f32 v9, v4  }
0x4e3: {  	v4 =	vmul.f32 v8, v4;
	_ =	sdelay $0x1  }
0x4e4: {  	v6 =	vadd.f32 v9, v6;
	v4 =	vadd.f32 v4, v7;
	_ =	sdelay $0x1  }
0x4e5: {  	v4 =	vsub.f32 v4, v6;
	_ =	sdelay $0x1  }
0x4e6: {  	v4 =	vmul.f32 v4, v5;
	_ =	sdelay $0x1  }
0x4e7: {  	v4 =	vadd.f32 v4, v6;
	_ =	sdelay $0x1  }
0x4e8: {  	[tilespmem:s14+$0x800] =	vst v4;
	s14 =	smov.u32 s16  }
0x4e9: {  	v4 =	vld [tilespmem:s11+$0x0];
	_ =	sdelay $0x3  }
0x4ea: {  	v5 =	vmov s17  }
0x4eb: {  	v5 =	vshll.u32 v5, $0x3;
	v4 =	vshll.u32 v4, $0x2  }
0x4ec: {  	v6 =	vor.u32 v0, v5;
	v7 =	vor.u32 v3, v5;
	v4 =	vand.u32 $0x4, v4  }
0x4ed: {  	v10 =	vor.u32 v2, v5;
	v8 =	vxor.u32 $0x4, v4;
	v9 =	vor.u32 v6, v4  }
0x4ee: {  	v5 =	vor.u32 v1, v5;
	v11 =	vor.u32 v10, v4;
	v12 =	vor.u32 v7, v8  }
0x4ef: {  	v13 =	vor.u32 $0x1, v4;
	v14 =	vxor.u32 $0x5, v4;
	v8 =	vor.u32 v5, v8  }
0x4f0: {  	v15 =	vor.u32 v6, v13;
	v13 =	vor.u32 v10, v13;
	v16 =	vor.u32 v7, v14  }
0x4f1: {  	v17 =	vor.u32 $0x2, v4;
	v18 =	vxor.u32 $0x6, v4;
	v14 =	vor.u32 v5, v14  }
0x4f2: {  	v19 =	vor.u32 v6, v17;
	v17 =	vor.u32 v10, v17;
	v20 =	vor.u32 v7, v18;
	v9 =	vld.idx.msk [tilespmem:v9+s4+$0x0], $0xffff  }
0x4f3: {  	v21 =	vor.u32 $0x3, v4;
	v4 =	vxor.u32 $0x7, v4;
	v18 =	vor.u32 v5, v18;
	v11 =	vld.idx.msk [tilespmem:v11+s4+$0x0], $0xffff  }
0x4f4: {  	v6 =	vor.u32 v6, v21;
	v10 =	vor.u32 v10, v21;
	v7 =	vor.u32 v7, v4;
	v8 =	vld.idx.msk [tilespmem:v8+s4+$0x0], $0xffff  }
0x4f5: {  	v21 =	vor.u32 v5, v4;
	v12 =	vld.idx.msk [tilespmem:v12+s4+$0x0], $0xffff  }
0x4f6: {  	v4 =	vld [tilespmem:s12+$0x0];
	_ =	sdelay $0x2  }
0x4f7: {  	v5 =	vsub.f32 v9, v11;
	_ =	sdelay $0x1  }
0x4f8: {  	v8 =	vsub.f32 v8, v12;
	v5 =	vmul.f32 v5, v4;
	_ =	sdelay $0x1  }
0x4f9: {  	v8 =	vmul.f32 v8, v4;
	v9 =	vadd.f32 v5, v11  }
0x4fa: {  	v5 =	vld [tilespmem:s13+$0x0]  }
0x4fb: {  	v8 =	vadd.f32 v8, v12;
	_ =	sdelay $0x1  }
0x4fc: {  	v9 =	vsub.f32 v9, v8;
	_ =	sdelay $0x1  }
0x4fd: {  	v9 =	vmul.f32 v9, v5;
	_ =	sdelay $0x1  }
0x4fe: {  	v8 =	vadd.f32 v9, v8;
	_ =	sdelay $0x1  }
0x4ff: {  	[tilespmem:s16+$0xFFFFF000] =	vst v8  }
0x500: {  	v8 =	vld.idx.msk [tilespmem:v15+s4+$0x0], $0xffff  }
0x501: {  	v9 =	vld.idx.msk [tilespmem:v13+s4+$0x0], $0xffff  }
0x502: {  	v11 =	vld.idx.msk [tilespmem:v16+s4+$0x0], $0xffff;
	_ =	sdelay $0x1  }
0x503: {  	v12 =	vld.idx.msk [tilespmem:v14+s4+$0x0], $0xffff;
	_ =	sdelay $0x2  }
0x504: {  	v8 =	vsub.f32 v8, v9;
	_ =	sdelay $0x1  }
0x505: {  	v8 =	vmul.f32 v8, v4  }
0x506: {  	v12 =	vsub.f32 v12, v11  }
0x507: {  	v8 =	vadd.f32 v8, v9  }
0x508: {  	v9 =	vmul.f32 v12, v4;
	_ =	sdelay $0x1  }
0x509: {  	v9 =	vadd.f32 v9, v11;
	_ =	sdelay $0x1  }
0x50a: {  	v8 =	vsub.f32 v8, v9;
	_ =	sdelay $0x1  }
0x50b: {  	v8 =	vmul.f32 v8, v5;
	_ =	sdelay $0x1  }
0x50c: {  	v8 =	vadd.f32 v8, v9;
	_ =	sdelay $0x1  }
0x50d: {  	[tilespmem:s16+$0xFFFFF800] =	vst v8  }
0x50e: {  	v8 =	vld.idx.msk [tilespmem:v20+s4+$0x0], $0xffff  }
0x50f: {  	v9 =	vld.idx.msk [tilespmem:v19+s4+$0x0], $0xffff  }
0x510: {  	v11 =	vld.idx.msk [tilespmem:v17+s4+$0x0], $0xffff  }
0x511: {  	v12 =	vld.idx.msk [tilespmem:v18+s4+$0x0], $0xffff;
	_ =	sdelay $0x4  }
0x512: {  	v9 =	vsub.f32 v9, v11  }
0x513: {  	v12 =	vsub.f32 v12, v8  }
0x514: {  	v9 =	vmul.f32 v9, v4  }
0x515: {  	v12 =	vmul.f32 v12, v4  }
0x516: {  	v9 =	vadd.f32 v9, v11  }
0x517: {  	v8 =	vadd.f32 v12, v8;
	_ =	sdelay $0x1  }
0x518: {  	v9 =	vsub.f32 v9, v8;
	_ =	sdelay $0x1  }
0x519: {  	v9 =	vmul.f32 v9, v5;
	_ =	sdelay $0x1  }
0x51a: {  	v8 =	vadd.f32 v9, v8;
	_ =	sdelay $0x1  }
0x51b: {  	[tilespmem:s16+$0x0] =	vst v8  }
0x51c: {  	v8 =	vld.idx.msk [tilespmem:v6+s4+$0x0], $0xffff  }
0x51d: {  	v6 =	vld.idx.msk [tilespmem:v7+s4+$0x0], $0xffff  }
0x51e: {  	v9 =	vld.idx.msk [tilespmem:v21+s4+$0x0], $0xffff  }
0x51f: {  	v7 =	vld.idx.msk [tilespmem:v10+s4+$0x0], $0xffff  }
.Ltmp11:
0x520: {  	(pc) =	sbr.rel @p0 .LBB2_24-.Ltmp11, $2  }
0x521: {  	_ =	sdelay $0x2  }
0x522: {  	s16 =	sadd.s32 $0x10, s16;
	v9 =	vsub.f32 v9, v6  }
0x523: {  	v1 =	vsub.f32 v8, v7;
	_ =	sdelay $0x1  }
0x524: {  	v2 =	vmul.f32 v9, v4;
	v1 =	vmul.f32 v1, v4;
	_ =	sdelay $0x1  }
0x525: {  	v2 =	vadd.f32 v2, v6;
	v1 =	vadd.f32 v1, v7;
	_ =	sdelay $0x1  }
0x526: {  	v1 =	vsub.f32 v1, v2;
	_ =	sdelay $0x1  }
0x527: {  	v1 =	vmul.f32 v1, v5;
	_ =	sdelay $0x1  }
0x528: {  	v1 =	vadd.f32 v1, v2;
	_ =	sdelay $0x1  }
0x529: {  	[tilespmem:s14+$0x800] =	vst v1  }
0x52a: {  	[hbm4b:s23+s1] =	stream.linear.scatter [tilespmem:s6], [sflag:$0x2], $0x800, $0x38;
	[tilespmem:$0x16800] =	vst v63  }
0x52b: {  	_ =	swait.ge [sflag:s30], $0x800  }
0x52c: {  	[sflag:s30] =	ssyncset.done $0x0  }
0x52d: {  	[sflag:s30] =	ssyncadd.s32 $0xFFFFF800  }
0x52e: {  	[hbm4b:s26+s1] =	stream.linear.scatter [tilespmem:s7], [sflag:$0x2], $0x800, $0x38;
	[tilespmem:$0x16800] =	vst v63  }
0x52f: {  	_ =	swait.ge [sflag:s30], $0x800  }
0x530: {  	[sflag:s30] =	ssyncset.done $0x0  }
0x531: {  	[sflag:s30] =	ssyncadd.s32 $0xFFFFF800  }
0x532: {  	[hbm4b:s28+s1] =	stream.linear.scatter [tilespmem:s8], [sflag:$0x2], $0x800, $0x38;
	[tilespmem:$0x16800] =	vst v63  }
0x533: {  	s10 =	sadd.s32 $0x1, s10;
	_ =	swait.ge [sflag:s30], $0x800  }
0x534: {  	p0 =	sne.s32 s10, s25;
	[sflag:s30] =	ssyncset.done $0x0  }
.Ltmp12:
0x535: {  	[sflag:s30] =	ssyncadd.s32 $0xFFFFF800;
	(pc) =	sbr.rel @p0 .LBB2_1-.Ltmp12, $4  }
0x536: {  	[hbm4b:s29+s1] =	stream.linear.scatter [tilespmem:s9], [sflag:$0x2], $0x800, $0x38;
	[tilespmem:$0x16800] =	vst v63  }
0x537: {  	_ =	swait.ge [sflag:s30], $0x800  }
0x538: {  	[sflag:s30] =	ssyncset.done $0x0  }
0x539: {  	[sflag:s30] =	ssyncadd.s32 $0xFFFFF800  }
0x53a: {  	_ =	sfence.sel $0x180000  }
0x53b: {  	[bflag:$0x0] =	sbarrier.arrive $0xFFFF  }
0x53c: {  	_ =	strace $0x90000047  }
0x53d: {  	s0 =	stileid.u32;
	[bflag:$0x2] =	sbarrier.arrive $0xFFFF  }
0x53e: {  	p0 =	sne.s32 s0, $0x0;
	s0 =	rddreg [dreg:$0x2]  }
0x53f: {  	s0 =	sadd.s32 @!p0 $0x100000, s0  }
0x540: {  	[sflag:s0] =	ssyncadd.tile.s32 @!p0 $0x1;
	_ =	shalt  }
.Lfunc_end2:
_tile_overlayer_lowered:
.L_overlay_start_2:
0x541: {  	(tag) =	ssettag $0x2  }
0x542: {  	s0 =	rddreg [dreg:$0x0];
	s2 =	stileid.u32  }
0x543: {  	s1 =	rddreg [dreg:$0x1];
	p0 =	sne.s32 s2, $0x0  }
0x544: {  	s3 =	rddreg [dreg:$0x2];
	[bflag:$0x3] =	sbarrier.arrive $0xFFFF;
	s2 =	simm.s32 @!p0 $0x1C02  }
0x545: {  	[timem:s3], [sflag:s2] =	dma.local @!p0 [hbm:s0], s1  }
0x546: {  	s0 =	simm.s32 @!p0 $0x2  }
0x547: {  	_ =	swait.ge @!p0 [sflag:s0], s1  }
0x548: {  	s1 =	ssub.s32 @!p0 $0x0, s1;
	[sflag:s0] =	ssyncset.done @!p0 $0x0  }
0x549: {  	[sflag:s0] =	ssyncadd.s32 @!p0 s1  }
0x54a: {  	[bflag:$0x3] =	sbarrier.arrive $0xFFFF  }
0x54b: {  	_ =	shalt  }

</sc_bundles>
